<compile_context>
chip_gen: v7x
topology: tpu7x:2x2x1
jax: 0.10.2.dev20260603
libtpu: 0.0.44.dev20260713+nightly
codegen_flags: <defaults>
</compile_context>

<pallas_src>
import functools

import jax
import jax.numpy as jnp
from jax import lax
from jax.experimental import pallas as pl
from jax.experimental.pallas import tpu as pltpu
from jax.experimental.pallas import tpu_sc as plsc

N = 10000
E = 320000
IN_D = 128
HID_D = 256
OUT_D = 128

NSUB = 16
EB = 80
EPT = E // NSUB
NB = EPT // EB
CB = 25
NCH = NB // CB
ECH = CB * EB
RB = 80
NRC = N // RB
RK = -(-NRC // NSUB)

_MESH = plsc.VectorSubcoreMesh(core_axis_name="c", subcore_axis_name="s")


CNT_W = 128


@functools.partial(
    pl.kernel,
    out_type=[jax.ShapeDtypeStruct((N, CNT_W), jnp.float32)] * 2,
    mesh=_MESH,
    scratch_types=[
        pltpu.VMEM((CB, EB), jnp.int32),
        pltpu.VMEM((EB, CNT_W), jnp.float32),
        pltpu.VMEM((RB, CNT_W), jnp.float32),
        pltpu.VMEM_SHARED((N, CNT_W), jnp.float32),
    ],
)
def _deg_kernel(dst_hbm, cnt0, cnt1, dst_v, ones_v, stage_v, cnt_sh):
    cid = lax.axis_index("c")
    sid = lax.axis_index("s")

    def fill(i, carry):
        def lane(j, c2):
            ones_v[i, pl.ds(j * 16, 16)] = jnp.ones((16,), jnp.float32)
            return c2

        lax.fori_loop(0, CNT_W // 16, lane, 0)
        return carry

    lax.fori_loop(0, EB, fill, 0)

    def fill0(i, carry):
        def lane(j, c2):
            stage_v[i, pl.ds(j * 16, 16)] = jnp.zeros((16,), jnp.float32)
            return c2

        lax.fori_loop(0, CNT_W // 16, lane, 0)
        return carry

    lax.fori_loop(0, RB, fill0, 0)
    for kk in range(RK):
        c = sid + kk * NSUB

        @pl.when(c < NRC)
        def _():
            pltpu.sync_copy(stage_v, cnt_sh.at[pl.ds(c * RB, RB)])

    plsc.subcore_barrier()

    def chunk(ch, carry):
        pltpu.sync_copy(dst_hbm.at[sid, ch], dst_v)

        def body(j, c2):
            pltpu.sync_copy(ones_v, cnt_sh.at[dst_v.at[j]], add=True)
            return c2

        lax.fori_loop(0, CB, body, 0)
        return carry

    lax.fori_loop(cid * (NCH // 2), (cid + 1) * (NCH // 2), chunk, 0)
    plsc.subcore_barrier()

    for kk in range(RK):
        c = sid + kk * NSUB

        @pl.when(c < NRC)
        def _():
            pltpu.sync_copy(cnt_sh.at[pl.ds(c * RB, RB)], stage_v)

            @pl.when(cid == 0)
            def _():
                pltpu.sync_copy(stage_v, cnt0.at[pl.ds(c * RB, RB)])

            @pl.when(cid == 1)
            def _():
                pltpu.sync_copy(stage_v, cnt1.at[pl.ds(c * RB, RB)])


def _make_agg(D):
    @functools.partial(
        pl.kernel,
        out_type=[jax.ShapeDtypeStruct((N, D), jnp.float32)] * 2,
        mesh=_MESH,
        scratch_types=[
            pltpu.VMEM((ECH,), jnp.int32),
            pltpu.VMEM((CB, EB), jnp.int32),
            pltpu.VMEM((EB, D), jnp.float32),
            pltpu.VMEM((EB, D), jnp.float32),
            pltpu.VMEM((RB, D), jnp.float32),
            pltpu.VMEM_SHARED((N, D), jnp.float32),
            pltpu.SemaphoreType.DMA,
            pltpu.SemaphoreType.DMA,
        ],
    )
    def agg(hs0, hs1, src_hbm, dst_hbm, out0, out1,
            src_v, dst_v, rows_a, rows_b, rw_v, acc_sh, sema, semb):
        cid = lax.axis_index("c")
        sid = lax.axis_index("s")

        def run(hs_c, out_c):
            for kk in range(RK):
                c = sid + kk * NSUB

                @pl.when(c < NRC)
                def _():
                    pltpu.sync_copy(hs_c.at[pl.ds(c * RB, RB)], rw_v)
                    pltpu.sync_copy(rw_v, acc_sh.at[pl.ds(c * RB, RB)])

            plsc.subcore_barrier()

            def chunk(ch, carry):
                pltpu.sync_copy(
                    src_hbm.at[pl.ds(sid * EPT + ch * ECH, ECH)], src_v)
                pltpu.sync_copy(dst_hbm.at[sid, ch], dst_v)
                pltpu.async_copy(hs_c.at[src_v.at[pl.ds(0, EB)]], rows_a, sema)
                pltpu.async_copy(hs_c.at[src_v.at[pl.ds(EB, EB)]], rows_b, semb)

                def body(j, c2):
                    @pl.when(j % 2 == 0)
                    def _():
                        pltpu.make_async_copy(
                            hs_c.at[pl.ds(0, EB)], rows_a, sema).wait()
                        pltpu.sync_copy(rows_a, acc_sh.at[dst_v.at[j]], add=True)

                        @pl.when(j < CB - 2)
                        def _():
                            pltpu.async_copy(
                                hs_c.at[src_v.at[pl.ds((j + 2) * EB, EB)]],
                                rows_a, sema)

                    @pl.when(j % 2 == 1)
                    def _():
                        pltpu.make_async_copy(
                            hs_c.at[pl.ds(0, EB)], rows_b, semb).wait()
                        pltpu.sync_copy(rows_b, acc_sh.at[dst_v.at[j]], add=True)

                        @pl.when(j < CB - 2)
                        def _():
                            pltpu.async_copy(
                                hs_c.at[src_v.at[pl.ds((j + 2) * EB, EB)]],
                                rows_b, semb)

                    return c2

                lax.fori_loop(0, CB, body, 0)
                return carry

            lax.fori_loop(0, NCH, chunk, 0)
            plsc.subcore_barrier()

            for kk in range(RK):
                c = sid + kk * NSUB

                @pl.when(c < NRC)
                def _():
                    pltpu.sync_copy(acc_sh.at[pl.ds(c * RB, RB)], rw_v)
                    pltpu.sync_copy(rw_v, out_c.at[pl.ds(c * RB, RB)])

        @pl.when(cid == 0)
        def _():
            run(hs0, out0)

        @pl.when(cid == 1)
        def _():
            run(hs1, out1)

    return agg


_agg128 = _make_agg(HID_D // 2)


@functools.partial(
    pl.kernel,
    out_type=[jax.ShapeDtypeStruct((N, OUT_D), jnp.float32)] * 2,
    mesh=_MESH,
    scratch_types=[
        pltpu.VMEM((ECH,), jnp.int32),
        pltpu.VMEM((CB, EB), jnp.int32),
        pltpu.VMEM((EB, OUT_D), jnp.float32),
        pltpu.VMEM((EB, OUT_D), jnp.float32),
        pltpu.VMEM((RB, OUT_D), jnp.float32),
        pltpu.VMEM_SHARED((N, OUT_D), jnp.float32),
        pltpu.SemaphoreType.DMA,
        pltpu.SemaphoreType.DMA,
    ],
)
def _agg_full(hs, src_hbm, dst_hbm, out0, out1,
              src_v, dst_v, rows_a, rows_b, rw_v, acc_sh, sema, semb):
    cid = lax.axis_index("c")
    sid = lax.axis_index("s")

    for kk in range(RK):
        c = sid + kk * NSUB

        @pl.when(c < NRC)
        def _():
            pltpu.sync_copy(hs.at[pl.ds(c * RB, RB)], rw_v)
            pltpu.sync_copy(rw_v, acc_sh.at[pl.ds(c * RB, RB)])

    plsc.subcore_barrier()

    def chunk(ch, carry):
        pltpu.sync_copy(src_hbm.at[pl.ds(sid * EPT + ch * ECH, ECH)], src_v)
        pltpu.sync_copy(dst_hbm.at[sid, ch], dst_v)
        pltpu.async_copy(hs.at[src_v.at[pl.ds(0, EB)]], rows_a, sema)
        pltpu.async_copy(hs.at[src_v.at[pl.ds(EB, EB)]], rows_b, semb)

        def body(j, c2):
            @pl.when(j % 2 == 0)
            def _():
                pltpu.make_async_copy(hs.at[pl.ds(0, EB)], rows_a, sema).wait()
                pltpu.sync_copy(rows_a, acc_sh.at[dst_v.at[j]], add=True)

                @pl.when(j < CB - 2)
                def _():
                    pltpu.async_copy(
                        hs.at[src_v.at[pl.ds((j + 2) * EB, EB)]], rows_a, sema)

            @pl.when(j % 2 == 1)
            def _():
                pltpu.make_async_copy(hs.at[pl.ds(0, EB)], rows_b, semb).wait()
                pltpu.sync_copy(rows_b, acc_sh.at[dst_v.at[j]], add=True)

                @pl.when(j < CB - 2)
                def _():
                    pltpu.async_copy(
                        hs.at[src_v.at[pl.ds((j + 2) * EB, EB)]], rows_b, semb)

            return c2

        lax.fori_loop(0, CB, body, 0)
        return carry

    lax.fori_loop(cid * (NCH // 2), (cid + 1) * (NCH // 2), chunk, 0)
    plsc.subcore_barrier()

    for kk in range(RK):
        c = sid + kk * NSUB

        @pl.when(c < NRC)
        def _():
            pltpu.sync_copy(acc_sh.at[pl.ds(c * RB, RB)], rw_v)

            @pl.when(cid == 0)
            def _():
                pltpu.sync_copy(rw_v, out0.at[pl.ds(c * RB, RB)])

            @pl.when(cid == 1)
            def _():
                pltpu.sync_copy(rw_v, out1.at[pl.ds(c * RB, RB)])


RBLK = 1000


def _dis_from_cnt(c0, c1):
    cnt = jnp.sum(c0, axis=1) + jnp.sum(c1, axis=1)
    deg = 1.0 + cnt * (1.0 / CNT_W)
    return lax.rsqrt(deg)


def _k1_body(x_ref, w_ref, c0_ref, c1_ref, o0_ref, o1_ref):
    h = jnp.dot(x_ref[...], w_ref[...], preferred_element_type=jnp.float32)
    dis = _dis_from_cnt(c0_ref[...], c1_ref[...])
    hs = h * dis[:, None]
    o0_ref[...] = hs[:, : HID_D // 2]
    o1_ref[...] = hs[:, HID_D // 2:]


_k1 = pl.pallas_call(
    _k1_body,
    grid=(N // RBLK,),
    in_specs=[
        pl.BlockSpec((RBLK, IN_D), lambda i: (i, 0)),
        pl.BlockSpec((IN_D, HID_D), lambda i: (0, 0)),
        pl.BlockSpec((RBLK, CNT_W), lambda i: (i, 0)),
        pl.BlockSpec((RBLK, CNT_W), lambda i: (i, 0)),
    ],
    out_specs=[
        pl.BlockSpec((RBLK, HID_D // 2), lambda i: (i, 0)),
        pl.BlockSpec((RBLK, HID_D // 2), lambda i: (i, 0)),
    ],
    out_shape=[jax.ShapeDtypeStruct((N, HID_D // 2), jnp.float32)] * 2,
)


def _k2_body(a0_ref, a1_ref, c0_ref, c1_ref, b1_ref, w2_ref, o_ref):
    dis = _dis_from_cnt(c0_ref[...], c1_ref[...])
    b1 = b1_ref[...]
    t0 = jnp.maximum(a0_ref[...] * dis[:, None] + b1[0, : HID_D // 2][None, :], 0.0)
    t1 = jnp.maximum(a1_ref[...] * dis[:, None] + b1[0, HID_D // 2:][None, :], 0.0)
    w2 = w2_ref[...]
    h2 = (jnp.dot(t0, w2[: HID_D // 2], preferred_element_type=jnp.float32)
          + jnp.dot(t1, w2[HID_D // 2:], preferred_element_type=jnp.float32))
    o_ref[...] = h2 * dis[:, None]


_k2 = pl.pallas_call(
    _k2_body,
    grid=(N // RBLK,),
    in_specs=[
        pl.BlockSpec((RBLK, HID_D // 2), lambda i: (i, 0)),
        pl.BlockSpec((RBLK, HID_D // 2), lambda i: (i, 0)),
        pl.BlockSpec((RBLK, CNT_W), lambda i: (i, 0)),
        pl.BlockSpec((RBLK, CNT_W), lambda i: (i, 0)),
        pl.BlockSpec((1, HID_D), lambda i: (0, 0)),
        pl.BlockSpec((HID_D, OUT_D), lambda i: (0, 0)),
    ],
    out_specs=pl.BlockSpec((RBLK, OUT_D), lambda i: (i, 0)),
    out_shape=jax.ShapeDtypeStruct((N, OUT_D), jnp.float32),
)


def _k3_body(a0_ref, a1_ref, hs_ref, c0_ref, c1_ref, b2_ref, o_ref):
    dis = _dis_from_cnt(c0_ref[...], c1_ref[...])
    acc = a0_ref[...] + a1_ref[...] - hs_ref[...]
    o_ref[...] = acc * dis[:, None] + b2_ref[...][0][None, :]


_k3 = pl.pallas_call(
    _k3_body,
    grid=(N // RBLK,),
    in_specs=[
        pl.BlockSpec((RBLK, OUT_D), lambda i: (i, 0)),
        pl.BlockSpec((RBLK, OUT_D), lambda i: (i, 0)),
        pl.BlockSpec((RBLK, OUT_D), lambda i: (i, 0)),
        pl.BlockSpec((RBLK, CNT_W), lambda i: (i, 0)),
        pl.BlockSpec((RBLK, CNT_W), lambda i: (i, 0)),
        pl.BlockSpec((1, OUT_D), lambda i: (0, 0)),
    ],
    out_specs=pl.BlockSpec((RBLK, OUT_D), lambda i: (i, 0)),
    out_shape=jax.ShapeDtypeStruct((N, OUT_D), jnp.float32),
)


def kernel(x, edge_index, W1, b1, W2, b2):
    ei = edge_index.astype(jnp.int32)
    src = ei[0]
    dst_r = ei[1].reshape(NSUB, NCH, CB, EB)

    cnt0, cnt1 = _deg_kernel(dst_r)
    hs0, hs1 = _k1(x, W1, cnt0, cnt1)
    a0, a1 = _agg128(hs0, hs1, src, dst_r)
    hs2 = _k2(a0, a1, cnt0, cnt1, b1.reshape(1, HID_D), W2)
    f0, f1 = _agg_full(hs2, src, dst_r)
    return _k3(f0, f1, hs2, cnt0, cnt1, b2.reshape(1, OUT_D))

# --- scband reference (transcript-rebuilt; emitter-appended) ---
"""Pipeline reference for scband-gnnmodel-10419590660674 (READ-ONLY COPY).

The authoritative reference and input builder live on the scoring server;
editing this copy changes nothing except your own understanding.
"""

import jax, jax.numpy as jnp
import numpy as np

N_NODES = 10000
N_EDGES = 320000
IN_DIM = 128
HID_DIM = 256
OUT_DIM = 128


def gcn_conv(x, edge_index, W, b):
    n = x.shape[0]
    src = edge_index[0]
    dst = edge_index[1]
    # add self loops (GCNConv default add_self_loops=True)
    loop = jnp.arange(n, dtype=src.dtype)
    src = jnp.concatenate([src, loop])
    dst = jnp.concatenate([dst, loop])
    # symmetric normalization: deg^-1/2[src] * deg^-1/2[dst], deg = in-degree incl. self loops
    deg = jnp.zeros((n,), dtype=x.dtype).at[dst].add(1.0)
    deg_inv_sqrt = jnp.where(deg > 0, deg ** -0.5, 0.0)
    norm = deg_inv_sqrt[src] * deg_inv_sqrt[dst]
    # linear transform then gather / scatter-add aggregation
    h = x @ W
    msg = jnp.take(h, src, axis=0) * norm[:, None]
    out = jnp.zeros((n, W.shape[1]), dtype=h.dtype).at[dst].add(msg)
    return out + b


def setup_inputs(seed: int = 0) -> dict:
    key = jax.random.key(seed)
    k_x, k_e, k_w1, k_w2 = jax.random.split(key, 4)
    x = jax.random.normal(k_x, (N_NODES, IN_DIM), dtype=jnp.float32)
    edge_index = jax.random.randint(k_e, (2, N_EDGES), 0, N_NODES, dtype=jnp.int64)
    # glorot init like GCNConv
    s1 = (6.0 / (IN_DIM + HID_DIM)) ** 0.5
    s2 = (6.0 / (HID_DIM + OUT_DIM)) ** 0.5
    W1 = jax.random.uniform(k_w1, (IN_DIM, HID_DIM), minval=-s1, maxval=s1, dtype=jnp.float32)
    b1 = jnp.zeros((HID_DIM,), dtype=jnp.float32)
    W2 = jax.random.uniform(k_w2, (HID_DIM, OUT_DIM), minval=-s2, maxval=s2, dtype=jnp.float32)
    b2 = jnp.zeros((OUT_DIM,), dtype=jnp.float32)
    return {"x": x, "edge_index": edge_index, "W1": W1, "b1": b1, "W2": W2, "b2": b2}


def reference(x, edge_index, W1, b1, W2, b2):
    h = gcn_conv(x, edge_index, W1, b1)
    h = jax.nn.relu(h)
    out = gcn_conv(h, edge_index, W2, b2)
    return out

if __name__ == "__main__":
    import jax
    _d = setup_inputs()
    print(jax.jit(kernel)(*tuple(_d.values())))

</pallas_src>

<mosaic_0001>
#map = affine_map<(d0, d1) -> (0, 0)>
#map1 = affine_map<(d0, d1) -> (0)>
#map2 = affine_map<(d0, d1) -> (0, 0, 0, 0)>
module attributes {stable_mosaic.version = 14 : i64} {
  func.func @agg(%arg0: i32, %arg1: i32, %arg2: memref<10000x128xf32, #tpu.memory_space<hbm>>, %arg3: memref<10000x128xf32, #tpu.memory_space<hbm>>, %arg4: memref<320000xi32, #tpu.memory_space<hbm>>, %arg5: memref<16x10x25x80xi32, #tpu.memory_space<hbm>>, %arg6: memref<10000x128xf32, #tpu.memory_space<hbm>>, %arg7: memref<10000x128xf32, #tpu.memory_space<hbm>>, %arg8: memref<2000xi32, #tpu.memory_space<vmem>>, %arg9: memref<25x80xi32, #tpu.memory_space<vmem>>, %arg10: memref<80x128xf32, #tpu.memory_space<vmem>>, %arg11: memref<80x128xf32, #tpu.memory_space<vmem>>, %arg12: memref<80x128xf32, #tpu.memory_space<vmem>>, %arg13: memref<10000x128xf32, #tpu.memory_space<vmem_shared>>, %arg14: memref<!tpu.dma_semaphore, #tpu.memory_space<semaphore_mem>>, %arg15: memref<!tpu.dma_semaphore, #tpu.memory_space<semaphore_mem>>) attributes {dimension_semantics = [#tpu.dimension_semantics<core_parallel>, #tpu.dimension_semantics<subcore_parallel>], iteration_bounds = array<i64: 2, 16>, scalar_prefetch = 0 : i64, scratch_operands = 8 : i64, tpu.core_type = #tpu.core_type<sc_vector_subcore>, window_params = [{transform_indices = #map}, {transform_indices = #map}, {transform_indices = #map1}, {transform_indices = #map2}, {transform_indices = #map}, {transform_indices = #map}]} {
    %eq3A = arith.constant 0 : i32
    %eq3A_0 = arith.cmpi eq, %arg0, %eq3A : i32
    %convert_element_type3A = arith.extui %eq3A_0 : i1 to i32
    %cond3A = arith.constant 0 : i32
    %cond3A_1 = arith.cmpi ne, %convert_element_type3A, %cond3A : i32
    scf.if %cond3A_1 {
      %add3A = arith.constant 0 : i32
      %add3A_7 = arith.addi %arg1, %add3A : i32
      %lt3A = arith.constant 125 : i32
      %lt3A_8 = arith.cmpi slt, %add3A_7, %lt3A : i32
      %convert_element_type3A_9 = arith.extui %lt3A_8 : i1 to i32
      %cond3A_10 = arith.constant 0 : i32
      %cond3A_11 = arith.cmpi ne, %convert_element_type3A_9, %cond3A_10 : i32
      scf.if %cond3A_11 {
        %mul3A = arith.constant 80 : i32
        %mul3A_123 = arith.muli %add3A_7, %mul3A : i32
        "tpu.region"() ({
          %run_scoped3A = tpu.sem_alloc : memref<!tpu.dma_semaphore, #tpu.memory_space<semaphore_mem>>
          %dma_start3A = arith.constant 0 : i32
          %dma_start3A_126 = tpu.memref_slice %arg2[%mul3A_123, %dma_start3A] : memref<10000x128xf32, #tpu.memory_space<hbm>> -> memref<80x128xf32, #tpu.memory_space<hbm>>
          %dma_start3A_127 = arith.constant 0 : i32
          %dma_start3A_128 = tpu.memref_slice %arg2[%mul3A_123, %dma_start3A_127] : memref<10000x128xf32, #tpu.memory_space<hbm>> -> memref<80x128xf32, #tpu.memory_space<hbm>>
          tpu.enqueue_dma source(%dma_start3A_128 : memref<80x128xf32, #tpu.memory_space<hbm>>) target(%arg12 : memref<80x128xf32, #tpu.memory_space<vmem>>) target_semaphore(%run_scoped3A : memref<!tpu.dma_semaphore, #tpu.memory_space<semaphore_mem>>)
          %dma_wait3A = arith.constant 0 : i32
          %dma_wait3A_129 = tpu.memref_slice %arg2[%mul3A_123, %dma_wait3A] : memref<10000x128xf32, #tpu.memory_space<hbm>> -> memref<80x128xf32, #tpu.memory_space<hbm>>
          %dma_wait3A_130 = arith.constant 0 : i32
          %dma_wait3A_131 = tpu.memref_slice %arg2[%mul3A_123, %dma_wait3A_130] : memref<10000x128xf32, #tpu.memory_space<hbm>> -> memref<80x128xf32, #tpu.memory_space<hbm>>
          tpu.wait_dma2 semaphore(%run_scoped3A : memref<!tpu.dma_semaphore, #tpu.memory_space<semaphore_mem>>) src(%dma_wait3A_131 : memref<80x128xf32, #tpu.memory_space<hbm>>) dst(%arg12 : memref<80x128xf32, #tpu.memory_space<vmem>>)
          tpu.yield
        }) : () -> ()
        %mul3A_124 = arith.constant 80 : i32
        %mul3A_125 = arith.muli %add3A_7, %mul3A_124 : i32
        "tpu.region"() ({
          %run_scoped3A = tpu.sem_alloc : memref<!tpu.dma_semaphore, #tpu.memory_space<semaphore_mem>>
          %dma_start3A = arith.constant 0 : i32
          %dma_start3A_126 = tpu.memref_slice %arg13[%mul3A_125, %dma_start3A] : memref<10000x128xf32, #tpu.memory_space<vmem_shared>> -> memref<80x128xf32, #tpu.memory_space<vmem_shared>>
          %dma_start3A_127 = arith.constant 0 : i32
          %dma_start3A_128 = tpu.memref_slice %arg13[%mul3A_125, %dma_start3A_127] : memref<10000x128xf32, #tpu.memory_space<vmem_shared>> -> memref<80x128xf32, #tpu.memory_space<vmem_shared>>
          tpu.enqueue_dma source(%arg12 : memref<80x128xf32, #tpu.memory_space<vmem>>) target(%dma_start3A_128 : memref<80x128xf32, #tpu.memory_space<vmem_shared>>) target_semaphore(%run_scoped3A : memref<!tpu.dma_semaphore, #tpu.memory_space<semaphore_mem>>)
          %dma_wait3A = arith.constant 0 : i32
          %dma_wait3A_129 = tpu.memref_slice %arg13[%mul3A_125, %dma_wait3A] : memref<10000x128xf32, #tpu.memory_space<vmem_shared>> -> memref<80x128xf32, #tpu.memory_space<vmem_shared>>
          %dma_wait3A_130 = arith.constant 0 : i32
          %dma_wait3A_131 = tpu.memref_slice %arg13[%mul3A_125, %dma_wait3A_130] : memref<10000x128xf32, #tpu.memory_space<vmem_shared>> -> memref<80x128xf32, #tpu.memory_space<vmem_shared>>
          tpu.wait_dma2 semaphore(%run_scoped3A : memref<!tpu.dma_semaphore, #tpu.memory_space<semaphore_mem>>) src(%arg12 : memref<80x128xf32, #tpu.memory_space<vmem>>) dst(%dma_wait3A_131 : memref<80x128xf32, #tpu.memory_space<vmem_shared>>)
          tpu.yield
        }) : () -> ()
      } else {
      }
      %add3A_12 = arith.constant 16 : i32
      %add3A_13 = arith.addi %arg1, %add3A_12 : i32
      %lt3A_14 = arith.constant 125 : i32
      %lt3A_15 = arith.cmpi slt, %add3A_13, %lt3A_14 : i32
      %convert_element_type3A_16 = arith.extui %lt3A_15 : i1 to i32
      %cond3A_17 = arith.constant 0 : i32
      %cond3A_18 = arith.cmpi ne, %convert_element_type3A_16, %cond3A_17 : i32
      scf.if %cond3A_18 {
        %mul3A = arith.constant 80 : i32
        %mul3A_123 = arith.muli %add3A_13, %mul3A : i32
        "tpu.region"() ({
          %run_scoped3A = tpu.sem_alloc : memref<!tpu.dma_semaphore, #tpu.memory_space<semaphore_mem>>
          %dma_start3A = arith.constant 0 : i32
          %dma_start3A_126 = tpu.memref_slice %arg2[%mul3A_123, %dma_start3A] : memref<10000x128xf32, #tpu.memory_space<hbm>> -> memref<80x128xf32, #tpu.memory_space<hbm>>
          %dma_start3A_127 = arith.constant 0 : i32
          %dma_start3A_128 = tpu.memref_slice %arg2[%mul3A_123, %dma_start3A_127] : memref<10000x128xf32, #tpu.memory_space<hbm>> -> memref<80x128xf32, #tpu.memory_space<hbm>>
          tpu.enqueue_dma source(%dma_start3A_128 : memref<80x128xf32, #tpu.memory_space<hbm>>) target(%arg12 : memref<80x128xf32, #tpu.memory_space<vmem>>) target_semaphore(%run_scoped3A : memref<!tpu.dma_semaphore, #tpu.memory_space<semaphore_mem>>)
          %dma_wait3A = arith.constant 0 : i32
          %dma_wait3A_129 = tpu.memref_slice %arg2[%mul3A_123, %dma_wait3A] : memref<10000x128xf32, #tpu.memory_space<hbm>> -> memref<80x128xf32, #tpu.memory_space<hbm>>
          %dma_wait3A_130 = arith.constant 0 : i32
          %dma_wait3A_131 = tpu.memref_slice %arg2[%mul3A_123, %dma_wait3A_130] : memref<10000x128xf32, #tpu.memory_space<hbm>> -> memref<80x128xf32, #tpu.memory_space<hbm>>
          tpu.wait_dma2 semaphore(%run_scoped3A : memref<!tpu.dma_semaphore, #tpu.memory_space<semaphore_mem>>) src(%dma_wait3A_131 : memref<80x128xf32, #tpu.memory_space<hbm>>) dst(%arg12 : memref<80x128xf32, #tpu.memory_space<vmem>>)
          tpu.yield
        }) : () -> ()
        %mul3A_124 = arith.constant 80 : i32
        %mul3A_125 = arith.muli %add3A_13, %mul3A_124 : i32
        "tpu.region"() ({
          %run_scoped3A = tpu.sem_alloc : memref<!tpu.dma_semaphore, #tpu.memory_space<semaphore_mem>>
          %dma_start3A = arith.constant 0 : i32
          %dma_start3A_126 = tpu.memref_slice %arg13[%mul3A_125, %dma_start3A] : memref<10000x128xf32, #tpu.memory_space<vmem_shared>> -> memref<80x128xf32, #tpu.memory_space<vmem_shared>>
          %dma_start3A_127 = arith.constant 0 : i32
          %dma_start3A_128 = tpu.memref_slice %arg13[%mul3A_125, %dma_start3A_127] : memref<10000x128xf32, #tpu.memory_space<vmem_shared>> -> memref<80x128xf32, #tpu.memory_space<vmem_shared>>
          tpu.enqueue_dma source(%arg12 : memref<80x128xf32, #tpu.memory_space<vmem>>) target(%dma_start3A_128 : memref<80x128xf32, #tpu.memory_space<vmem_shared>>) target_semaphore(%run_scoped3A : memref<!tpu.dma_semaphore, #tpu.memory_space<semaphore_mem>>)
          %dma_wait3A = arith.constant 0 : i32
          %dma_wait3A_129 = tpu.memref_slice %arg13[%mul3A_125, %dma_wait3A] : memref<10000x128xf32, #tpu.memory_space<vmem_shared>> -> memref<80x128xf32, #tpu.memory_space<vmem_shared>>
          %dma_wait3A_130 = arith.constant 0 : i32
          %dma_wait3A_131 = tpu.memref_slice %arg13[%mul3A_125, %dma_wait3A_130] : memref<10000x128xf32, #tpu.memory_space<vmem_shared>> -> memref<80x128xf32, #tpu.memory_space<vmem_shared>>
          tpu.wait_dma2 semaphore(%run_scoped3A : memref<!tpu.dma_semaphore, #tpu.memory_space<semaphore_mem>>) src(%arg12 : memref<80x128xf32, #tpu.memory_space<vmem>>) dst(%dma_wait3A_131 : memref<80x128xf32, #tpu.memory_space<vmem_shared>>)
          tpu.yield
        }) : () -> ()
      } else {
      }
      %add3A_19 = arith.constant 32 : i32
      %add3A_20 = arith.addi %arg1, %add3A_19 : i32
      %lt3A_21 = arith.constant 125 : i32
      %lt3A_22 = arith.cmpi slt, %add3A_20, %lt3A_21 : i32
      %convert_element_type3A_23 = arith.extui %lt3A_22 : i1 to i32
      %cond3A_24 = arith.constant 0 : i32
      %cond3A_25 = arith.cmpi ne, %convert_element_type3A_23, %cond3A_24 : i32
      scf.if %cond3A_25 {
        %mul3A = arith.constant 80 : i32
        %mul3A_123 = arith.muli %add3A_20, %mul3A : i32
        "tpu.region"() ({
          %run_scoped3A = tpu.sem_alloc : memref<!tpu.dma_semaphore, #tpu.memory_space<semaphore_mem>>
          %dma_start3A = arith.constant 0 : i32
          %dma_start3A_126 = tpu.memref_slice %arg2[%mul3A_123, %dma_start3A] : memref<10000x128xf32, #tpu.memory_space<hbm>> -> memref<80x128xf32, #tpu.memory_space<hbm>>
          %dma_start3A_127 = arith.constant 0 : i32
          %dma_start3A_128 = tpu.memref_slice %arg2[%mul3A_123, %dma_start3A_127] : memref<10000x128xf32, #tpu.memory_space<hbm>> -> memref<80x128xf32, #tpu.memory_space<hbm>>
          tpu.enqueue_dma source(%dma_start3A_128 : memref<80x128xf32, #tpu.memory_space<hbm>>) target(%arg12 : memref<80x128xf32, #tpu.memory_space<vmem>>) target_semaphore(%run_scoped3A : memref<!tpu.dma_semaphore, #tpu.memory_space<semaphore_mem>>)
          %dma_wait3A = arith.constant 0 : i32
          %dma_wait3A_129 = tpu.memref_slice %arg2[%mul3A_123, %dma_wait3A] : memref<10000x128xf32, #tpu.memory_space<hbm>> -> memref<80x128xf32, #tpu.memory_space<hbm>>
          %dma_wait3A_130 = arith.constant 0 : i32
          %dma_wait3A_131 = tpu.memref_slice %arg2[%mul3A_123, %dma_wait3A_130] : memref<10000x128xf32, #tpu.memory_space<hbm>> -> memref<80x128xf32, #tpu.memory_space<hbm>>
          tpu.wait_dma2 semaphore(%run_scoped3A : memref<!tpu.dma_semaphore, #tpu.memory_space<semaphore_mem>>) src(%dma_wait3A_131 : memref<80x128xf32, #tpu.memory_space<hbm>>) dst(%arg12 : memref<80x128xf32, #tpu.memory_space<vmem>>)
          tpu.yield
        }) : () -> ()
        %mul3A_124 = arith.constant 80 : i32
        %mul3A_125 = arith.muli %add3A_20, %mul3A_124 : i32
        "tpu.region"() ({
          %run_scoped3A = tpu.sem_alloc : memref<!tpu.dma_semaphore, #tpu.memory_space<semaphore_mem>>
          %dma_start3A = arith.constant 0 : i32
          %dma_start3A_126 = tpu.memref_slice %arg13[%mul3A_125, %dma_start3A] : memref<10000x128xf32, #tpu.memory_space<vmem_shared>> -> memref<80x128xf32, #tpu.memory_space<vmem_shared>>
          %dma_start3A_127 = arith.constant 0 : i32
          %dma_start3A_128 = tpu.memref_slice %arg13[%mul3A_125, %dma_start3A_127] : memref<10000x128xf32, #tpu.memory_space<vmem_shared>> -> memref<80x128xf32, #tpu.memory_space<vmem_shared>>
          tpu.enqueue_dma source(%arg12 : memref<80x128xf32, #tpu.memory_space<vmem>>) target(%dma_start3A_128 : memref<80x128xf32, #tpu.memory_space<vmem_shared>>) target_semaphore(%run_scoped3A : memref<!tpu.dma_semaphore, #tpu.memory_space<semaphore_mem>>)
          %dma_wait3A = arith.constant 0 : i32
          %dma_wait3A_129 = tpu.memref_slice %arg13[%mul3A_125, %dma_wait3A] : memref<10000x128xf32, #tpu.memory_space<vmem_shared>> -> memref<80x128xf32, #tpu.memory_space<vmem_shared>>
          %dma_wait3A_130 = arith.constant 0 : i32
          %dma_wait3A_131 = tpu.memref_slice %arg13[%mul3A_125, %dma_wait3A_130] : memref<10000x128xf32, #tpu.memory_space<vmem_shared>> -> memref<80x128xf32, #tpu.memory_space<vmem_shared>>
          tpu.wait_dma2 semaphore(%run_scoped3A : memref<!tpu.dma_semaphore, #tpu.memory_space<semaphore_mem>>) src(%arg12 : memref<80x128xf32, #tpu.memory_space<vmem>>) dst(%dma_wait3A_131 : memref<80x128xf32, #tpu.memory_space<vmem_shared>>)
          tpu.yield
        }) : () -> ()
      } else {
      }
      %add3A_26 = arith.constant 48 : i32
      %add3A_27 = arith.addi %arg1, %add3A_26 : i32
      %lt3A_28 = arith.constant 125 : i32
      %lt3A_29 = arith.cmpi slt, %add3A_27, %lt3A_28 : i32
      %convert_element_type3A_30 = arith.extui %lt3A_29 : i1 to i32
      %cond3A_31 = arith.constant 0 : i32
      %cond3A_32 = arith.cmpi ne, %convert_element_type3A_30, %cond3A_31 : i32
      scf.if %cond3A_32 {
        %mul3A = arith.constant 80 : i32
        %mul3A_123 = arith.muli %add3A_27, %mul3A : i32
        "tpu.region"() ({
          %run_scoped3A = tpu.sem_alloc : memref<!tpu.dma_semaphore, #tpu.memory_space<semaphore_mem>>
          %dma_start3A = arith.constant 0 : i32
          %dma_start3A_126 = tpu.memref_slice %arg2[%mul3A_123, %dma_start3A] : memref<10000x128xf32, #tpu.memory_space<hbm>> -> memref<80x128xf32, #tpu.memory_space<hbm>>
          %dma_start3A_127 = arith.constant 0 : i32
          %dma_start3A_128 = tpu.memref_slice %arg2[%mul3A_123, %dma_start3A_127] : memref<10000x128xf32, #tpu.memory_space<hbm>> -> memref<80x128xf32, #tpu.memory_space<hbm>>
          tpu.enqueue_dma source(%dma_start3A_128 : memref<80x128xf32, #tpu.memory_space<hbm>>) target(%arg12 : memref<80x128xf32, #tpu.memory_space<vmem>>) target_semaphore(%run_scoped3A : memref<!tpu.dma_semaphore, #tpu.memory_space<semaphore_mem>>)
          %dma_wait3A = arith.constant 0 : i32
          %dma_wait3A_129 = tpu.memref_slice %arg2[%mul3A_123, %dma_wait3A] : memref<10000x128xf32, #tpu.memory_space<hbm>> -> memref<80x128xf32, #tpu.memory_space<hbm>>
          %dma_wait3A_130 = arith.constant 0 : i32
          %dma_wait3A_131 = tpu.memref_slice %arg2[%mul3A_123, %dma_wait3A_130] : memref<10000x128xf32, #tpu.memory_space<hbm>> -> memref<80x128xf32, #tpu.memory_space<hbm>>
          tpu.wait_dma2 semaphore(%run_scoped3A : memref<!tpu.dma_semaphore, #tpu.memory_space<semaphore_mem>>) src(%dma_wait3A_131 : memref<80x128xf32, #tpu.memory_space<hbm>>) dst(%arg12 : memref<80x128xf32, #tpu.memory_space<vmem>>)
          tpu.yield
        }) : () -> ()
        %mul3A_124 = arith.constant 80 : i32
        %mul3A_125 = arith.muli %add3A_27, %mul3A_124 : i32
        "tpu.region"() ({
          %run_scoped3A = tpu.sem_alloc : memref<!tpu.dma_semaphore, #tpu.memory_space<semaphore_mem>>
          %dma_start3A = arith.constant 0 : i32
          %dma_start3A_126 = tpu.memref_slice %arg13[%mul3A_125, %dma_start3A] : memref<10000x128xf32, #tpu.memory_space<vmem_shared>> -> memref<80x128xf32, #tpu.memory_space<vmem_shared>>
          %dma_start3A_127 = arith.constant 0 : i32
          %dma_start3A_128 = tpu.memref_slice %arg13[%mul3A_125, %dma_start3A_127] : memref<10000x128xf32, #tpu.memory_space<vmem_shared>> -> memref<80x128xf32, #tpu.memory_space<vmem_shared>>
          tpu.enqueue_dma source(%arg12 : memref<80x128xf32, #tpu.memory_space<vmem>>) target(%dma_start3A_128 : memref<80x128xf32, #tpu.memory_space<vmem_shared>>) target_semaphore(%run_scoped3A : memref<!tpu.dma_semaphore, #tpu.memory_space<semaphore_mem>>)
          %dma_wait3A = arith.constant 0 : i32
          %dma_wait3A_129 = tpu.memref_slice %arg13[%mul3A_125, %dma_wait3A] : memref<10000x128xf32, #tpu.memory_space<vmem_shared>> -> memref<80x128xf32, #tpu.memory_space<vmem_shared>>
          %dma_wait3A_130 = arith.constant 0 : i32
          %dma_wait3A_131 = tpu.memref_slice %arg13[%mul3A_125, %dma_wait3A_130] : memref<10000x128xf32, #tpu.memory_space<vmem_shared>> -> memref<80x128xf32, #tpu.memory_space<vmem_shared>>
          tpu.wait_dma2 semaphore(%run_scoped3A : memref<!tpu.dma_semaphore, #tpu.memory_space<semaphore_mem>>) src(%arg12 : memref<80x128xf32, #tpu.memory_space<vmem>>) dst(%dma_wait3A_131 : memref<80x128xf32, #tpu.memory_space<vmem_shared>>)
          tpu.yield
        }) : () -> ()
      } else {
      }
      %add3A_33 = arith.constant 64 : i32
      %add3A_34 = arith.addi %arg1, %add3A_33 : i32
      %lt3A_35 = arith.constant 125 : i32
      %lt3A_36 = arith.cmpi slt, %add3A_34, %lt3A_35 : i32
      %convert_element_type3A_37 = arith.extui %lt3A_36 : i1 to i32
      %cond3A_38 = arith.constant 0 : i32
      %cond3A_39 = arith.cmpi ne, %convert_element_type3A_37, %cond3A_38 : i32
      scf.if %cond3A_39 {
        %mul3A = arith.constant 80 : i32
        %mul3A_123 = arith.muli %add3A_34, %mul3A : i32
        "tpu.region"() ({
          %run_scoped3A = tpu.sem_alloc : memref<!tpu.dma_semaphore, #tpu.memory_space<semaphore_mem>>
          %dma_start3A = arith.constant 0 : i32
          %dma_start3A_126 = tpu.memref_slice %arg2[%mul3A_123, %dma_start3A] : memref<10000x128xf32, #tpu.memory_space<hbm>> -> memref<80x128xf32, #tpu.memory_space<hbm>>
          %dma_start3A_127 = arith.constant 0 : i32
          %dma_start3A_128 = tpu.memref_slice %arg2[%mul3A_123, %dma_start3A_127] : memref<10000x128xf32, #tpu.memory_space<hbm>> -> memref<80x128xf32, #tpu.memory_space<hbm>>
          tpu.enqueue_dma source(%dma_start3A_128 : memref<80x128xf32, #tpu.memory_space<hbm>>) target(%arg12 : memref<80x128xf32, #tpu.memory_space<vmem>>) target_semaphore(%run_scoped3A : memref<!tpu.dma_semaphore, #tpu.memory_space<semaphore_mem>>)
          %dma_wait3A = arith.constant 0 : i32
          %dma_wait3A_129 = tpu.memref_slice %arg2[%mul3A_123, %dma_wait3A] : memref<10000x128xf32, #tpu.memory_space<hbm>> -> memref<80x128xf32, #tpu.memory_space<hbm>>
          %dma_wait3A_130 = arith.constant 0 : i32
          %dma_wait3A_131 = tpu.memref_slice %arg2[%mul3A_123, %dma_wait3A_130] : memref<10000x128xf32, #tpu.memory_space<hbm>> -> memref<80x128xf32, #tpu.memory_space<hbm>>
          tpu.wait_dma2 semaphore(%run_scoped3A : memref<!tpu.dma_semaphore, #tpu.memory_space<semaphore_mem>>) src(%dma_wait3A_131 : memref<80x128xf32, #tpu.memory_space<hbm>>) dst(%arg12 : memref<80x128xf32, #tpu.memory_space<vmem>>)
          tpu.yield
        }) : () -> ()
        %mul3A_124 = arith.constant 80 : i32
        %mul3A_125 = arith.muli %add3A_34, %mul3A_124 : i32
        "tpu.region"() ({
          %run_scoped3A = tpu.sem_alloc : memref<!tpu.dma_semaphore, #tpu.memory_space<semaphore_mem>>
          %dma_start3A = arith.constant 0 : i32
          %dma_start3A_126 = tpu.memref_slice %arg13[%mul3A_125, %dma_start3A] : memref<10000x128xf32, #tpu.memory_space<vmem_shared>> -> memref<80x128xf32, #tpu.memory_space<vmem_shared>>
          %dma_start3A_127 = arith.constant 0 : i32
          %dma_start3A_128 = tpu.memref_slice %arg13[%mul3A_125, %dma_start3A_127] : memref<10000x128xf32, #tpu.memory_space<vmem_shared>> -> memref<80x128xf32, #tpu.memory_space<vmem_shared>>
          tpu.enqueue_dma source(%arg12 : memref<80x128xf32, #tpu.memory_space<vmem>>) target(%dma_start3A_128 : memref<80x128xf32, #tpu.memory_space<vmem_shared>>) target_semaphore(%run_scoped3A : memref<!tpu.dma_semaphore, #tpu.memory_space<semaphore_mem>>)
          %dma_wait3A = arith.constant 0 : i32
          %dma_wait3A_129 = tpu.memref_slice %arg13[%mul3A_125, %dma_wait3A] : memref<10000x128xf32, #tpu.memory_space<vmem_shared>> -> memref<80x128xf32, #tpu.memory_space<vmem_shared>>
          %dma_wait3A_130 = arith.constant 0 : i32
          %dma_wait3A_131 = tpu.memref_slice %arg13[%mul3A_125, %dma_wait3A_130] : memref<10000x128xf32, #tpu.memory_space<vmem_shared>> -> memref<80x128xf32, #tpu.memory_space<vmem_shared>>
          tpu.wait_dma2 semaphore(%run_scoped3A : memref<!tpu.dma_semaphore, #tpu.memory_space<semaphore_mem>>) src(%arg12 : memref<80x128xf32, #tpu.memory_space<vmem>>) dst(%dma_wait3A_131 : memref<80x128xf32, #tpu.memory_space<vmem_shared>>)
          tpu.yield
        }) : () -> ()
      } else {
      }
      %add3A_40 = arith.constant 80 : i32
      %add3A_41 = arith.addi %arg1, %add3A_40 : i32
      %lt3A_42 = arith.constant 125 : i32
      %lt3A_43 = arith.cmpi slt, %add3A_41, %lt3A_42 : i32
      %convert_element_type3A_44 = arith.extui %lt3A_43 : i1 to i32
      %cond3A_45 = arith.constant 0 : i32
      %cond3A_46 = arith.cmpi ne, %convert_element_type3A_44, %cond3A_45 : i32
      scf.if %cond3A_46 {
        %mul3A = arith.constant 80 : i32
        %mul3A_123 = arith.muli %add3A_41, %mul3A : i32
        "tpu.region"() ({
          %run_scoped3A = tpu.sem_alloc : memref<!tpu.dma_semaphore, #tpu.memory_space<semaphore_mem>>
          %dma_start3A = arith.constant 0 : i32
          %dma_start3A_126 = tpu.memref_slice %arg2[%mul3A_123, %dma_start3A] : memref<10000x128xf32, #tpu.memory_space<hbm>> -> memref<80x128xf32, #tpu.memory_space<hbm>>
          %dma_start3A_127 = arith.constant 0 : i32
          %dma_start3A_128 = tpu.memref_slice %arg2[%mul3A_123, %dma_start3A_127] : memref<10000x128xf32, #tpu.memory_space<hbm>> -> memref<80x128xf32, #tpu.memory_space<hbm>>
          tpu.enqueue_dma source(%dma_start3A_128 : memref<80x128xf32, #tpu.memory_space<hbm>>) target(%arg12 : memref<80x128xf32, #tpu.memory_space<vmem>>) target_semaphore(%run_scoped3A : memref<!tpu.dma_semaphore, #tpu.memory_space<semaphore_mem>>)
          %dma_wait3A = arith.constant 0 : i32
          %dma_wait3A_129 = tpu.memref_slice %arg2[%mul3A_123, %dma_wait3A] : memref<10000x128xf32, #tpu.memory_space<hbm>> -> memref<80x128xf32, #tpu.memory_space<hbm>>
          %dma_wait3A_130 = arith.constant 0 : i32
          %dma_wait3A_131 = tpu.memref_slice %arg2[%mul3A_123, %dma_wait3A_130] : memref<10000x128xf32, #tpu.memory_space<hbm>> -> memref<80x128xf32, #tpu.memory_space<hbm>>
          tpu.wait_dma2 semaphore(%run_scoped3A : memref<!tpu.dma_semaphore, #tpu.memory_space<semaphore_mem>>) src(%dma_wait3A_131 : memref<80x128xf32, #tpu.memory_space<hbm>>) dst(%arg12 : memref<80x128xf32, #tpu.memory_space<vmem>>)
          tpu.yield
        }) : () -> ()
        %mul3A_124 = arith.constant 80 : i32
        %mul3A_125 = arith.muli %add3A_41, %mul3A_124 : i32
        "tpu.region"() ({
          %run_scoped3A = tpu.sem_alloc : memref<!tpu.dma_semaphore, #tpu.memory_space<semaphore_mem>>
          %dma_start3A = arith.constant 0 : i32
          %dma_start3A_126 = tpu.memref_slice %arg13[%mul3A_125, %dma_start3A] : memref<10000x128xf32, #tpu.memory_space<vmem_shared>> -> memref<80x128xf32, #tpu.memory_space<vmem_shared>>
          %dma_start3A_127 = arith.constant 0 : i32
          %dma_start3A_128 = tpu.memref_slice %arg13[%mul3A_125, %dma_start3A_127] : memref<10000x128xf32, #tpu.memory_space<vmem_shared>> -> memref<80x128xf32, #tpu.memory_space<vmem_shared>>
          tpu.enqueue_dma source(%arg12 : memref<80x128xf32, #tpu.memory_space<vmem>>) target(%dma_start3A_128 : memref<80x128xf32, #tpu.memory_space<vmem_shared>>) target_semaphore(%run_scoped3A : memref<!tpu.dma_semaphore, #tpu.memory_space<semaphore_mem>>)
          %dma_wait3A = arith.constant 0 : i32
          %dma_wait3A_129 = tpu.memref_slice %arg13[%mul3A_125, %dma_wait3A] : memref<10000x128xf32, #tpu.memory_space<vmem_shared>> -> memref<80x128xf32, #tpu.memory_space<vmem_shared>>
          %dma_wait3A_130 = arith.constant 0 : i32
          %dma_wait3A_131 = tpu.memref_slice %arg13[%mul3A_125, %dma_wait3A_130] : memref<10000x128xf32, #tpu.memory_space<vmem_shared>> -> memref<80x128xf32, #tpu.memory_space<vmem_shared>>
          tpu.wait_dma2 semaphore(%run_scoped3A : memref<!tpu.dma_semaphore, #tpu.memory_space<semaphore_mem>>) src(%arg12 : memref<80x128xf32, #tpu.memory_space<vmem>>) dst(%dma_wait3A_131 : memref<80x128xf32, #tpu.memory_space<vmem_shared>>)
          tpu.yield
        }) : () -> ()
      } else {
      }
      %add3A_47 = arith.constant 96 : i32
      %add3A_48 = arith.addi %arg1, %add3A_47 : i32
      %lt3A_49 = arith.constant 125 : i32
      %lt3A_50 = arith.cmpi slt, %add3A_48, %lt3A_49 : i32
      %convert_element_type3A_51 = arith.extui %lt3A_50 : i1 to i32
      %cond3A_52 = arith.constant 0 : i32
      %cond3A_53 = arith.cmpi ne, %convert_element_type3A_51, %cond3A_52 : i32
      scf.if %cond3A_53 {
        %mul3A = arith.constant 80 : i32
        %mul3A_123 = arith.muli %add3A_48, %mul3A : i32
        "tpu.region"() ({
          %run_scoped3A = tpu.sem_alloc : memref<!tpu.dma_semaphore, #tpu.memory_space<semaphore_mem>>
          %dma_start3A = arith.constant 0 : i32
          %dma_start3A_126 = tpu.memref_slice %arg2[%mul3A_123, %dma_start3A] : memref<10000x128xf32, #tpu.memory_space<hbm>> -> memref<80x128xf32, #tpu.memory_space<hbm>>
          %dma_start3A_127 = arith.constant 0 : i32
          %dma_start3A_128 = tpu.memref_slice %arg2[%mul3A_123, %dma_start3A_127] : memref<10000x128xf32, #tpu.memory_space<hbm>> -> memref<80x128xf32, #tpu.memory_space<hbm>>
          tpu.enqueue_dma source(%dma_start3A_128 : memref<80x128xf32, #tpu.memory_space<hbm>>) target(%arg12 : memref<80x128xf32, #tpu.memory_space<vmem>>) target_semaphore(%run_scoped3A : memref<!tpu.dma_semaphore, #tpu.memory_space<semaphore_mem>>)
          %dma_wait3A = arith.constant 0 : i32
          %dma_wait3A_129 = tpu.memref_slice %arg2[%mul3A_123, %dma_wait3A] : memref<10000x128xf32, #tpu.memory_space<hbm>> -> memref<80x128xf32, #tpu.memory_space<hbm>>
          %dma_wait3A_130 = arith.constant 0 : i32
          %dma_wait3A_131 = tpu.memref_slice %arg2[%mul3A_123, %dma_wait3A_130] : memref<10000x128xf32, #tpu.memory_space<hbm>> -> memref<80x128xf32, #tpu.memory_space<hbm>>
          tpu.wait_dma2 semaphore(%run_scoped3A : memref<!tpu.dma_semaphore, #tpu.memory_space<semaphore_mem>>) src(%dma_wait3A_131 : memref<80x128xf32, #tpu.memory_space<hbm>>) dst(%arg12 : memref<80x128xf32, #tpu.memory_space<vmem>>)
          tpu.yield
        }) : () -> ()
        %mul3A_124 = arith.constant 80 : i32
        %mul3A_125 = arith.muli %add3A_48, %mul3A_124 : i32
        "tpu.region"() ({
          %run_scoped3A = tpu.sem_alloc : memref<!tpu.dma_semaphore, #tpu.memory_space<semaphore_mem>>
          %dma_start3A = arith.constant 0 : i32
          %dma_start3A_126 = tpu.memref_slice %arg13[%mul3A_125, %dma_start3A] : memref<10000x128xf32, #tpu.memory_space<vmem_shared>> -> memref<80x128xf32, #tpu.memory_space<vmem_shared>>
          %dma_start3A_127 = arith.constant 0 : i32
          %dma_start3A_128 = tpu.memref_slice %arg13[%mul3A_125, %dma_start3A_127] : memref<10000x128xf32, #tpu.memory_space<vmem_shared>> -> memref<80x128xf32, #tpu.memory_space<vmem_shared>>
          tpu.enqueue_dma source(%arg12 : memref<80x128xf32, #tpu.memory_space<vmem>>) target(%dma_start3A_128 : memref<80x128xf32, #tpu.memory_space<vmem_shared>>) target_semaphore(%run_scoped3A : memref<!tpu.dma_semaphore, #tpu.memory_space<semaphore_mem>>)
          %dma_wait3A = arith.constant 0 : i32
          %dma_wait3A_129 = tpu.memref_slice %arg13[%mul3A_125, %dma_wait3A] : memref<10000x128xf32, #tpu.memory_space<vmem_shared>> -> memref<80x128xf32, #tpu.memory_space<vmem_shared>>
          %dma_wait3A_130 = arith.constant 0 : i32
          %dma_wait3A_131 = tpu.memref_slice %arg13[%mul3A_125, %dma_wait3A_130] : memref<10000x128xf32, #tpu.memory_space<vmem_shared>> -> memref<80x128xf32, #tpu.memory_space<vmem_shared>>
          tpu.wait_dma2 semaphore(%run_scoped3A : memref<!tpu.dma_semaphore, #tpu.memory_space<semaphore_mem>>) src(%arg12 : memref<80x128xf32, #tpu.memory_space<vmem>>) dst(%dma_wait3A_131 : memref<80x128xf32, #tpu.memory_space<vmem_shared>>)
          tpu.yield
        }) : () -> ()
      } else {
      }
      %add3A_54 = arith.constant 112 : i32
      %add3A_55 = arith.addi %arg1, %add3A_54 : i32
      %lt3A_56 = arith.constant 125 : i32
      %lt3A_57 = arith.cmpi slt, %add3A_55, %lt3A_56 : i32
      %convert_element_type3A_58 = arith.extui %lt3A_57 : i1 to i32
      %cond3A_59 = arith.constant 0 : i32
      %cond3A_60 = arith.cmpi ne, %convert_element_type3A_58, %cond3A_59 : i32
      scf.if %cond3A_60 {
        %mul3A = arith.constant 80 : i32
        %mul3A_123 = arith.muli %add3A_55, %mul3A : i32
        "tpu.region"() ({
          %run_scoped3A = tpu.sem_alloc : memref<!tpu.dma_semaphore, #tpu.memory_space<semaphore_mem>>
          %dma_start3A = arith.constant 0 : i32
          %dma_start3A_126 = tpu.memref_slice %arg2[%mul3A_123, %dma_start3A] : memref<10000x128xf32, #tpu.memory_space<hbm>> -> memref<80x128xf32, #tpu.memory_space<hbm>>
          %dma_start3A_127 = arith.constant 0 : i32
          %dma_start3A_128 = tpu.memref_slice %arg2[%mul3A_123, %dma_start3A_127] : memref<10000x128xf32, #tpu.memory_space<hbm>> -> memref<80x128xf32, #tpu.memory_space<hbm>>
          tpu.enqueue_dma source(%dma_start3A_128 : memref<80x128xf32, #tpu.memory_space<hbm>>) target(%arg12 : memref<80x128xf32, #tpu.memory_space<vmem>>) target_semaphore(%run_scoped3A : memref<!tpu.dma_semaphore, #tpu.memory_space<semaphore_mem>>)
          %dma_wait3A = arith.constant 0 : i32
          %dma_wait3A_129 = tpu.memref_slice %arg2[%mul3A_123, %dma_wait3A] : memref<10000x128xf32, #tpu.memory_space<hbm>> -> memref<80x128xf32, #tpu.memory_space<hbm>>
          %dma_wait3A_130 = arith.constant 0 : i32
          %dma_wait3A_131 = tpu.memref_slice %arg2[%mul3A_123, %dma_wait3A_130] : memref<10000x128xf32, #tpu.memory_space<hbm>> -> memref<80x128xf32, #tpu.memory_space<hbm>>
          tpu.wait_dma2 semaphore(%run_scoped3A : memref<!tpu.dma_semaphore, #tpu.memory_space<semaphore_mem>>) src(%dma_wait3A_131 : memref<80x128xf32, #tpu.memory_space<hbm>>) dst(%arg12 : memref<80x128xf32, #tpu.memory_space<vmem>>)
          tpu.yield
        }) : () -> ()
        %mul3A_124 = arith.constant 80 : i32
        %mul3A_125 = arith.muli %add3A_55, %mul3A_124 : i32
        "tpu.region"() ({
          %run_scoped3A = tpu.sem_alloc : memref<!tpu.dma_semaphore, #tpu.memory_space<semaphore_mem>>
          %dma_start3A = arith.constant 0 : i32
          %dma_start3A_126 = tpu.memref_slice %arg13[%mul3A_125, %dma_start3A] : memref<10000x128xf32, #tpu.memory_space<vmem_shared>> -> memref<80x128xf32, #tpu.memory_space<vmem_shared>>
          %dma_start3A_127 = arith.constant 0 : i32
          %dma_start3A_128 = tpu.memref_slice %arg13[%mul3A_125, %dma_start3A_127] : memref<10000x128xf32, #tpu.memory_space<vmem_shared>> -> memref<80x128xf32, #tpu.memory_space<vmem_shared>>
          tpu.enqueue_dma source(%arg12 : memref<80x128xf32, #tpu.memory_space<vmem>>) target(%dma_start3A_128 : memref<80x128xf32, #tpu.memory_space<vmem_shared>>) target_semaphore(%run_scoped3A : memref<!tpu.dma_semaphore, #tpu.memory_space<semaphore_mem>>)
          %dma_wait3A = arith.constant 0 : i32
          %dma_wait3A_129 = tpu.memref_slice %arg13[%mul3A_125, %dma_wait3A] : memref<10000x128xf32, #tpu.memory_space<vmem_shared>> -> memref<80x128xf32, #tpu.memory_space<vmem_shared>>
          %dma_wait3A_130 = arith.constant 0 : i32
          %dma_wait3A_131 = tpu.memref_slice %arg13[%mul3A_125, %dma_wait3A_130] : memref<10000x128xf32, #tpu.memory_space<vmem_shared>> -> memref<80x128xf32, #tpu.memory_space<vmem_shared>>
          tpu.wait_dma2 semaphore(%run_scoped3A : memref<!tpu.dma_semaphore, #tpu.memory_space<semaphore_mem>>) src(%arg12 : memref<80x128xf32, #tpu.memory_space<vmem>>) dst(%dma_wait3A_131 : memref<80x128xf32, #tpu.memory_space<vmem_shared>>)
          tpu.yield
        }) : () -> ()
      } else {
      }
      %barrier3A = arith.constant 0 : index
      tpu.barrier barrier_id(%barrier3A)
      %scan3A = arith.constant 0 : i32
      %scan3A_61 = arith.constant 0 : i32
      %scan3A_62 = arith.constant 10 : i32
      %scan3A_63 = arith.addi %scan3A_61, %scan3A_62 : i32
      %scan3A_64 = arith.constant 1 : i32
      scf.for %scan3A_123 = %scan3A_61 to %scan3A_63 step %scan3A_64  : i32 {
        %mul3A = arith.constant 20000 : i32
        %mul3A_124 = arith.muli %arg1, %mul3A : i32
        %mul3A_125 = arith.constant 2000 : i32
        %mul3A_126 = arith.muli %scan3A_123, %mul3A_125 : i32
        %add3A_127 = arith.addi %mul3A_124, %mul3A_126 : i32
        "tpu.region"() ({
          %run_scoped3A = tpu.sem_alloc : memref<!tpu.dma_semaphore, #tpu.memory_space<semaphore_mem>>
          %dma_start3A_143 = tpu.memref_slice %arg4[%add3A_127] : memref<320000xi32, #tpu.memory_space<hbm>> -> memref<2000xi32, #tpu.memory_space<hbm>>
          %dma_start3A_144 = tpu.memref_slice %arg4[%add3A_127] : memref<320000xi32, #tpu.memory_space<hbm>> -> memref<2000xi32, #tpu.memory_space<hbm>>
          tpu.enqueue_dma source(%dma_start3A_144 : memref<2000xi32, #tpu.memory_space<hbm>>) target(%arg8 : memref<2000xi32, #tpu.memory_space<vmem>>) target_semaphore(%run_scoped3A : memref<!tpu.dma_semaphore, #tpu.memory_space<semaphore_mem>>)
          %dma_wait3A = tpu.memref_slice %arg4[%add3A_127] : memref<320000xi32, #tpu.memory_space<hbm>> -> memref<2000xi32, #tpu.memory_space<hbm>>
          %dma_wait3A_145 = tpu.memref_slice %arg4[%add3A_127] : memref<320000xi32, #tpu.memory_space<hbm>> -> memref<2000xi32, #tpu.memory_space<hbm>>
          tpu.wait_dma2 semaphore(%run_scoped3A : memref<!tpu.dma_semaphore, #tpu.memory_space<semaphore_mem>>) src(%dma_wait3A_145 : memref<2000xi32, #tpu.memory_space<hbm>>) dst(%arg8 : memref<2000xi32, #tpu.memory_space<vmem>>)
          tpu.yield
        }) : () -> ()
        "tpu.region"() ({
          %run_scoped3A = tpu.sem_alloc : memref<!tpu.dma_semaphore, #tpu.memory_space<semaphore_mem>>
          %dma_start3A_143 = arith.constant 0 : i32
          %dma_start3A_144 = arith.constant 0 : i32
          %dma_start3A_145 = tpu.memref_slice %arg5[%arg1, %scan3A_123, %dma_start3A_143, %dma_start3A_144] : memref<16x10x25x80xi32, #tpu.memory_space<hbm>> -> memref<1x1x25x80xi32, #tpu.memory_space<hbm>>
          %dma_start3A_146 = tpu.memref_squeeze %dma_start3A_145 : memref<1x1x25x80xi32, #tpu.memory_space<hbm>> -> memref<25x80xi32, #tpu.memory_space<hbm>>
          %dma_start3A_147 = arith.constant 0 : i32
          %dma_start3A_148 = arith.constant 0 : i32
          %dma_start3A_149 = tpu.memref_slice %arg5[%arg1, %scan3A_123, %dma_start3A_147, %dma_start3A_148] : memref<16x10x25x80xi32, #tpu.memory_space<hbm>> -> memref<1x1x25x80xi32, #tpu.memory_space<hbm>>
          %dma_start3A_150 = tpu.memref_squeeze %dma_start3A_149 : memref<1x1x25x80xi32, #tpu.memory_space<hbm>> -> memref<25x80xi32, #tpu.memory_space<hbm>>
          tpu.enqueue_dma source(%dma_start3A_150 : memref<25x80xi32, #tpu.memory_space<hbm>>) target(%arg9 : memref<25x80xi32, #tpu.memory_space<vmem>>) target_semaphore(%run_scoped3A : memref<!tpu.dma_semaphore, #tpu.memory_space<semaphore_mem>>)
          %dma_wait3A = arith.constant 0 : i32
          %dma_wait3A_151 = arith.constant 0 : i32
          %dma_wait3A_152 = tpu.memref_slice %arg5[%arg1, %scan3A_123, %dma_wait3A, %dma_wait3A_151] : memref<16x10x25x80xi32, #tpu.memory_space<hbm>> -> memref<1x1x25x80xi32, #tpu.memory_space<hbm>>
          %dma_wait3A_153 = tpu.memref_squeeze %dma_wait3A_152 : memref<1x1x25x80xi32, #tpu.memory_space<hbm>> -> memref<25x80xi32, #tpu.memory_space<hbm>>
          %dma_wait3A_154 = arith.constant 0 : i32
          %dma_wait3A_155 = arith.constant 0 : i32
          %dma_wait3A_156 = tpu.memref_slice %arg5[%arg1, %scan3A_123, %dma_wait3A_154, %dma_wait3A_155] : memref<16x10x25x80xi32, #tpu.memory_space<hbm>> -> memref<1x1x25x80xi32, #tpu.memory_space<hbm>>
          %dma_wait3A_157 = tpu.memref_squeeze %dma_wait3A_156 : memref<1x1x25x80xi32, #tpu.memory_space<hbm>> -> memref<25x80xi32, #tpu.memory_space<hbm>>
          tpu.wait_dma2 semaphore(%run_scoped3A : memref<!tpu.dma_semaphore, #tpu.memory_space<semaphore_mem>>) src(%dma_wait3A_157 : memref<25x80xi32, #tpu.memory_space<hbm>>) dst(%arg9 : memref<25x80xi32, #tpu.memory_space<vmem>>)
          tpu.yield
        }) : () -> ()
        %dma_start3A = arith.constant 0 : i32
        %dma_start3A_128 = tpu.memref_slice %arg8[%dma_start3A] : memref<2000xi32, #tpu.memory_space<vmem>> -> memref<80xi32, #tpu.memory_space<vmem>>
        %dma_start3A_129 = arith.constant 0 : i32
        %dma_start3A_130 = arith.constant 0 : i32
        %dma_start3A_131 = tpu.memref_slice %arg2[%dma_start3A_129, %dma_start3A_130] : memref<10000x128xf32, #tpu.memory_space<hbm>> -> memref<10000x128xf32, #tpu.memory_space<hbm>>
        tpu.enqueue_indirect_dma source(%dma_start3A_131 : memref<10000x128xf32, #tpu.memory_space<hbm>>) target(%arg10 : memref<80x128xf32, #tpu.memory_space<vmem>>) offsets(%dma_start3A_128 : memref<80xi32, #tpu.memory_space<vmem>>) semaphore(%arg14 : memref<!tpu.dma_semaphore, #tpu.memory_space<semaphore_mem>>)
        %dma_start3A_132 = arith.constant 80 : i32
        %dma_start3A_133 = tpu.memref_slice %arg8[%dma_start3A_132] : memref<2000xi32, #tpu.memory_space<vmem>> -> memref<80xi32, #tpu.memory_space<vmem>>
        %dma_start3A_134 = arith.constant 0 : i32
        %dma_start3A_135 = arith.constant 0 : i32
        %dma_start3A_136 = tpu.memref_slice %arg2[%dma_start3A_134, %dma_start3A_135] : memref<10000x128xf32, #tpu.memory_space<hbm>> -> memref<10000x128xf32, #tpu.memory_space<hbm>>
        tpu.enqueue_indirect_dma source(%dma_start3A_136 : memref<10000x128xf32, #tpu.memory_space<hbm>>) target(%arg11 : memref<80x128xf32, #tpu.memory_space<vmem>>) offsets(%dma_start3A_133 : memref<80xi32, #tpu.memory_space<vmem>>) semaphore(%arg15 : memref<!tpu.dma_semaphore, #tpu.memory_space<semaphore_mem>>)
        %scan3A_137 = arith.constant 0 : i32
        %scan3A_138 = arith.constant 0 : i32
        %scan3A_139 = arith.constant 25 : i32
        %scan3A_140 = arith.addi %scan3A_138, %scan3A_139 : i32
        %scan3A_141 = arith.constant 1 : i32
        scf.for %scan3A_143 = %scan3A_138 to %scan3A_140 step %scan3A_141  : i32 {
          %jit3A = arith.constant 2 : i32
          %eq3A_144 = arith.constant 0 : i32
          %eq3A_145 = arith.cmpi eq, %jit3A, %eq3A_144 : i32
          %jit3A_146 = arith.constant 1 : i32
          %select_n3A = arith.select %eq3A_145, %jit3A_146, %jit3A : i32
          %rem3A = arith.remsi %scan3A_143, %select_n3A : i32
          %ne3A = arith.constant 0 : i32
          %ne3A_147 = arith.cmpi ne, %rem3A, %ne3A : i32
          %lt3A_148 = arith.constant 0 : i32
          %lt3A_149 = arith.cmpi slt, %rem3A, %lt3A_148 : i32
          %lt3A_150 = arith.constant 0 : i32
          %lt3A_151 = arith.cmpi slt, %select_n3A, %lt3A_150 : i32
          %ne3A_152 = arith.xori %lt3A_149, %lt3A_151 : i1
          %and3A = arith.andi %ne3A_152, %ne3A_147 : i1
          %add3A_153 = arith.addi %rem3A, %select_n3A : i32
          %select_n3A_154 = arith.select %and3A, %add3A_153, %rem3A : i32
          %eq3A_155 = arith.constant 0 : i32
          %eq3A_156 = arith.cmpi eq, %select_n3A_154, %eq3A_155 : i32
          %convert_element_type3A_157 = arith.extui %eq3A_156 : i1 to i32
          %cond3A_158 = arith.constant 0 : i32
          %cond3A_159 = arith.cmpi ne, %convert_element_type3A_157, %cond3A_158 : i32
          scf.if %cond3A_159 {
            %dma_wait3A = arith.constant 0 : i32
            %dma_wait3A_181 = arith.constant 0 : i32
            %dma_wait3A_182 = tpu.memref_slice %arg2[%dma_wait3A, %dma_wait3A_181] : memref<10000x128xf32, #tpu.memory_space<hbm>> -> memref<80x128xf32, #tpu.memory_space<hbm>>
            %dma_wait3A_183 = arith.constant 0 : i32
            %dma_wait3A_184 = arith.constant 0 : i32
            %dma_wait3A_185 = tpu.memref_slice %arg2[%dma_wait3A_183, %dma_wait3A_184] : memref<10000x128xf32, #tpu.memory_space<hbm>> -> memref<80x128xf32, #tpu.memory_space<hbm>>
            tpu.wait_dma2 semaphore(%arg14 : memref<!tpu.dma_semaphore, #tpu.memory_space<semaphore_mem>>) src(%dma_wait3A_185 : memref<80x128xf32, #tpu.memory_space<hbm>>) dst(%arg10 : memref<80x128xf32, #tpu.memory_space<vmem>>)
            "tpu.region"() ({
              %run_scoped3A = tpu.sem_alloc : memref<!tpu.dma_semaphore, #tpu.memory_space<semaphore_mem>>
              %dma_start3A_191 = arith.constant 0 : i32
              %dma_start3A_192 = tpu.memref_slice %arg9[%scan3A_143, %dma_start3A_191] : memref<25x80xi32, #tpu.memory_space<vmem>> -> memref<1x80xi32, #tpu.memory_space<vmem>>
              %dma_start3A_193 = tpu.memref_squeeze %dma_start3A_192 : memref<1x80xi32, #tpu.memory_space<vmem>> -> memref<80xi32, #tpu.memory_space<vmem>>
              %dma_start3A_194 = arith.constant 0 : i32
              %dma_start3A_195 = arith.constant 0 : i32
              %dma_start3A_196 = tpu.memref_slice %arg13[%dma_start3A_194, %dma_start3A_195] : memref<10000x128xf32, #tpu.memory_space<vmem_shared>> -> memref<10000x128xf32, #tpu.memory_space<vmem_shared>>
              tpu.enqueue_indirect_dma source(%arg10 : memref<80x128xf32, #tpu.memory_space<vmem>>) target(%dma_start3A_196 : memref<10000x128xf32, #tpu.memory_space<vmem_shared>>) offsets(%dma_start3A_193 : memref<80xi32, #tpu.memory_space<vmem>>) semaphore(%run_scoped3A : memref<!tpu.dma_semaphore, #tpu.memory_space<semaphore_mem>>) {add = true}
              %dma_wait3A_197 = arith.constant 0 : i32
              %dma_wait3A_198 = tpu.memref_slice %arg9[%scan3A_143, %dma_wait3A_197] : memref<25x80xi32, #tpu.memory_space<vmem>> -> memref<1x80xi32, #tpu.memory_space<vmem>>
              %dma_wait3A_199 = tpu.memref_squeeze %dma_wait3A_198 : memref<1x80xi32, #tpu.memory_space<vmem>> -> memref<80xi32, #tpu.memory_space<vmem>>
              %dma_wait3A_200 = arith.constant 0 : i32
              %dma_wait3A_201 = arith.constant 0 : i32
              %dma_wait3A_202 = tpu.memref_slice %arg13[%dma_wait3A_200, %dma_wait3A_201] : memref<10000x128xf32, #tpu.memory_space<vmem_shared>> -> memref<10000x128xf32, #tpu.memory_space<vmem_shared>>
              tpu.wait_indirect_dma semaphore(%run_scoped3A : memref<!tpu.dma_semaphore, #tpu.memory_space<semaphore_mem>>) src(%arg10 : memref<80x128xf32, #tpu.memory_space<vmem>>) dst(%dma_wait3A_202 : memref<10000x128xf32, #tpu.memory_space<vmem_shared>>)
              tpu.yield
            }) : () -> ()
            %lt3A_186 = arith.constant 23 : i32
            %lt3A_187 = arith.cmpi slt, %scan3A_143, %lt3A_186 : i32
            %convert_element_type3A_188 = arith.extui %lt3A_187 : i1 to i32
            %cond3A_189 = arith.constant 0 : i32
            %cond3A_190 = arith.cmpi ne, %convert_element_type3A_188, %cond3A_189 : i32
            scf.if %cond3A_190 {
              %add3A_191 = arith.constant 2 : i32
              %add3A_192 = arith.addi %scan3A_143, %add3A_191 : i32
              %mul3A_193 = arith.constant 80 : i32
              %mul3A_194 = arith.muli %add3A_192, %mul3A_193 : i32
              %dma_start3A_195 = tpu.memref_slice %arg8[%mul3A_194] : memref<2000xi32, #tpu.memory_space<vmem>> -> memref<80xi32, #tpu.memory_space<vmem>>
              %dma_start3A_196 = arith.constant 0 : i32
              %dma_start3A_197 = arith.constant 0 : i32
              %dma_start3A_198 = tpu.memref_slice %arg2[%dma_start3A_196, %dma_start3A_197] : memref<10000x128xf32, #tpu.memory_space<hbm>> -> memref<10000x128xf32, #tpu.memory_space<hbm>>
              tpu.enqueue_indirect_dma source(%dma_start3A_198 : memref<10000x128xf32, #tpu.memory_space<hbm>>) target(%arg10 : memref<80x128xf32, #tpu.memory_space<vmem>>) offsets(%dma_start3A_195 : memref<80xi32, #tpu.memory_space<vmem>>) semaphore(%arg14 : memref<!tpu.dma_semaphore, #tpu.memory_space<semaphore_mem>>)
            } else {
            }
          } else {
          }
          %jit3A_160 = arith.constant 2 : i32
          %eq3A_161 = arith.constant 0 : i32
          %eq3A_162 = arith.cmpi eq, %jit3A_160, %eq3A_161 : i32
          %jit3A_163 = arith.constant 1 : i32
          %select_n3A_164 = arith.select %eq3A_162, %jit3A_163, %jit3A_160 : i32
          %rem3A_165 = arith.remsi %scan3A_143, %select_n3A_164 : i32
          %ne3A_166 = arith.constant 0 : i32
          %ne3A_167 = arith.cmpi ne, %rem3A_165, %ne3A_166 : i32
          %lt3A_168 = arith.constant 0 : i32
          %lt3A_169 = arith.cmpi slt, %rem3A_165, %lt3A_168 : i32
          %lt3A_170 = arith.constant 0 : i32
          %lt3A_171 = arith.cmpi slt, %select_n3A_164, %lt3A_170 : i32
          %ne3A_172 = arith.xori %lt3A_169, %lt3A_171 : i1
          %and3A_173 = arith.andi %ne3A_172, %ne3A_167 : i1
          %add3A_174 = arith.addi %rem3A_165, %select_n3A_164 : i32
          %select_n3A_175 = arith.select %and3A_173, %add3A_174, %rem3A_165 : i32
          %eq3A_176 = arith.constant 1 : i32
          %eq3A_177 = arith.cmpi eq, %select_n3A_175, %eq3A_176 : i32
          %convert_element_type3A_178 = arith.extui %eq3A_177 : i1 to i32
          %cond3A_179 = arith.constant 0 : i32
          %cond3A_180 = arith.cmpi ne, %convert_element_type3A_178, %cond3A_179 : i32
          scf.if %cond3A_180 {
            %dma_wait3A = arith.constant 0 : i32
            %dma_wait3A_181 = arith.constant 0 : i32
            %dma_wait3A_182 = tpu.memref_slice %arg2[%dma_wait3A, %dma_wait3A_181] : memref<10000x128xf32, #tpu.memory_space<hbm>> -> memref<80x128xf32, #tpu.memory_space<hbm>>
            %dma_wait3A_183 = arith.constant 0 : i32
            %dma_wait3A_184 = arith.constant 0 : i32
            %dma_wait3A_185 = tpu.memref_slice %arg2[%dma_wait3A_183, %dma_wait3A_184] : memref<10000x128xf32, #tpu.memory_space<hbm>> -> memref<80x128xf32, #tpu.memory_space<hbm>>
            tpu.wait_dma2 semaphore(%arg15 : memref<!tpu.dma_semaphore, #tpu.memory_space<semaphore_mem>>) src(%dma_wait3A_185 : memref<80x128xf32, #tpu.memory_space<hbm>>) dst(%arg11 : memref<80x128xf32, #tpu.memory_space<vmem>>)
            "tpu.region"() ({
              %run_scoped3A = tpu.sem_alloc : memref<!tpu.dma_semaphore, #tpu.memory_space<semaphore_mem>>
              %dma_start3A_191 = arith.constant 0 : i32
              %dma_start3A_192 = tpu.memref_slice %arg9[%scan3A_143, %dma_start3A_191] : memref<25x80xi32, #tpu.memory_space<vmem>> -> memref<1x80xi32, #tpu.memory_space<vmem>>
              %dma_start3A_193 = tpu.memref_squeeze %dma_start3A_192 : memref<1x80xi32, #tpu.memory_space<vmem>> -> memref<80xi32, #tpu.memory_space<vmem>>
              %dma_start3A_194 = arith.constant 0 : i32
              %dma_start3A_195 = arith.constant 0 : i32
              %dma_start3A_196 = tpu.memref_slice %arg13[%dma_start3A_194, %dma_start3A_195] : memref<10000x128xf32, #tpu.memory_space<vmem_shared>> -> memref<10000x128xf32, #tpu.memory_space<vmem_shared>>
              tpu.enqueue_indirect_dma source(%arg11 : memref<80x128xf32, #tpu.memory_space<vmem>>) target(%dma_start3A_196 : memref<10000x128xf32, #tpu.memory_space<vmem_shared>>) offsets(%dma_start3A_193 : memref<80xi32, #tpu.memory_space<vmem>>) semaphore(%run_scoped3A : memref<!tpu.dma_semaphore, #tpu.memory_space<semaphore_mem>>) {add = true}
              %dma_wait3A_197 = arith.constant 0 : i32
              %dma_wait3A_198 = tpu.memref_slice %arg9[%scan3A_143, %dma_wait3A_197] : memref<25x80xi32, #tpu.memory_space<vmem>> -> memref<1x80xi32, #tpu.memory_space<vmem>>
              %dma_wait3A_199 = tpu.memref_squeeze %dma_wait3A_198 : memref<1x80xi32, #tpu.memory_space<vmem>> -> memref<80xi32, #tpu.memory_space<vmem>>
              %dma_wait3A_200 = arith.constant 0 : i32
              %dma_wait3A_201 = arith.constant 0 : i32
              %dma_wait3A_202 = tpu.memref_slice %arg13[%dma_wait3A_200, %dma_wait3A_201] : memref<10000x128xf32, #tpu.memory_space<vmem_shared>> -> memref<10000x128xf32, #tpu.memory_space<vmem_shared>>
              tpu.wait_indirect_dma semaphore(%run_scoped3A : memref<!tpu.dma_semaphore, #tpu.memory_space<semaphore_mem>>) src(%arg11 : memref<80x128xf32, #tpu.memory_space<vmem>>) dst(%dma_wait3A_202 : memref<10000x128xf32, #tpu.memory_space<vmem_shared>>)
              tpu.yield
            }) : () -> ()
            %lt3A_186 = arith.constant 23 : i32
            %lt3A_187 = arith.cmpi slt, %scan3A_143, %lt3A_186 : i32
            %convert_element_type3A_188 = arith.extui %lt3A_187 : i1 to i32
            %cond3A_189 = arith.constant 0 : i32
            %cond3A_190 = arith.cmpi ne, %convert_element_type3A_188, %cond3A_189 : i32
            scf.if %cond3A_190 {
              %add3A_191 = arith.constant 2 : i32
              %add3A_192 = arith.addi %scan3A_143, %add3A_191 : i32
              %mul3A_193 = arith.constant 80 : i32
              %mul3A_194 = arith.muli %add3A_192, %mul3A_193 : i32
              %dma_start3A_195 = tpu.memref_slice %arg8[%mul3A_194] : memref<2000xi32, #tpu.memory_space<vmem>> -> memref<80xi32, #tpu.memory_space<vmem>>
              %dma_start3A_196 = arith.constant 0 : i32
              %dma_start3A_197 = arith.constant 0 : i32
              %dma_start3A_198 = tpu.memref_slice %arg2[%dma_start3A_196, %dma_start3A_197] : memref<10000x128xf32, #tpu.memory_space<hbm>> -> memref<10000x128xf32, #tpu.memory_space<hbm>>
              tpu.enqueue_indirect_dma source(%dma_start3A_198 : memref<10000x128xf32, #tpu.memory_space<hbm>>) target(%arg11 : memref<80x128xf32, #tpu.memory_space<vmem>>) offsets(%dma_start3A_195 : memref<80xi32, #tpu.memory_space<vmem>>) semaphore(%arg15 : memref<!tpu.dma_semaphore, #tpu.memory_space<semaphore_mem>>)
            } else {
            }
          } else {
          }
        }
        %scan3A_142 = arith.constant 25 : i32
      }
      %scan3A_65 = arith.constant 10 : i32
      %barrier3A_66 = arith.constant 0 : index
      tpu.barrier barrier_id(%barrier3A_66)
      %add3A_67 = arith.constant 0 : i32
      %add3A_68 = arith.addi %arg1, %add3A_67 : i32
      %lt3A_69 = arith.constant 125 : i32
      %lt3A_70 = arith.cmpi slt, %add3A_68, %lt3A_69 : i32
      %convert_element_type3A_71 = arith.extui %lt3A_70 : i1 to i32
      %cond3A_72 = arith.constant 0 : i32
      %cond3A_73 = arith.cmpi ne, %convert_element_type3A_71, %cond3A_72 : i32
      scf.if %cond3A_73 {
        %mul3A = arith.constant 80 : i32
        %mul3A_123 = arith.muli %add3A_68, %mul3A : i32
        "tpu.region"() ({
          %run_scoped3A = tpu.sem_alloc : memref<!tpu.dma_semaphore, #tpu.memory_space<semaphore_mem>>
          %dma_start3A = arith.constant 0 : i32
          %dma_start3A_126 = tpu.memref_slice %arg13[%mul3A_123, %dma_start3A] : memref<10000x128xf32, #tpu.memory_space<vmem_shared>> -> memref<80x128xf32, #tpu.memory_space<vmem_shared>>
          %dma_start3A_127 = arith.constant 0 : i32
          %dma_start3A_128 = tpu.memref_slice %arg13[%mul3A_123, %dma_start3A_127] : memref<10000x128xf32, #tpu.memory_space<vmem_shared>> -> memref<80x128xf32, #tpu.memory_space<vmem_shared>>
          tpu.enqueue_dma source(%dma_start3A_128 : memref<80x128xf32, #tpu.memory_space<vmem_shared>>) target(%arg12 : memref<80x128xf32, #tpu.memory_space<vmem>>) target_semaphore(%run_scoped3A : memref<!tpu.dma_semaphore, #tpu.memory_space<semaphore_mem>>)
          %dma_wait3A = arith.constant 0 : i32
          %dma_wait3A_129 = tpu.memref_slice %arg13[%mul3A_123, %dma_wait3A] : memref<10000x128xf32, #tpu.memory_space<vmem_shared>> -> memref<80x128xf32, #tpu.memory_space<vmem_shared>>
          %dma_wait3A_130 = arith.constant 0 : i32
          %dma_wait3A_131 = tpu.memref_slice %arg13[%mul3A_123, %dma_wait3A_130] : memref<10000x128xf32, #tpu.memory_space<vmem_shared>> -> memref<80x128xf32, #tpu.memory_space<vmem_shared>>
          tpu.wait_dma2 semaphore(%run_scoped3A : memref<!tpu.dma_semaphore, #tpu.memory_space<semaphore_mem>>) src(%dma_wait3A_131 : memref<80x128xf32, #tpu.memory_space<vmem_shared>>) dst(%arg12 : memref<80x128xf32, #tpu.memory_space<vmem>>)
          tpu.yield
        }) : () -> ()
        %mul3A_124 = arith.constant 80 : i32
        %mul3A_125 = arith.muli %add3A_68, %mul3A_124 : i32
        "tpu.region"() ({
          %run_scoped3A = tpu.sem_alloc : memref<!tpu.dma_semaphore, #tpu.memory_space<semaphore_mem>>
          %dma_start3A = arith.constant 0 : i32
          %dma_start3A_126 = tpu.memref_slice %arg6[%mul3A_125, %dma_start3A] : memref<10000x128xf32, #tpu.memory_space<hbm>> -> memref<80x128xf32, #tpu.memory_space<hbm>>
          %dma_start3A_127 = arith.constant 0 : i32
          %dma_start3A_128 = tpu.memref_slice %arg6[%mul3A_125, %dma_start3A_127] : memref<10000x128xf32, #tpu.memory_space<hbm>> -> memref<80x128xf32, #tpu.memory_space<hbm>>
          tpu.enqueue_dma source(%arg12 : memref<80x128xf32, #tpu.memory_space<vmem>>) target(%dma_start3A_128 : memref<80x128xf32, #tpu.memory_space<hbm>>) target_semaphore(%run_scoped3A : memref<!tpu.dma_semaphore, #tpu.memory_space<semaphore_mem>>)
          %dma_wait3A = arith.constant 0 : i32
          %dma_wait3A_129 = tpu.memref_slice %arg6[%mul3A_125, %dma_wait3A] : memref<10000x128xf32, #tpu.memory_space<hbm>> -> memref<80x128xf32, #tpu.memory_space<hbm>>
          %dma_wait3A_130 = arith.constant 0 : i32
          %dma_wait3A_131 = tpu.memref_slice %arg6[%mul3A_125, %dma_wait3A_130] : memref<10000x128xf32, #tpu.memory_space<hbm>> -> memref<80x128xf32, #tpu.memory_space<hbm>>
          tpu.wait_dma2 semaphore(%run_scoped3A : memref<!tpu.dma_semaphore, #tpu.memory_space<semaphore_mem>>) src(%arg12 : memref<80x128xf32, #tpu.memory_space<vmem>>) dst(%dma_wait3A_131 : memref<80x128xf32, #tpu.memory_space<hbm>>)
          tpu.yield
        }) : () -> ()
      } else {
      }
      %add3A_74 = arith.constant 16 : i32
      %add3A_75 = arith.addi %arg1, %add3A_74 : i32
      %lt3A_76 = arith.constant 125 : i32
      %lt3A_77 = arith.cmpi slt, %add3A_75, %lt3A_76 : i32
      %convert_element_type3A_78 = arith.extui %lt3A_77 : i1 to i32
      %cond3A_79 = arith.constant 0 : i32
      %cond3A_80 = arith.cmpi ne, %convert_element_type3A_78, %cond3A_79 : i32
      scf.if %cond3A_80 {
        %mul3A = arith.constant 80 : i32
        %mul3A_123 = arith.muli %add3A_75, %mul3A : i32
        "tpu.region"() ({
          %run_scoped3A = tpu.sem_alloc : memref<!tpu.dma_semaphore, #tpu.memory_space<semaphore_mem>>
          %dma_start3A = arith.constant 0 : i32
          %dma_start3A_126 = tpu.memref_slice %arg13[%mul3A_123, %dma_start3A] : memref<10000x128xf32, #tpu.memory_space<vmem_shared>> -> memref<80x128xf32, #tpu.memory_space<vmem_shared>>
          %dma_start3A_127 = arith.constant 0 : i32
          %dma_start3A_128 = tpu.memref_slice %arg13[%mul3A_123, %dma_start3A_127] : memref<10000x128xf32, #tpu.memory_space<vmem_shared>> -> memref<80x128xf32, #tpu.memory_space<vmem_shared>>
          tpu.enqueue_dma source(%dma_start3A_128 : memref<80x128xf32, #tpu.memory_space<vmem_shared>>) target(%arg12 : memref<80x128xf32, #tpu.memory_space<vmem>>) target_semaphore(%run_scoped3A : memref<!tpu.dma_semaphore, #tpu.memory_space<semaphore_mem>>)
          %dma_wait3A = arith.constant 0 : i32
          %dma_wait3A_129 = tpu.memref_slice %arg13[%mul3A_123, %dma_wait3A] : memref<10000x128xf32, #tpu.memory_space<vmem_shared>> -> memref<80x128xf32, #tpu.memory_space<vmem_shared>>
          %dma_wait3A_130 = arith.constant 0 : i32
          %dma_wait3A_131 = tpu.memref_slice %arg13[%mul3A_123, %dma_wait3A_130] : memref<10000x128xf32, #tpu.memory_space<vmem_shared>> -> memref<80x128xf32, #tpu.memory_space<vmem_shared>>
          tpu.wait_dma2 semaphore(%run_scoped3A : memref<!tpu.dma_semaphore, #tpu.memory_space<semaphore_mem>>) src(%dma_wait3A_131 : memref<80x128xf32, #tpu.memory_space<vmem_shared>>) dst(%arg12 : memref<80x128xf32, #tpu.memory_space<vmem>>)
          tpu.yield
        }) : () -> ()
        %mul3A_124 = arith.constant 80 : i32
        %mul3A_125 = arith.muli %add3A_75, %mul3A_124 : i32
        "tpu.region"() ({
          %run_scoped3A = tpu.sem_alloc : memref<!tpu.dma_semaphore, #tpu.memory_space<semaphore_mem>>
          %dma_start3A = arith.constant 0 : i32
          %dma_start3A_126 = tpu.memref_slice %arg6[%mul3A_125, %dma_start3A] : memref<10000x128xf32, #tpu.memory_space<hbm>> -> memref<80x128xf32, #tpu.memory_space<hbm>>
          %dma_start3A_127 = arith.constant 0 : i32
          %dma_start3A_128 = tpu.memref_slice %arg6[%mul3A_125, %dma_start3A_127] : memref<10000x128xf32, #tpu.memory_space<hbm>> -> memref<80x128xf32, #tpu.memory_space<hbm>>
          tpu.enqueue_dma source(%arg12 : memref<80x128xf32, #tpu.memory_space<vmem>>) target(%dma_start3A_128 : memref<80x128xf32, #tpu.memory_space<hbm>>) target_semaphore(%run_scoped3A : memref<!tpu.dma_semaphore, #tpu.memory_space<semaphore_mem>>)
          %dma_wait3A = arith.constant 0 : i32
          %dma_wait3A_129 = tpu.memref_slice %arg6[%mul3A_125, %dma_wait3A] : memref<10000x128xf32, #tpu.memory_space<hbm>> -> memref<80x128xf32, #tpu.memory_space<hbm>>
          %dma_wait3A_130 = arith.constant 0 : i32
          %dma_wait3A_131 = tpu.memref_slice %arg6[%mul3A_125, %dma_wait3A_130] : memref<10000x128xf32, #tpu.memory_space<hbm>> -> memref<80x128xf32, #tpu.memory_space<hbm>>
          tpu.wait_dma2 semaphore(%run_scoped3A : memref<!tpu.dma_semaphore, #tpu.memory_space<semaphore_mem>>) src(%arg12 : memref<80x128xf32, #tpu.memory_space<vmem>>) dst(%dma_wait3A_131 : memref<80x128xf32, #tpu.memory_space<hbm>>)
          tpu.yield
        }) : () -> ()
      } else {
      }
      %add3A_81 = arith.constant 32 : i32
      %add3A_82 = arith.addi %arg1, %add3A_81 : i32
      %lt3A_83 = arith.constant 125 : i32
      %lt3A_84 = arith.cmpi slt, %add3A_82, %lt3A_83 : i32
      %convert_element_type3A_85 = arith.extui %lt3A_84 : i1 to i32
      %cond3A_86 = arith.constant 0 : i32
      %cond3A_87 = arith.cmpi ne, %convert_element_type3A_85, %cond3A_86 : i32
      scf.if %cond3A_87 {
        %mul3A = arith.constant 80 : i32
        %mul3A_123 = arith.muli %add3A_82, %mul3A : i32
        "tpu.region"() ({
          %run_scoped3A = tpu.sem_alloc : memref<!tpu.dma_semaphore, #tpu.memory_space<semaphore_mem>>
          %dma_start3A = arith.constant 0 : i32
          %dma_start3A_126 = tpu.memref_slice %arg13[%mul3A_123, %dma_start3A] : memref<10000x128xf32, #tpu.memory_space<vmem_shared>> -> memref<80x128xf32, #tpu.memory_space<vmem_shared>>
          %dma_start3A_127 = arith.constant 0 : i32
          %dma_start3A_128 = tpu.memref_slice %arg13[%mul3A_123, %dma_start3A_127] : memref<10000x128xf32, #tpu.memory_space<vmem_shared>> -> memref<80x128xf32, #tpu.memory_space<vmem_shared>>
          tpu.enqueue_dma source(%dma_start3A_128 : memref<80x128xf32, #tpu.memory_space<vmem_shared>>) target(%arg12 : memref<80x128xf32, #tpu.memory_space<vmem>>) target_semaphore(%run_scoped3A : memref<!tpu.dma_semaphore, #tpu.memory_space<semaphore_mem>>)
          %dma_wait3A = arith.constant 0 : i32
          %dma_wait3A_129 = tpu.memref_slice %arg13[%mul3A_123, %dma_wait3A] : memref<10000x128xf32, #tpu.memory_space<vmem_shared>> -> memref<80x128xf32, #tpu.memory_space<vmem_shared>>
          %dma_wait3A_130 = arith.constant 0 : i32
          %dma_wait3A_131 = tpu.memref_slice %arg13[%mul3A_123, %dma_wait3A_130] : memref<10000x128xf32, #tpu.memory_space<vmem_shared>> -> memref<80x128xf32, #tpu.memory_space<vmem_shared>>
          tpu.wait_dma2 semaphore(%run_scoped3A : memref<!tpu.dma_semaphore, #tpu.memory_space<semaphore_mem>>) src(%dma_wait3A_131 : memref<80x128xf32, #tpu.memory_space<vmem_shared>>) dst(%arg12 : memref<80x128xf32, #tpu.memory_space<vmem>>)
          tpu.yield
        }) : () -> ()
        %mul3A_124 = arith.constant 80 : i32
        %mul3A_125 = arith.muli %add3A_82, %mul3A_124 : i32
        "tpu.region"() ({
          %run_scoped3A = tpu.sem_alloc : memref<!tpu.dma_semaphore, #tpu.memory_space<semaphore_mem>>
          %dma_start3A = arith.constant 0 : i32
          %dma_start3A_126 = tpu.memref_slice %arg6[%mul3A_125, %dma_start3A] : memref<10000x128xf32, #tpu.memory_space<hbm>> -> memref<80x128xf32, #tpu.memory_space<hbm>>
          %dma_start3A_127 = arith.constant 0 : i32
          %dma_start3A_128 = tpu.memref_slice %arg6[%mul3A_125, %dma_start3A_127] : memref<10000x128xf32, #tpu.memory_space<hbm>> -> memref<80x128xf32, #tpu.memory_space<hbm>>
          tpu.enqueue_dma source(%arg12 : memref<80x128xf32, #tpu.memory_space<vmem>>) target(%dma_start3A_128 : memref<80x128xf32, #tpu.memory_space<hbm>>) target_semaphore(%run_scoped3A : memref<!tpu.dma_semaphore, #tpu.memory_space<semaphore_mem>>)
          %dma_wait3A = arith.constant 0 : i32
          %dma_wait3A_129 = tpu.memref_slice %arg6[%mul3A_125, %dma_wait3A] : memref<10000x128xf32, #tpu.memory_space<hbm>> -> memref<80x128xf32, #tpu.memory_space<hbm>>
          %dma_wait3A_130 = arith.constant 0 : i32
          %dma_wait3A_131 = tpu.memref_slice %arg6[%mul3A_125, %dma_wait3A_130] : memref<10000x128xf32, #tpu.memory_space<hbm>> -> memref<80x128xf32, #tpu.memory_space<hbm>>
          tpu.wait_dma2 semaphore(%run_scoped3A : memref<!tpu.dma_semaphore, #tpu.memory_space<semaphore_mem>>) src(%arg12 : memref<80x128xf32, #tpu.memory_space<vmem>>) dst(%dma_wait3A_131 : memref<80x128xf32, #tpu.memory_space<hbm>>)
          tpu.yield
        }) : () -> ()
      } else {
      }
      %add3A_88 = arith.constant 48 : i32
      %add3A_89 = arith.addi %arg1, %add3A_88 : i32
      %lt3A_90 = arith.constant 125 : i32
      %lt3A_91 = arith.cmpi slt, %add3A_89, %lt3A_90 : i32
      %convert_element_type3A_92 = arith.extui %lt3A_91 : i1 to i32
      %cond3A_93 = arith.constant 0 : i32
      %cond3A_94 = arith.cmpi ne, %convert_element_type3A_92, %cond3A_93 : i32
      scf.if %cond3A_94 {
        %mul3A = arith.constant 80 : i32
        %mul3A_123 = arith.muli %add3A_89, %mul3A : i32
        "tpu.region"() ({
          %run_scoped3A = tpu.sem_alloc : memref<!tpu.dma_semaphore, #tpu.memory_space<semaphore_mem>>
          %dma_start3A = arith.constant 0 : i32
          %dma_start3A_126 = tpu.memref_slice %arg13[%mul3A_123, %dma_start3A] : memref<10000x128xf32, #tpu.memory_space<vmem_shared>> -> memref<80x128xf32, #tpu.memory_space<vmem_shared>>
          %dma_start3A_127 = arith.constant 0 : i32
          %dma_start3A_128 = tpu.memref_slice %arg13[%mul3A_123, %dma_start3A_127] : memref<10000x128xf32, #tpu.memory_space<vmem_shared>> -> memref<80x128xf32, #tpu.memory_space<vmem_shared>>
          tpu.enqueue_dma source(%dma_start3A_128 : memref<80x128xf32, #tpu.memory_space<vmem_shared>>) target(%arg12 : memref<80x128xf32, #tpu.memory_space<vmem>>) target_semaphore(%run_scoped3A : memref<!tpu.dma_semaphore, #tpu.memory_space<semaphore_mem>>)
          %dma_wait3A = arith.constant 0 : i32
          %dma_wait3A_129 = tpu.memref_slice %arg13[%mul3A_123, %dma_wait3A] : memref<10000x128xf32, #tpu.memory_space<vmem_shared>> -> memref<80x128xf32, #tpu.memory_space<vmem_shared>>
          %dma_wait3A_130 = arith.constant 0 : i32
          %dma_wait3A_131 = tpu.memref_slice %arg13[%mul3A_123, %dma_wait3A_130] : memref<10000x128xf32, #tpu.memory_space<vmem_shared>> -> memref<80x128xf32, #tpu.memory_space<vmem_shared>>
          tpu.wait_dma2 semaphore(%run_scoped3A : memref<!tpu.dma_semaphore, #tpu.memory_space<semaphore_mem>>) src(%dma_wait3A_131 : memref<80x128xf32, #tpu.memory_space<vmem_shared>>) dst(%arg12 : memref<80x128xf32, #tpu.memory_space<vmem>>)
          tpu.yield
        }) : () -> ()
        %mul3A_124 = arith.constant 80 : i32
        %mul3A_125 = arith.muli %add3A_89, %mul3A_124 : i32
        "tpu.region"() ({
          %run_scoped3A = tpu.sem_alloc : memref<!tpu.dma_semaphore, #tpu.memory_space<semaphore_mem>>
          %dma_start3A = arith.constant 0 : i32
          %dma_start3A_126 = tpu.memref_slice %arg6[%mul3A_125, %dma_start3A] : memref<10000x128xf32, #tpu.memory_space<hbm>> -> memref<80x128xf32, #tpu.memory_space<hbm>>
          %dma_start3A_127 = arith.constant 0 : i32
          %dma_start3A_128 = tpu.memref_slice %arg6[%mul3A_125, %dma_start3A_127] : memref<10000x128xf32, #tpu.memory_space<hbm>> -> memref<80x128xf32, #tpu.memory_space<hbm>>
          tpu.enqueue_dma source(%arg12 : memref<80x128xf32, #tpu.memory_space<vmem>>) target(%dma_start3A_128 : memref<80x128xf32, #tpu.memory_space<hbm>>) target_semaphore(%run_scoped3A : memref<!tpu.dma_semaphore, #tpu.memory_space<semaphore_mem>>)
          %dma_wait3A = arith.constant 0 : i32
          %dma_wait3A_129 = tpu.memref_slice %arg6[%mul3A_125, %dma_wait3A] : memref<10000x128xf32, #tpu.memory_space<hbm>> -> memref<80x128xf32, #tpu.memory_space<hbm>>
          %dma_wait3A_130 = arith.constant 0 : i32
          %dma_wait3A_131 = tpu.memref_slice %arg6[%mul3A_125, %dma_wait3A_130] : memref<10000x128xf32, #tpu.memory_space<hbm>> -> memref<80x128xf32, #tpu.memory_space<hbm>>
          tpu.wait_dma2 semaphore(%run_scoped3A : memref<!tpu.dma_semaphore, #tpu.memory_space<semaphore_mem>>) src(%arg12 : memref<80x128xf32, #tpu.memory_space<vmem>>) dst(%dma_wait3A_131 : memref<80x128xf32, #tpu.memory_space<hbm>>)
          tpu.yield
        }) : () -> ()
      } else {
      }
      %add3A_95 = arith.constant 64 : i32
      %add3A_96 = arith.addi %arg1, %add3A_95 : i32
      %lt3A_97 = arith.constant 125 : i32
      %lt3A_98 = arith.cmpi slt, %add3A_96, %lt3A_97 : i32
      %convert_element_type3A_99 = arith.extui %lt3A_98 : i1 to i32
      %cond3A_100 = arith.constant 0 : i32
      %cond3A_101 = arith.cmpi ne, %convert_element_type3A_99, %cond3A_100 : i32
      scf.if %cond3A_101 {
        %mul3A = arith.constant 80 : i32
        %mul3A_123 = arith.muli %add3A_96, %mul3A : i32
        "tpu.region"() ({
          %run_scoped3A = tpu.sem_alloc : memref<!tpu.dma_semaphore, #tpu.memory_space<semaphore_mem>>
          %dma_start3A = arith.constant 0 : i32
          %dma_start3A_126 = tpu.memref_slice %arg13[%mul3A_123, %dma_start3A] : memref<10000x128xf32, #tpu.memory_space<vmem_shared>> -> memref<80x128xf32, #tpu.memory_space<vmem_shared>>
          %dma_start3A_127 = arith.constant 0 : i32
          %dma_start3A_128 = tpu.memref_slice %arg13[%mul3A_123, %dma_start3A_127] : memref<10000x128xf32, #tpu.memory_space<vmem_shared>> -> memref<80x128xf32, #tpu.memory_space<vmem_shared>>
          tpu.enqueue_dma source(%dma_start3A_128 : memref<80x128xf32, #tpu.memory_space<vmem_shared>>) target(%arg12 : memref<80x128xf32, #tpu.memory_space<vmem>>) target_semaphore(%run_scoped3A : memref<!tpu.dma_semaphore, #tpu.memory_space<semaphore_mem>>)
          %dma_wait3A = arith.constant 0 : i32
          %dma_wait3A_129 = tpu.memref_slice %arg13[%mul3A_123, %dma_wait3A] : memref<10000x128xf32, #tpu.memory_space<vmem_shared>> -> memref<80x128xf32, #tpu.memory_space<vmem_shared>>
          %dma_wait3A_130 = arith.constant 0 : i32
          %dma_wait3A_131 = tpu.memref_slice %arg13[%mul3A_123, %dma_wait3A_130] : memref<10000x128xf32, #tpu.memory_space<vmem_shared>> -> memref<80x128xf32, #tpu.memory_space<vmem_shared>>
          tpu.wait_dma2 semaphore(%run_scoped3A : memref<!tpu.dma_semaphore, #tpu.memory_space<semaphore_mem>>) src(%dma_wait3A_131 : memref<80x128xf32, #tpu.memory_space<vmem_shared>>) dst(%arg12 : memref<80x128xf32, #tpu.memory_space<vmem>>)
          tpu.yield
        }) : () -> ()
        %mul3A_124 = arith.constant 80 : i32
        %mul3A_125 = arith.muli %add3A_96, %mul3A_124 : i32
        "tpu.region"() ({
          %run_scoped3A = tpu.sem_alloc : memref<!tpu.dma_semaphore, #tpu.memory_space<semaphore_mem>>
          %dma_start3A = arith.constant 0 : i32
          %dma_start3A_126 = tpu.memref_slice %arg6[%mul3A_125, %dma_start3A] : memref<10000x128xf32, #tpu.memory_space<hbm>> -> memref<80x128xf32, #tpu.memory_space<hbm>>
          %dma_start3A_127 = arith.constant 0 : i32
          %dma_start3A_128 = tpu.memref_slice %arg6[%mul3A_125, %dma_start3A_127] : memref<10000x128xf32, #tpu.memory_space<hbm>> -> memref<80x128xf32, #tpu.memory_space<hbm>>
          tpu.enqueue_dma source(%arg12 : memref<80x128xf32, #tpu.memory_space<vmem>>) target(%dma_start3A_128 : memref<80x128xf32, #tpu.memory_space<hbm>>) target_semaphore(%run_scoped3A : memref<!tpu.dma_semaphore, #tpu.memory_space<semaphore_mem>>)
          %dma_wait3A = arith.constant 0 : i32
          %dma_wait3A_129 = tpu.memref_slice %arg6[%mul3A_125, %dma_wait3A] : memref<10000x128xf32, #tpu.memory_space<hbm>> -> memref<80x128xf32, #tpu.memory_space<hbm>>
          %dma_wait3A_130 = arith.constant 0 : i32
          %dma_wait3A_131 = tpu.memref_slice %arg6[%mul3A_125, %dma_wait3A_130] : memref<10000x128xf32, #tpu.memory_space<hbm>> -> memref<80x128xf32, #tpu.memory_space<hbm>>
          tpu.wait_dma2 semaphore(%run_scoped3A : memref<!tpu.dma_semaphore, #tpu.memory_space<semaphore_mem>>) src(%arg12 : memref<80x128xf32, #tpu.memory_space<vmem>>) dst(%dma_wait3A_131 : memref<80x128xf32, #tpu.memory_space<hbm>>)
          tpu.yield
        }) : () -> ()
      } else {
      }
      %add3A_102 = arith.constant 80 : i32
      %add3A_103 = arith.addi %arg1, %add3A_102 : i32
      %lt3A_104 = arith.constant 125 : i32
      %lt3A_105 = arith.cmpi slt, %add3A_103, %lt3A_104 : i32
      %convert_element_type3A_106 = arith.extui %lt3A_105 : i1 to i32
      %cond3A_107 = arith.constant 0 : i32
      %cond3A_108 = arith.cmpi ne, %convert_element_type3A_106, %cond3A_107 : i32
      scf.if %cond3A_108 {
        %mul3A = arith.constant 80 : i32
        %mul3A_123 = arith.muli %add3A_103, %mul3A : i32
        "tpu.region"() ({
          %run_scoped3A = tpu.sem_alloc : memref<!tpu.dma_semaphore, #tpu.memory_space<semaphore_mem>>
          %dma_start3A = arith.constant 0 : i32
          %dma_start3A_126 = tpu.memref_slice %arg13[%mul3A_123, %dma_start3A] : memref<10000x128xf32, #tpu.memory_space<vmem_shared>> -> memref<80x128xf32, #tpu.memory_space<vmem_shared>>
          %dma_start3A_127 = arith.constant 0 : i32
          %dma_start3A_128 = tpu.memref_slice %arg13[%mul3A_123, %dma_start3A_127] : memref<10000x128xf32, #tpu.memory_space<vmem_shared>> -> memref<80x128xf32, #tpu.memory_space<vmem_shared>>
          tpu.enqueue_dma source(%dma_start3A_128 : memref<80x128xf32, #tpu.memory_space<vmem_shared>>) target(%arg12 : memref<80x128xf32, #tpu.memory_space<vmem>>) target_semaphore(%run_scoped3A : memref<!tpu.dma_semaphore, #tpu.memory_space<semaphore_mem>>)
          %dma_wait3A = arith.constant 0 : i32
          %dma_wait3A_129 = tpu.memref_slice %arg13[%mul3A_123, %dma_wait3A] : memref<10000x128xf32, #tpu.memory_space<vmem_shared>> -> memref<80x128xf32, #tpu.memory_space<vmem_shared>>
          %dma_wait3A_130 = arith.constant 0 : i32
          %dma_wait3A_131 = tpu.memref_slice %arg13[%mul3A_123, %dma_wait3A_130] : memref<10000x128xf32, #tpu.memory_space<vmem_shared>> -> memref<80x128xf32, #tpu.memory_space<vmem_shared>>
          tpu.wait_dma2 semaphore(%run_scoped3A : memref<!tpu.dma_semaphore, #tpu.memory_space<semaphore_mem>>) src(%dma_wait3A_131 : memref<80x128xf32, #tpu.memory_space<vmem_shared>>) dst(%arg12 : memref<80x128xf32, #tpu.memory_space<vmem>>)
          tpu.yield
        }) : () -> ()
        %mul3A_124 = arith.constant 80 : i32
        %mul3A_125 = arith.muli %add3A_103, %mul3A_124 : i32
        "tpu.region"() ({
          %run_scoped3A = tpu.sem_alloc : memref<!tpu.dma_semaphore, #tpu.memory_space<semaphore_mem>>
          %dma_start3A = arith.constant 0 : i32
          %dma_start3A_126 = tpu.memref_slice %arg6[%mul3A_125, %dma_start3A] : memref<10000x128xf32, #tpu.memory_space<hbm>> -> memref<80x128xf32, #tpu.memory_space<hbm>>
          %dma_start3A_127 = arith.constant 0 : i32
          %dma_start3A_128 = tpu.memref_slice %arg6[%mul3A_125, %dma_start3A_127] : memref<10000x128xf32, #tpu.memory_space<hbm>> -> memref<80x128xf32, #tpu.memory_space<hbm>>
          tpu.enqueue_dma source(%arg12 : memref<80x128xf32, #tpu.memory_space<vmem>>) target(%dma_start3A_128 : memref<80x128xf32, #tpu.memory_space<hbm>>) target_semaphore(%run_scoped3A : memref<!tpu.dma_semaphore, #tpu.memory_space<semaphore_mem>>)
          %dma_wait3A = arith.constant 0 : i32
          %dma_wait3A_129 = tpu.memref_slice %arg6[%mul3A_125, %dma_wait3A] : memref<10000x128xf32, #tpu.memory_space<hbm>> -> memref<80x128xf32, #tpu.memory_space<hbm>>
          %dma_wait3A_130 = arith.constant 0 : i32
          %dma_wait3A_131 = tpu.memref_slice %arg6[%mul3A_125, %dma_wait3A_130] : memref<10000x128xf32, #tpu.memory_space<hbm>> -> memref<80x128xf32, #tpu.memory_space<hbm>>
          tpu.wait_dma2 semaphore(%run_scoped3A : memref<!tpu.dma_semaphore, #tpu.memory_space<semaphore_mem>>) src(%arg12 : memref<80x128xf32, #tpu.memory_space<vmem>>) dst(%dma_wait3A_131 : memref<80x128xf32, #tpu.memory_space<hbm>>)
          tpu.yield
        }) : () -> ()
      } else {
      }
      %add3A_109 = arith.constant 96 : i32
      %add3A_110 = arith.addi %arg1, %add3A_109 : i32
      %lt3A_111 = arith.constant 125 : i32
      %lt3A_112 = arith.cmpi slt, %add3A_110, %lt3A_111 : i32
      %convert_element_type3A_113 = arith.extui %lt3A_112 : i1 to i32
      %cond3A_114 = arith.constant 0 : i32
      %cond3A_115 = arith.cmpi ne, %convert_element_type3A_113, %cond3A_114 : i32
      scf.if %cond3A_115 {
        %mul3A = arith.constant 80 : i32
        %mul3A_123 = arith.muli %add3A_110, %mul3A : i32
        "tpu.region"() ({
          %run_scoped3A = tpu.sem_alloc : memref<!tpu.dma_semaphore, #tpu.memory_space<semaphore_mem>>
          %dma_start3A = arith.constant 0 : i32
          %dma_start3A_126 = tpu.memref_slice %arg13[%mul3A_123, %dma_start3A] : memref<10000x128xf32, #tpu.memory_space<vmem_shared>> -> memref<80x128xf32, #tpu.memory_space<vmem_shared>>
          %dma_start3A_127 = arith.constant 0 : i32
          %dma_start3A_128 = tpu.memref_slice %arg13[%mul3A_123, %dma_start3A_127] : memref<10000x128xf32, #tpu.memory_space<vmem_shared>> -> memref<80x128xf32, #tpu.memory_space<vmem_shared>>
          tpu.enqueue_dma source(%dma_start3A_128 : memref<80x128xf32, #tpu.memory_space<vmem_shared>>) target(%arg12 : memref<80x128xf32, #tpu.memory_space<vmem>>) target_semaphore(%run_scoped3A : memref<!tpu.dma_semaphore, #tpu.memory_space<semaphore_mem>>)
          %dma_wait3A = arith.constant 0 : i32
          %dma_wait3A_129 = tpu.memref_slice %arg13[%mul3A_123, %dma_wait3A] : memref<10000x128xf32, #tpu.memory_space<vmem_shared>> -> memref<80x128xf32, #tpu.memory_space<vmem_shared>>
          %dma_wait3A_130 = arith.constant 0 : i32
          %dma_wait3A_131 = tpu.memref_slice %arg13[%mul3A_123, %dma_wait3A_130] : memref<10000x128xf32, #tpu.memory_space<vmem_shared>> -> memref<80x128xf32, #tpu.memory_space<vmem_shared>>
          tpu.wait_dma2 semaphore(%run_scoped3A : memref<!tpu.dma_semaphore, #tpu.memory_space<semaphore_mem>>) src(%dma_wait3A_131 : memref<80x128xf32, #tpu.memory_space<vmem_shared>>) dst(%arg12 : memref<80x128xf32, #tpu.memory_space<vmem>>)
          tpu.yield
        }) : () -> ()
        %mul3A_124 = arith.constant 80 : i32
        %mul3A_125 = arith.muli %add3A_110, %mul3A_124 : i32
        "tpu.region"() ({
          %run_scoped3A = tpu.sem_alloc : memref<!tpu.dma_semaphore, #tpu.memory_space<semaphore_mem>>
          %dma_start3A = arith.constant 0 : i32
          %dma_start3A_126 = tpu.memref_slice %arg6[%mul3A_125, %dma_start3A] : memref<10000x128xf32, #tpu.memory_space<hbm>> -> memref<80x128xf32, #tpu.memory_space<hbm>>
          %dma_start3A_127 = arith.constant 0 : i32
          %dma_start3A_128 = tpu.memref_slice %arg6[%mul3A_125, %dma_start3A_127] : memref<10000x128xf32, #tpu.memory_space<hbm>> -> memref<80x128xf32, #tpu.memory_space<hbm>>
          tpu.enqueue_dma source(%arg12 : memref<80x128xf32, #tpu.memory_space<vmem>>) target(%dma_start3A_128 : memref<80x128xf32, #tpu.memory_space<hbm>>) target_semaphore(%run_scoped3A : memref<!tpu.dma_semaphore, #tpu.memory_space<semaphore_mem>>)
          %dma_wait3A = arith.constant 0 : i32
          %dma_wait3A_129 = tpu.memref_slice %arg6[%mul3A_125, %dma_wait3A] : memref<10000x128xf32, #tpu.memory_space<hbm>> -> memref<80x128xf32, #tpu.memory_space<hbm>>
          %dma_wait3A_130 = arith.constant 0 : i32
          %dma_wait3A_131 = tpu.memref_slice %arg6[%mul3A_125, %dma_wait3A_130] : memref<10000x128xf32, #tpu.memory_space<hbm>> -> memref<80x128xf32, #tpu.memory_space<hbm>>
          tpu.wait_dma2 semaphore(%run_scoped3A : memref<!tpu.dma_semaphore, #tpu.memory_space<semaphore_mem>>) src(%arg12 : memref<80x128xf32, #tpu.memory_space<vmem>>) dst(%dma_wait3A_131 : memref<80x128xf32, #tpu.memory_space<hbm>>)
          tpu.yield
        }) : () -> ()
      } else {
      }
      %add3A_116 = arith.constant 112 : i32
      %add3A_117 = arith.addi %arg1, %add3A_116 : i32
      %lt3A_118 = arith.constant 125 : i32
      %lt3A_119 = arith.cmpi slt, %add3A_117, %lt3A_118 : i32
      %convert_element_type3A_120 = arith.extui %lt3A_119 : i1 to i32
      %cond3A_121 = arith.constant 0 : i32
      %cond3A_122 = arith.cmpi ne, %convert_element_type3A_120, %cond3A_121 : i32
      scf.if %cond3A_122 {
        %mul3A = arith.constant 80 : i32
        %mul3A_123 = arith.muli %add3A_117, %mul3A : i32
        "tpu.region"() ({
          %run_scoped3A = tpu.sem_alloc : memref<!tpu.dma_semaphore, #tpu.memory_space<semaphore_mem>>
          %dma_start3A = arith.constant 0 : i32
          %dma_start3A_126 = tpu.memref_slice %arg13[%mul3A_123, %dma_start3A] : memref<10000x128xf32, #tpu.memory_space<vmem_shared>> -> memref<80x128xf32, #tpu.memory_space<vmem_shared>>
          %dma_start3A_127 = arith.constant 0 : i32
          %dma_start3A_128 = tpu.memref_slice %arg13[%mul3A_123, %dma_start3A_127] : memref<10000x128xf32, #tpu.memory_space<vmem_shared>> -> memref<80x128xf32, #tpu.memory_space<vmem_shared>>
          tpu.enqueue_dma source(%dma_start3A_128 : memref<80x128xf32, #tpu.memory_space<vmem_shared>>) target(%arg12 : memref<80x128xf32, #tpu.memory_space<vmem>>) target_semaphore(%run_scoped3A : memref<!tpu.dma_semaphore, #tpu.memory_space<semaphore_mem>>)
          %dma_wait3A = arith.constant 0 : i32
          %dma_wait3A_129 = tpu.memref_slice %arg13[%mul3A_123, %dma_wait3A] : memref<10000x128xf32, #tpu.memory_space<vmem_shared>> -> memref<80x128xf32, #tpu.memory_space<vmem_shared>>
          %dma_wait3A_130 = arith.constant 0 : i32
          %dma_wait3A_131 = tpu.memref_slice %arg13[%mul3A_123, %dma_wait3A_130] : memref<10000x128xf32, #tpu.memory_space<vmem_shared>> -> memref<80x128xf32, #tpu.memory_space<vmem_shared>>
          tpu.wait_dma2 semaphore(%run_scoped3A : memref<!tpu.dma_semaphore, #tpu.memory_space<semaphore_mem>>) src(%dma_wait3A_131 : memref<80x128xf32, #tpu.memory_space<vmem_shared>>) dst(%arg12 : memref<80x128xf32, #tpu.memory_space<vmem>>)
          tpu.yield
        }) : () -> ()
        %mul3A_124 = arith.constant 80 : i32
        %mul3A_125 = arith.muli %add3A_117, %mul3A_124 : i32
        "tpu.region"() ({
          %run_scoped3A = tpu.sem_alloc : memref<!tpu.dma_semaphore, #tpu.memory_space<semaphore_mem>>
          %dma_start3A = arith.constant 0 : i32
          %dma_start3A_126 = tpu.memref_slice %arg6[%mul3A_125, %dma_start3A] : memref<10000x128xf32, #tpu.memory_space<hbm>> -> memref<80x128xf32, #tpu.memory_space<hbm>>
          %dma_start3A_127 = arith.constant 0 : i32
          %dma_start3A_128 = tpu.memref_slice %arg6[%mul3A_125, %dma_start3A_127] : memref<10000x128xf32, #tpu.memory_space<hbm>> -> memref<80x128xf32, #tpu.memory_space<hbm>>
          tpu.enqueue_dma source(%arg12 : memref<80x128xf32, #tpu.memory_space<vmem>>) target(%dma_start3A_128 : memref<80x128xf32, #tpu.memory_space<hbm>>) target_semaphore(%run_scoped3A : memref<!tpu.dma_semaphore, #tpu.memory_space<semaphore_mem>>)
          %dma_wait3A = arith.constant 0 : i32
          %dma_wait3A_129 = tpu.memref_slice %arg6[%mul3A_125, %dma_wait3A] : memref<10000x128xf32, #tpu.memory_space<hbm>> -> memref<80x128xf32, #tpu.memory_space<hbm>>
          %dma_wait3A_130 = arith.constant 0 : i32
          %dma_wait3A_131 = tpu.memref_slice %arg6[%mul3A_125, %dma_wait3A_130] : memref<10000x128xf32, #tpu.memory_space<hbm>> -> memref<80x128xf32, #tpu.memory_space<hbm>>
          tpu.wait_dma2 semaphore(%run_scoped3A : memref<!tpu.dma_semaphore, #tpu.memory_space<semaphore_mem>>) src(%arg12 : memref<80x128xf32, #tpu.memory_space<vmem>>) dst(%dma_wait3A_131 : memref<80x128xf32, #tpu.memory_space<hbm>>)
          tpu.yield
        }) : () -> ()
      } else {
      }
    } else {
    }
    %eq3A_2 = arith.constant 1 : i32
    %eq3A_3 = arith.cmpi eq, %arg0, %eq3A_2 : i32
    %convert_element_type3A_4 = arith.extui %eq3A_3 : i1 to i32
    %cond3A_5 = arith.constant 0 : i32
    %cond3A_6 = arith.cmpi ne, %convert_element_type3A_4, %cond3A_5 : i32
    scf.if %cond3A_6 {
      %add3A = arith.constant 0 : i32
      %add3A_7 = arith.addi %arg1, %add3A : i32
      %lt3A = arith.constant 125 : i32
      %lt3A_8 = arith.cmpi slt, %add3A_7, %lt3A : i32
      %convert_element_type3A_9 = arith.extui %lt3A_8 : i1 to i32
      %cond3A_10 = arith.constant 0 : i32
      %cond3A_11 = arith.cmpi ne, %convert_element_type3A_9, %cond3A_10 : i32
      scf.if %cond3A_11 {
        %mul3A = arith.constant 80 : i32
        %mul3A_123 = arith.muli %add3A_7, %mul3A : i32
        "tpu.region"() ({
          %run_scoped3A = tpu.sem_alloc : memref<!tpu.dma_semaphore, #tpu.memory_space<semaphore_mem>>
          %dma_start3A = arith.constant 0 : i32
          %dma_start3A_126 = tpu.memref_slice %arg3[%mul3A_123, %dma_start3A] : memref<10000x128xf32, #tpu.memory_space<hbm>> -> memref<80x128xf32, #tpu.memory_space<hbm>>
          %dma_start3A_127 = arith.constant 0 : i32
          %dma_start3A_128 = tpu.memref_slice %arg3[%mul3A_123, %dma_start3A_127] : memref<10000x128xf32, #tpu.memory_space<hbm>> -> memref<80x128xf32, #tpu.memory_space<hbm>>
          tpu.enqueue_dma source(%dma_start3A_128 : memref<80x128xf32, #tpu.memory_space<hbm>>) target(%arg12 : memref<80x128xf32, #tpu.memory_space<vmem>>) target_semaphore(%run_scoped3A : memref<!tpu.dma_semaphore, #tpu.memory_space<semaphore_mem>>)
          %dma_wait3A = arith.constant 0 : i32
          %dma_wait3A_129 = tpu.memref_slice %arg3[%mul3A_123, %dma_wait3A] : memref<10000x128xf32, #tpu.memory_space<hbm>> -> memref<80x128xf32, #tpu.memory_space<hbm>>
          %dma_wait3A_130 = arith.constant 0 : i32
          %dma_wait3A_131 = tpu.memref_slice %arg3[%mul3A_123, %dma_wait3A_130] : memref<10000x128xf32, #tpu.memory_space<hbm>> -> memref<80x128xf32, #tpu.memory_space<hbm>>
          tpu.wait_dma2 semaphore(%run_scoped3A : memref<!tpu.dma_semaphore, #tpu.memory_space<semaphore_mem>>) src(%dma_wait3A_131 : memref<80x128xf32, #tpu.memory_space<hbm>>) dst(%arg12 : memref<80x128xf32, #tpu.memory_space<vmem>>)
          tpu.yield
        }) : () -> ()
        %mul3A_124 = arith.constant 80 : i32
        %mul3A_125 = arith.muli %add3A_7, %mul3A_124 : i32
        "tpu.region"() ({
          %run_scoped3A = tpu.sem_alloc : memref<!tpu.dma_semaphore, #tpu.memory_space<semaphore_mem>>
          %dma_start3A = arith.constant 0 : i32
          %dma_start3A_126 = tpu.memref_slice %arg13[%mul3A_125, %dma_start3A] : memref<10000x128xf32, #tpu.memory_space<vmem_shared>> -> memref<80x128xf32, #tpu.memory_space<vmem_shared>>
          %dma_start3A_127 = arith.constant 0 : i32
          %dma_start3A_128 = tpu.memref_slice %arg13[%mul3A_125, %dma_start3A_127] : memref<10000x128xf32, #tpu.memory_space<vmem_shared>> -> memref<80x128xf32, #tpu.memory_space<vmem_shared>>
          tpu.enqueue_dma source(%arg12 : memref<80x128xf32, #tpu.memory_space<vmem>>) target(%dma_start3A_128 : memref<80x128xf32, #tpu.memory_space<vmem_shared>>) target_semaphore(%run_scoped3A : memref<!tpu.dma_semaphore, #tpu.memory_space<semaphore_mem>>)
          %dma_wait3A = arith.constant 0 : i32
          %dma_wait3A_129 = tpu.memref_slice %arg13[%mul3A_125, %dma_wait3A] : memref<10000x128xf32, #tpu.memory_space<vmem_shared>> -> memref<80x128xf32, #tpu.memory_space<vmem_shared>>
          %dma_wait3A_130 = arith.constant 0 : i32
          %dma_wait3A_131 = tpu.memref_slice %arg13[%mul3A_125, %dma_wait3A_130] : memref<10000x128xf32, #tpu.memory_space<vmem_shared>> -> memref<80x128xf32, #tpu.memory_space<vmem_shared>>
          tpu.wait_dma2 semaphore(%run_scoped3A : memref<!tpu.dma_semaphore, #tpu.memory_space<semaphore_mem>>) src(%arg12 : memref<80x128xf32, #tpu.memory_space<vmem>>) dst(%dma_wait3A_131 : memref<80x128xf32, #tpu.memory_space<vmem_shared>>)
          tpu.yield
        }) : () -> ()
      } else {
      }
      %add3A_12 = arith.constant 16 : i32
      %add3A_13 = arith.addi %arg1, %add3A_12 : i32
      %lt3A_14 = arith.constant 125 : i32
      %lt3A_15 = arith.cmpi slt, %add3A_13, %lt3A_14 : i32
      %convert_element_type3A_16 = arith.extui %lt3A_15 : i1 to i32
      %cond3A_17 = arith.constant 0 : i32
      %cond3A_18 = arith.cmpi ne, %convert_element_type3A_16, %cond3A_17 : i32
      scf.if %cond3A_18 {
        %mul3A = arith.constant 80 : i32
        %mul3A_123 = arith.muli %add3A_13, %mul3A : i32
        "tpu.region"() ({
          %run_scoped3A = tpu.sem_alloc : memref<!tpu.dma_semaphore, #tpu.memory_space<semaphore_mem>>
          %dma_start3A = arith.constant 0 : i32
          %dma_start3A_126 = tpu.memref_slice %arg3[%mul3A_123, %dma_start3A] : memref<10000x128xf32, #tpu.memory_space<hbm>> -> memref<80x128xf32, #tpu.memory_space<hbm>>
          %dma_start3A_127 = arith.constant 0 : i32
          %dma_start3A_128 = tpu.memref_slice %arg3[%mul3A_123, %dma_start3A_127] : memref<10000x128xf32, #tpu.memory_space<hbm>> -> memref<80x128xf32, #tpu.memory_space<hbm>>
          tpu.enqueue_dma source(%dma_start3A_128 : memref<80x128xf32, #tpu.memory_space<hbm>>) target(%arg12 : memref<80x128xf32, #tpu.memory_space<vmem>>) target_semaphore(%run_scoped3A : memref<!tpu.dma_semaphore, #tpu.memory_space<semaphore_mem>>)
          %dma_wait3A = arith.constant 0 : i32
          %dma_wait3A_129 = tpu.memref_slice %arg3[%mul3A_123, %dma_wait3A] : memref<10000x128xf32, #tpu.memory_space<hbm>> -> memref<80x128xf32, #tpu.memory_space<hbm>>
          %dma_wait3A_130 = arith.constant 0 : i32
          %dma_wait3A_131 = tpu.memref_slice %arg3[%mul3A_123, %dma_wait3A_130] : memref<10000x128xf32, #tpu.memory_space<hbm>> -> memref<80x128xf32, #tpu.memory_space<hbm>>
          tpu.wait_dma2 semaphore(%run_scoped3A : memref<!tpu.dma_semaphore, #tpu.memory_space<semaphore_mem>>) src(%dma_wait3A_131 : memref<80x128xf32, #tpu.memory_space<hbm>>) dst(%arg12 : memref<80x128xf32, #tpu.memory_space<vmem>>)
          tpu.yield
        }) : () -> ()
        %mul3A_124 = arith.constant 80 : i32
        %mul3A_125 = arith.muli %add3A_13, %mul3A_124 : i32
        "tpu.region"() ({
          %run_scoped3A = tpu.sem_alloc : memref<!tpu.dma_semaphore, #tpu.memory_space<semaphore_mem>>
          %dma_start3A = arith.constant 0 : i32
          %dma_start3A_126 = tpu.memref_slice %arg13[%mul3A_125, %dma_start3A] : memref<10000x128xf32, #tpu.memory_space<vmem_shared>> -> memref<80x128xf32, #tpu.memory_space<vmem_shared>>
          %dma_start3A_127 = arith.constant 0 : i32
          %dma_start3A_128 = tpu.memref_slice %arg13[%mul3A_125, %dma_start3A_127] : memref<10000x128xf32, #tpu.memory_space<vmem_shared>> -> memref<80x128xf32, #tpu.memory_space<vmem_shared>>
          tpu.enqueue_dma source(%arg12 : memref<80x128xf32, #tpu.memory_space<vmem>>) target(%dma_start3A_128 : memref<80x128xf32, #tpu.memory_space<vmem_shared>>) target_semaphore(%run_scoped3A : memref<!tpu.dma_semaphore, #tpu.memory_space<semaphore_mem>>)
          %dma_wait3A = arith.constant 0 : i32
          %dma_wait3A_129 = tpu.memref_slice %arg13[%mul3A_125, %dma_wait3A] : memref<10000x128xf32, #tpu.memory_space<vmem_shared>> -> memref<80x128xf32, #tpu.memory_space<vmem_shared>>
          %dma_wait3A_130 = arith.constant 0 : i32
          %dma_wait3A_131 = tpu.memref_slice %arg13[%mul3A_125, %dma_wait3A_130] : memref<10000x128xf32, #tpu.memory_space<vmem_shared>> -> memref<80x128xf32, #tpu.memory_space<vmem_shared>>
          tpu.wait_dma2 semaphore(%run_scoped3A : memref<!tpu.dma_semaphore, #tpu.memory_space<semaphore_mem>>) src(%arg12 : memref<80x128xf32, #tpu.memory_space<vmem>>) dst(%dma_wait3A_131 : memref<80x128xf32, #tpu.memory_space<vmem_shared>>)
          tpu.yield
        }) : () -> ()
      } else {
      }
      %add3A_19 = arith.constant 32 : i32
      %add3A_20 = arith.addi %arg1, %add3A_19 : i32
      %lt3A_21 = arith.constant 125 : i32
      %lt3A_22 = arith.cmpi slt, %add3A_20, %lt3A_21 : i32
      %convert_element_type3A_23 = arith.extui %lt3A_22 : i1 to i32
      %cond3A_24 = arith.constant 0 : i32
      %cond3A_25 = arith.cmpi ne, %convert_element_type3A_23, %cond3A_24 : i32
      scf.if %cond3A_25 {
        %mul3A = arith.constant 80 : i32
        %mul3A_123 = arith.muli %add3A_20, %mul3A : i32
        "tpu.region"() ({
          %run_scoped3A = tpu.sem_alloc : memref<!tpu.dma_semaphore, #tpu.memory_space<semaphore_mem>>
          %dma_start3A = arith.constant 0 : i32
          %dma_start3A_126 = tpu.memref_slice %arg3[%mul3A_123, %dma_start3A] : memref<10000x128xf32, #tpu.memory_space<hbm>> -> memref<80x128xf32, #tpu.memory_space<hbm>>
          %dma_start3A_127 = arith.constant 0 : i32
          %dma_start3A_128 = tpu.memref_slice %arg3[%mul3A_123, %dma_start3A_127] : memref<10000x128xf32, #tpu.memory_space<hbm>> -> memref<80x128xf32, #tpu.memory_space<hbm>>
          tpu.enqueue_dma source(%dma_start3A_128 : memref<80x128xf32, #tpu.memory_space<hbm>>) target(%arg12 : memref<80x128xf32, #tpu.memory_space<vmem>>) target_semaphore(%run_scoped3A : memref<!tpu.dma_semaphore, #tpu.memory_space<semaphore_mem>>)
          %dma_wait3A = arith.constant 0 : i32
          %dma_wait3A_129 = tpu.memref_slice %arg3[%mul3A_123, %dma_wait3A] : memref<10000x128xf32, #tpu.memory_space<hbm>> -> memref<80x128xf32, #tpu.memory_space<hbm>>
          %dma_wait3A_130 = arith.constant 0 : i32
          %dma_wait3A_131 = tpu.memref_slice %arg3[%mul3A_123, %dma_wait3A_130] : memref<10000x128xf32, #tpu.memory_space<hbm>> -> memref<80x128xf32, #tpu.memory_space<hbm>>
          tpu.wait_dma2 semaphore(%run_scoped3A : memref<!tpu.dma_semaphore, #tpu.memory_space<semaphore_mem>>) src(%dma_wait3A_131 : memref<80x128xf32, #tpu.memory_space<hbm>>) dst(%arg12 : memref<80x128xf32, #tpu.memory_space<vmem>>)
          tpu.yield
        }) : () -> ()
        %mul3A_124 = arith.constant 80 : i32
        %mul3A_125 = arith.muli %add3A_20, %mul3A_124 : i32
        "tpu.region"() ({
          %run_scoped3A = tpu.sem_alloc : memref<!tpu.dma_semaphore, #tpu.memory_space<semaphore_mem>>
          %dma_start3A = arith.constant 0 : i32
          %dma_start3A_126 = tpu.memref_slice %arg13[%mul3A_125, %dma_start3A] : memref<10000x128xf32, #tpu.memory_space<vmem_shared>> -> memref<80x128xf32, #tpu.memory_space<vmem_shared>>
          %dma_start3A_127 = arith.constant 0 : i32
          %dma_start3A_128 = tpu.memref_slice %arg13[%mul3A_125, %dma_start3A_127] : memref<10000x128xf32, #tpu.memory_space<vmem_shared>> -> memref<80x128xf32, #tpu.memory_space<vmem_shared>>
          tpu.enqueue_dma source(%arg12 : memref<80x128xf32, #tpu.memory_space<vmem>>) target(%dma_start3A_128 : memref<80x128xf32, #tpu.memory_space<vmem_shared>>) target_semaphore(%run_scoped3A : memref<!tpu.dma_semaphore, #tpu.memory_space<semaphore_mem>>)
          %dma_wait3A = arith.constant 0 : i32
          %dma_wait3A_129 = tpu.memref_slice %arg13[%mul3A_125, %dma_wait3A] : memref<10000x128xf32, #tpu.memory_space<vmem_shared>> -> memref<80x128xf32, #tpu.memory_space<vmem_shared>>
          %dma_wait3A_130 = arith.constant 0 : i32
          %dma_wait3A_131 = tpu.memref_slice %arg13[%mul3A_125, %dma_wait3A_130] : memref<10000x128xf32, #tpu.memory_space<vmem_shared>> -> memref<80x128xf32, #tpu.memory_space<vmem_shared>>
          tpu.wait_dma2 semaphore(%run_scoped3A : memref<!tpu.dma_semaphore, #tpu.memory_space<semaphore_mem>>) src(%arg12 : memref<80x128xf32, #tpu.memory_space<vmem>>) dst(%dma_wait3A_131 : memref<80x128xf32, #tpu.memory_space<vmem_shared>>)
          tpu.yield
        }) : () -> ()
      } else {
      }
      %add3A_26 = arith.constant 48 : i32
      %add3A_27 = arith.addi %arg1, %add3A_26 : i32
      %lt3A_28 = arith.constant 125 : i32
      %lt3A_29 = arith.cmpi slt, %add3A_27, %lt3A_28 : i32
      %convert_element_type3A_30 = arith.extui %lt3A_29 : i1 to i32
      %cond3A_31 = arith.constant 0 : i32
      %cond3A_32 = arith.cmpi ne, %convert_element_type3A_30, %cond3A_31 : i32
      scf.if %cond3A_32 {
        %mul3A = arith.constant 80 : i32
        %mul3A_123 = arith.muli %add3A_27, %mul3A : i32
        "tpu.region"() ({
          %run_scoped3A = tpu.sem_alloc : memref<!tpu.dma_semaphore, #tpu.memory_space<semaphore_mem>>
          %dma_start3A = arith.constant 0 : i32
          %dma_start3A_126 = tpu.memref_slice %arg3[%mul3A_123, %dma_start3A] : memref<10000x128xf32, #tpu.memory_space<hbm>> -> memref<80x128xf32, #tpu.memory_space<hbm>>
          %dma_start3A_127 = arith.constant 0 : i32
          %dma_start3A_128 = tpu.memref_slice %arg3[%mul3A_123, %dma_start3A_127] : memref<10000x128xf32, #tpu.memory_space<hbm>> -> memref<80x128xf32, #tpu.memory_space<hbm>>
          tpu.enqueue_dma source(%dma_start3A_128 : memref<80x128xf32, #tpu.memory_space<hbm>>) target(%arg12 : memref<80x128xf32, #tpu.memory_space<vmem>>) target_semaphore(%run_scoped3A : memref<!tpu.dma_semaphore, #tpu.memory_space<semaphore_mem>>)
          %dma_wait3A = arith.constant 0 : i32
          %dma_wait3A_129 = tpu.memref_slice %arg3[%mul3A_123, %dma_wait3A] : memref<10000x128xf32, #tpu.memory_space<hbm>> -> memref<80x128xf32, #tpu.memory_space<hbm>>
          %dma_wait3A_130 = arith.constant 0 : i32
          %dma_wait3A_131 = tpu.memref_slice %arg3[%mul3A_123, %dma_wait3A_130] : memref<10000x128xf32, #tpu.memory_space<hbm>> -> memref<80x128xf32, #tpu.memory_space<hbm>>
          tpu.wait_dma2 semaphore(%run_scoped3A : memref<!tpu.dma_semaphore, #tpu.memory_space<semaphore_mem>>) src(%dma_wait3A_131 : memref<80x128xf32, #tpu.memory_space<hbm>>) dst(%arg12 : memref<80x128xf32, #tpu.memory_space<vmem>>)
          tpu.yield
        }) : () -> ()
        %mul3A_124 = arith.constant 80 : i32
        %mul3A_125 = arith.muli %add3A_27, %mul3A_124 : i32
        "tpu.region"() ({
          %run_scoped3A = tpu.sem_alloc : memref<!tpu.dma_semaphore, #tpu.memory_space<semaphore_mem>>
          %dma_start3A = arith.constant 0 : i32
          %dma_start3A_126 = tpu.memref_slice %arg13[%mul3A_125, %dma_start3A] : memref<10000x128xf32, #tpu.memory_space<vmem_shared>> -> memref<80x128xf32, #tpu.memory_space<vmem_shared>>
          %dma_start3A_127 = arith.constant 0 : i32
          %dma_start3A_128 = tpu.memref_slice %arg13[%mul3A_125, %dma_start3A_127] : memref<10000x128xf32, #tpu.memory_space<vmem_shared>> -> memref<80x128xf32, #tpu.memory_space<vmem_shared>>
          tpu.enqueue_dma source(%arg12 : memref<80x128xf32, #tpu.memory_space<vmem>>) target(%dma_start3A_128 : memref<80x128xf32, #tpu.memory_space<vmem_shared>>) target_semaphore(%run_scoped3A : memref<!tpu.dma_semaphore, #tpu.memory_space<semaphore_mem>>)
          %dma_wait3A = arith.constant 0 : i32
          %dma_wait3A_129 = tpu.memref_slice %arg13[%mul3A_125, %dma_wait3A] : memref<10000x128xf32, #tpu.memory_space<vmem_shared>> -> memref<80x128xf32, #tpu.memory_space<vmem_shared>>
          %dma_wait3A_130 = arith.constant 0 : i32
          %dma_wait3A_131 = tpu.memref_slice %arg13[%mul3A_125, %dma_wait3A_130] : memref<10000x128xf32, #tpu.memory_space<vmem_shared>> -> memref<80x128xf32, #tpu.memory_space<vmem_shared>>
          tpu.wait_dma2 semaphore(%run_scoped3A : memref<!tpu.dma_semaphore, #tpu.memory_space<semaphore_mem>>) src(%arg12 : memref<80x128xf32, #tpu.memory_space<vmem>>) dst(%dma_wait3A_131 : memref<80x128xf32, #tpu.memory_space<vmem_shared>>)
          tpu.yield
        }) : () -> ()
      } else {
      }
      %add3A_33 = arith.constant 64 : i32
      %add3A_34 = arith.addi %arg1, %add3A_33 : i32
      %lt3A_35 = arith.constant 125 : i32
      %lt3A_36 = arith.cmpi slt, %add3A_34, %lt3A_35 : i32
      %convert_element_type3A_37 = arith.extui %lt3A_36 : i1 to i32
      %cond3A_38 = arith.constant 0 : i32
      %cond3A_39 = arith.cmpi ne, %convert_element_type3A_37, %cond3A_38 : i32
      scf.if %cond3A_39 {
        %mul3A = arith.constant 80 : i32
        %mul3A_123 = arith.muli %add3A_34, %mul3A : i32
        "tpu.region"() ({
          %run_scoped3A = tpu.sem_alloc : memref<!tpu.dma_semaphore, #tpu.memory_space<semaphore_mem>>
          %dma_start3A = arith.constant 0 : i32
          %dma_start3A_126 = tpu.memref_slice %arg3[%mul3A_123, %dma_start3A] : memref<10000x128xf32, #tpu.memory_space<hbm>> -> memref<80x128xf32, #tpu.memory_space<hbm>>
          %dma_start3A_127 = arith.constant 0 : i32
          %dma_start3A_128 = tpu.memref_slice %arg3[%mul3A_123, %dma_start3A_127] : memref<10000x128xf32, #tpu.memory_space<hbm>> -> memref<80x128xf32, #tpu.memory_space<hbm>>
          tpu.enqueue_dma source(%dma_start3A_128 : memref<80x128xf32, #tpu.memory_space<hbm>>) target(%arg12 : memref<80x128xf32, #tpu.memory_space<vmem>>) target_semaphore(%run_scoped3A : memref<!tpu.dma_semaphore, #tpu.memory_space<semaphore_mem>>)
          %dma_wait3A = arith.constant 0 : i32
          %dma_wait3A_129 = tpu.memref_slice %arg3[%mul3A_123, %dma_wait3A] : memref<10000x128xf32, #tpu.memory_space<hbm>> -> memref<80x128xf32, #tpu.memory_space<hbm>>
          %dma_wait3A_130 = arith.constant 0 : i32
          %dma_wait3A_131 = tpu.memref_slice %arg3[%mul3A_123, %dma_wait3A_130] : memref<10000x128xf32, #tpu.memory_space<hbm>> -> memref<80x128xf32, #tpu.memory_space<hbm>>
          tpu.wait_dma2 semaphore(%run_scoped3A : memref<!tpu.dma_semaphore, #tpu.memory_space<semaphore_mem>>) src(%dma_wait3A_131 : memref<80x128xf32, #tpu.memory_space<hbm>>) dst(%arg12 : memref<80x128xf32, #tpu.memory_space<vmem>>)
          tpu.yield
        }) : () -> ()
        %mul3A_124 = arith.constant 80 : i32
        %mul3A_125 = arith.muli %add3A_34, %mul3A_124 : i32
        "tpu.region"() ({
          %run_scoped3A = tpu.sem_alloc : memref<!tpu.dma_semaphore, #tpu.memory_space<semaphore_mem>>
          %dma_start3A = arith.constant 0 : i32
          %dma_start3A_126 = tpu.memref_slice %arg13[%mul3A_125, %dma_start3A] : memref<10000x128xf32, #tpu.memory_space<vmem_shared>> -> memref<80x128xf32, #tpu.memory_space<vmem_shared>>
          %dma_start3A_127 = arith.constant 0 : i32
          %dma_start3A_128 = tpu.memref_slice %arg13[%mul3A_125, %dma_start3A_127] : memref<10000x128xf32, #tpu.memory_space<vmem_shared>> -> memref<80x128xf32, #tpu.memory_space<vmem_shared>>
          tpu.enqueue_dma source(%arg12 : memref<80x128xf32, #tpu.memory_space<vmem>>) target(%dma_start3A_128 : memref<80x128xf32, #tpu.memory_space<vmem_shared>>) target_semaphore(%run_scoped3A : memref<!tpu.dma_semaphore, #tpu.memory_space<semaphore_mem>>)
          %dma_wait3A = arith.constant 0 : i32
          %dma_wait3A_129 = tpu.memref_slice %arg13[%mul3A_125, %dma_wait3A] : memref<10000x128xf32, #tpu.memory_space<vmem_shared>> -> memref<80x128xf32, #tpu.memory_space<vmem_shared>>
          %dma_wait3A_130 = arith.constant 0 : i32
          %dma_wait3A_131 = tpu.memref_slice %arg13[%mul3A_125, %dma_wait3A_130] : memref<10000x128xf32, #tpu.memory_space<vmem_shared>> -> memref<80x128xf32, #tpu.memory_space<vmem_shared>>
          tpu.wait_dma2 semaphore(%run_scoped3A : memref<!tpu.dma_semaphore, #tpu.memory_space<semaphore_mem>>) src(%arg12 : memref<80x128xf32, #tpu.memory_space<vmem>>) dst(%dma_wait3A_131 : memref<80x128xf32, #tpu.memory_space<vmem_shared>>)
          tpu.yield
        }) : () -> ()
      } else {
      }
      %add3A_40 = arith.constant 80 : i32
      %add3A_41 = arith.addi %arg1, %add3A_40 : i32
      %lt3A_42 = arith.constant 125 : i32
      %lt3A_43 = arith.cmpi slt, %add3A_41, %lt3A_42 : i32
      %convert_element_type3A_44 = arith.extui %lt3A_43 : i1 to i32
      %cond3A_45 = arith.constant 0 : i32
      %cond3A_46 = arith.cmpi ne, %convert_element_type3A_44, %cond3A_45 : i32
      scf.if %cond3A_46 {
        %mul3A = arith.constant 80 : i32
        %mul3A_123 = arith.muli %add3A_41, %mul3A : i32
        "tpu.region"() ({
          %run_scoped3A = tpu.sem_alloc : memref<!tpu.dma_semaphore, #tpu.memory_space<semaphore_mem>>
          %dma_start3A = arith.constant 0 : i32
          %dma_start3A_126 = tpu.memref_slice %arg3[%mul3A_123, %dma_start3A] : memref<10000x128xf32, #tpu.memory_space<hbm>> -> memref<80x128xf32, #tpu.memory_space<hbm>>
          %dma_start3A_127 = arith.constant 0 : i32
          %dma_start3A_128 = tpu.memref_slice %arg3[%mul3A_123, %dma_start3A_127] : memref<10000x128xf32, #tpu.memory_space<hbm>> -> memref<80x128xf32, #tpu.memory_space<hbm>>
          tpu.enqueue_dma source(%dma_start3A_128 : memref<80x128xf32, #tpu.memory_space<hbm>>) target(%arg12 : memref<80x128xf32, #tpu.memory_space<vmem>>) target_semaphore(%run_scoped3A : memref<!tpu.dma_semaphore, #tpu.memory_space<semaphore_mem>>)
          %dma_wait3A = arith.constant 0 : i32
          %dma_wait3A_129 = tpu.memref_slice %arg3[%mul3A_123, %dma_wait3A] : memref<10000x128xf32, #tpu.memory_space<hbm>> -> memref<80x128xf32, #tpu.memory_space<hbm>>
          %dma_wait3A_130 = arith.constant 0 : i32
          %dma_wait3A_131 = tpu.memref_slice %arg3[%mul3A_123, %dma_wait3A_130] : memref<10000x128xf32, #tpu.memory_space<hbm>> -> memref<80x128xf32, #tpu.memory_space<hbm>>
          tpu.wait_dma2 semaphore(%run_scoped3A : memref<!tpu.dma_semaphore, #tpu.memory_space<semaphore_mem>>) src(%dma_wait3A_131 : memref<80x128xf32, #tpu.memory_space<hbm>>) dst(%arg12 : memref<80x128xf32, #tpu.memory_space<vmem>>)
          tpu.yield
        }) : () -> ()
        %mul3A_124 = arith.constant 80 : i32
        %mul3A_125 = arith.muli %add3A_41, %mul3A_124 : i32
        "tpu.region"() ({
          %run_scoped3A = tpu.sem_alloc : memref<!tpu.dma_semaphore, #tpu.memory_space<semaphore_mem>>
          %dma_start3A = arith.constant 0 : i32
          %dma_start3A_126 = tpu.memref_slice %arg13[%mul3A_125, %dma_start3A] : memref<10000x128xf32, #tpu.memory_space<vmem_shared>> -> memref<80x128xf32, #tpu.memory_space<vmem_shared>>
          %dma_start3A_127 = arith.constant 0 : i32
          %dma_start3A_128 = tpu.memref_slice %arg13[%mul3A_125, %dma_start3A_127] : memref<10000x128xf32, #tpu.memory_space<vmem_shared>> -> memref<80x128xf32, #tpu.memory_space<vmem_shared>>
          tpu.enqueue_dma source(%arg12 : memref<80x128xf32, #tpu.memory_space<vmem>>) target(%dma_start3A_128 : memref<80x128xf32, #tpu.memory_space<vmem_shared>>) target_semaphore(%run_scoped3A : memref<!tpu.dma_semaphore, #tpu.memory_space<semaphore_mem>>)
          %dma_wait3A = arith.constant 0 : i32
          %dma_wait3A_129 = tpu.memref_slice %arg13[%mul3A_125, %dma_wait3A] : memref<10000x128xf32, #tpu.memory_space<vmem_shared>> -> memref<80x128xf32, #tpu.memory_space<vmem_shared>>
          %dma_wait3A_130 = arith.constant 0 : i32
          %dma_wait3A_131 = tpu.memref_slice %arg13[%mul3A_125, %dma_wait3A_130] : memref<10000x128xf32, #tpu.memory_space<vmem_shared>> -> memref<80x128xf32, #tpu.memory_space<vmem_shared>>
          tpu.wait_dma2 semaphore(%run_scoped3A : memref<!tpu.dma_semaphore, #tpu.memory_space<semaphore_mem>>) src(%arg12 : memref<80x128xf32, #tpu.memory_space<vmem>>) dst(%dma_wait3A_131 : memref<80x128xf32, #tpu.memory_space<vmem_shared>>)
          tpu.yield
        }) : () -> ()
      } else {
      }
      %add3A_47 = arith.constant 96 : i32
      %add3A_48 = arith.addi %arg1, %add3A_47 : i32
      %lt3A_49 = arith.constant 125 : i32
      %lt3A_50 = arith.cmpi slt, %add3A_48, %lt3A_49 : i32
      %convert_element_type3A_51 = arith.extui %lt3A_50 : i1 to i32
      %cond3A_52 = arith.constant 0 : i32
      %cond3A_53 = arith.cmpi ne, %convert_element_type3A_51, %cond3A_52 : i32
      scf.if %cond3A_53 {
        %mul3A = arith.constant 80 : i32
        %mul3A_123 = arith.muli %add3A_48, %mul3A : i32
        "tpu.region"() ({
          %run_scoped3A = tpu.sem_alloc : memref<!tpu.dma_semaphore, #tpu.memory_space<semaphore_mem>>
          %dma_start3A = arith.constant 0 : i32
          %dma_start3A_126 = tpu.memref_slice %arg3[%mul3A_123, %dma_start3A] : memref<10000x128xf32, #tpu.memory_space<hbm>> -> memref<80x128xf32, #tpu.memory_space<hbm>>
          %dma_start3A_127 = arith.constant 0 : i32
          %dma_start3A_128 = tpu.memref_slice %arg3[%mul3A_123, %dma_start3A_127] : memref<10000x128xf32, #tpu.memory_space<hbm>> -> memref<80x128xf32, #tpu.memory_space<hbm>>
          tpu.enqueue_dma source(%dma_start3A_128 : memref<80x128xf32, #tpu.memory_space<hbm>>) target(%arg12 : memref<80x128xf32, #tpu.memory_space<vmem>>) target_semaphore(%run_scoped3A : memref<!tpu.dma_semaphore, #tpu.memory_space<semaphore_mem>>)
          %dma_wait3A = arith.constant 0 : i32
          %dma_wait3A_129 = tpu.memref_slice %arg3[%mul3A_123, %dma_wait3A] : memref<10000x128xf32, #tpu.memory_space<hbm>> -> memref<80x128xf32, #tpu.memory_space<hbm>>
          %dma_wait3A_130 = arith.constant 0 : i32
          %dma_wait3A_131 = tpu.memref_slice %arg3[%mul3A_123, %dma_wait3A_130] : memref<10000x128xf32, #tpu.memory_space<hbm>> -> memref<80x128xf32, #tpu.memory_space<hbm>>
          tpu.wait_dma2 semaphore(%run_scoped3A : memref<!tpu.dma_semaphore, #tpu.memory_space<semaphore_mem>>) src(%dma_wait3A_131 : memref<80x128xf32, #tpu.memory_space<hbm>>) dst(%arg12 : memref<80x128xf32, #tpu.memory_space<vmem>>)
          tpu.yield
        }) : () -> ()
        %mul3A_124 = arith.constant 80 : i32
        %mul3A_125 = arith.muli %add3A_48, %mul3A_124 : i32
        "tpu.region"() ({
          %run_scoped3A = tpu.sem_alloc : memref<!tpu.dma_semaphore, #tpu.memory_space<semaphore_mem>>
          %dma_start3A = arith.constant 0 : i32
          %dma_start3A_126 = tpu.memref_slice %arg13[%mul3A_125, %dma_start3A] : memref<10000x128xf32, #tpu.memory_space<vmem_shared>> -> memref<80x128xf32, #tpu.memory_space<vmem_shared>>
          %dma_start3A_127 = arith.constant 0 : i32
          %dma_start3A_128 = tpu.memref_slice %arg13[%mul3A_125, %dma_start3A_127] : memref<10000x128xf32, #tpu.memory_space<vmem_shared>> -> memref<80x128xf32, #tpu.memory_space<vmem_shared>>
          tpu.enqueue_dma source(%arg12 : memref<80x128xf32, #tpu.memory_space<vmem>>) target(%dma_start3A_128 : memref<80x128xf32, #tpu.memory_space<vmem_shared>>) target_semaphore(%run_scoped3A : memref<!tpu.dma_semaphore, #tpu.memory_space<semaphore_mem>>)
          %dma_wait3A = arith.constant 0 : i32
          %dma_wait3A_129 = tpu.memref_slice %arg13[%mul3A_125, %dma_wait3A] : memref<10000x128xf32, #tpu.memory_space<vmem_shared>> -> memref<80x128xf32, #tpu.memory_space<vmem_shared>>
          %dma_wait3A_130 = arith.constant 0 : i32
          %dma_wait3A_131 = tpu.memref_slice %arg13[%mul3A_125, %dma_wait3A_130] : memref<10000x128xf32, #tpu.memory_space<vmem_shared>> -> memref<80x128xf32, #tpu.memory_space<vmem_shared>>
          tpu.wait_dma2 semaphore(%run_scoped3A : memref<!tpu.dma_semaphore, #tpu.memory_space<semaphore_mem>>) src(%arg12 : memref<80x128xf32, #tpu.memory_space<vmem>>) dst(%dma_wait3A_131 : memref<80x128xf32, #tpu.memory_space<vmem_shared>>)
          tpu.yield
        }) : () -> ()
      } else {
      }
      %add3A_54 = arith.constant 112 : i32
      %add3A_55 = arith.addi %arg1, %add3A_54 : i32
      %lt3A_56 = arith.constant 125 : i32
      %lt3A_57 = arith.cmpi slt, %add3A_55, %lt3A_56 : i32
      %convert_element_type3A_58 = arith.extui %lt3A_57 : i1 to i32
      %cond3A_59 = arith.constant 0 : i32
      %cond3A_60 = arith.cmpi ne, %convert_element_type3A_58, %cond3A_59 : i32
      scf.if %cond3A_60 {
        %mul3A = arith.constant 80 : i32
        %mul3A_123 = arith.muli %add3A_55, %mul3A : i32
        "tpu.region"() ({
          %run_scoped3A = tpu.sem_alloc : memref<!tpu.dma_semaphore, #tpu.memory_space<semaphore_mem>>
          %dma_start3A = arith.constant 0 : i32
          %dma_start3A_126 = tpu.memref_slice %arg3[%mul3A_123, %dma_start3A] : memref<10000x128xf32, #tpu.memory_space<hbm>> -> memref<80x128xf32, #tpu.memory_space<hbm>>
          %dma_start3A_127 = arith.constant 0 : i32
          %dma_start3A_128 = tpu.memref_slice %arg3[%mul3A_123, %dma_start3A_127] : memref<10000x128xf32, #tpu.memory_space<hbm>> -> memref<80x128xf32, #tpu.memory_space<hbm>>
          tpu.enqueue_dma source(%dma_start3A_128 : memref<80x128xf32, #tpu.memory_space<hbm>>) target(%arg12 : memref<80x128xf32, #tpu.memory_space<vmem>>) target_semaphore(%run_scoped3A : memref<!tpu.dma_semaphore, #tpu.memory_space<semaphore_mem>>)
          %dma_wait3A = arith.constant 0 : i32
          %dma_wait3A_129 = tpu.memref_slice %arg3[%mul3A_123, %dma_wait3A] : memref<10000x128xf32, #tpu.memory_space<hbm>> -> memref<80x128xf32, #tpu.memory_space<hbm>>
          %dma_wait3A_130 = arith.constant 0 : i32
          %dma_wait3A_131 = tpu.memref_slice %arg3[%mul3A_123, %dma_wait3A_130] : memref<10000x128xf32, #tpu.memory_space<hbm>> -> memref<80x128xf32, #tpu.memory_space<hbm>>
          tpu.wait_dma2 semaphore(%run_scoped3A : memref<!tpu.dma_semaphore, #tpu.memory_space<semaphore_mem>>) src(%dma_wait3A_131 : memref<80x128xf32, #tpu.memory_space<hbm>>) dst(%arg12 : memref<80x128xf32, #tpu.memory_space<vmem>>)
          tpu.yield
        }) : () -> ()
        %mul3A_124 = arith.constant 80 : i32
        %mul3A_125 = arith.muli %add3A_55, %mul3A_124 : i32
        "tpu.region"() ({
          %run_scoped3A = tpu.sem_alloc : memref<!tpu.dma_semaphore, #tpu.memory_space<semaphore_mem>>
          %dma_start3A = arith.constant 0 : i32
          %dma_start3A_126 = tpu.memref_slice %arg13[%mul3A_125, %dma_start3A] : memref<10000x128xf32, #tpu.memory_space<vmem_shared>> -> memref<80x128xf32, #tpu.memory_space<vmem_shared>>
          %dma_start3A_127 = arith.constant 0 : i32
          %dma_start3A_128 = tpu.memref_slice %arg13[%mul3A_125, %dma_start3A_127] : memref<10000x128xf32, #tpu.memory_space<vmem_shared>> -> memref<80x128xf32, #tpu.memory_space<vmem_shared>>
          tpu.enqueue_dma source(%arg12 : memref<80x128xf32, #tpu.memory_space<vmem>>) target(%dma_start3A_128 : memref<80x128xf32, #tpu.memory_space<vmem_shared>>) target_semaphore(%run_scoped3A : memref<!tpu.dma_semaphore, #tpu.memory_space<semaphore_mem>>)
          %dma_wait3A = arith.constant 0 : i32
          %dma_wait3A_129 = tpu.memref_slice %arg13[%mul3A_125, %dma_wait3A] : memref<10000x128xf32, #tpu.memory_space<vmem_shared>> -> memref<80x128xf32, #tpu.memory_space<vmem_shared>>
          %dma_wait3A_130 = arith.constant 0 : i32
          %dma_wait3A_131 = tpu.memref_slice %arg13[%mul3A_125, %dma_wait3A_130] : memref<10000x128xf32, #tpu.memory_space<vmem_shared>> -> memref<80x128xf32, #tpu.memory_space<vmem_shared>>
          tpu.wait_dma2 semaphore(%run_scoped3A : memref<!tpu.dma_semaphore, #tpu.memory_space<semaphore_mem>>) src(%arg12 : memref<80x128xf32, #tpu.memory_space<vmem>>) dst(%dma_wait3A_131 : memref<80x128xf32, #tpu.memory_space<vmem_shared>>)
          tpu.yield
        }) : () -> ()
      } else {
      }
      %barrier3A = arith.constant 0 : index
      tpu.barrier barrier_id(%barrier3A)
      %scan3A = arith.constant 0 : i32
      %scan3A_61 = arith.constant 0 : i32
      %scan3A_62 = arith.constant 10 : i32
      %scan3A_63 = arith.addi %scan3A_61, %scan3A_62 : i32
      %scan3A_64 = arith.constant 1 : i32
      scf.for %scan3A_123 = %scan3A_61 to %scan3A_63 step %scan3A_64  : i32 {
        %mul3A = arith.constant 20000 : i32
        %mul3A_124 = arith.muli %arg1, %mul3A : i32
        %mul3A_125 = arith.constant 2000 : i32
        %mul3A_126 = arith.muli %scan3A_123, %mul3A_125 : i32
        %add3A_127 = arith.addi %mul3A_124, %mul3A_126 : i32
        "tpu.region"() ({
          %run_scoped3A = tpu.sem_alloc : memref<!tpu.dma_semaphore, #tpu.memory_space<semaphore_mem>>
          %dma_start3A_143 = tpu.memref_slice %arg4[%add3A_127] : memref<320000xi32, #tpu.memory_space<hbm>> -> memref<2000xi32, #tpu.memory_space<hbm>>
          %dma_start3A_144 = tpu.memref_slice %arg4[%add3A_127] : memref<320000xi32, #tpu.memory_space<hbm>> -> memref<2000xi32, #tpu.memory_space<hbm>>
          tpu.enqueue_dma source(%dma_start3A_144 : memref<2000xi32, #tpu.memory_space<hbm>>) target(%arg8 : memref<2000xi32, #tpu.memory_space<vmem>>) target_semaphore(%run_scoped3A : memref<!tpu.dma_semaphore, #tpu.memory_space<semaphore_mem>>)
          %dma_wait3A = tpu.memref_slice %arg4[%add3A_127] : memref<320000xi32, #tpu.memory_space<hbm>> -> memref<2000xi32, #tpu.memory_space<hbm>>
          %dma_wait3A_145 = tpu.memref_slice %arg4[%add3A_127] : memref<320000xi32, #tpu.memory_space<hbm>> -> memref<2000xi32, #tpu.memory_space<hbm>>
          tpu.wait_dma2 semaphore(%run_scoped3A : memref<!tpu.dma_semaphore, #tpu.memory_space<semaphore_mem>>) src(%dma_wait3A_145 : memref<2000xi32, #tpu.memory_space<hbm>>) dst(%arg8 : memref<2000xi32, #tpu.memory_space<vmem>>)
          tpu.yield
        }) : () -> ()
        "tpu.region"() ({
          %run_scoped3A = tpu.sem_alloc : memref<!tpu.dma_semaphore, #tpu.memory_space<semaphore_mem>>
          %dma_start3A_143 = arith.constant 0 : i32
          %dma_start3A_144 = arith.constant 0 : i32
          %dma_start3A_145 = tpu.memref_slice %arg5[%arg1, %scan3A_123, %dma_start3A_143, %dma_start3A_144] : memref<16x10x25x80xi32, #tpu.memory_space<hbm>> -> memref<1x1x25x80xi32, #tpu.memory_space<hbm>>
          %dma_start3A_146 = tpu.memref_squeeze %dma_start3A_145 : memref<1x1x25x80xi32, #tpu.memory_space<hbm>> -> memref<25x80xi32, #tpu.memory_space<hbm>>
          %dma_start3A_147 = arith.constant 0 : i32
          %dma_start3A_148 = arith.constant 0 : i32
          %dma_start3A_149 = tpu.memref_slice %arg5[%arg1, %scan3A_123, %dma_start3A_147, %dma_start3A_148] : memref<16x10x25x80xi32, #tpu.memory_space<hbm>> -> memref<1x1x25x80xi32, #tpu.memory_space<hbm>>
          %dma_start3A_150 = tpu.memref_squeeze %dma_start3A_149 : memref<1x1x25x80xi32, #tpu.memory_space<hbm>> -> memref<25x80xi32, #tpu.memory_space<hbm>>
          tpu.enqueue_dma source(%dma_start3A_150 : memref<25x80xi32, #tpu.memory_space<hbm>>) target(%arg9 : memref<25x80xi32, #tpu.memory_space<vmem>>) target_semaphore(%run_scoped3A : memref<!tpu.dma_semaphore, #tpu.memory_space<semaphore_mem>>)
          %dma_wait3A = arith.constant 0 : i32
          %dma_wait3A_151 = arith.constant 0 : i32
          %dma_wait3A_152 = tpu.memref_slice %arg5[%arg1, %scan3A_123, %dma_wait3A, %dma_wait3A_151] : memref<16x10x25x80xi32, #tpu.memory_space<hbm>> -> memref<1x1x25x80xi32, #tpu.memory_space<hbm>>
          %dma_wait3A_153 = tpu.memref_squeeze %dma_wait3A_152 : memref<1x1x25x80xi32, #tpu.memory_space<hbm>> -> memref<25x80xi32, #tpu.memory_space<hbm>>
          %dma_wait3A_154 = arith.constant 0 : i32
          %dma_wait3A_155 = arith.constant 0 : i32
          %dma_wait3A_156 = tpu.memref_slice %arg5[%arg1, %scan3A_123, %dma_wait3A_154, %dma_wait3A_155] : memref<16x10x25x80xi32, #tpu.memory_space<hbm>> -> memref<1x1x25x80xi32, #tpu.memory_space<hbm>>
          %dma_wait3A_157 = tpu.memref_squeeze %dma_wait3A_156 : memref<1x1x25x80xi32, #tpu.memory_space<hbm>> -> memref<25x80xi32, #tpu.memory_space<hbm>>
          tpu.wait_dma2 semaphore(%run_scoped3A : memref<!tpu.dma_semaphore, #tpu.memory_space<semaphore_mem>>) src(%dma_wait3A_157 : memref<25x80xi32, #tpu.memory_space<hbm>>) dst(%arg9 : memref<25x80xi32, #tpu.memory_space<vmem>>)
          tpu.yield
        }) : () -> ()
        %dma_start3A = arith.constant 0 : i32
        %dma_start3A_128 = tpu.memref_slice %arg8[%dma_start3A] : memref<2000xi32, #tpu.memory_space<vmem>> -> memref<80xi32, #tpu.memory_space<vmem>>
        %dma_start3A_129 = arith.constant 0 : i32
        %dma_start3A_130 = arith.constant 0 : i32
        %dma_start3A_131 = tpu.memref_slice %arg3[%dma_start3A_129, %dma_start3A_130] : memref<10000x128xf32, #tpu.memory_space<hbm>> -> memref<10000x128xf32, #tpu.memory_space<hbm>>
        tpu.enqueue_indirect_dma source(%dma_start3A_131 : memref<10000x128xf32, #tpu.memory_space<hbm>>) target(%arg10 : memref<80x128xf32, #tpu.memory_space<vmem>>) offsets(%dma_start3A_128 : memref<80xi32, #tpu.memory_space<vmem>>) semaphore(%arg14 : memref<!tpu.dma_semaphore, #tpu.memory_space<semaphore_mem>>)
        %dma_start3A_132 = arith.constant 80 : i32
        %dma_start3A_133 = tpu.memref_slice %arg8[%dma_start3A_132] : memref<2000xi32, #tpu.memory_space<vmem>> -> memref<80xi32, #tpu.memory_space<vmem>>
        %dma_start3A_134 = arith.constant 0 : i32
        %dma_start3A_135 = arith.constant 0 : i32
        %dma_start3A_136 = tpu.memref_slice %arg3[%dma_start3A_134, %dma_start3A_135] : memref<10000x128xf32, #tpu.memory_space<hbm>> -> memref<10000x128xf32, #tpu.memory_space<hbm>>
        tpu.enqueue_indirect_dma source(%dma_start3A_136 : memref<10000x128xf32, #tpu.memory_space<hbm>>) target(%arg11 : memref<80x128xf32, #tpu.memory_space<vmem>>) offsets(%dma_start3A_133 : memref<80xi32, #tpu.memory_space<vmem>>) semaphore(%arg15 : memref<!tpu.dma_semaphore, #tpu.memory_space<semaphore_mem>>)
        %scan3A_137 = arith.constant 0 : i32
        %scan3A_138 = arith.constant 0 : i32
        %scan3A_139 = arith.constant 25 : i32
        %scan3A_140 = arith.addi %scan3A_138, %scan3A_139 : i32
        %scan3A_141 = arith.constant 1 : i32
        scf.for %scan3A_143 = %scan3A_138 to %scan3A_140 step %scan3A_141  : i32 {
          %jit3A = arith.constant 2 : i32
          %eq3A_144 = arith.constant 0 : i32
          %eq3A_145 = arith.cmpi eq, %jit3A, %eq3A_144 : i32
          %jit3A_146 = arith.constant 1 : i32
          %select_n3A = arith.select %eq3A_145, %jit3A_146, %jit3A : i32
          %rem3A = arith.remsi %scan3A_143, %select_n3A : i32
          %ne3A = arith.constant 0 : i32
          %ne3A_147 = arith.cmpi ne, %rem3A, %ne3A : i32
          %lt3A_148 = arith.constant 0 : i32
          %lt3A_149 = arith.cmpi slt, %rem3A, %lt3A_148 : i32
          %lt3A_150 = arith.constant 0 : i32
          %lt3A_151 = arith.cmpi slt, %select_n3A, %lt3A_150 : i32
          %ne3A_152 = arith.xori %lt3A_149, %lt3A_151 : i1
          %and3A = arith.andi %ne3A_152, %ne3A_147 : i1
          %add3A_153 = arith.addi %rem3A, %select_n3A : i32
          %select_n3A_154 = arith.select %and3A, %add3A_153, %rem3A : i32
          %eq3A_155 = arith.constant 0 : i32
          %eq3A_156 = arith.cmpi eq, %select_n3A_154, %eq3A_155 : i32
          %convert_element_type3A_157 = arith.extui %eq3A_156 : i1 to i32
          %cond3A_158 = arith.constant 0 : i32
          %cond3A_159 = arith.cmpi ne, %convert_element_type3A_157, %cond3A_158 : i32
          scf.if %cond3A_159 {
            %dma_wait3A = arith.constant 0 : i32
            %dma_wait3A_181 = arith.constant 0 : i32
            %dma_wait3A_182 = tpu.memref_slice %arg3[%dma_wait3A, %dma_wait3A_181] : memref<10000x128xf32, #tpu.memory_space<hbm>> -> memref<80x128xf32, #tpu.memory_space<hbm>>
            %dma_wait3A_183 = arith.constant 0 : i32
            %dma_wait3A_184 = arith.constant 0 : i32
            %dma_wait3A_185 = tpu.memref_slice %arg3[%dma_wait3A_183, %dma_wait3A_184] : memref<10000x128xf32, #tpu.memory_space<hbm>> -> memref<80x128xf32, #tpu.memory_space<hbm>>
            tpu.wait_dma2 semaphore(%arg14 : memref<!tpu.dma_semaphore, #tpu.memory_space<semaphore_mem>>) src(%dma_wait3A_185 : memref<80x128xf32, #tpu.memory_space<hbm>>) dst(%arg10 : memref<80x128xf32, #tpu.memory_space<vmem>>)
            "tpu.region"() ({
              %run_scoped3A = tpu.sem_alloc : memref<!tpu.dma_semaphore, #tpu.memory_space<semaphore_mem>>
              %dma_start3A_191 = arith.constant 0 : i32
              %dma_start3A_192 = tpu.memref_slice %arg9[%scan3A_143, %dma_start3A_191] : memref<25x80xi32, #tpu.memory_space<vmem>> -> memref<1x80xi32, #tpu.memory_space<vmem>>
              %dma_start3A_193 = tpu.memref_squeeze %dma_start3A_192 : memref<1x80xi32, #tpu.memory_space<vmem>> -> memref<80xi32, #tpu.memory_space<vmem>>
              %dma_start3A_194 = arith.constant 0 : i32
              %dma_start3A_195 = arith.constant 0 : i32
              %dma_start3A_196 = tpu.memref_slice %arg13[%dma_start3A_194, %dma_start3A_195] : memref<10000x128xf32, #tpu.memory_space<vmem_shared>> -> memref<10000x128xf32, #tpu.memory_space<vmem_shared>>
              tpu.enqueue_indirect_dma source(%arg10 : memref<80x128xf32, #tpu.memory_space<vmem>>) target(%dma_start3A_196 : memref<10000x128xf32, #tpu.memory_space<vmem_shared>>) offsets(%dma_start3A_193 : memref<80xi32, #tpu.memory_space<vmem>>) semaphore(%run_scoped3A : memref<!tpu.dma_semaphore, #tpu.memory_space<semaphore_mem>>) {add = true}
              %dma_wait3A_197 = arith.constant 0 : i32
              %dma_wait3A_198 = tpu.memref_slice %arg9[%scan3A_143, %dma_wait3A_197] : memref<25x80xi32, #tpu.memory_space<vmem>> -> memref<1x80xi32, #tpu.memory_space<vmem>>
              %dma_wait3A_199 = tpu.memref_squeeze %dma_wait3A_198 : memref<1x80xi32, #tpu.memory_space<vmem>> -> memref<80xi32, #tpu.memory_space<vmem>>
              %dma_wait3A_200 = arith.constant 0 : i32
              %dma_wait3A_201 = arith.constant 0 : i32
              %dma_wait3A_202 = tpu.memref_slice %arg13[%dma_wait3A_200, %dma_wait3A_201] : memref<10000x128xf32, #tpu.memory_space<vmem_shared>> -> memref<10000x128xf32, #tpu.memory_space<vmem_shared>>
              tpu.wait_indirect_dma semaphore(%run_scoped3A : memref<!tpu.dma_semaphore, #tpu.memory_space<semaphore_mem>>) src(%arg10 : memref<80x128xf32, #tpu.memory_space<vmem>>) dst(%dma_wait3A_202 : memref<10000x128xf32, #tpu.memory_space<vmem_shared>>)
              tpu.yield
            }) : () -> ()
            %lt3A_186 = arith.constant 23 : i32
            %lt3A_187 = arith.cmpi slt, %scan3A_143, %lt3A_186 : i32
            %convert_element_type3A_188 = arith.extui %lt3A_187 : i1 to i32
            %cond3A_189 = arith.constant 0 : i32
            %cond3A_190 = arith.cmpi ne, %convert_element_type3A_188, %cond3A_189 : i32
            scf.if %cond3A_190 {
              %add3A_191 = arith.constant 2 : i32
              %add3A_192 = arith.addi %scan3A_143, %add3A_191 : i32
              %mul3A_193 = arith.constant 80 : i32
              %mul3A_194 = arith.muli %add3A_192, %mul3A_193 : i32
              %dma_start3A_195 = tpu.memref_slice %arg8[%mul3A_194] : memref<2000xi32, #tpu.memory_space<vmem>> -> memref<80xi32, #tpu.memory_space<vmem>>
              %dma_start3A_196 = arith.constant 0 : i32
              %dma_start3A_197 = arith.constant 0 : i32
              %dma_start3A_198 = tpu.memref_slice %arg3[%dma_start3A_196, %dma_start3A_197] : memref<10000x128xf32, #tpu.memory_space<hbm>> -> memref<10000x128xf32, #tpu.memory_space<hbm>>
              tpu.enqueue_indirect_dma source(%dma_start3A_198 : memref<10000x128xf32, #tpu.memory_space<hbm>>) target(%arg10 : memref<80x128xf32, #tpu.memory_space<vmem>>) offsets(%dma_start3A_195 : memref<80xi32, #tpu.memory_space<vmem>>) semaphore(%arg14 : memref<!tpu.dma_semaphore, #tpu.memory_space<semaphore_mem>>)
            } else {
            }
          } else {
          }
          %jit3A_160 = arith.constant 2 : i32
          %eq3A_161 = arith.constant 0 : i32
          %eq3A_162 = arith.cmpi eq, %jit3A_160, %eq3A_161 : i32
          %jit3A_163 = arith.constant 1 : i32
          %select_n3A_164 = arith.select %eq3A_162, %jit3A_163, %jit3A_160 : i32
          %rem3A_165 = arith.remsi %scan3A_143, %select_n3A_164 : i32
          %ne3A_166 = arith.constant 0 : i32
          %ne3A_167 = arith.cmpi ne, %rem3A_165, %ne3A_166 : i32
          %lt3A_168 = arith.constant 0 : i32
          %lt3A_169 = arith.cmpi slt, %rem3A_165, %lt3A_168 : i32
          %lt3A_170 = arith.constant 0 : i32
          %lt3A_171 = arith.cmpi slt, %select_n3A_164, %lt3A_170 : i32
          %ne3A_172 = arith.xori %lt3A_169, %lt3A_171 : i1
          %and3A_173 = arith.andi %ne3A_172, %ne3A_167 : i1
          %add3A_174 = arith.addi %rem3A_165, %select_n3A_164 : i32
          %select_n3A_175 = arith.select %and3A_173, %add3A_174, %rem3A_165 : i32
          %eq3A_176 = arith.constant 1 : i32
          %eq3A_177 = arith.cmpi eq, %select_n3A_175, %eq3A_176 : i32
          %convert_element_type3A_178 = arith.extui %eq3A_177 : i1 to i32
          %cond3A_179 = arith.constant 0 : i32
          %cond3A_180 = arith.cmpi ne, %convert_element_type3A_178, %cond3A_179 : i32
          scf.if %cond3A_180 {
            %dma_wait3A = arith.constant 0 : i32
            %dma_wait3A_181 = arith.constant 0 : i32
            %dma_wait3A_182 = tpu.memref_slice %arg3[%dma_wait3A, %dma_wait3A_181] : memref<10000x128xf32, #tpu.memory_space<hbm>> -> memref<80x128xf32, #tpu.memory_space<hbm>>
            %dma_wait3A_183 = arith.constant 0 : i32
            %dma_wait3A_184 = arith.constant 0 : i32
            %dma_wait3A_185 = tpu.memref_slice %arg3[%dma_wait3A_183, %dma_wait3A_184] : memref<10000x128xf32, #tpu.memory_space<hbm>> -> memref<80x128xf32, #tpu.memory_space<hbm>>
            tpu.wait_dma2 semaphore(%arg15 : memref<!tpu.dma_semaphore, #tpu.memory_space<semaphore_mem>>) src(%dma_wait3A_185 : memref<80x128xf32, #tpu.memory_space<hbm>>) dst(%arg11 : memref<80x128xf32, #tpu.memory_space<vmem>>)
            "tpu.region"() ({
              %run_scoped3A = tpu.sem_alloc : memref<!tpu.dma_semaphore, #tpu.memory_space<semaphore_mem>>
              %dma_start3A_191 = arith.constant 0 : i32
              %dma_start3A_192 = tpu.memref_slice %arg9[%scan3A_143, %dma_start3A_191] : memref<25x80xi32, #tpu.memory_space<vmem>> -> memref<1x80xi32, #tpu.memory_space<vmem>>
              %dma_start3A_193 = tpu.memref_squeeze %dma_start3A_192 : memref<1x80xi32, #tpu.memory_space<vmem>> -> memref<80xi32, #tpu.memory_space<vmem>>
              %dma_start3A_194 = arith.constant 0 : i32
              %dma_start3A_195 = arith.constant 0 : i32
              %dma_start3A_196 = tpu.memref_slice %arg13[%dma_start3A_194, %dma_start3A_195] : memref<10000x128xf32, #tpu.memory_space<vmem_shared>> -> memref<10000x128xf32, #tpu.memory_space<vmem_shared>>
              tpu.enqueue_indirect_dma source(%arg11 : memref<80x128xf32, #tpu.memory_space<vmem>>) target(%dma_start3A_196 : memref<10000x128xf32, #tpu.memory_space<vmem_shared>>) offsets(%dma_start3A_193 : memref<80xi32, #tpu.memory_space<vmem>>) semaphore(%run_scoped3A : memref<!tpu.dma_semaphore, #tpu.memory_space<semaphore_mem>>) {add = true}
              %dma_wait3A_197 = arith.constant 0 : i32
              %dma_wait3A_198 = tpu.memref_slice %arg9[%scan3A_143, %dma_wait3A_197] : memref<25x80xi32, #tpu.memory_space<vmem>> -> memref<1x80xi32, #tpu.memory_space<vmem>>
              %dma_wait3A_199 = tpu.memref_squeeze %dma_wait3A_198 : memref<1x80xi32, #tpu.memory_space<vmem>> -> memref<80xi32, #tpu.memory_space<vmem>>
              %dma_wait3A_200 = arith.constant 0 : i32
              %dma_wait3A_201 = arith.constant 0 : i32
              %dma_wait3A_202 = tpu.memref_slice %arg13[%dma_wait3A_200, %dma_wait3A_201] : memref<10000x128xf32, #tpu.memory_space<vmem_shared>> -> memref<10000x128xf32, #tpu.memory_space<vmem_shared>>
              tpu.wait_indirect_dma semaphore(%run_scoped3A : memref<!tpu.dma_semaphore, #tpu.memory_space<semaphore_mem>>) src(%arg11 : memref<80x128xf32, #tpu.memory_space<vmem>>) dst(%dma_wait3A_202 : memref<10000x128xf32, #tpu.memory_space<vmem_shared>>)
              tpu.yield
            }) : () -> ()
            %lt3A_186 = arith.constant 23 : i32
            %lt3A_187 = arith.cmpi slt, %scan3A_143, %lt3A_186 : i32
            %convert_element_type3A_188 = arith.extui %lt3A_187 : i1 to i32
            %cond3A_189 = arith.constant 0 : i32
            %cond3A_190 = arith.cmpi ne, %convert_element_type3A_188, %cond3A_189 : i32
            scf.if %cond3A_190 {
              %add3A_191 = arith.constant 2 : i32
              %add3A_192 = arith.addi %scan3A_143, %add3A_191 : i32
              %mul3A_193 = arith.constant 80 : i32
              %mul3A_194 = arith.muli %add3A_192, %mul3A_193 : i32
              %dma_start3A_195 = tpu.memref_slice %arg8[%mul3A_194] : memref<2000xi32, #tpu.memory_space<vmem>> -> memref<80xi32, #tpu.memory_space<vmem>>
              %dma_start3A_196 = arith.constant 0 : i32
              %dma_start3A_197 = arith.constant 0 : i32
              %dma_start3A_198 = tpu.memref_slice %arg3[%dma_start3A_196, %dma_start3A_197] : memref<10000x128xf32, #tpu.memory_space<hbm>> -> memref<10000x128xf32, #tpu.memory_space<hbm>>
              tpu.enqueue_indirect_dma source(%dma_start3A_198 : memref<10000x128xf32, #tpu.memory_space<hbm>>) target(%arg11 : memref<80x128xf32, #tpu.memory_space<vmem>>) offsets(%dma_start3A_195 : memref<80xi32, #tpu.memory_space<vmem>>) semaphore(%arg15 : memref<!tpu.dma_semaphore, #tpu.memory_space<semaphore_mem>>)
            } else {
            }
          } else {
          }
        }
        %scan3A_142 = arith.constant 25 : i32
      }
      %scan3A_65 = arith.constant 10 : i32
      %barrier3A_66 = arith.constant 0 : index
      tpu.barrier barrier_id(%barrier3A_66)
      %add3A_67 = arith.constant 0 : i32
      %add3A_68 = arith.addi %arg1, %add3A_67 : i32
      %lt3A_69 = arith.constant 125 : i32
      %lt3A_70 = arith.cmpi slt, %add3A_68, %lt3A_69 : i32
      %convert_element_type3A_71 = arith.extui %lt3A_70 : i1 to i32
      %cond3A_72 = arith.constant 0 : i32
      %cond3A_73 = arith.cmpi ne, %convert_element_type3A_71, %cond3A_72 : i32
      scf.if %cond3A_73 {
        %mul3A = arith.constant 80 : i32
        %mul3A_123 = arith.muli %add3A_68, %mul3A : i32
        "tpu.region"() ({
          %run_scoped3A = tpu.sem_alloc : memref<!tpu.dma_semaphore, #tpu.memory_space<semaphore_mem>>
          %dma_start3A = arith.constant 0 : i32
          %dma_start3A_126 = tpu.memref_slice %arg13[%mul3A_123, %dma_start3A] : memref<10000x128xf32, #tpu.memory_space<vmem_shared>> -> memref<80x128xf32, #tpu.memory_space<vmem_shared>>
          %dma_start3A_127 = arith.constant 0 : i32
          %dma_start3A_128 = tpu.memref_slice %arg13[%mul3A_123, %dma_start3A_127] : memref<10000x128xf32, #tpu.memory_space<vmem_shared>> -> memref<80x128xf32, #tpu.memory_space<vmem_shared>>
          tpu.enqueue_dma source(%dma_start3A_128 : memref<80x128xf32, #tpu.memory_space<vmem_shared>>) target(%arg12 : memref<80x128xf32, #tpu.memory_space<vmem>>) target_semaphore(%run_scoped3A : memref<!tpu.dma_semaphore, #tpu.memory_space<semaphore_mem>>)
          %dma_wait3A = arith.constant 0 : i32
          %dma_wait3A_129 = tpu.memref_slice %arg13[%mul3A_123, %dma_wait3A] : memref<10000x128xf32, #tpu.memory_space<vmem_shared>> -> memref<80x128xf32, #tpu.memory_space<vmem_shared>>
          %dma_wait3A_130 = arith.constant 0 : i32
          %dma_wait3A_131 = tpu.memref_slice %arg13[%mul3A_123, %dma_wait3A_130] : memref<10000x128xf32, #tpu.memory_space<vmem_shared>> -> memref<80x128xf32, #tpu.memory_space<vmem_shared>>
          tpu.wait_dma2 semaphore(%run_scoped3A : memref<!tpu.dma_semaphore, #tpu.memory_space<semaphore_mem>>) src(%dma_wait3A_131 : memref<80x128xf32, #tpu.memory_space<vmem_shared>>) dst(%arg12 : memref<80x128xf32, #tpu.memory_space<vmem>>)
          tpu.yield
        }) : () -> ()
        %mul3A_124 = arith.constant 80 : i32
        %mul3A_125 = arith.muli %add3A_68, %mul3A_124 : i32
        "tpu.region"() ({
          %run_scoped3A = tpu.sem_alloc : memref<!tpu.dma_semaphore, #tpu.memory_space<semaphore_mem>>
          %dma_start3A = arith.constant 0 : i32
          %dma_start3A_126 = tpu.memref_slice %arg7[%mul3A_125, %dma_start3A] : memref<10000x128xf32, #tpu.memory_space<hbm>> -> memref<80x128xf32, #tpu.memory_space<hbm>>
          %dma_start3A_127 = arith.constant 0 : i32
          %dma_start3A_128 = tpu.memref_slice %arg7[%mul3A_125, %dma_start3A_127] : memref<10000x128xf32, #tpu.memory_space<hbm>> -> memref<80x128xf32, #tpu.memory_space<hbm>>
          tpu.enqueue_dma source(%arg12 : memref<80x128xf32, #tpu.memory_space<vmem>>) target(%dma_start3A_128 : memref<80x128xf32, #tpu.memory_space<hbm>>) target_semaphore(%run_scoped3A : memref<!tpu.dma_semaphore, #tpu.memory_space<semaphore_mem>>)
          %dma_wait3A = arith.constant 0 : i32
          %dma_wait3A_129 = tpu.memref_slice %arg7[%mul3A_125, %dma_wait3A] : memref<10000x128xf32, #tpu.memory_space<hbm>> -> memref<80x128xf32, #tpu.memory_space<hbm>>
          %dma_wait3A_130 = arith.constant 0 : i32
          %dma_wait3A_131 = tpu.memref_slice %arg7[%mul3A_125, %dma_wait3A_130] : memref<10000x128xf32, #tpu.memory_space<hbm>> -> memref<80x128xf32, #tpu.memory_space<hbm>>
          tpu.wait_dma2 semaphore(%run_scoped3A : memref<!tpu.dma_semaphore, #tpu.memory_space<semaphore_mem>>) src(%arg12 : memref<80x128xf32, #tpu.memory_space<vmem>>) dst(%dma_wait3A_131 : memref<80x128xf32, #tpu.memory_space<hbm>>)
          tpu.yield
        }) : () -> ()
      } else {
      }
      %add3A_74 = arith.constant 16 : i32
      %add3A_75 = arith.addi %arg1, %add3A_74 : i32
      %lt3A_76 = arith.constant 125 : i32
      %lt3A_77 = arith.cmpi slt, %add3A_75, %lt3A_76 : i32
      %convert_element_type3A_78 = arith.extui %lt3A_77 : i1 to i32
      %cond3A_79 = arith.constant 0 : i32
      %cond3A_80 = arith.cmpi ne, %convert_element_type3A_78, %cond3A_79 : i32
      scf.if %cond3A_80 {
        %mul3A = arith.constant 80 : i32
        %mul3A_123 = arith.muli %add3A_75, %mul3A : i32
        "tpu.region"() ({
          %run_scoped3A = tpu.sem_alloc : memref<!tpu.dma_semaphore, #tpu.memory_space<semaphore_mem>>
          %dma_start3A = arith.constant 0 : i32
          %dma_start3A_126 = tpu.memref_slice %arg13[%mul3A_123, %dma_start3A] : memref<10000x128xf32, #tpu.memory_space<vmem_shared>> -> memref<80x128xf32, #tpu.memory_space<vmem_shared>>
          %dma_start3A_127 = arith.constant 0 : i32
          %dma_start3A_128 = tpu.memref_slice %arg13[%mul3A_123, %dma_start3A_127] : memref<10000x128xf32, #tpu.memory_space<vmem_shared>> -> memref<80x128xf32, #tpu.memory_space<vmem_shared>>
          tpu.enqueue_dma source(%dma_start3A_128 : memref<80x128xf32, #tpu.memory_space<vmem_shared>>) target(%arg12 : memref<80x128xf32, #tpu.memory_space<vmem>>) target_semaphore(%run_scoped3A : memref<!tpu.dma_semaphore, #tpu.memory_space<semaphore_mem>>)
          %dma_wait3A = arith.constant 0 : i32
          %dma_wait3A_129 = tpu.memref_slice %arg13[%mul3A_123, %dma_wait3A] : memref<10000x128xf32, #tpu.memory_space<vmem_shared>> -> memref<80x128xf32, #tpu.memory_space<vmem_shared>>
          %dma_wait3A_130 = arith.constant 0 : i32
          %dma_wait3A_131 = tpu.memref_slice %arg13[%mul3A_123, %dma_wait3A_130] : memref<10000x128xf32, #tpu.memory_space<vmem_shared>> -> memref<80x128xf32, #tpu.memory_space<vmem_shared>>
          tpu.wait_dma2 semaphore(%run_scoped3A : memref<!tpu.dma_semaphore, #tpu.memory_space<semaphore_mem>>) src(%dma_wait3A_131 : memref<80x128xf32, #tpu.memory_space<vmem_shared>>) dst(%arg12 : memref<80x128xf32, #tpu.memory_space<vmem>>)
          tpu.yield
        }) : () -> ()
        %mul3A_124 = arith.constant 80 : i32
        %mul3A_125 = arith.muli %add3A_75, %mul3A_124 : i32
        "tpu.region"() ({
          %run_scoped3A = tpu.sem_alloc : memref<!tpu.dma_semaphore, #tpu.memory_space<semaphore_mem>>
          %dma_start3A = arith.constant 0 : i32
          %dma_start3A_126 = tpu.memref_slice %arg7[%mul3A_125, %dma_start3A] : memref<10000x128xf32, #tpu.memory_space<hbm>> -> memref<80x128xf32, #tpu.memory_space<hbm>>
          %dma_start3A_127 = arith.constant 0 : i32
          %dma_start3A_128 = tpu.memref_slice %arg7[%mul3A_125, %dma_start3A_127] : memref<10000x128xf32, #tpu.memory_space<hbm>> -> memref<80x128xf32, #tpu.memory_space<hbm>>
          tpu.enqueue_dma source(%arg12 : memref<80x128xf32, #tpu.memory_space<vmem>>) target(%dma_start3A_128 : memref<80x128xf32, #tpu.memory_space<hbm>>) target_semaphore(%run_scoped3A : memref<!tpu.dma_semaphore, #tpu.memory_space<semaphore_mem>>)
          %dma_wait3A = arith.constant 0 : i32
          %dma_wait3A_129 = tpu.memref_slice %arg7[%mul3A_125, %dma_wait3A] : memref<10000x128xf32, #tpu.memory_space<hbm>> -> memref<80x128xf32, #tpu.memory_space<hbm>>
          %dma_wait3A_130 = arith.constant 0 : i32
          %dma_wait3A_131 = tpu.memref_slice %arg7[%mul3A_125, %dma_wait3A_130] : memref<10000x128xf32, #tpu.memory_space<hbm>> -> memref<80x128xf32, #tpu.memory_space<hbm>>
          tpu.wait_dma2 semaphore(%run_scoped3A : memref<!tpu.dma_semaphore, #tpu.memory_space<semaphore_mem>>) src(%arg12 : memref<80x128xf32, #tpu.memory_space<vmem>>) dst(%dma_wait3A_131 : memref<80x128xf32, #tpu.memory_space<hbm>>)
          tpu.yield
        }) : () -> ()
      } else {
      }
      %add3A_81 = arith.constant 32 : i32
      %add3A_82 = arith.addi %arg1, %add3A_81 : i32
      %lt3A_83 = arith.constant 125 : i32
      %lt3A_84 = arith.cmpi slt, %add3A_82, %lt3A_83 : i32
      %convert_element_type3A_85 = arith.extui %lt3A_84 : i1 to i32
      %cond3A_86 = arith.constant 0 : i32
      %cond3A_87 = arith.cmpi ne, %convert_element_type3A_85, %cond3A_86 : i32
      scf.if %cond3A_87 {
        %mul3A = arith.constant 80 : i32
        %mul3A_123 = arith.muli %add3A_82, %mul3A : i32
        "tpu.region"() ({
          %run_scoped3A = tpu.sem_alloc : memref<!tpu.dma_semaphore, #tpu.memory_space<semaphore_mem>>
          %dma_start3A = arith.constant 0 : i32
          %dma_start3A_126 = tpu.memref_slice %arg13[%mul3A_123, %dma_start3A] : memref<10000x128xf32, #tpu.memory_space<vmem_shared>> -> memref<80x128xf32, #tpu.memory_space<vmem_shared>>
          %dma_start3A_127 = arith.constant 0 : i32
          %dma_start3A_128 = tpu.memref_slice %arg13[%mul3A_123, %dma_start3A_127] : memref<10000x128xf32, #tpu.memory_space<vmem_shared>> -> memref<80x128xf32, #tpu.memory_space<vmem_shared>>
          tpu.enqueue_dma source(%dma_start3A_128 : memref<80x128xf32, #tpu.memory_space<vmem_shared>>) target(%arg12 : memref<80x128xf32, #tpu.memory_space<vmem>>) target_semaphore(%run_scoped3A : memref<!tpu.dma_semaphore, #tpu.memory_space<semaphore_mem>>)
          %dma_wait3A = arith.constant 0 : i32
          %dma_wait3A_129 = tpu.memref_slice %arg13[%mul3A_123, %dma_wait3A] : memref<10000x128xf32, #tpu.memory_space<vmem_shared>> -> memref<80x128xf32, #tpu.memory_space<vmem_shared>>
          %dma_wait3A_130 = arith.constant 0 : i32
          %dma_wait3A_131 = tpu.memref_slice %arg13[%mul3A_123, %dma_wait3A_130] : memref<10000x128xf32, #tpu.memory_space<vmem_shared>> -> memref<80x128xf32, #tpu.memory_space<vmem_shared>>
          tpu.wait_dma2 semaphore(%run_scoped3A : memref<!tpu.dma_semaphore, #tpu.memory_space<semaphore_mem>>) src(%dma_wait3A_131 : memref<80x128xf32, #tpu.memory_space<vmem_shared>>) dst(%arg12 : memref<80x128xf32, #tpu.memory_space<vmem>>)
          tpu.yield
        }) : () -> ()
        %mul3A_124 = arith.constant 80 : i32
        %mul3A_125 = arith.muli %add3A_82, %mul3A_124 : i32
        "tpu.region"() ({
          %run_scoped3A = tpu.sem_alloc : memref<!tpu.dma_semaphore, #tpu.memory_space<semaphore_mem>>
          %dma_start3A = arith.constant 0 : i32
          %dma_start3A_126 = tpu.memref_slice %arg7[%mul3A_125, %dma_start3A] : memref<10000x128xf32, #tpu.memory_space<hbm>> -> memref<80x128xf32, #tpu.memory_space<hbm>>
          %dma_start3A_127 = arith.constant 0 : i32
          %dma_start3A_128 = tpu.memref_slice %arg7[%mul3A_125, %dma_start3A_127] : memref<10000x128xf32, #tpu.memory_space<hbm>> -> memref<80x128xf32, #tpu.memory_space<hbm>>
          tpu.enqueue_dma source(%arg12 : memref<80x128xf32, #tpu.memory_space<vmem>>) target(%dma_start3A_128 : memref<80x128xf32, #tpu.memory_space<hbm>>) target_semaphore(%run_scoped3A : memref<!tpu.dma_semaphore, #tpu.memory_space<semaphore_mem>>)
          %dma_wait3A = arith.constant 0 : i32
          %dma_wait3A_129 = tpu.memref_slice %arg7[%mul3A_125, %dma_wait3A] : memref<10000x128xf32, #tpu.memory_space<hbm>> -> memref<80x128xf32, #tpu.memory_space<hbm>>
          %dma_wait3A_130 = arith.constant 0 : i32
          %dma_wait3A_131 = tpu.memref_slice %arg7[%mul3A_125, %dma_wait3A_130] : memref<10000x128xf32, #tpu.memory_space<hbm>> -> memref<80x128xf32, #tpu.memory_space<hbm>>
          tpu.wait_dma2 semaphore(%run_scoped3A : memref<!tpu.dma_semaphore, #tpu.memory_space<semaphore_mem>>) src(%arg12 : memref<80x128xf32, #tpu.memory_space<vmem>>) dst(%dma_wait3A_131 : memref<80x128xf32, #tpu.memory_space<hbm>>)
          tpu.yield
        }) : () -> ()
      } else {
      }
      %add3A_88 = arith.constant 48 : i32
      %add3A_89 = arith.addi %arg1, %add3A_88 : i32
      %lt3A_90 = arith.constant 125 : i32
      %lt3A_91 = arith.cmpi slt, %add3A_89, %lt3A_90 : i32
      %convert_element_type3A_92 = arith.extui %lt3A_91 : i1 to i32
      %cond3A_93 = arith.constant 0 : i32
      %cond3A_94 = arith.cmpi ne, %convert_element_type3A_92, %cond3A_93 : i32
      scf.if %cond3A_94 {
        %mul3A = arith.constant 80 : i32
        %mul3A_123 = arith.muli %add3A_89, %mul3A : i32
        "tpu.region"() ({
          %run_scoped3A = tpu.sem_alloc : memref<!tpu.dma_semaphore, #tpu.memory_space<semaphore_mem>>
          %dma_start3A = arith.constant 0 : i32
          %dma_start3A_126 = tpu.memref_slice %arg13[%mul3A_123, %dma_start3A] : memref<10000x128xf32, #tpu.memory_space<vmem_shared>> -> memref<80x128xf32, #tpu.memory_space<vmem_shared>>
          %dma_start3A_127 = arith.constant 0 : i32
          %dma_start3A_128 = tpu.memref_slice %arg13[%mul3A_123, %dma_start3A_127] : memref<10000x128xf32, #tpu.memory_space<vmem_shared>> -> memref<80x128xf32, #tpu.memory_space<vmem_shared>>
          tpu.enqueue_dma source(%dma_start3A_128 : memref<80x128xf32, #tpu.memory_space<vmem_shared>>) target(%arg12 : memref<80x128xf32, #tpu.memory_space<vmem>>) target_semaphore(%run_scoped3A : memref<!tpu.dma_semaphore, #tpu.memory_space<semaphore_mem>>)
          %dma_wait3A = arith.constant 0 : i32
          %dma_wait3A_129 = tpu.memref_slice %arg13[%mul3A_123, %dma_wait3A] : memref<10000x128xf32, #tpu.memory_space<vmem_shared>> -> memref<80x128xf32, #tpu.memory_space<vmem_shared>>
          %dma_wait3A_130 = arith.constant 0 : i32
          %dma_wait3A_131 = tpu.memref_slice %arg13[%mul3A_123, %dma_wait3A_130] : memref<10000x128xf32, #tpu.memory_space<vmem_shared>> -> memref<80x128xf32, #tpu.memory_space<vmem_shared>>
          tpu.wait_dma2 semaphore(%run_scoped3A : memref<!tpu.dma_semaphore, #tpu.memory_space<semaphore_mem>>) src(%dma_wait3A_131 : memref<80x128xf32, #tpu.memory_space<vmem_shared>>) dst(%arg12 : memref<80x128xf32, #tpu.memory_space<vmem>>)
          tpu.yield
        }) : () -> ()
        %mul3A_124 = arith.constant 80 : i32
        %mul3A_125 = arith.muli %add3A_89, %mul3A_124 : i32
        "tpu.region"() ({
          %run_scoped3A = tpu.sem_alloc : memref<!tpu.dma_semaphore, #tpu.memory_space<semaphore_mem>>
          %dma_start3A = arith.constant 0 : i32
          %dma_start3A_126 = tpu.memref_slice %arg7[%mul3A_125, %dma_start3A] : memref<10000x128xf32, #tpu.memory_space<hbm>> -> memref<80x128xf32, #tpu.memory_space<hbm>>
          %dma_start3A_127 = arith.constant 0 : i32
          %dma_start3A_128 = tpu.memref_slice %arg7[%mul3A_125, %dma_start3A_127] : memref<10000x128xf32, #tpu.memory_space<hbm>> -> memref<80x128xf32, #tpu.memory_space<hbm>>
          tpu.enqueue_dma source(%arg12 : memref<80x128xf32, #tpu.memory_space<vmem>>) target(%dma_start3A_128 : memref<80x128xf32, #tpu.memory_space<hbm>>) target_semaphore(%run_scoped3A : memref<!tpu.dma_semaphore, #tpu.memory_space<semaphore_mem>>)
          %dma_wait3A = arith.constant 0 : i32
          %dma_wait3A_129 = tpu.memref_slice %arg7[%mul3A_125, %dma_wait3A] : memref<10000x128xf32, #tpu.memory_space<hbm>> -> memref<80x128xf32, #tpu.memory_space<hbm>>
          %dma_wait3A_130 = arith.constant 0 : i32
          %dma_wait3A_131 = tpu.memref_slice %arg7[%mul3A_125, %dma_wait3A_130] : memref<10000x128xf32, #tpu.memory_space<hbm>> -> memref<80x128xf32, #tpu.memory_space<hbm>>
          tpu.wait_dma2 semaphore(%run_scoped3A : memref<!tpu.dma_semaphore, #tpu.memory_space<semaphore_mem>>) src(%arg12 : memref<80x128xf32, #tpu.memory_space<vmem>>) dst(%dma_wait3A_131 : memref<80x128xf32, #tpu.memory_space<hbm>>)
          tpu.yield
        }) : () -> ()
      } else {
      }
      %add3A_95 = arith.constant 64 : i32
      %add3A_96 = arith.addi %arg1, %add3A_95 : i32
      %lt3A_97 = arith.constant 125 : i32
      %lt3A_98 = arith.cmpi slt, %add3A_96, %lt3A_97 : i32
      %convert_element_type3A_99 = arith.extui %lt3A_98 : i1 to i32
      %cond3A_100 = arith.constant 0 : i32
      %cond3A_101 = arith.cmpi ne, %convert_element_type3A_99, %cond3A_100 : i32
      scf.if %cond3A_101 {
        %mul3A = arith.constant 80 : i32
        %mul3A_123 = arith.muli %add3A_96, %mul3A : i32
        "tpu.region"() ({
          %run_scoped3A = tpu.sem_alloc : memref<!tpu.dma_semaphore, #tpu.memory_space<semaphore_mem>>
          %dma_start3A = arith.constant 0 : i32
          %dma_start3A_126 = tpu.memref_slice %arg13[%mul3A_123, %dma_start3A] : memref<10000x128xf32, #tpu.memory_space<vmem_shared>> -> memref<80x128xf32, #tpu.memory_space<vmem_shared>>
          %dma_start3A_127 = arith.constant 0 : i32
          %dma_start3A_128 = tpu.memref_slice %arg13[%mul3A_123, %dma_start3A_127] : memref<10000x128xf32, #tpu.memory_space<vmem_shared>> -> memref<80x128xf32, #tpu.memory_space<vmem_shared>>
          tpu.enqueue_dma source(%dma_start3A_128 : memref<80x128xf32, #tpu.memory_space<vmem_shared>>) target(%arg12 : memref<80x128xf32, #tpu.memory_space<vmem>>) target_semaphore(%run_scoped3A : memref<!tpu.dma_semaphore, #tpu.memory_space<semaphore_mem>>)
          %dma_wait3A = arith.constant 0 : i32
          %dma_wait3A_129 = tpu.memref_slice %arg13[%mul3A_123, %dma_wait3A] : memref<10000x128xf32, #tpu.memory_space<vmem_shared>> -> memref<80x128xf32, #tpu.memory_space<vmem_shared>>
          %dma_wait3A_130 = arith.constant 0 : i32
          %dma_wait3A_131 = tpu.memref_slice %arg13[%mul3A_123, %dma_wait3A_130] : memref<10000x128xf32, #tpu.memory_space<vmem_shared>> -> memref<80x128xf32, #tpu.memory_space<vmem_shared>>
          tpu.wait_dma2 semaphore(%run_scoped3A : memref<!tpu.dma_semaphore, #tpu.memory_space<semaphore_mem>>) src(%dma_wait3A_131 : memref<80x128xf32, #tpu.memory_space<vmem_shared>>) dst(%arg12 : memref<80x128xf32, #tpu.memory_space<vmem>>)
          tpu.yield
        }) : () -> ()
        %mul3A_124 = arith.constant 80 : i32
        %mul3A_125 = arith.muli %add3A_96, %mul3A_124 : i32
        "tpu.region"() ({
          %run_scoped3A = tpu.sem_alloc : memref<!tpu.dma_semaphore, #tpu.memory_space<semaphore_mem>>
          %dma_start3A = arith.constant 0 : i32
          %dma_start3A_126 = tpu.memref_slice %arg7[%mul3A_125, %dma_start3A] : memref<10000x128xf32, #tpu.memory_space<hbm>> -> memref<80x128xf32, #tpu.memory_space<hbm>>
          %dma_start3A_127 = arith.constant 0 : i32
          %dma_start3A_128 = tpu.memref_slice %arg7[%mul3A_125, %dma_start3A_127] : memref<10000x128xf32, #tpu.memory_space<hbm>> -> memref<80x128xf32, #tpu.memory_space<hbm>>
          tpu.enqueue_dma source(%arg12 : memref<80x128xf32, #tpu.memory_space<vmem>>) target(%dma_start3A_128 : memref<80x128xf32, #tpu.memory_space<hbm>>) target_semaphore(%run_scoped3A : memref<!tpu.dma_semaphore, #tpu.memory_space<semaphore_mem>>)
          %dma_wait3A = arith.constant 0 : i32
          %dma_wait3A_129 = tpu.memref_slice %arg7[%mul3A_125, %dma_wait3A] : memref<10000x128xf32, #tpu.memory_space<hbm>> -> memref<80x128xf32, #tpu.memory_space<hbm>>
          %dma_wait3A_130 = arith.constant 0 : i32
          %dma_wait3A_131 = tpu.memref_slice %arg7[%mul3A_125, %dma_wait3A_130] : memref<10000x128xf32, #tpu.memory_space<hbm>> -> memref<80x128xf32, #tpu.memory_space<hbm>>
          tpu.wait_dma2 semaphore(%run_scoped3A : memref<!tpu.dma_semaphore, #tpu.memory_space<semaphore_mem>>) src(%arg12 : memref<80x128xf32, #tpu.memory_space<vmem>>) dst(%dma_wait3A_131 : memref<80x128xf32, #tpu.memory_space<hbm>>)
          tpu.yield
        }) : () -> ()
      } else {
      }
      %add3A_102 = arith.constant 80 : i32
      %add3A_103 = arith.addi %arg1, %add3A_102 : i32
      %lt3A_104 = arith.constant 125 : i32
      %lt3A_105 = arith.cmpi slt, %add3A_103, %lt3A_104 : i32
      %convert_element_type3A_106 = arith.extui %lt3A_105 : i1 to i32
      %cond3A_107 = arith.constant 0 : i32
      %cond3A_108 = arith.cmpi ne, %convert_element_type3A_106, %cond3A_107 : i32
      scf.if %cond3A_108 {
        %mul3A = arith.constant 80 : i32
        %mul3A_123 = arith.muli %add3A_103, %mul3A : i32
        "tpu.region"() ({
          %run_scoped3A = tpu.sem_alloc : memref<!tpu.dma_semaphore, #tpu.memory_space<semaphore_mem>>
          %dma_start3A = arith.constant 0 : i32
          %dma_start3A_126 = tpu.memref_slice %arg13[%mul3A_123, %dma_start3A] : memref<10000x128xf32, #tpu.memory_space<vmem_shared>> -> memref<80x128xf32, #tpu.memory_space<vmem_shared>>
          %dma_start3A_127 = arith.constant 0 : i32
          %dma_start3A_128 = tpu.memref_slice %arg13[%mul3A_123, %dma_start3A_127] : memref<10000x128xf32, #tpu.memory_space<vmem_shared>> -> memref<80x128xf32, #tpu.memory_space<vmem_shared>>
          tpu.enqueue_dma source(%dma_start3A_128 : memref<80x128xf32, #tpu.memory_space<vmem_shared>>) target(%arg12 : memref<80x128xf32, #tpu.memory_space<vmem>>) target_semaphore(%run_scoped3A : memref<!tpu.dma_semaphore, #tpu.memory_space<semaphore_mem>>)
          %dma_wait3A = arith.constant 0 : i32
          %dma_wait3A_129 = tpu.memref_slice %arg13[%mul3A_123, %dma_wait3A] : memref<10000x128xf32, #tpu.memory_space<vmem_shared>> -> memref<80x128xf32, #tpu.memory_space<vmem_shared>>
          %dma_wait3A_130 = arith.constant 0 : i32
          %dma_wait3A_131 = tpu.memref_slice %arg13[%mul3A_123, %dma_wait3A_130] : memref<10000x128xf32, #tpu.memory_space<vmem_shared>> -> memref<80x128xf32, #tpu.memory_space<vmem_shared>>
          tpu.wait_dma2 semaphore(%run_scoped3A : memref<!tpu.dma_semaphore, #tpu.memory_space<semaphore_mem>>) src(%dma_wait3A_131 : memref<80x128xf32, #tpu.memory_space<vmem_shared>>) dst(%arg12 : memref<80x128xf32, #tpu.memory_space<vmem>>)
          tpu.yield
        }) : () -> ()
        %mul3A_124 = arith.constant 80 : i32
        %mul3A_125 = arith.muli %add3A_103, %mul3A_124 : i32
        "tpu.region"() ({
          %run_scoped3A = tpu.sem_alloc : memref<!tpu.dma_semaphore, #tpu.memory_space<semaphore_mem>>
          %dma_start3A = arith.constant 0 : i32
          %dma_start3A_126 = tpu.memref_slice %arg7[%mul3A_125, %dma_start3A] : memref<10000x128xf32, #tpu.memory_space<hbm>> -> memref<80x128xf32, #tpu.memory_space<hbm>>
          %dma_start3A_127 = arith.constant 0 : i32
          %dma_start3A_128 = tpu.memref_slice %arg7[%mul3A_125, %dma_start3A_127] : memref<10000x128xf32, #tpu.memory_space<hbm>> -> memref<80x128xf32, #tpu.memory_space<hbm>>
          tpu.enqueue_dma source(%arg12 : memref<80x128xf32, #tpu.memory_space<vmem>>) target(%dma_start3A_128 : memref<80x128xf32, #tpu.memory_space<hbm>>) target_semaphore(%run_scoped3A : memref<!tpu.dma_semaphore, #tpu.memory_space<semaphore_mem>>)
          %dma_wait3A = arith.constant 0 : i32
          %dma_wait3A_129 = tpu.memref_slice %arg7[%mul3A_125, %dma_wait3A] : memref<10000x128xf32, #tpu.memory_space<hbm>> -> memref<80x128xf32, #tpu.memory_space<hbm>>
          %dma_wait3A_130 = arith.constant 0 : i32
          %dma_wait3A_131 = tpu.memref_slice %arg7[%mul3A_125, %dma_wait3A_130] : memref<10000x128xf32, #tpu.memory_space<hbm>> -> memref<80x128xf32, #tpu.memory_space<hbm>>
          tpu.wait_dma2 semaphore(%run_scoped3A : memref<!tpu.dma_semaphore, #tpu.memory_space<semaphore_mem>>) src(%arg12 : memref<80x128xf32, #tpu.memory_space<vmem>>) dst(%dma_wait3A_131 : memref<80x128xf32, #tpu.memory_space<hbm>>)
          tpu.yield
        }) : () -> ()
      } else {
      }
      %add3A_109 = arith.constant 96 : i32
      %add3A_110 = arith.addi %arg1, %add3A_109 : i32
      %lt3A_111 = arith.constant 125 : i32
      %lt3A_112 = arith.cmpi slt, %add3A_110, %lt3A_111 : i32
      %convert_element_type3A_113 = arith.extui %lt3A_112 : i1 to i32
      %cond3A_114 = arith.constant 0 : i32
      %cond3A_115 = arith.cmpi ne, %convert_element_type3A_113, %cond3A_114 : i32
      scf.if %cond3A_115 {
        %mul3A = arith.constant 80 : i32
        %mul3A_123 = arith.muli %add3A_110, %mul3A : i32
        "tpu.region"() ({
          %run_scoped3A = tpu.sem_alloc : memref<!tpu.dma_semaphore, #tpu.memory_space<semaphore_mem>>
          %dma_start3A = arith.constant 0 : i32
          %dma_start3A_126 = tpu.memref_slice %arg13[%mul3A_123, %dma_start3A] : memref<10000x128xf32, #tpu.memory_space<vmem_shared>> -> memref<80x128xf32, #tpu.memory_space<vmem_shared>>
          %dma_start3A_127 = arith.constant 0 : i32
          %dma_start3A_128 = tpu.memref_slice %arg13[%mul3A_123, %dma_start3A_127] : memref<10000x128xf32, #tpu.memory_space<vmem_shared>> -> memref<80x128xf32, #tpu.memory_space<vmem_shared>>
          tpu.enqueue_dma source(%dma_start3A_128 : memref<80x128xf32, #tpu.memory_space<vmem_shared>>) target(%arg12 : memref<80x128xf32, #tpu.memory_space<vmem>>) target_semaphore(%run_scoped3A : memref<!tpu.dma_semaphore, #tpu.memory_space<semaphore_mem>>)
          %dma_wait3A = arith.constant 0 : i32
          %dma_wait3A_129 = tpu.memref_slice %arg13[%mul3A_123, %dma_wait3A] : memref<10000x128xf32, #tpu.memory_space<vmem_shared>> -> memref<80x128xf32, #tpu.memory_space<vmem_shared>>
          %dma_wait3A_130 = arith.constant 0 : i32
          %dma_wait3A_131 = tpu.memref_slice %arg13[%mul3A_123, %dma_wait3A_130] : memref<10000x128xf32, #tpu.memory_space<vmem_shared>> -> memref<80x128xf32, #tpu.memory_space<vmem_shared>>
          tpu.wait_dma2 semaphore(%run_scoped3A : memref<!tpu.dma_semaphore, #tpu.memory_space<semaphore_mem>>) src(%dma_wait3A_131 : memref<80x128xf32, #tpu.memory_space<vmem_shared>>) dst(%arg12 : memref<80x128xf32, #tpu.memory_space<vmem>>)
          tpu.yield
        }) : () -> ()
        %mul3A_124 = arith.constant 80 : i32
        %mul3A_125 = arith.muli %add3A_110, %mul3A_124 : i32
        "tpu.region"() ({
          %run_scoped3A = tpu.sem_alloc : memref<!tpu.dma_semaphore, #tpu.memory_space<semaphore_mem>>
          %dma_start3A = arith.constant 0 : i32
          %dma_start3A_126 = tpu.memref_slice %arg7[%mul3A_125, %dma_start3A] : memref<10000x128xf32, #tpu.memory_space<hbm>> -> memref<80x128xf32, #tpu.memory_space<hbm>>
          %dma_start3A_127 = arith.constant 0 : i32
          %dma_start3A_128 = tpu.memref_slice %arg7[%mul3A_125, %dma_start3A_127] : memref<10000x128xf32, #tpu.memory_space<hbm>> -> memref<80x128xf32, #tpu.memory_space<hbm>>
          tpu.enqueue_dma source(%arg12 : memref<80x128xf32, #tpu.memory_space<vmem>>) target(%dma_start3A_128 : memref<80x128xf32, #tpu.memory_space<hbm>>) target_semaphore(%run_scoped3A : memref<!tpu.dma_semaphore, #tpu.memory_space<semaphore_mem>>)
          %dma_wait3A = arith.constant 0 : i32
          %dma_wait3A_129 = tpu.memref_slice %arg7[%mul3A_125, %dma_wait3A] : memref<10000x128xf32, #tpu.memory_space<hbm>> -> memref<80x128xf32, #tpu.memory_space<hbm>>
          %dma_wait3A_130 = arith.constant 0 : i32
          %dma_wait3A_131 = tpu.memref_slice %arg7[%mul3A_125, %dma_wait3A_130] : memref<10000x128xf32, #tpu.memory_space<hbm>> -> memref<80x128xf32, #tpu.memory_space<hbm>>
          tpu.wait_dma2 semaphore(%run_scoped3A : memref<!tpu.dma_semaphore, #tpu.memory_space<semaphore_mem>>) src(%arg12 : memref<80x128xf32, #tpu.memory_space<vmem>>) dst(%dma_wait3A_131 : memref<80x128xf32, #tpu.memory_space<hbm>>)
          tpu.yield
        }) : () -> ()
      } else {
      }
      %add3A_116 = arith.constant 112 : i32
      %add3A_117 = arith.addi %arg1, %add3A_116 : i32
      %lt3A_118 = arith.constant 125 : i32
      %lt3A_119 = arith.cmpi slt, %add3A_117, %lt3A_118 : i32
      %convert_element_type3A_120 = arith.extui %lt3A_119 : i1 to i32
      %cond3A_121 = arith.constant 0 : i32
      %cond3A_122 = arith.cmpi ne, %convert_element_type3A_120, %cond3A_121 : i32
      scf.if %cond3A_122 {
        %mul3A = arith.constant 80 : i32
        %mul3A_123 = arith.muli %add3A_117, %mul3A : i32
        "tpu.region"() ({
          %run_scoped3A = tpu.sem_alloc : memref<!tpu.dma_semaphore, #tpu.memory_space<semaphore_mem>>
          %dma_start3A = arith.constant 0 : i32
          %dma_start3A_126 = tpu.memref_slice %arg13[%mul3A_123, %dma_start3A] : memref<10000x128xf32, #tpu.memory_space<vmem_shared>> -> memref<80x128xf32, #tpu.memory_space<vmem_shared>>
          %dma_start3A_127 = arith.constant 0 : i32
          %dma_start3A_128 = tpu.memref_slice %arg13[%mul3A_123, %dma_start3A_127] : memref<10000x128xf32, #tpu.memory_space<vmem_shared>> -> memref<80x128xf32, #tpu.memory_space<vmem_shared>>
          tpu.enqueue_dma source(%dma_start3A_128 : memref<80x128xf32, #tpu.memory_space<vmem_shared>>) target(%arg12 : memref<80x128xf32, #tpu.memory_space<vmem>>) target_semaphore(%run_scoped3A : memref<!tpu.dma_semaphore, #tpu.memory_space<semaphore_mem>>)
          %dma_wait3A = arith.constant 0 : i32
          %dma_wait3A_129 = tpu.memref_slice %arg13[%mul3A_123, %dma_wait3A] : memref<10000x128xf32, #tpu.memory_space<vmem_shared>> -> memref<80x128xf32, #tpu.memory_space<vmem_shared>>
          %dma_wait3A_130 = arith.constant 0 : i32
          %dma_wait3A_131 = tpu.memref_slice %arg13[%mul3A_123, %dma_wait3A_130] : memref<10000x128xf32, #tpu.memory_space<vmem_shared>> -> memref<80x128xf32, #tpu.memory_space<vmem_shared>>
          tpu.wait_dma2 semaphore(%run_scoped3A : memref<!tpu.dma_semaphore, #tpu.memory_space<semaphore_mem>>) src(%dma_wait3A_131 : memref<80x128xf32, #tpu.memory_space<vmem_shared>>) dst(%arg12 : memref<80x128xf32, #tpu.memory_space<vmem>>)
          tpu.yield
        }) : () -> ()
        %mul3A_124 = arith.constant 80 : i32
        %mul3A_125 = arith.muli %add3A_117, %mul3A_124 : i32
        "tpu.region"() ({
          %run_scoped3A = tpu.sem_alloc : memref<!tpu.dma_semaphore, #tpu.memory_space<semaphore_mem>>
          %dma_start3A = arith.constant 0 : i32
          %dma_start3A_126 = tpu.memref_slice %arg7[%mul3A_125, %dma_start3A] : memref<10000x128xf32, #tpu.memory_space<hbm>> -> memref<80x128xf32, #tpu.memory_space<hbm>>
          %dma_start3A_127 = arith.constant 0 : i32
          %dma_start3A_128 = tpu.memref_slice %arg7[%mul3A_125, %dma_start3A_127] : memref<10000x128xf32, #tpu.memory_space<hbm>> -> memref<80x128xf32, #tpu.memory_space<hbm>>
          tpu.enqueue_dma source(%arg12 : memref<80x128xf32, #tpu.memory_space<vmem>>) target(%dma_start3A_128 : memref<80x128xf32, #tpu.memory_space<hbm>>) target_semaphore(%run_scoped3A : memref<!tpu.dma_semaphore, #tpu.memory_space<semaphore_mem>>)
          %dma_wait3A = arith.constant 0 : i32
          %dma_wait3A_129 = tpu.memref_slice %arg7[%mul3A_125, %dma_wait3A] : memref<10000x128xf32, #tpu.memory_space<hbm>> -> memref<80x128xf32, #tpu.memory_space<hbm>>
          %dma_wait3A_130 = arith.constant 0 : i32
          %dma_wait3A_131 = tpu.memref_slice %arg7[%mul3A_125, %dma_wait3A_130] : memref<10000x128xf32, #tpu.memory_space<hbm>> -> memref<80x128xf32, #tpu.memory_space<hbm>>
          tpu.wait_dma2 semaphore(%run_scoped3A : memref<!tpu.dma_semaphore, #tpu.memory_space<semaphore_mem>>) src(%arg12 : memref<80x128xf32, #tpu.memory_space<vmem>>) dst(%dma_wait3A_131 : memref<80x128xf32, #tpu.memory_space<hbm>>)
          tpu.yield
        }) : () -> ()
      } else {
      }
    } else {
    }
    return
  }
}

#map = affine_map<(d0, d1) -> (0, 0, 0, 0)>
#map1 = affine_map<(d0, d1) -> (0, 0)>
module attributes {stable_mosaic.version = 14 : i64} {
  func.func @_deg_kernel(%arg0: i32, %arg1: i32, %arg2: memref<16x10x25x80xi32, #tpu.memory_space<hbm>>, %arg3: memref<10000x128xf32, #tpu.memory_space<hbm>>, %arg4: memref<10000x128xf32, #tpu.memory_space<hbm>>, %arg5: memref<25x80xi32, #tpu.memory_space<vmem>>, %arg6: memref<80x128xf32, #tpu.memory_space<vmem>>, %arg7: memref<80x128xf32, #tpu.memory_space<vmem>>, %arg8: memref<10000x128xf32, #tpu.memory_space<vmem_shared>>) attributes {dimension_semantics = [#tpu.dimension_semantics<core_parallel>, #tpu.dimension_semantics<subcore_parallel>], iteration_bounds = array<i64: 2, 16>, scalar_prefetch = 0 : i64, scratch_operands = 4 : i64, tpu.core_type = #tpu.core_type<sc_vector_subcore>, window_params = [{transform_indices = #map}, {transform_indices = #map1}, {transform_indices = #map1}]} {
    %scan3A = arith.constant 0 : i32
    %scan3A_0 = arith.constant 0 : i32
    %scan3A_1 = arith.constant 80 : i32
    %scan3A_2 = arith.addi %scan3A_0, %scan3A_1 : i32
    %scan3A_3 = arith.constant 1 : i32
    scf.for %scan3A_133 = %scan3A_0 to %scan3A_2 step %scan3A_3  : i32 {
      %scan3A_134 = arith.constant 0 : i32
      %scan3A_135 = arith.constant 0 : i32
      %scan3A_136 = arith.constant 8 : i32
      %scan3A_137 = arith.addi %scan3A_135, %scan3A_136 : i32
      %scan3A_138 = arith.constant 1 : i32
      scf.for %scan3A_140 = %scan3A_135 to %scan3A_137 step %scan3A_138  : i32 {
        %broadcast_in_dim3A = arith.constant 1.000000e+00 : f32
        %broadcast_in_dim3A_141 = vector.broadcast %broadcast_in_dim3A : f32 to vector<16xf32>
        %mul3A_142 = arith.constant 16 : i32
        %mul3A_143 = arith.muli %scan3A_140, %mul3A_142 : i32
        %swap3A = arith.index_cast %scan3A_133 : i32 to index
        %swap3A_144 = arith.index_cast %mul3A_143 : i32 to index
        %swap3A_145 = tpu.vector_load %arg6[%swap3A, %swap3A_144] {strides = array<i32>} : memref<80x128xf32, #tpu.memory_space<vmem>>, vector<1x16xf32>,
        %swap3A_146 = vector.shape_cast %swap3A_145 : vector<1x16xf32> to vector<16xf32>
        %swap3A_147 = vector.shape_cast %broadcast_in_dim3A_141 : vector<16xf32> to vector<1x16xf32>
        tpu.vector_store %arg6[%swap3A, %swap3A_144], %swap3A_147 {strides = array<i32>} : memref<80x128xf32, #tpu.memory_space<vmem>>, vector<1x16xf32>,
      }
      %scan3A_139 = arith.constant 8 : i32
    }
    %scan3A_4 = arith.constant 80 : i32
    %scan3A_5 = arith.constant 0 : i32
    %scan3A_6 = arith.constant 0 : i32
    %scan3A_7 = arith.constant 80 : i32
    %scan3A_8 = arith.addi %scan3A_6, %scan3A_7 : i32
    %scan3A_9 = arith.constant 1 : i32
    scf.for %scan3A_133 = %scan3A_6 to %scan3A_8 step %scan3A_9  : i32 {
      %scan3A_134 = arith.constant 0 : i32
      %scan3A_135 = arith.constant 0 : i32
      %scan3A_136 = arith.constant 8 : i32
      %scan3A_137 = arith.addi %scan3A_135, %scan3A_136 : i32
      %scan3A_138 = arith.constant 1 : i32
      scf.for %scan3A_140 = %scan3A_135 to %scan3A_137 step %scan3A_138  : i32 {
        %broadcast_in_dim3A = arith.constant 0.000000e+00 : f32
        %broadcast_in_dim3A_141 = vector.broadcast %broadcast_in_dim3A : f32 to vector<16xf32>
        %mul3A_142 = arith.constant 16 : i32
        %mul3A_143 = arith.muli %scan3A_140, %mul3A_142 : i32
        %swap3A = arith.index_cast %scan3A_133 : i32 to index
        %swap3A_144 = arith.index_cast %mul3A_143 : i32 to index
        %swap3A_145 = tpu.vector_load %arg7[%swap3A, %swap3A_144] {strides = array<i32>} : memref<80x128xf32, #tpu.memory_space<vmem>>, vector<1x16xf32>,
        %swap3A_146 = vector.shape_cast %swap3A_145 : vector<1x16xf32> to vector<16xf32>
        %swap3A_147 = vector.shape_cast %broadcast_in_dim3A_141 : vector<16xf32> to vector<1x16xf32>
        tpu.vector_store %arg7[%swap3A, %swap3A_144], %swap3A_147 {strides = array<i32>} : memref<80x128xf32, #tpu.memory_space<vmem>>, vector<1x16xf32>,
      }
      %scan3A_139 = arith.constant 8 : i32
    }
    %scan3A_10 = arith.constant 80 : i32
    %add3A = arith.constant 0 : i32
    %add3A_11 = arith.addi %arg1, %add3A : i32
    %lt3A = arith.constant 125 : i32
    %lt3A_12 = arith.cmpi slt, %add3A_11, %lt3A : i32
    %convert_element_type3A = arith.extui %lt3A_12 : i1 to i32
    %cond3A = arith.constant 0 : i32
    %cond3A_13 = arith.cmpi ne, %convert_element_type3A, %cond3A : i32
    scf.if %cond3A_13 {
      %mul3A_133 = arith.constant 80 : i32
      %mul3A_134 = arith.muli %add3A_11, %mul3A_133 : i32
      "tpu.region"() ({
        %run_scoped3A = tpu.sem_alloc : memref<!tpu.dma_semaphore, #tpu.memory_space<semaphore_mem>>
        %dma_start3A = arith.constant 0 : i32
        %dma_start3A_135 = tpu.memref_slice %arg8[%mul3A_134, %dma_start3A] : memref<10000x128xf32, #tpu.memory_space<vmem_shared>> -> memref<80x128xf32, #tpu.memory_space<vmem_shared>>
        %dma_start3A_136 = arith.constant 0 : i32
        %dma_start3A_137 = tpu.memref_slice %arg8[%mul3A_134, %dma_start3A_136] : memref<10000x128xf32, #tpu.memory_space<vmem_shared>> -> memref<80x128xf32, #tpu.memory_space<vmem_shared>>
        tpu.enqueue_dma source(%arg7 : memref<80x128xf32, #tpu.memory_space<vmem>>) target(%dma_start3A_137 : memref<80x128xf32, #tpu.memory_space<vmem_shared>>) target_semaphore(%run_scoped3A : memref<!tpu.dma_semaphore, #tpu.memory_space<semaphore_mem>>)
        %dma_wait3A = arith.constant 0 : i32
        %dma_wait3A_138 = tpu.memref_slice %arg8[%mul3A_134, %dma_wait3A] : memref<10000x128xf32, #tpu.memory_space<vmem_shared>> -> memref<80x128xf32, #tpu.memory_space<vmem_shared>>
        %dma_wait3A_139 = arith.constant 0 : i32
        %dma_wait3A_140 = tpu.memref_slice %arg8[%mul3A_134, %dma_wait3A_139] : memref<10000x128xf32, #tpu.memory_space<vmem_shared>> -> memref<80x128xf32, #tpu.memory_space<vmem_shared>>
        tpu.wait_dma2 semaphore(%run_scoped3A : memref<!tpu.dma_semaphore, #tpu.memory_space<semaphore_mem>>) src(%arg7 : memref<80x128xf32, #tpu.memory_space<vmem>>) dst(%dma_wait3A_140 : memref<80x128xf32, #tpu.memory_space<vmem_shared>>)
        tpu.yield
      }) : () -> ()
    } else {
    }
    %add3A_14 = arith.constant 16 : i32
    %add3A_15 = arith.addi %arg1, %add3A_14 : i32
    %lt3A_16 = arith.constant 125 : i32
    %lt3A_17 = arith.cmpi slt, %add3A_15, %lt3A_16 : i32
    %convert_element_type3A_18 = arith.extui %lt3A_17 : i1 to i32
    %cond3A_19 = arith.constant 0 : i32
    %cond3A_20 = arith.cmpi ne, %convert_element_type3A_18, %cond3A_19 : i32
    scf.if %cond3A_20 {
      %mul3A_133 = arith.constant 80 : i32
      %mul3A_134 = arith.muli %add3A_15, %mul3A_133 : i32
      "tpu.region"() ({
        %run_scoped3A = tpu.sem_alloc : memref<!tpu.dma_semaphore, #tpu.memory_space<semaphore_mem>>
        %dma_start3A = arith.constant 0 : i32
        %dma_start3A_135 = tpu.memref_slice %arg8[%mul3A_134, %dma_start3A] : memref<10000x128xf32, #tpu.memory_space<vmem_shared>> -> memref<80x128xf32, #tpu.memory_space<vmem_shared>>
        %dma_start3A_136 = arith.constant 0 : i32
        %dma_start3A_137 = tpu.memref_slice %arg8[%mul3A_134, %dma_start3A_136] : memref<10000x128xf32, #tpu.memory_space<vmem_shared>> -> memref<80x128xf32, #tpu.memory_space<vmem_shared>>
        tpu.enqueue_dma source(%arg7 : memref<80x128xf32, #tpu.memory_space<vmem>>) target(%dma_start3A_137 : memref<80x128xf32, #tpu.memory_space<vmem_shared>>) target_semaphore(%run_scoped3A : memref<!tpu.dma_semaphore, #tpu.memory_space<semaphore_mem>>)
        %dma_wait3A = arith.constant 0 : i32
        %dma_wait3A_138 = tpu.memref_slice %arg8[%mul3A_134, %dma_wait3A] : memref<10000x128xf32, #tpu.memory_space<vmem_shared>> -> memref<80x128xf32, #tpu.memory_space<vmem_shared>>
        %dma_wait3A_139 = arith.constant 0 : i32
        %dma_wait3A_140 = tpu.memref_slice %arg8[%mul3A_134, %dma_wait3A_139] : memref<10000x128xf32, #tpu.memory_space<vmem_shared>> -> memref<80x128xf32, #tpu.memory_space<vmem_shared>>
        tpu.wait_dma2 semaphore(%run_scoped3A : memref<!tpu.dma_semaphore, #tpu.memory_space<semaphore_mem>>) src(%arg7 : memref<80x128xf32, #tpu.memory_space<vmem>>) dst(%dma_wait3A_140 : memref<80x128xf32, #tpu.memory_space<vmem_shared>>)
        tpu.yield
      }) : () -> ()
    } else {
    }
    %add3A_21 = arith.constant 32 : i32
    %add3A_22 = arith.addi %arg1, %add3A_21 : i32
    %lt3A_23 = arith.constant 125 : i32
    %lt3A_24 = arith.cmpi slt, %add3A_22, %lt3A_23 : i32
    %convert_element_type3A_25 = arith.extui %lt3A_24 : i1 to i32
    %cond3A_26 = arith.constant 0 : i32
    %cond3A_27 = arith.cmpi ne, %convert_element_type3A_25, %cond3A_26 : i32
    scf.if %cond3A_27 {
      %mul3A_133 = arith.constant 80 : i32
      %mul3A_134 = arith.muli %add3A_22, %mul3A_133 : i32
      "tpu.region"() ({
        %run_scoped3A = tpu.sem_alloc : memref<!tpu.dma_semaphore, #tpu.memory_space<semaphore_mem>>
        %dma_start3A = arith.constant 0 : i32
        %dma_start3A_135 = tpu.memref_slice %arg8[%mul3A_134, %dma_start3A] : memref<10000x128xf32, #tpu.memory_space<vmem_shared>> -> memref<80x128xf32, #tpu.memory_space<vmem_shared>>
        %dma_start3A_136 = arith.constant 0 : i32
        %dma_start3A_137 = tpu.memref_slice %arg8[%mul3A_134, %dma_start3A_136] : memref<10000x128xf32, #tpu.memory_space<vmem_shared>> -> memref<80x128xf32, #tpu.memory_space<vmem_shared>>
        tpu.enqueue_dma source(%arg7 : memref<80x128xf32, #tpu.memory_space<vmem>>) target(%dma_start3A_137 : memref<80x128xf32, #tpu.memory_space<vmem_shared>>) target_semaphore(%run_scoped3A : memref<!tpu.dma_semaphore, #tpu.memory_space<semaphore_mem>>)
        %dma_wait3A = arith.constant 0 : i32
        %dma_wait3A_138 = tpu.memref_slice %arg8[%mul3A_134, %dma_wait3A] : memref<10000x128xf32, #tpu.memory_space<vmem_shared>> -> memref<80x128xf32, #tpu.memory_space<vmem_shared>>
        %dma_wait3A_139 = arith.constant 0 : i32
        %dma_wait3A_140 = tpu.memref_slice %arg8[%mul3A_134, %dma_wait3A_139] : memref<10000x128xf32, #tpu.memory_space<vmem_shared>> -> memref<80x128xf32, #tpu.memory_space<vmem_shared>>
        tpu.wait_dma2 semaphore(%run_scoped3A : memref<!tpu.dma_semaphore, #tpu.memory_space<semaphore_mem>>) src(%arg7 : memref<80x128xf32, #tpu.memory_space<vmem>>) dst(%dma_wait3A_140 : memref<80x128xf32, #tpu.memory_space<vmem_shared>>)
        tpu.yield
      }) : () -> ()
    } else {
    }
    %add3A_28 = arith.constant 48 : i32
    %add3A_29 = arith.addi %arg1, %add3A_28 : i32
    %lt3A_30 = arith.constant 125 : i32
    %lt3A_31 = arith.cmpi slt, %add3A_29, %lt3A_30 : i32
    %convert_element_type3A_32 = arith.extui %lt3A_31 : i1 to i32
    %cond3A_33 = arith.constant 0 : i32
    %cond3A_34 = arith.cmpi ne, %convert_element_type3A_32, %cond3A_33 : i32
    scf.if %cond3A_34 {
      %mul3A_133 = arith.constant 80 : i32
      %mul3A_134 = arith.muli %add3A_29, %mul3A_133 : i32
      "tpu.region"() ({
        %run_scoped3A = tpu.sem_alloc : memref<!tpu.dma_semaphore, #tpu.memory_space<semaphore_mem>>
        %dma_start3A = arith.constant 0 : i32
        %dma_start3A_135 = tpu.memref_slice %arg8[%mul3A_134, %dma_start3A] : memref<10000x128xf32, #tpu.memory_space<vmem_shared>> -> memref<80x128xf32, #tpu.memory_space<vmem_shared>>
        %dma_start3A_136 = arith.constant 0 : i32
        %dma_start3A_137 = tpu.memref_slice %arg8[%mul3A_134, %dma_start3A_136] : memref<10000x128xf32, #tpu.memory_space<vmem_shared>> -> memref<80x128xf32, #tpu.memory_space<vmem_shared>>
        tpu.enqueue_dma source(%arg7 : memref<80x128xf32, #tpu.memory_space<vmem>>) target(%dma_start3A_137 : memref<80x128xf32, #tpu.memory_space<vmem_shared>>) target_semaphore(%run_scoped3A : memref<!tpu.dma_semaphore, #tpu.memory_space<semaphore_mem>>)
        %dma_wait3A = arith.constant 0 : i32
        %dma_wait3A_138 = tpu.memref_slice %arg8[%mul3A_134, %dma_wait3A] : memref<10000x128xf32, #tpu.memory_space<vmem_shared>> -> memref<80x128xf32, #tpu.memory_space<vmem_shared>>
        %dma_wait3A_139 = arith.constant 0 : i32
        %dma_wait3A_140 = tpu.memref_slice %arg8[%mul3A_134, %dma_wait3A_139] : memref<10000x128xf32, #tpu.memory_space<vmem_shared>> -> memref<80x128xf32, #tpu.memory_space<vmem_shared>>
        tpu.wait_dma2 semaphore(%run_scoped3A : memref<!tpu.dma_semaphore, #tpu.memory_space<semaphore_mem>>) src(%arg7 : memref<80x128xf32, #tpu.memory_space<vmem>>) dst(%dma_wait3A_140 : memref<80x128xf32, #tpu.memory_space<vmem_shared>>)
        tpu.yield
      }) : () -> ()
    } else {
    }
    %add3A_35 = arith.constant 64 : i32
    %add3A_36 = arith.addi %arg1, %add3A_35 : i32
    %lt3A_37 = arith.constant 125 : i32
    %lt3A_38 = arith.cmpi slt, %add3A_36, %lt3A_37 : i32
    %convert_element_type3A_39 = arith.extui %lt3A_38 : i1 to i32
    %cond3A_40 = arith.constant 0 : i32
    %cond3A_41 = arith.cmpi ne, %convert_element_type3A_39, %cond3A_40 : i32
    scf.if %cond3A_41 {
      %mul3A_133 = arith.constant 80 : i32
      %mul3A_134 = arith.muli %add3A_36, %mul3A_133 : i32
      "tpu.region"() ({
        %run_scoped3A = tpu.sem_alloc : memref<!tpu.dma_semaphore, #tpu.memory_space<semaphore_mem>>
        %dma_start3A = arith.constant 0 : i32
        %dma_start3A_135 = tpu.memref_slice %arg8[%mul3A_134, %dma_start3A] : memref<10000x128xf32, #tpu.memory_space<vmem_shared>> -> memref<80x128xf32, #tpu.memory_space<vmem_shared>>
        %dma_start3A_136 = arith.constant 0 : i32
        %dma_start3A_137 = tpu.memref_slice %arg8[%mul3A_134, %dma_start3A_136] : memref<10000x128xf32, #tpu.memory_space<vmem_shared>> -> memref<80x128xf32, #tpu.memory_space<vmem_shared>>
        tpu.enqueue_dma source(%arg7 : memref<80x128xf32, #tpu.memory_space<vmem>>) target(%dma_start3A_137 : memref<80x128xf32, #tpu.memory_space<vmem_shared>>) target_semaphore(%run_scoped3A : memref<!tpu.dma_semaphore, #tpu.memory_space<semaphore_mem>>)
        %dma_wait3A = arith.constant 0 : i32
        %dma_wait3A_138 = tpu.memref_slice %arg8[%mul3A_134, %dma_wait3A] : memref<10000x128xf32, #tpu.memory_space<vmem_shared>> -> memref<80x128xf32, #tpu.memory_space<vmem_shared>>
        %dma_wait3A_139 = arith.constant 0 : i32
        %dma_wait3A_140 = tpu.memref_slice %arg8[%mul3A_134, %dma_wait3A_139] : memref<10000x128xf32, #tpu.memory_space<vmem_shared>> -> memref<80x128xf32, #tpu.memory_space<vmem_shared>>
        tpu.wait_dma2 semaphore(%run_scoped3A : memref<!tpu.dma_semaphore, #tpu.memory_space<semaphore_mem>>) src(%arg7 : memref<80x128xf32, #tpu.memory_space<vmem>>) dst(%dma_wait3A_140 : memref<80x128xf32, #tpu.memory_space<vmem_shared>>)
        tpu.yield
      }) : () -> ()
    } else {
    }
    %add3A_42 = arith.constant 80 : i32
    %add3A_43 = arith.addi %arg1, %add3A_42 : i32
    %lt3A_44 = arith.constant 125 : i32
    %lt3A_45 = arith.cmpi slt, %add3A_43, %lt3A_44 : i32
    %convert_element_type3A_46 = arith.extui %lt3A_45 : i1 to i32
    %cond3A_47 = arith.constant 0 : i32
    %cond3A_48 = arith.cmpi ne, %convert_element_type3A_46, %cond3A_47 : i32
    scf.if %cond3A_48 {
      %mul3A_133 = arith.constant 80 : i32
      %mul3A_134 = arith.muli %add3A_43, %mul3A_133 : i32
      "tpu.region"() ({
        %run_scoped3A = tpu.sem_alloc : memref<!tpu.dma_semaphore, #tpu.memory_space<semaphore_mem>>
        %dma_start3A = arith.constant 0 : i32
        %dma_start3A_135 = tpu.memref_slice %arg8[%mul3A_134, %dma_start3A] : memref<10000x128xf32, #tpu.memory_space<vmem_shared>> -> memref<80x128xf32, #tpu.memory_space<vmem_shared>>
        %dma_start3A_136 = arith.constant 0 : i32
        %dma_start3A_137 = tpu.memref_slice %arg8[%mul3A_134, %dma_start3A_136] : memref<10000x128xf32, #tpu.memory_space<vmem_shared>> -> memref<80x128xf32, #tpu.memory_space<vmem_shared>>
        tpu.enqueue_dma source(%arg7 : memref<80x128xf32, #tpu.memory_space<vmem>>) target(%dma_start3A_137 : memref<80x128xf32, #tpu.memory_space<vmem_shared>>) target_semaphore(%run_scoped3A : memref<!tpu.dma_semaphore, #tpu.memory_space<semaphore_mem>>)
        %dma_wait3A = arith.constant 0 : i32
        %dma_wait3A_138 = tpu.memref_slice %arg8[%mul3A_134, %dma_wait3A] : memref<10000x128xf32, #tpu.memory_space<vmem_shared>> -> memref<80x128xf32, #tpu.memory_space<vmem_shared>>
        %dma_wait3A_139 = arith.constant 0 : i32
        %dma_wait3A_140 = tpu.memref_slice %arg8[%mul3A_134, %dma_wait3A_139] : memref<10000x128xf32, #tpu.memory_space<vmem_shared>> -> memref<80x128xf32, #tpu.memory_space<vmem_shared>>
        tpu.wait_dma2 semaphore(%run_scoped3A : memref<!tpu.dma_semaphore, #tpu.memory_space<semaphore_mem>>) src(%arg7 : memref<80x128xf32, #tpu.memory_space<vmem>>) dst(%dma_wait3A_140 : memref<80x128xf32, #tpu.memory_space<vmem_shared>>)
        tpu.yield
      }) : () -> ()
    } else {
    }
    %add3A_49 = arith.constant 96 : i32
    %add3A_50 = arith.addi %arg1, %add3A_49 : i32
    %lt3A_51 = arith.constant 125 : i32
    %lt3A_52 = arith.cmpi slt, %add3A_50, %lt3A_51 : i32
    %convert_element_type3A_53 = arith.extui %lt3A_52 : i1 to i32
    %cond3A_54 = arith.constant 0 : i32
    %cond3A_55 = arith.cmpi ne, %convert_element_type3A_53, %cond3A_54 : i32
    scf.if %cond3A_55 {
      %mul3A_133 = arith.constant 80 : i32
      %mul3A_134 = arith.muli %add3A_50, %mul3A_133 : i32
      "tpu.region"() ({
        %run_scoped3A = tpu.sem_alloc : memref<!tpu.dma_semaphore, #tpu.memory_space<semaphore_mem>>
        %dma_start3A = arith.constant 0 : i32
        %dma_start3A_135 = tpu.memref_slice %arg8[%mul3A_134, %dma_start3A] : memref<10000x128xf32, #tpu.memory_space<vmem_shared>> -> memref<80x128xf32, #tpu.memory_space<vmem_shared>>
        %dma_start3A_136 = arith.constant 0 : i32
        %dma_start3A_137 = tpu.memref_slice %arg8[%mul3A_134, %dma_start3A_136] : memref<10000x128xf32, #tpu.memory_space<vmem_shared>> -> memref<80x128xf32, #tpu.memory_space<vmem_shared>>
        tpu.enqueue_dma source(%arg7 : memref<80x128xf32, #tpu.memory_space<vmem>>) target(%dma_start3A_137 : memref<80x128xf32, #tpu.memory_space<vmem_shared>>) target_semaphore(%run_scoped3A : memref<!tpu.dma_semaphore, #tpu.memory_space<semaphore_mem>>)
        %dma_wait3A = arith.constant 0 : i32
        %dma_wait3A_138 = tpu.memref_slice %arg8[%mul3A_134, %dma_wait3A] : memref<10000x128xf32, #tpu.memory_space<vmem_shared>> -> memref<80x128xf32, #tpu.memory_space<vmem_shared>>
        %dma_wait3A_139 = arith.constant 0 : i32
        %dma_wait3A_140 = tpu.memref_slice %arg8[%mul3A_134, %dma_wait3A_139] : memref<10000x128xf32, #tpu.memory_space<vmem_shared>> -> memref<80x128xf32, #tpu.memory_space<vmem_shared>>
        tpu.wait_dma2 semaphore(%run_scoped3A : memref<!tpu.dma_semaphore, #tpu.memory_space<semaphore_mem>>) src(%arg7 : memref<80x128xf32, #tpu.memory_space<vmem>>) dst(%dma_wait3A_140 : memref<80x128xf32, #tpu.memory_space<vmem_shared>>)
        tpu.yield
      }) : () -> ()
    } else {
    }
    %add3A_56 = arith.constant 112 : i32
    %add3A_57 = arith.addi %arg1, %add3A_56 : i32
    %lt3A_58 = arith.constant 125 : i32
    %lt3A_59 = arith.cmpi slt, %add3A_57, %lt3A_58 : i32
    %convert_element_type3A_60 = arith.extui %lt3A_59 : i1 to i32
    %cond3A_61 = arith.constant 0 : i32
    %cond3A_62 = arith.cmpi ne, %convert_element_type3A_60, %cond3A_61 : i32
    scf.if %cond3A_62 {
      %mul3A_133 = arith.constant 80 : i32
      %mul3A_134 = arith.muli %add3A_57, %mul3A_133 : i32
      "tpu.region"() ({
        %run_scoped3A = tpu.sem_alloc : memref<!tpu.dma_semaphore, #tpu.memory_space<semaphore_mem>>
        %dma_start3A = arith.constant 0 : i32
        %dma_start3A_135 = tpu.memref_slice %arg8[%mul3A_134, %dma_start3A] : memref<10000x128xf32, #tpu.memory_space<vmem_shared>> -> memref<80x128xf32, #tpu.memory_space<vmem_shared>>
        %dma_start3A_136 = arith.constant 0 : i32
        %dma_start3A_137 = tpu.memref_slice %arg8[%mul3A_134, %dma_start3A_136] : memref<10000x128xf32, #tpu.memory_space<vmem_shared>> -> memref<80x128xf32, #tpu.memory_space<vmem_shared>>
        tpu.enqueue_dma source(%arg7 : memref<80x128xf32, #tpu.memory_space<vmem>>) target(%dma_start3A_137 : memref<80x128xf32, #tpu.memory_space<vmem_shared>>) target_semaphore(%run_scoped3A : memref<!tpu.dma_semaphore, #tpu.memory_space<semaphore_mem>>)
        %dma_wait3A = arith.constant 0 : i32
        %dma_wait3A_138 = tpu.memref_slice %arg8[%mul3A_134, %dma_wait3A] : memref<10000x128xf32, #tpu.memory_space<vmem_shared>> -> memref<80x128xf32, #tpu.memory_space<vmem_shared>>
        %dma_wait3A_139 = arith.constant 0 : i32
        %dma_wait3A_140 = tpu.memref_slice %arg8[%mul3A_134, %dma_wait3A_139] : memref<10000x128xf32, #tpu.memory_space<vmem_shared>> -> memref<80x128xf32, #tpu.memory_space<vmem_shared>>
        tpu.wait_dma2 semaphore(%run_scoped3A : memref<!tpu.dma_semaphore, #tpu.memory_space<semaphore_mem>>) src(%arg7 : memref<80x128xf32, #tpu.memory_space<vmem>>) dst(%dma_wait3A_140 : memref<80x128xf32, #tpu.memory_space<vmem_shared>>)
        tpu.yield
      }) : () -> ()
    } else {
    }
    %barrier3A = arith.constant 0 : index
    tpu.barrier barrier_id(%barrier3A)
    %mul3A = arith.constant 5 : i32
    %mul3A_63 = arith.muli %arg0, %mul3A : i32
    %add3A_64 = arith.constant 1 : i32
    %add3A_65 = arith.addi %arg0, %add3A_64 : i32
    %mul3A_66 = arith.constant 5 : i32
    %mul3A_67 = arith.muli %add3A_65, %mul3A_66 : i32
    %while3A = arith.constant 0 : i32
    %while3A_68 = arith.subi %mul3A_67, %mul3A_63 : i32
    %while3A_69 = arith.addi %mul3A_63, %while3A_68 : i32
    %while3A_70 = arith.constant 1 : i32
    %while3A_71 = arith.divsi %while3A_68, %while3A_70 : i32
    %while3A_72 = arith.muli %while3A_71, %while3A_70 : i32
    %while3A_73 = arith.addi %mul3A_63, %while3A_72 : i32
    %while3A_74 = arith.constant 1 : i32
    scf.for %while3A_133 = %mul3A_63 to %while3A_73 step %while3A_74  : i32 {
      "tpu.region"() ({
        %run_scoped3A = tpu.sem_alloc : memref<!tpu.dma_semaphore, #tpu.memory_space<semaphore_mem>>
        %dma_start3A = arith.constant 0 : i32
        %dma_start3A_140 = arith.constant 0 : i32
        %dma_start3A_141 = tpu.memref_slice %arg2[%arg1, %while3A_133, %dma_start3A, %dma_start3A_140] : memref<16x10x25x80xi32, #tpu.memory_space<hbm>> -> memref<1x1x25x80xi32, #tpu.memory_space<hbm>>
        %dma_start3A_142 = tpu.memref_squeeze %dma_start3A_141 : memref<1x1x25x80xi32, #tpu.memory_space<hbm>> -> memref<25x80xi32, #tpu.memory_space<hbm>>
        %dma_start3A_143 = arith.constant 0 : i32
        %dma_start3A_144 = arith.constant 0 : i32
        %dma_start3A_145 = tpu.memref_slice %arg2[%arg1, %while3A_133, %dma_start3A_143, %dma_start3A_144] : memref<16x10x25x80xi32, #tpu.memory_space<hbm>> -> memref<1x1x25x80xi32, #tpu.memory_space<hbm>>
        %dma_start3A_146 = tpu.memref_squeeze %dma_start3A_145 : memref<1x1x25x80xi32, #tpu.memory_space<hbm>> -> memref<25x80xi32, #tpu.memory_space<hbm>>
        tpu.enqueue_dma source(%dma_start3A_146 : memref<25x80xi32, #tpu.memory_space<hbm>>) target(%arg5 : memref<25x80xi32, #tpu.memory_space<vmem>>) target_semaphore(%run_scoped3A : memref<!tpu.dma_semaphore, #tpu.memory_space<semaphore_mem>>)
        %dma_wait3A = arith.constant 0 : i32
        %dma_wait3A_147 = arith.constant 0 : i32
        %dma_wait3A_148 = tpu.memref_slice %arg2[%arg1, %while3A_133, %dma_wait3A, %dma_wait3A_147] : memref<16x10x25x80xi32, #tpu.memory_space<hbm>> -> memref<1x1x25x80xi32, #tpu.memory_space<hbm>>
        %dma_wait3A_149 = tpu.memref_squeeze %dma_wait3A_148 : memref<1x1x25x80xi32, #tpu.memory_space<hbm>> -> memref<25x80xi32, #tpu.memory_space<hbm>>
        %dma_wait3A_150 = arith.constant 0 : i32
        %dma_wait3A_151 = arith.constant 0 : i32
        %dma_wait3A_152 = tpu.memref_slice %arg2[%arg1, %while3A_133, %dma_wait3A_150, %dma_wait3A_151] : memref<16x10x25x80xi32, #tpu.memory_space<hbm>> -> memref<1x1x25x80xi32, #tpu.memory_space<hbm>>
        %dma_wait3A_153 = tpu.memref_squeeze %dma_wait3A_152 : memref<1x1x25x80xi32, #tpu.memory_space<hbm>> -> memref<25x80xi32, #tpu.memory_space<hbm>>
        tpu.wait_dma2 semaphore(%run_scoped3A : memref<!tpu.dma_semaphore, #tpu.memory_space<semaphore_mem>>) src(%dma_wait3A_153 : memref<25x80xi32, #tpu.memory_space<hbm>>) dst(%arg5 : memref<25x80xi32, #tpu.memory_space<vmem>>)
        tpu.yield
      }) : () -> ()
      %scan3A_134 = arith.constant 0 : i32
      %scan3A_135 = arith.constant 0 : i32
      %scan3A_136 = arith.constant 25 : i32
      %scan3A_137 = arith.addi %scan3A_135, %scan3A_136 : i32
      %scan3A_138 = arith.constant 1 : i32
      scf.for %scan3A_140 = %scan3A_135 to %scan3A_137 step %scan3A_138  : i32 {
        "tpu.region"() ({
          %run_scoped3A = tpu.sem_alloc : memref<!tpu.dma_semaphore, #tpu.memory_space<semaphore_mem>>
          %dma_start3A = arith.constant 0 : i32
          %dma_start3A_141 = tpu.memref_slice %arg5[%scan3A_140, %dma_start3A] : memref<25x80xi32, #tpu.memory_space<vmem>> -> memref<1x80xi32, #tpu.memory_space<vmem>>
          %dma_start3A_142 = tpu.memref_squeeze %dma_start3A_141 : memref<1x80xi32, #tpu.memory_space<vmem>> -> memref<80xi32, #tpu.memory_space<vmem>>
          %dma_start3A_143 = arith.constant 0 : i32
          %dma_start3A_144 = arith.constant 0 : i32
          %dma_start3A_145 = tpu.memref_slice %arg8[%dma_start3A_143, %dma_start3A_144] : memref<10000x128xf32, #tpu.memory_space<vmem_shared>> -> memref<10000x128xf32, #tpu.memory_space<vmem_shared>>
          tpu.enqueue_indirect_dma source(%arg6 : memref<80x128xf32, #tpu.memory_space<vmem>>) target(%dma_start3A_145 : memref<10000x128xf32, #tpu.memory_space<vmem_shared>>) offsets(%dma_start3A_142 : memref<80xi32, #tpu.memory_space<vmem>>) semaphore(%run_scoped3A : memref<!tpu.dma_semaphore, #tpu.memory_space<semaphore_mem>>) {add = true}
          %dma_wait3A = arith.constant 0 : i32
          %dma_wait3A_146 = tpu.memref_slice %arg5[%scan3A_140, %dma_wait3A] : memref<25x80xi32, #tpu.memory_space<vmem>> -> memref<1x80xi32, #tpu.memory_space<vmem>>
          %dma_wait3A_147 = tpu.memref_squeeze %dma_wait3A_146 : memref<1x80xi32, #tpu.memory_space<vmem>> -> memref<80xi32, #tpu.memory_space<vmem>>
          %dma_wait3A_148 = arith.constant 0 : i32
          %dma_wait3A_149 = arith.constant 0 : i32
          %dma_wait3A_150 = tpu.memref_slice %arg8[%dma_wait3A_148, %dma_wait3A_149] : memref<10000x128xf32, #tpu.memory_space<vmem_shared>> -> memref<10000x128xf32, #tpu.memory_space<vmem_shared>>
          tpu.wait_indirect_dma semaphore(%run_scoped3A : memref<!tpu.dma_semaphore, #tpu.memory_space<semaphore_mem>>) src(%arg6 : memref<80x128xf32, #tpu.memory_space<vmem>>) dst(%dma_wait3A_150 : memref<10000x128xf32, #tpu.memory_space<vmem_shared>>)
          tpu.yield
        }) : () -> ()
      }
      %scan3A_139 = arith.constant 25 : i32
    }
    %while3A_75 = arith.constant 1 : i32
    scf.for %while3A_133 = %while3A_73 to %while3A_69 step %while3A_75  : i32 {
      "tpu.region"() ({
        %run_scoped3A = tpu.sem_alloc : memref<!tpu.dma_semaphore, #tpu.memory_space<semaphore_mem>>
        %dma_start3A = arith.constant 0 : i32
        %dma_start3A_140 = arith.constant 0 : i32
        %dma_start3A_141 = tpu.memref_slice %arg2[%arg1, %while3A_133, %dma_start3A, %dma_start3A_140] : memref<16x10x25x80xi32, #tpu.memory_space<hbm>> -> memref<1x1x25x80xi32, #tpu.memory_space<hbm>>
        %dma_start3A_142 = tpu.memref_squeeze %dma_start3A_141 : memref<1x1x25x80xi32, #tpu.memory_space<hbm>> -> memref<25x80xi32, #tpu.memory_space<hbm>>
        %dma_start3A_143 = arith.constant 0 : i32
        %dma_start3A_144 = arith.constant 0 : i32
        %dma_start3A_145 = tpu.memref_slice %arg2[%arg1, %while3A_133, %dma_start3A_143, %dma_start3A_144] : memref<16x10x25x80xi32, #tpu.memory_space<hbm>> -> memref<1x1x25x80xi32, #tpu.memory_space<hbm>>
        %dma_start3A_146 = tpu.memref_squeeze %dma_start3A_145 : memref<1x1x25x80xi32, #tpu.memory_space<hbm>> -> memref<25x80xi32, #tpu.memory_space<hbm>>
        tpu.enqueue_dma source(%dma_start3A_146 : memref<25x80xi32, #tpu.memory_space<hbm>>) target(%arg5 : memref<25x80xi32, #tpu.memory_space<vmem>>) target_semaphore(%run_scoped3A : memref<!tpu.dma_semaphore, #tpu.memory_space<semaphore_mem>>)
        %dma_wait3A = arith.constant 0 : i32
        %dma_wait3A_147 = arith.constant 0 : i32
        %dma_wait3A_148 = tpu.memref_slice %arg2[%arg1, %while3A_133, %dma_wait3A, %dma_wait3A_147] : memref<16x10x25x80xi32, #tpu.memory_space<hbm>> -> memref<1x1x25x80xi32, #tpu.memory_space<hbm>>
        %dma_wait3A_149 = tpu.memref_squeeze %dma_wait3A_148 : memref<1x1x25x80xi32, #tpu.memory_space<hbm>> -> memref<25x80xi32, #tpu.memory_space<hbm>>
        %dma_wait3A_150 = arith.constant 0 : i32
        %dma_wait3A_151 = arith.constant 0 : i32
        %dma_wait3A_152 = tpu.memref_slice %arg2[%arg1, %while3A_133, %dma_wait3A_150, %dma_wait3A_151] : memref<16x10x25x80xi32, #tpu.memory_space<hbm>> -> memref<1x1x25x80xi32, #tpu.memory_space<hbm>>
        %dma_wait3A_153 = tpu.memref_squeeze %dma_wait3A_152 : memref<1x1x25x80xi32, #tpu.memory_space<hbm>> -> memref<25x80xi32, #tpu.memory_space<hbm>>
        tpu.wait_dma2 semaphore(%run_scoped3A : memref<!tpu.dma_semaphore, #tpu.memory_space<semaphore_mem>>) src(%dma_wait3A_153 : memref<25x80xi32, #tpu.memory_space<hbm>>) dst(%arg5 : memref<25x80xi32, #tpu.memory_space<vmem>>)
        tpu.yield
      }) : () -> ()
      %scan3A_134 = arith.constant 0 : i32
      %scan3A_135 = arith.constant 0 : i32
      %scan3A_136 = arith.constant 25 : i32
      %scan3A_137 = arith.addi %scan3A_135, %scan3A_136 : i32
      %scan3A_138 = arith.constant 1 : i32
      scf.for %scan3A_140 = %scan3A_135 to %scan3A_137 step %scan3A_138  : i32 {
        "tpu.region"() ({
          %run_scoped3A = tpu.sem_alloc : memref<!tpu.dma_semaphore, #tpu.memory_space<semaphore_mem>>
          %dma_start3A = arith.constant 0 : i32
          %dma_start3A_141 = tpu.memref_slice %arg5[%scan3A_140, %dma_start3A] : memref<25x80xi32, #tpu.memory_space<vmem>> -> memref<1x80xi32, #tpu.memory_space<vmem>>
          %dma_start3A_142 = tpu.memref_squeeze %dma_start3A_141 : memref<1x80xi32, #tpu.memory_space<vmem>> -> memref<80xi32, #tpu.memory_space<vmem>>
          %dma_start3A_143 = arith.constant 0 : i32
          %dma_start3A_144 = arith.constant 0 : i32
          %dma_start3A_145 = tpu.memref_slice %arg8[%dma_start3A_143, %dma_start3A_144] : memref<10000x128xf32, #tpu.memory_space<vmem_shared>> -> memref<10000x128xf32, #tpu.memory_space<vmem_shared>>
          tpu.enqueue_indirect_dma source(%arg6 : memref<80x128xf32, #tpu.memory_space<vmem>>) target(%dma_start3A_145 : memref<10000x128xf32, #tpu.memory_space<vmem_shared>>) offsets(%dma_start3A_142 : memref<80xi32, #tpu.memory_space<vmem>>) semaphore(%run_scoped3A : memref<!tpu.dma_semaphore, #tpu.memory_space<semaphore_mem>>) {add = true}
          %dma_wait3A = arith.constant 0 : i32
          %dma_wait3A_146 = tpu.memref_slice %arg5[%scan3A_140, %dma_wait3A] : memref<25x80xi32, #tpu.memory_space<vmem>> -> memref<1x80xi32, #tpu.memory_space<vmem>>
          %dma_wait3A_147 = tpu.memref_squeeze %dma_wait3A_146 : memref<1x80xi32, #tpu.memory_space<vmem>> -> memref<80xi32, #tpu.memory_space<vmem>>
          %dma_wait3A_148 = arith.constant 0 : i32
          %dma_wait3A_149 = arith.constant 0 : i32
          %dma_wait3A_150 = tpu.memref_slice %arg8[%dma_wait3A_148, %dma_wait3A_149] : memref<10000x128xf32, #tpu.memory_space<vmem_shared>> -> memref<10000x128xf32, #tpu.memory_space<vmem_shared>>
          tpu.wait_indirect_dma semaphore(%run_scoped3A : memref<!tpu.dma_semaphore, #tpu.memory_space<semaphore_mem>>) src(%arg6 : memref<80x128xf32, #tpu.memory_space<vmem>>) dst(%dma_wait3A_150 : memref<10000x128xf32, #tpu.memory_space<vmem_shared>>)
          tpu.yield
        }) : () -> ()
      }
      %scan3A_139 = arith.constant 25 : i32
    }
    %barrier3A_76 = arith.constant 0 : index
    tpu.barrier barrier_id(%barrier3A_76)
    %add3A_77 = arith.constant 0 : i32
    %add3A_78 = arith.addi %arg1, %add3A_77 : i32
    %lt3A_79 = arith.constant 125 : i32
    %lt3A_80 = arith.cmpi slt, %add3A_78, %lt3A_79 : i32
    %convert_element_type3A_81 = arith.extui %lt3A_80 : i1 to i32
    %cond3A_82 = arith.constant 0 : i32
    %cond3A_83 = arith.cmpi ne, %convert_element_type3A_81, %cond3A_82 : i32
    scf.if %cond3A_83 {
      %mul3A_133 = arith.constant 80 : i32
      %mul3A_134 = arith.muli %add3A_78, %mul3A_133 : i32
      "tpu.region"() ({
        %run_scoped3A = tpu.sem_alloc : memref<!tpu.dma_semaphore, #tpu.memory_space<semaphore_mem>>
        %dma_start3A = arith.constant 0 : i32
        %dma_start3A_144 = tpu.memref_slice %arg8[%mul3A_134, %dma_start3A] : memref<10000x128xf32, #tpu.memory_space<vmem_shared>> -> memref<80x128xf32, #tpu.memory_space<vmem_shared>>
        %dma_start3A_145 = arith.constant 0 : i32
        %dma_start3A_146 = tpu.memref_slice %arg8[%mul3A_134, %dma_start3A_145] : memref<10000x128xf32, #tpu.memory_space<vmem_shared>> -> memref<80x128xf32, #tpu.memory_space<vmem_shared>>
        tpu.enqueue_dma source(%dma_start3A_146 : memref<80x128xf32, #tpu.memory_space<vmem_shared>>) target(%arg7 : memref<80x128xf32, #tpu.memory_space<vmem>>) target_semaphore(%run_scoped3A : memref<!tpu.dma_semaphore, #tpu.memory_space<semaphore_mem>>)
        %dma_wait3A = arith.constant 0 : i32
        %dma_wait3A_147 = tpu.memref_slice %arg8[%mul3A_134, %dma_wait3A] : memref<10000x128xf32, #tpu.memory_space<vmem_shared>> -> memref<80x128xf32, #tpu.memory_space<vmem_shared>>
        %dma_wait3A_148 = arith.constant 0 : i32
        %dma_wait3A_149 = tpu.memref_slice %arg8[%mul3A_134, %dma_wait3A_148] : memref<10000x128xf32, #tpu.memory_space<vmem_shared>> -> memref<80x128xf32, #tpu.memory_space<vmem_shared>>
        tpu.wait_dma2 semaphore(%run_scoped3A : memref<!tpu.dma_semaphore, #tpu.memory_space<semaphore_mem>>) src(%dma_wait3A_149 : memref<80x128xf32, #tpu.memory_space<vmem_shared>>) dst(%arg7 : memref<80x128xf32, #tpu.memory_space<vmem>>)
        tpu.yield
      }) : () -> ()
      %eq3A = arith.constant 0 : i32
      %eq3A_135 = arith.cmpi eq, %arg0, %eq3A : i32
      %convert_element_type3A_136 = arith.extui %eq3A_135 : i1 to i32
      %cond3A_137 = arith.constant 0 : i32
      %cond3A_138 = arith.cmpi ne, %convert_element_type3A_136, %cond3A_137 : i32
      scf.if %cond3A_138 {
        %mul3A_144 = arith.constant 80 : i32
        %mul3A_145 = arith.muli %add3A_78, %mul3A_144 : i32
        "tpu.region"() ({
          %run_scoped3A = tpu.sem_alloc : memref<!tpu.dma_semaphore, #tpu.memory_space<semaphore_mem>>
          %dma_start3A = arith.constant 0 : i32
          %dma_start3A_146 = tpu.memref_slice %arg3[%mul3A_145, %dma_start3A] : memref<10000x128xf32, #tpu.memory_space<hbm>> -> memref<80x128xf32, #tpu.memory_space<hbm>>
          %dma_start3A_147 = arith.constant 0 : i32
          %dma_start3A_148 = tpu.memref_slice %arg3[%mul3A_145, %dma_start3A_147] : memref<10000x128xf32, #tpu.memory_space<hbm>> -> memref<80x128xf32, #tpu.memory_space<hbm>>
          tpu.enqueue_dma source(%arg7 : memref<80x128xf32, #tpu.memory_space<vmem>>) target(%dma_start3A_148 : memref<80x128xf32, #tpu.memory_space<hbm>>) target_semaphore(%run_scoped3A : memref<!tpu.dma_semaphore, #tpu.memory_space<semaphore_mem>>)
          %dma_wait3A = arith.constant 0 : i32
          %dma_wait3A_149 = tpu.memref_slice %arg3[%mul3A_145, %dma_wait3A] : memref<10000x128xf32, #tpu.memory_space<hbm>> -> memref<80x128xf32, #tpu.memory_space<hbm>>
          %dma_wait3A_150 = arith.constant 0 : i32
          %dma_wait3A_151 = tpu.memref_slice %arg3[%mul3A_145, %dma_wait3A_150] : memref<10000x128xf32, #tpu.memory_space<hbm>> -> memref<80x128xf32, #tpu.memory_space<hbm>>
          tpu.wait_dma2 semaphore(%run_scoped3A : memref<!tpu.dma_semaphore, #tpu.memory_space<semaphore_mem>>) src(%arg7 : memref<80x128xf32, #tpu.memory_space<vmem>>) dst(%dma_wait3A_151 : memref<80x128xf32, #tpu.memory_space<hbm>>)
          tpu.yield
        }) : () -> ()
      } else {
      }
      %eq3A_139 = arith.constant 1 : i32
      %eq3A_140 = arith.cmpi eq, %arg0, %eq3A_139 : i32
      %convert_element_type3A_141 = arith.extui %eq3A_140 : i1 to i32
      %cond3A_142 = arith.constant 0 : i32
      %cond3A_143 = arith.cmpi ne, %convert_element_type3A_141, %cond3A_142 : i32
      scf.if %cond3A_143 {
        %mul3A_144 = arith.constant 80 : i32
        %mul3A_145 = arith.muli %add3A_78, %mul3A_144 : i32
        "tpu.region"() ({
          %run_scoped3A = tpu.sem_alloc : memref<!tpu.dma_semaphore, #tpu.memory_space<semaphore_mem>>
          %dma_start3A = arith.constant 0 : i32
          %dma_start3A_146 = tpu.memref_slice %arg4[%mul3A_145, %dma_start3A] : memref<10000x128xf32, #tpu.memory_space<hbm>> -> memref<80x128xf32, #tpu.memory_space<hbm>>
          %dma_start3A_147 = arith.constant 0 : i32
          %dma_start3A_148 = tpu.memref_slice %arg4[%mul3A_145, %dma_start3A_147] : memref<10000x128xf32, #tpu.memory_space<hbm>> -> memref<80x128xf32, #tpu.memory_space<hbm>>
          tpu.enqueue_dma source(%arg7 : memref<80x128xf32, #tpu.memory_space<vmem>>) target(%dma_start3A_148 : memref<80x128xf32, #tpu.memory_space<hbm>>) target_semaphore(%run_scoped3A : memref<!tpu.dma_semaphore, #tpu.memory_space<semaphore_mem>>)
          %dma_wait3A = arith.constant 0 : i32
          %dma_wait3A_149 = tpu.memref_slice %arg4[%mul3A_145, %dma_wait3A] : memref<10000x128xf32, #tpu.memory_space<hbm>> -> memref<80x128xf32, #tpu.memory_space<hbm>>
          %dma_wait3A_150 = arith.constant 0 : i32
          %dma_wait3A_151 = tpu.memref_slice %arg4[%mul3A_145, %dma_wait3A_150] : memref<10000x128xf32, #tpu.memory_space<hbm>> -> memref<80x128xf32, #tpu.memory_space<hbm>>
          tpu.wait_dma2 semaphore(%run_scoped3A : memref<!tpu.dma_semaphore, #tpu.memory_space<semaphore_mem>>) src(%arg7 : memref<80x128xf32, #tpu.memory_space<vmem>>) dst(%dma_wait3A_151 : memref<80x128xf32, #tpu.memory_space<hbm>>)
          tpu.yield
        }) : () -> ()
      } else {
      }
    } else {
    }
    %add3A_84 = arith.constant 16 : i32
    %add3A_85 = arith.addi %arg1, %add3A_84 : i32
    %lt3A_86 = arith.constant 125 : i32
    %lt3A_87 = arith.cmpi slt, %add3A_85, %lt3A_86 : i32
    %convert_element_type3A_88 = arith.extui %lt3A_87 : i1 to i32
    %cond3A_89 = arith.constant 0 : i32
    %cond3A_90 = arith.cmpi ne, %convert_element_type3A_88, %cond3A_89 : i32
    scf.if %cond3A_90 {
      %mul3A_133 = arith.constant 80 : i32
      %mul3A_134 = arith.muli %add3A_85, %mul3A_133 : i32
      "tpu.region"() ({
        %run_scoped3A = tpu.sem_alloc : memref<!tpu.dma_semaphore, #tpu.memory_space<semaphore_mem>>
        %dma_start3A = arith.constant 0 : i32
        %dma_start3A_144 = tpu.memref_slice %arg8[%mul3A_134, %dma_start3A] : memref<10000x128xf32, #tpu.memory_space<vmem_shared>> -> memref<80x128xf32, #tpu.memory_space<vmem_shared>>
        %dma_start3A_145 = arith.constant 0 : i32
        %dma_start3A_146 = tpu.memref_slice %arg8[%mul3A_134, %dma_start3A_145] : memref<10000x128xf32, #tpu.memory_space<vmem_shared>> -> memref<80x128xf32, #tpu.memory_space<vmem_shared>>
        tpu.enqueue_dma source(%dma_start3A_146 : memref<80x128xf32, #tpu.memory_space<vmem_shared>>) target(%arg7 : memref<80x128xf32, #tpu.memory_space<vmem>>) target_semaphore(%run_scoped3A : memref<!tpu.dma_semaphore, #tpu.memory_space<semaphore_mem>>)
        %dma_wait3A = arith.constant 0 : i32
        %dma_wait3A_147 = tpu.memref_slice %arg8[%mul3A_134, %dma_wait3A] : memref<10000x128xf32, #tpu.memory_space<vmem_shared>> -> memref<80x128xf32, #tpu.memory_space<vmem_shared>>
        %dma_wait3A_148 = arith.constant 0 : i32
        %dma_wait3A_149 = tpu.memref_slice %arg8[%mul3A_134, %dma_wait3A_148] : memref<10000x128xf32, #tpu.memory_space<vmem_shared>> -> memref<80x128xf32, #tpu.memory_space<vmem_shared>>
        tpu.wait_dma2 semaphore(%run_scoped3A : memref<!tpu.dma_semaphore, #tpu.memory_space<semaphore_mem>>) src(%dma_wait3A_149 : memref<80x128xf32, #tpu.memory_space<vmem_shared>>) dst(%arg7 : memref<80x128xf32, #tpu.memory_space<vmem>>)
        tpu.yield
      }) : () -> ()
      %eq3A = arith.constant 0 : i32
      %eq3A_135 = arith.cmpi eq, %arg0, %eq3A : i32
      %convert_element_type3A_136 = arith.extui %eq3A_135 : i1 to i32
      %cond3A_137 = arith.constant 0 : i32
      %cond3A_138 = arith.cmpi ne, %convert_element_type3A_136, %cond3A_137 : i32
      scf.if %cond3A_138 {
        %mul3A_144 = arith.constant 80 : i32
        %mul3A_145 = arith.muli %add3A_85, %mul3A_144 : i32
        "tpu.region"() ({
          %run_scoped3A = tpu.sem_alloc : memref<!tpu.dma_semaphore, #tpu.memory_space<semaphore_mem>>
          %dma_start3A = arith.constant 0 : i32
          %dma_start3A_146 = tpu.memref_slice %arg3[%mul3A_145, %dma_start3A] : memref<10000x128xf32, #tpu.memory_space<hbm>> -> memref<80x128xf32, #tpu.memory_space<hbm>>
          %dma_start3A_147 = arith.constant 0 : i32
          %dma_start3A_148 = tpu.memref_slice %arg3[%mul3A_145, %dma_start3A_147] : memref<10000x128xf32, #tpu.memory_space<hbm>> -> memref<80x128xf32, #tpu.memory_space<hbm>>
          tpu.enqueue_dma source(%arg7 : memref<80x128xf32, #tpu.memory_space<vmem>>) target(%dma_start3A_148 : memref<80x128xf32, #tpu.memory_space<hbm>>) target_semaphore(%run_scoped3A : memref<!tpu.dma_semaphore, #tpu.memory_space<semaphore_mem>>)
          %dma_wait3A = arith.constant 0 : i32
          %dma_wait3A_149 = tpu.memref_slice %arg3[%mul3A_145, %dma_wait3A] : memref<10000x128xf32, #tpu.memory_space<hbm>> -> memref<80x128xf32, #tpu.memory_space<hbm>>
          %dma_wait3A_150 = arith.constant 0 : i32
          %dma_wait3A_151 = tpu.memref_slice %arg3[%mul3A_145, %dma_wait3A_150] : memref<10000x128xf32, #tpu.memory_space<hbm>> -> memref<80x128xf32, #tpu.memory_space<hbm>>
          tpu.wait_dma2 semaphore(%run_scoped3A : memref<!tpu.dma_semaphore, #tpu.memory_space<semaphore_mem>>) src(%arg7 : memref<80x128xf32, #tpu.memory_space<vmem>>) dst(%dma_wait3A_151 : memref<80x128xf32, #tpu.memory_space<hbm>>)
          tpu.yield
        }) : () -> ()
      } else {
      }
      %eq3A_139 = arith.constant 1 : i32
      %eq3A_140 = arith.cmpi eq, %arg0, %eq3A_139 : i32
      %convert_element_type3A_141 = arith.extui %eq3A_140 : i1 to i32
      %cond3A_142 = arith.constant 0 : i32
      %cond3A_143 = arith.cmpi ne, %convert_element_type3A_141, %cond3A_142 : i32
      scf.if %cond3A_143 {
        %mul3A_144 = arith.constant 80 : i32
        %mul3A_145 = arith.muli %add3A_85, %mul3A_144 : i32
        "tpu.region"() ({
          %run_scoped3A = tpu.sem_alloc : memref<!tpu.dma_semaphore, #tpu.memory_space<semaphore_mem>>
          %dma_start3A = arith.constant 0 : i32
          %dma_start3A_146 = tpu.memref_slice %arg4[%mul3A_145, %dma_start3A] : memref<10000x128xf32, #tpu.memory_space<hbm>> -> memref<80x128xf32, #tpu.memory_space<hbm>>
          %dma_start3A_147 = arith.constant 0 : i32
          %dma_start3A_148 = tpu.memref_slice %arg4[%mul3A_145, %dma_start3A_147] : memref<10000x128xf32, #tpu.memory_space<hbm>> -> memref<80x128xf32, #tpu.memory_space<hbm>>
          tpu.enqueue_dma source(%arg7 : memref<80x128xf32, #tpu.memory_space<vmem>>) target(%dma_start3A_148 : memref<80x128xf32, #tpu.memory_space<hbm>>) target_semaphore(%run_scoped3A : memref<!tpu.dma_semaphore, #tpu.memory_space<semaphore_mem>>)
          %dma_wait3A = arith.constant 0 : i32
          %dma_wait3A_149 = tpu.memref_slice %arg4[%mul3A_145, %dma_wait3A] : memref<10000x128xf32, #tpu.memory_space<hbm>> -> memref<80x128xf32, #tpu.memory_space<hbm>>
          %dma_wait3A_150 = arith.constant 0 : i32
          %dma_wait3A_151 = tpu.memref_slice %arg4[%mul3A_145, %dma_wait3A_150] : memref<10000x128xf32, #tpu.memory_space<hbm>> -> memref<80x128xf32, #tpu.memory_space<hbm>>
          tpu.wait_dma2 semaphore(%run_scoped3A : memref<!tpu.dma_semaphore, #tpu.memory_space<semaphore_mem>>) src(%arg7 : memref<80x128xf32, #tpu.memory_space<vmem>>) dst(%dma_wait3A_151 : memref<80x128xf32, #tpu.memory_space<hbm>>)
          tpu.yield
        }) : () -> ()
      } else {
      }
    } else {
    }
    %add3A_91 = arith.constant 32 : i32
    %add3A_92 = arith.addi %arg1, %add3A_91 : i32
    %lt3A_93 = arith.constant 125 : i32
    %lt3A_94 = arith.cmpi slt, %add3A_92, %lt3A_93 : i32
    %convert_element_type3A_95 = arith.extui %lt3A_94 : i1 to i32
    %cond3A_96 = arith.constant 0 : i32
    %cond3A_97 = arith.cmpi ne, %convert_element_type3A_95, %cond3A_96 : i32
    scf.if %cond3A_97 {
      %mul3A_133 = arith.constant 80 : i32
      %mul3A_134 = arith.muli %add3A_92, %mul3A_133 : i32
      "tpu.region"() ({
        %run_scoped3A = tpu.sem_alloc : memref<!tpu.dma_semaphore, #tpu.memory_space<semaphore_mem>>
        %dma_start3A = arith.constant 0 : i32
        %dma_start3A_144 = tpu.memref_slice %arg8[%mul3A_134, %dma_start3A] : memref<10000x128xf32, #tpu.memory_space<vmem_shared>> -> memref<80x128xf32, #tpu.memory_space<vmem_shared>>
        %dma_start3A_145 = arith.constant 0 : i32
        %dma_start3A_146 = tpu.memref_slice %arg8[%mul3A_134, %dma_start3A_145] : memref<10000x128xf32, #tpu.memory_space<vmem_shared>> -> memref<80x128xf32, #tpu.memory_space<vmem_shared>>
        tpu.enqueue_dma source(%dma_start3A_146 : memref<80x128xf32, #tpu.memory_space<vmem_shared>>) target(%arg7 : memref<80x128xf32, #tpu.memory_space<vmem>>) target_semaphore(%run_scoped3A : memref<!tpu.dma_semaphore, #tpu.memory_space<semaphore_mem>>)
        %dma_wait3A = arith.constant 0 : i32
        %dma_wait3A_147 = tpu.memref_slice %arg8[%mul3A_134, %dma_wait3A] : memref<10000x128xf32, #tpu.memory_space<vmem_shared>> -> memref<80x128xf32, #tpu.memory_space<vmem_shared>>
        %dma_wait3A_148 = arith.constant 0 : i32
        %dma_wait3A_149 = tpu.memref_slice %arg8[%mul3A_134, %dma_wait3A_148] : memref<10000x128xf32, #tpu.memory_space<vmem_shared>> -> memref<80x128xf32, #tpu.memory_space<vmem_shared>>
        tpu.wait_dma2 semaphore(%run_scoped3A : memref<!tpu.dma_semaphore, #tpu.memory_space<semaphore_mem>>) src(%dma_wait3A_149 : memref<80x128xf32, #tpu.memory_space<vmem_shared>>) dst(%arg7 : memref<80x128xf32, #tpu.memory_space<vmem>>)
        tpu.yield
      }) : () -> ()
      %eq3A = arith.constant 0 : i32
      %eq3A_135 = arith.cmpi eq, %arg0, %eq3A : i32
      %convert_element_type3A_136 = arith.extui %eq3A_135 : i1 to i32
      %cond3A_137 = arith.constant 0 : i32
      %cond3A_138 = arith.cmpi ne, %convert_element_type3A_136, %cond3A_137 : i32
      scf.if %cond3A_138 {
        %mul3A_144 = arith.constant 80 : i32
        %mul3A_145 = arith.muli %add3A_92, %mul3A_144 : i32
        "tpu.region"() ({
          %run_scoped3A = tpu.sem_alloc : memref<!tpu.dma_semaphore, #tpu.memory_space<semaphore_mem>>
          %dma_start3A = arith.constant 0 : i32
          %dma_start3A_146 = tpu.memref_slice %arg3[%mul3A_145, %dma_start3A] : memref<10000x128xf32, #tpu.memory_space<hbm>> -> memref<80x128xf32, #tpu.memory_space<hbm>>
          %dma_start3A_147 = arith.constant 0 : i32
          %dma_start3A_148 = tpu.memref_slice %arg3[%mul3A_145, %dma_start3A_147] : memref<10000x128xf32, #tpu.memory_space<hbm>> -> memref<80x128xf32, #tpu.memory_space<hbm>>
          tpu.enqueue_dma source(%arg7 : memref<80x128xf32, #tpu.memory_space<vmem>>) target(%dma_start3A_148 : memref<80x128xf32, #tpu.memory_space<hbm>>) target_semaphore(%run_scoped3A : memref<!tpu.dma_semaphore, #tpu.memory_space<semaphore_mem>>)
          %dma_wait3A = arith.constant 0 : i32
          %dma_wait3A_149 = tpu.memref_slice %arg3[%mul3A_145, %dma_wait3A] : memref<10000x128xf32, #tpu.memory_space<hbm>> -> memref<80x128xf32, #tpu.memory_space<hbm>>
          %dma_wait3A_150 = arith.constant 0 : i32
          %dma_wait3A_151 = tpu.memref_slice %arg3[%mul3A_145, %dma_wait3A_150] : memref<10000x128xf32, #tpu.memory_space<hbm>> -> memref<80x128xf32, #tpu.memory_space<hbm>>
          tpu.wait_dma2 semaphore(%run_scoped3A : memref<!tpu.dma_semaphore, #tpu.memory_space<semaphore_mem>>) src(%arg7 : memref<80x128xf32, #tpu.memory_space<vmem>>) dst(%dma_wait3A_151 : memref<80x128xf32, #tpu.memory_space<hbm>>)
          tpu.yield
        }) : () -> ()
      } else {
      }
      %eq3A_139 = arith.constant 1 : i32
      %eq3A_140 = arith.cmpi eq, %arg0, %eq3A_139 : i32
      %convert_element_type3A_141 = arith.extui %eq3A_140 : i1 to i32
      %cond3A_142 = arith.constant 0 : i32
      %cond3A_143 = arith.cmpi ne, %convert_element_type3A_141, %cond3A_142 : i32
      scf.if %cond3A_143 {
        %mul3A_144 = arith.constant 80 : i32
        %mul3A_145 = arith.muli %add3A_92, %mul3A_144 : i32
        "tpu.region"() ({
          %run_scoped3A = tpu.sem_alloc : memref<!tpu.dma_semaphore, #tpu.memory_space<semaphore_mem>>
          %dma_start3A = arith.constant 0 : i32
          %dma_start3A_146 = tpu.memref_slice %arg4[%mul3A_145, %dma_start3A] : memref<10000x128xf32, #tpu.memory_space<hbm>> -> memref<80x128xf32, #tpu.memory_space<hbm>>
          %dma_start3A_147 = arith.constant 0 : i32
          %dma_start3A_148 = tpu.memref_slice %arg4[%mul3A_145, %dma_start3A_147] : memref<10000x128xf32, #tpu.memory_space<hbm>> -> memref<80x128xf32, #tpu.memory_space<hbm>>
          tpu.enqueue_dma source(%arg7 : memref<80x128xf32, #tpu.memory_space<vmem>>) target(%dma_start3A_148 : memref<80x128xf32, #tpu.memory_space<hbm>>) target_semaphore(%run_scoped3A : memref<!tpu.dma_semaphore, #tpu.memory_space<semaphore_mem>>)
          %dma_wait3A = arith.constant 0 : i32
          %dma_wait3A_149 = tpu.memref_slice %arg4[%mul3A_145, %dma_wait3A] : memref<10000x128xf32, #tpu.memory_space<hbm>> -> memref<80x128xf32, #tpu.memory_space<hbm>>
          %dma_wait3A_150 = arith.constant 0 : i32
          %dma_wait3A_151 = tpu.memref_slice %arg4[%mul3A_145, %dma_wait3A_150] : memref<10000x128xf32, #tpu.memory_space<hbm>> -> memref<80x128xf32, #tpu.memory_space<hbm>>
          tpu.wait_dma2 semaphore(%run_scoped3A : memref<!tpu.dma_semaphore, #tpu.memory_space<semaphore_mem>>) src(%arg7 : memref<80x128xf32, #tpu.memory_space<vmem>>) dst(%dma_wait3A_151 : memref<80x128xf32, #tpu.memory_space<hbm>>)
          tpu.yield
        }) : () -> ()
      } else {
      }
    } else {
    }
    %add3A_98 = arith.constant 48 : i32
    %add3A_99 = arith.addi %arg1, %add3A_98 : i32
    %lt3A_100 = arith.constant 125 : i32
    %lt3A_101 = arith.cmpi slt, %add3A_99, %lt3A_100 : i32
    %convert_element_type3A_102 = arith.extui %lt3A_101 : i1 to i32
    %cond3A_103 = arith.constant 0 : i32
    %cond3A_104 = arith.cmpi ne, %convert_element_type3A_102, %cond3A_103 : i32
    scf.if %cond3A_104 {
      %mul3A_133 = arith.constant 80 : i32
      %mul3A_134 = arith.muli %add3A_99, %mul3A_133 : i32
      "tpu.region"() ({
        %run_scoped3A = tpu.sem_alloc : memref<!tpu.dma_semaphore, #tpu.memory_space<semaphore_mem>>
        %dma_start3A = arith.constant 0 : i32
        %dma_start3A_144 = tpu.memref_slice %arg8[%mul3A_134, %dma_start3A] : memref<10000x128xf32, #tpu.memory_space<vmem_shared>> -> memref<80x128xf32, #tpu.memory_space<vmem_shared>>
        %dma_start3A_145 = arith.constant 0 : i32
        %dma_start3A_146 = tpu.memref_slice %arg8[%mul3A_134, %dma_start3A_145] : memref<10000x128xf32, #tpu.memory_space<vmem_shared>> -> memref<80x128xf32, #tpu.memory_space<vmem_shared>>
        tpu.enqueue_dma source(%dma_start3A_146 : memref<80x128xf32, #tpu.memory_space<vmem_shared>>) target(%arg7 : memref<80x128xf32, #tpu.memory_space<vmem>>) target_semaphore(%run_scoped3A : memref<!tpu.dma_semaphore, #tpu.memory_space<semaphore_mem>>)
        %dma_wait3A = arith.constant 0 : i32
        %dma_wait3A_147 = tpu.memref_slice %arg8[%mul3A_134, %dma_wait3A] : memref<10000x128xf32, #tpu.memory_space<vmem_shared>> -> memref<80x128xf32, #tpu.memory_space<vmem_shared>>
        %dma_wait3A_148 = arith.constant 0 : i32
        %dma_wait3A_149 = tpu.memref_slice %arg8[%mul3A_134, %dma_wait3A_148] : memref<10000x128xf32, #tpu.memory_space<vmem_shared>> -> memref<80x128xf32, #tpu.memory_space<vmem_shared>>
        tpu.wait_dma2 semaphore(%run_scoped3A : memref<!tpu.dma_semaphore, #tpu.memory_space<semaphore_mem>>) src(%dma_wait3A_149 : memref<80x128xf32, #tpu.memory_space<vmem_shared>>) dst(%arg7 : memref<80x128xf32, #tpu.memory_space<vmem>>)
        tpu.yield
      }) : () -> ()
      %eq3A = arith.constant 0 : i32
      %eq3A_135 = arith.cmpi eq, %arg0, %eq3A : i32
      %convert_element_type3A_136 = arith.extui %eq3A_135 : i1 to i32
      %cond3A_137 = arith.constant 0 : i32
      %cond3A_138 = arith.cmpi ne, %convert_element_type3A_136, %cond3A_137 : i32
      scf.if %cond3A_138 {
        %mul3A_144 = arith.constant 80 : i32
        %mul3A_145 = arith.muli %add3A_99, %mul3A_144 : i32
        "tpu.region"() ({
          %run_scoped3A = tpu.sem_alloc : memref<!tpu.dma_semaphore, #tpu.memory_space<semaphore_mem>>
          %dma_start3A = arith.constant 0 : i32
          %dma_start3A_146 = tpu.memref_slice %arg3[%mul3A_145, %dma_start3A] : memref<10000x128xf32, #tpu.memory_space<hbm>> -> memref<80x128xf32, #tpu.memory_space<hbm>>
          %dma_start3A_147 = arith.constant 0 : i32
          %dma_start3A_148 = tpu.memref_slice %arg3[%mul3A_145, %dma_start3A_147] : memref<10000x128xf32, #tpu.memory_space<hbm>> -> memref<80x128xf32, #tpu.memory_space<hbm>>
          tpu.enqueue_dma source(%arg7 : memref<80x128xf32, #tpu.memory_space<vmem>>) target(%dma_start3A_148 : memref<80x128xf32, #tpu.memory_space<hbm>>) target_semaphore(%run_scoped3A : memref<!tpu.dma_semaphore, #tpu.memory_space<semaphore_mem>>)
          %dma_wait3A = arith.constant 0 : i32
          %dma_wait3A_149 = tpu.memref_slice %arg3[%mul3A_145, %dma_wait3A] : memref<10000x128xf32, #tpu.memory_space<hbm>> -> memref<80x128xf32, #tpu.memory_space<hbm>>
          %dma_wait3A_150 = arith.constant 0 : i32
          %dma_wait3A_151 = tpu.memref_slice %arg3[%mul3A_145, %dma_wait3A_150] : memref<10000x128xf32, #tpu.memory_space<hbm>> -> memref<80x128xf32, #tpu.memory_space<hbm>>
          tpu.wait_dma2 semaphore(%run_scoped3A : memref<!tpu.dma_semaphore, #tpu.memory_space<semaphore_mem>>) src(%arg7 : memref<80x128xf32, #tpu.memory_space<vmem>>) dst(%dma_wait3A_151 : memref<80x128xf32, #tpu.memory_space<hbm>>)
          tpu.yield
        }) : () -> ()
      } else {
      }
      %eq3A_139 = arith.constant 1 : i32
      %eq3A_140 = arith.cmpi eq, %arg0, %eq3A_139 : i32
      %convert_element_type3A_141 = arith.extui %eq3A_140 : i1 to i32
      %cond3A_142 = arith.constant 0 : i32
      %cond3A_143 = arith.cmpi ne, %convert_element_type3A_141, %cond3A_142 : i32
      scf.if %cond3A_143 {
        %mul3A_144 = arith.constant 80 : i32
        %mul3A_145 = arith.muli %add3A_99, %mul3A_144 : i32
        "tpu.region"() ({
          %run_scoped3A = tpu.sem_alloc : memref<!tpu.dma_semaphore, #tpu.memory_space<semaphore_mem>>
          %dma_start3A = arith.constant 0 : i32
          %dma_start3A_146 = tpu.memref_slice %arg4[%mul3A_145, %dma_start3A] : memref<10000x128xf32, #tpu.memory_space<hbm>> -> memref<80x128xf32, #tpu.memory_space<hbm>>
          %dma_start3A_147 = arith.constant 0 : i32
          %dma_start3A_148 = tpu.memref_slice %arg4[%mul3A_145, %dma_start3A_147] : memref<10000x128xf32, #tpu.memory_space<hbm>> -> memref<80x128xf32, #tpu.memory_space<hbm>>
          tpu.enqueue_dma source(%arg7 : memref<80x128xf32, #tpu.memory_space<vmem>>) target(%dma_start3A_148 : memref<80x128xf32, #tpu.memory_space<hbm>>) target_semaphore(%run_scoped3A : memref<!tpu.dma_semaphore, #tpu.memory_space<semaphore_mem>>)
          %dma_wait3A = arith.constant 0 : i32
          %dma_wait3A_149 = tpu.memref_slice %arg4[%mul3A_145, %dma_wait3A] : memref<10000x128xf32, #tpu.memory_space<hbm>> -> memref<80x128xf32, #tpu.memory_space<hbm>>
          %dma_wait3A_150 = arith.constant 0 : i32
          %dma_wait3A_151 = tpu.memref_slice %arg4[%mul3A_145, %dma_wait3A_150] : memref<10000x128xf32, #tpu.memory_space<hbm>> -> memref<80x128xf32, #tpu.memory_space<hbm>>
          tpu.wait_dma2 semaphore(%run_scoped3A : memref<!tpu.dma_semaphore, #tpu.memory_space<semaphore_mem>>) src(%arg7 : memref<80x128xf32, #tpu.memory_space<vmem>>) dst(%dma_wait3A_151 : memref<80x128xf32, #tpu.memory_space<hbm>>)
          tpu.yield
        }) : () -> ()
      } else {
      }
    } else {
    }
    %add3A_105 = arith.constant 64 : i32
    %add3A_106 = arith.addi %arg1, %add3A_105 : i32
    %lt3A_107 = arith.constant 125 : i32
    %lt3A_108 = arith.cmpi slt, %add3A_106, %lt3A_107 : i32
    %convert_element_type3A_109 = arith.extui %lt3A_108 : i1 to i32
    %cond3A_110 = arith.constant 0 : i32
    %cond3A_111 = arith.cmpi ne, %convert_element_type3A_109, %cond3A_110 : i32
    scf.if %cond3A_111 {
      %mul3A_133 = arith.constant 80 : i32
      %mul3A_134 = arith.muli %add3A_106, %mul3A_133 : i32
      "tpu.region"() ({
        %run_scoped3A = tpu.sem_alloc : memref<!tpu.dma_semaphore, #tpu.memory_space<semaphore_mem>>
        %dma_start3A = arith.constant 0 : i32
        %dma_start3A_144 = tpu.memref_slice %arg8[%mul3A_134, %dma_start3A] : memref<10000x128xf32, #tpu.memory_space<vmem_shared>> -> memref<80x128xf32, #tpu.memory_space<vmem_shared>>
        %dma_start3A_145 = arith.constant 0 : i32
        %dma_start3A_146 = tpu.memref_slice %arg8[%mul3A_134, %dma_start3A_145] : memref<10000x128xf32, #tpu.memory_space<vmem_shared>> -> memref<80x128xf32, #tpu.memory_space<vmem_shared>>
        tpu.enqueue_dma source(%dma_start3A_146 : memref<80x128xf32, #tpu.memory_space<vmem_shared>>) target(%arg7 : memref<80x128xf32, #tpu.memory_space<vmem>>) target_semaphore(%run_scoped3A : memref<!tpu.dma_semaphore, #tpu.memory_space<semaphore_mem>>)
        %dma_wait3A = arith.constant 0 : i32
        %dma_wait3A_147 = tpu.memref_slice %arg8[%mul3A_134, %dma_wait3A] : memref<10000x128xf32, #tpu.memory_space<vmem_shared>> -> memref<80x128xf32, #tpu.memory_space<vmem_shared>>
        %dma_wait3A_148 = arith.constant 0 : i32
        %dma_wait3A_149 = tpu.memref_slice %arg8[%mul3A_134, %dma_wait3A_148] : memref<10000x128xf32, #tpu.memory_space<vmem_shared>> -> memref<80x128xf32, #tpu.memory_space<vmem_shared>>
        tpu.wait_dma2 semaphore(%run_scoped3A : memref<!tpu.dma_semaphore, #tpu.memory_space<semaphore_mem>>) src(%dma_wait3A_149 : memref<80x128xf32, #tpu.memory_space<vmem_shared>>) dst(%arg7 : memref<80x128xf32, #tpu.memory_space<vmem>>)
        tpu.yield
      }) : () -> ()
      %eq3A = arith.constant 0 : i32
      %eq3A_135 = arith.cmpi eq, %arg0, %eq3A : i32
      %convert_element_type3A_136 = arith.extui %eq3A_135 : i1 to i32
      %cond3A_137 = arith.constant 0 : i32
      %cond3A_138 = arith.cmpi ne, %convert_element_type3A_136, %cond3A_137 : i32
      scf.if %cond3A_138 {
        %mul3A_144 = arith.constant 80 : i32
        %mul3A_145 = arith.muli %add3A_106, %mul3A_144 : i32
        "tpu.region"() ({
          %run_scoped3A = tpu.sem_alloc : memref<!tpu.dma_semaphore, #tpu.memory_space<semaphore_mem>>
          %dma_start3A = arith.constant 0 : i32
          %dma_start3A_146 = tpu.memref_slice %arg3[%mul3A_145, %dma_start3A] : memref<10000x128xf32, #tpu.memory_space<hbm>> -> memref<80x128xf32, #tpu.memory_space<hbm>>
          %dma_start3A_147 = arith.constant 0 : i32
          %dma_start3A_148 = tpu.memref_slice %arg3[%mul3A_145, %dma_start3A_147] : memref<10000x128xf32, #tpu.memory_space<hbm>> -> memref<80x128xf32, #tpu.memory_space<hbm>>
          tpu.enqueue_dma source(%arg7 : memref<80x128xf32, #tpu.memory_space<vmem>>) target(%dma_start3A_148 : memref<80x128xf32, #tpu.memory_space<hbm>>) target_semaphore(%run_scoped3A : memref<!tpu.dma_semaphore, #tpu.memory_space<semaphore_mem>>)
          %dma_wait3A = arith.constant 0 : i32
          %dma_wait3A_149 = tpu.memref_slice %arg3[%mul3A_145, %dma_wait3A] : memref<10000x128xf32, #tpu.memory_space<hbm>> -> memref<80x128xf32, #tpu.memory_space<hbm>>
          %dma_wait3A_150 = arith.constant 0 : i32
          %dma_wait3A_151 = tpu.memref_slice %arg3[%mul3A_145, %dma_wait3A_150] : memref<10000x128xf32, #tpu.memory_space<hbm>> -> memref<80x128xf32, #tpu.memory_space<hbm>>
          tpu.wait_dma2 semaphore(%run_scoped3A : memref<!tpu.dma_semaphore, #tpu.memory_space<semaphore_mem>>) src(%arg7 : memref<80x128xf32, #tpu.memory_space<vmem>>) dst(%dma_wait3A_151 : memref<80x128xf32, #tpu.memory_space<hbm>>)
          tpu.yield
        }) : () -> ()
      } else {
      }
      %eq3A_139 = arith.constant 1 : i32
      %eq3A_140 = arith.cmpi eq, %arg0, %eq3A_139 : i32
      %convert_element_type3A_141 = arith.extui %eq3A_140 : i1 to i32
      %cond3A_142 = arith.constant 0 : i32
      %cond3A_143 = arith.cmpi ne, %convert_element_type3A_141, %cond3A_142 : i32
      scf.if %cond3A_143 {
        %mul3A_144 = arith.constant 80 : i32
        %mul3A_145 = arith.muli %add3A_106, %mul3A_144 : i32
        "tpu.region"() ({
          %run_scoped3A = tpu.sem_alloc : memref<!tpu.dma_semaphore, #tpu.memory_space<semaphore_mem>>
          %dma_start3A = arith.constant 0 : i32
          %dma_start3A_146 = tpu.memref_slice %arg4[%mul3A_145, %dma_start3A] : memref<10000x128xf32, #tpu.memory_space<hbm>> -> memref<80x128xf32, #tpu.memory_space<hbm>>
          %dma_start3A_147 = arith.constant 0 : i32
          %dma_start3A_148 = tpu.memref_slice %arg4[%mul3A_145, %dma_start3A_147] : memref<10000x128xf32, #tpu.memory_space<hbm>> -> memref<80x128xf32, #tpu.memory_space<hbm>>
          tpu.enqueue_dma source(%arg7 : memref<80x128xf32, #tpu.memory_space<vmem>>) target(%dma_start3A_148 : memref<80x128xf32, #tpu.memory_space<hbm>>) target_semaphore(%run_scoped3A : memref<!tpu.dma_semaphore, #tpu.memory_space<semaphore_mem>>)
          %dma_wait3A = arith.constant 0 : i32
          %dma_wait3A_149 = tpu.memref_slice %arg4[%mul3A_145, %dma_wait3A] : memref<10000x128xf32, #tpu.memory_space<hbm>> -> memref<80x128xf32, #tpu.memory_space<hbm>>
          %dma_wait3A_150 = arith.constant 0 : i32
          %dma_wait3A_151 = tpu.memref_slice %arg4[%mul3A_145, %dma_wait3A_150] : memref<10000x128xf32, #tpu.memory_space<hbm>> -> memref<80x128xf32, #tpu.memory_space<hbm>>
          tpu.wait_dma2 semaphore(%run_scoped3A : memref<!tpu.dma_semaphore, #tpu.memory_space<semaphore_mem>>) src(%arg7 : memref<80x128xf32, #tpu.memory_space<vmem>>) dst(%dma_wait3A_151 : memref<80x128xf32, #tpu.memory_space<hbm>>)
          tpu.yield
        }) : () -> ()
      } else {
      }
    } else {
    }
    %add3A_112 = arith.constant 80 : i32
    %add3A_113 = arith.addi %arg1, %add3A_112 : i32
    %lt3A_114 = arith.constant 125 : i32
    %lt3A_115 = arith.cmpi slt, %add3A_113, %lt3A_114 : i32
    %convert_element_type3A_116 = arith.extui %lt3A_115 : i1 to i32
    %cond3A_117 = arith.constant 0 : i32
    %cond3A_118 = arith.cmpi ne, %convert_element_type3A_116, %cond3A_117 : i32
    scf.if %cond3A_118 {
      %mul3A_133 = arith.constant 80 : i32
      %mul3A_134 = arith.muli %add3A_113, %mul3A_133 : i32
      "tpu.region"() ({
        %run_scoped3A = tpu.sem_alloc : memref<!tpu.dma_semaphore, #tpu.memory_space<semaphore_mem>>
        %dma_start3A = arith.constant 0 : i32
        %dma_start3A_144 = tpu.memref_slice %arg8[%mul3A_134, %dma_start3A] : memref<10000x128xf32, #tpu.memory_space<vmem_shared>> -> memref<80x128xf32, #tpu.memory_space<vmem_shared>>
        %dma_start3A_145 = arith.constant 0 : i32
        %dma_start3A_146 = tpu.memref_slice %arg8[%mul3A_134, %dma_start3A_145] : memref<10000x128xf32, #tpu.memory_space<vmem_shared>> -> memref<80x128xf32, #tpu.memory_space<vmem_shared>>
        tpu.enqueue_dma source(%dma_start3A_146 : memref<80x128xf32, #tpu.memory_space<vmem_shared>>) target(%arg7 : memref<80x128xf32, #tpu.memory_space<vmem>>) target_semaphore(%run_scoped3A : memref<!tpu.dma_semaphore, #tpu.memory_space<semaphore_mem>>)
        %dma_wait3A = arith.constant 0 : i32
        %dma_wait3A_147 = tpu.memref_slice %arg8[%mul3A_134, %dma_wait3A] : memref<10000x128xf32, #tpu.memory_space<vmem_shared>> -> memref<80x128xf32, #tpu.memory_space<vmem_shared>>
        %dma_wait3A_148 = arith.constant 0 : i32
        %dma_wait3A_149 = tpu.memref_slice %arg8[%mul3A_134, %dma_wait3A_148] : memref<10000x128xf32, #tpu.memory_space<vmem_shared>> -> memref<80x128xf32, #tpu.memory_space<vmem_shared>>
        tpu.wait_dma2 semaphore(%run_scoped3A : memref<!tpu.dma_semaphore, #tpu.memory_space<semaphore_mem>>) src(%dma_wait3A_149 : memref<80x128xf32, #tpu.memory_space<vmem_shared>>) dst(%arg7 : memref<80x128xf32, #tpu.memory_space<vmem>>)
        tpu.yield
      }) : () -> ()
      %eq3A = arith.constant 0 : i32
      %eq3A_135 = arith.cmpi eq, %arg0, %eq3A : i32
      %convert_element_type3A_136 = arith.extui %eq3A_135 : i1 to i32
      %cond3A_137 = arith.constant 0 : i32
      %cond3A_138 = arith.cmpi ne, %convert_element_type3A_136, %cond3A_137 : i32
      scf.if %cond3A_138 {
        %mul3A_144 = arith.constant 80 : i32
        %mul3A_145 = arith.muli %add3A_113, %mul3A_144 : i32
        "tpu.region"() ({
          %run_scoped3A = tpu.sem_alloc : memref<!tpu.dma_semaphore, #tpu.memory_space<semaphore_mem>>
          %dma_start3A = arith.constant 0 : i32
          %dma_start3A_146 = tpu.memref_slice %arg3[%mul3A_145, %dma_start3A] : memref<10000x128xf32, #tpu.memory_space<hbm>> -> memref<80x128xf32, #tpu.memory_space<hbm>>
          %dma_start3A_147 = arith.constant 0 : i32
          %dma_start3A_148 = tpu.memref_slice %arg3[%mul3A_145, %dma_start3A_147] : memref<10000x128xf32, #tpu.memory_space<hbm>> -> memref<80x128xf32, #tpu.memory_space<hbm>>
          tpu.enqueue_dma source(%arg7 : memref<80x128xf32, #tpu.memory_space<vmem>>) target(%dma_start3A_148 : memref<80x128xf32, #tpu.memory_space<hbm>>) target_semaphore(%run_scoped3A : memref<!tpu.dma_semaphore, #tpu.memory_space<semaphore_mem>>)
          %dma_wait3A = arith.constant 0 : i32
          %dma_wait3A_149 = tpu.memref_slice %arg3[%mul3A_145, %dma_wait3A] : memref<10000x128xf32, #tpu.memory_space<hbm>> -> memref<80x128xf32, #tpu.memory_space<hbm>>
          %dma_wait3A_150 = arith.constant 0 : i32
          %dma_wait3A_151 = tpu.memref_slice %arg3[%mul3A_145, %dma_wait3A_150] : memref<10000x128xf32, #tpu.memory_space<hbm>> -> memref<80x128xf32, #tpu.memory_space<hbm>>
          tpu.wait_dma2 semaphore(%run_scoped3A : memref<!tpu.dma_semaphore, #tpu.memory_space<semaphore_mem>>) src(%arg7 : memref<80x128xf32, #tpu.memory_space<vmem>>) dst(%dma_wait3A_151 : memref<80x128xf32, #tpu.memory_space<hbm>>)
          tpu.yield
        }) : () -> ()
      } else {
      }
      %eq3A_139 = arith.constant 1 : i32
      %eq3A_140 = arith.cmpi eq, %arg0, %eq3A_139 : i32
      %convert_element_type3A_141 = arith.extui %eq3A_140 : i1 to i32
      %cond3A_142 = arith.constant 0 : i32
      %cond3A_143 = arith.cmpi ne, %convert_element_type3A_141, %cond3A_142 : i32
      scf.if %cond3A_143 {
        %mul3A_144 = arith.constant 80 : i32
        %mul3A_145 = arith.muli %add3A_113, %mul3A_144 : i32
        "tpu.region"() ({
          %run_scoped3A = tpu.sem_alloc : memref<!tpu.dma_semaphore, #tpu.memory_space<semaphore_mem>>
          %dma_start3A = arith.constant 0 : i32
          %dma_start3A_146 = tpu.memref_slice %arg4[%mul3A_145, %dma_start3A] : memref<10000x128xf32, #tpu.memory_space<hbm>> -> memref<80x128xf32, #tpu.memory_space<hbm>>
          %dma_start3A_147 = arith.constant 0 : i32
          %dma_start3A_148 = tpu.memref_slice %arg4[%mul3A_145, %dma_start3A_147] : memref<10000x128xf32, #tpu.memory_space<hbm>> -> memref<80x128xf32, #tpu.memory_space<hbm>>
          tpu.enqueue_dma source(%arg7 : memref<80x128xf32, #tpu.memory_space<vmem>>) target(%dma_start3A_148 : memref<80x128xf32, #tpu.memory_space<hbm>>) target_semaphore(%run_scoped3A : memref<!tpu.dma_semaphore, #tpu.memory_space<semaphore_mem>>)
          %dma_wait3A = arith.constant 0 : i32
          %dma_wait3A_149 = tpu.memref_slice %arg4[%mul3A_145, %dma_wait3A] : memref<10000x128xf32, #tpu.memory_space<hbm>> -> memref<80x128xf32, #tpu.memory_space<hbm>>
          %dma_wait3A_150 = arith.constant 0 : i32
          %dma_wait3A_151 = tpu.memref_slice %arg4[%mul3A_145, %dma_wait3A_150] : memref<10000x128xf32, #tpu.memory_space<hbm>> -> memref<80x128xf32, #tpu.memory_space<hbm>>
          tpu.wait_dma2 semaphore(%run_scoped3A : memref<!tpu.dma_semaphore, #tpu.memory_space<semaphore_mem>>) src(%arg7 : memref<80x128xf32, #tpu.memory_space<vmem>>) dst(%dma_wait3A_151 : memref<80x128xf32, #tpu.memory_space<hbm>>)
          tpu.yield
        }) : () -> ()
      } else {
      }
    } else {
    }
    %add3A_119 = arith.constant 96 : i32
    %add3A_120 = arith.addi %arg1, %add3A_119 : i32
    %lt3A_121 = arith.constant 125 : i32
    %lt3A_122 = arith.cmpi slt, %add3A_120, %lt3A_121 : i32
    %convert_element_type3A_123 = arith.extui %lt3A_122 : i1 to i32
    %cond3A_124 = arith.constant 0 : i32
    %cond3A_125 = arith.cmpi ne, %convert_element_type3A_123, %cond3A_124 : i32
    scf.if %cond3A_125 {
      %mul3A_133 = arith.constant 80 : i32
      %mul3A_134 = arith.muli %add3A_120, %mul3A_133 : i32
      "tpu.region"() ({
        %run_scoped3A = tpu.sem_alloc : memref<!tpu.dma_semaphore, #tpu.memory_space<semaphore_mem>>
        %dma_start3A = arith.constant 0 : i32
        %dma_start3A_144 = tpu.memref_slice %arg8[%mul3A_134, %dma_start3A] : memref<10000x128xf32, #tpu.memory_space<vmem_shared>> -> memref<80x128xf32, #tpu.memory_space<vmem_shared>>
        %dma_start3A_145 = arith.constant 0 : i32
        %dma_start3A_146 = tpu.memref_slice %arg8[%mul3A_134, %dma_start3A_145] : memref<10000x128xf32, #tpu.memory_space<vmem_shared>> -> memref<80x128xf32, #tpu.memory_space<vmem_shared>>
        tpu.enqueue_dma source(%dma_start3A_146 : memref<80x128xf32, #tpu.memory_space<vmem_shared>>) target(%arg7 : memref<80x128xf32, #tpu.memory_space<vmem>>) target_semaphore(%run_scoped3A : memref<!tpu.dma_semaphore, #tpu.memory_space<semaphore_mem>>)
        %dma_wait3A = arith.constant 0 : i32
        %dma_wait3A_147 = tpu.memref_slice %arg8[%mul3A_134, %dma_wait3A] : memref<10000x128xf32, #tpu.memory_space<vmem_shared>> -> memref<80x128xf32, #tpu.memory_space<vmem_shared>>
        %dma_wait3A_148 = arith.constant 0 : i32
        %dma_wait3A_149 = tpu.memref_slice %arg8[%mul3A_134, %dma_wait3A_148] : memref<10000x128xf32, #tpu.memory_space<vmem_shared>> -> memref<80x128xf32, #tpu.memory_space<vmem_shared>>
        tpu.wait_dma2 semaphore(%run_scoped3A : memref<!tpu.dma_semaphore, #tpu.memory_space<semaphore_mem>>) src(%dma_wait3A_149 : memref<80x128xf32, #tpu.memory_space<vmem_shared>>) dst(%arg7 : memref<80x128xf32, #tpu.memory_space<vmem>>)
        tpu.yield
      }) : () -> ()
      %eq3A = arith.constant 0 : i32
      %eq3A_135 = arith.cmpi eq, %arg0, %eq3A : i32
      %convert_element_type3A_136 = arith.extui %eq3A_135 : i1 to i32
      %cond3A_137 = arith.constant 0 : i32
      %cond3A_138 = arith.cmpi ne, %convert_element_type3A_136, %cond3A_137 : i32
      scf.if %cond3A_138 {
        %mul3A_144 = arith.constant 80 : i32
        %mul3A_145 = arith.muli %add3A_120, %mul3A_144 : i32
        "tpu.region"() ({
          %run_scoped3A = tpu.sem_alloc : memref<!tpu.dma_semaphore, #tpu.memory_space<semaphore_mem>>
          %dma_start3A = arith.constant 0 : i32
          %dma_start3A_146 = tpu.memref_slice %arg3[%mul3A_145, %dma_start3A] : memref<10000x128xf32, #tpu.memory_space<hbm>> -> memref<80x128xf32, #tpu.memory_space<hbm>>
          %dma_start3A_147 = arith.constant 0 : i32
          %dma_start3A_148 = tpu.memref_slice %arg3[%mul3A_145, %dma_start3A_147] : memref<10000x128xf32, #tpu.memory_space<hbm>> -> memref<80x128xf32, #tpu.memory_space<hbm>>
          tpu.enqueue_dma source(%arg7 : memref<80x128xf32, #tpu.memory_space<vmem>>) target(%dma_start3A_148 : memref<80x128xf32, #tpu.memory_space<hbm>>) target_semaphore(%run_scoped3A : memref<!tpu.dma_semaphore, #tpu.memory_space<semaphore_mem>>)
          %dma_wait3A = arith.constant 0 : i32
          %dma_wait3A_149 = tpu.memref_slice %arg3[%mul3A_145, %dma_wait3A] : memref<10000x128xf32, #tpu.memory_space<hbm>> -> memref<80x128xf32, #tpu.memory_space<hbm>>
          %dma_wait3A_150 = arith.constant 0 : i32
          %dma_wait3A_151 = tpu.memref_slice %arg3[%mul3A_145, %dma_wait3A_150] : memref<10000x128xf32, #tpu.memory_space<hbm>> -> memref<80x128xf32, #tpu.memory_space<hbm>>
          tpu.wait_dma2 semaphore(%run_scoped3A : memref<!tpu.dma_semaphore, #tpu.memory_space<semaphore_mem>>) src(%arg7 : memref<80x128xf32, #tpu.memory_space<vmem>>) dst(%dma_wait3A_151 : memref<80x128xf32, #tpu.memory_space<hbm>>)
          tpu.yield
        }) : () -> ()
      } else {
      }
      %eq3A_139 = arith.constant 1 : i32
      %eq3A_140 = arith.cmpi eq, %arg0, %eq3A_139 : i32
      %convert_element_type3A_141 = arith.extui %eq3A_140 : i1 to i32
      %cond3A_142 = arith.constant 0 : i32
      %cond3A_143 = arith.cmpi ne, %convert_element_type3A_141, %cond3A_142 : i32
      scf.if %cond3A_143 {
        %mul3A_144 = arith.constant 80 : i32
        %mul3A_145 = arith.muli %add3A_120, %mul3A_144 : i32
        "tpu.region"() ({
          %run_scoped3A = tpu.sem_alloc : memref<!tpu.dma_semaphore, #tpu.memory_space<semaphore_mem>>
          %dma_start3A = arith.constant 0 : i32
          %dma_start3A_146 = tpu.memref_slice %arg4[%mul3A_145, %dma_start3A] : memref<10000x128xf32, #tpu.memory_space<hbm>> -> memref<80x128xf32, #tpu.memory_space<hbm>>
          %dma_start3A_147 = arith.constant 0 : i32
          %dma_start3A_148 = tpu.memref_slice %arg4[%mul3A_145, %dma_start3A_147] : memref<10000x128xf32, #tpu.memory_space<hbm>> -> memref<80x128xf32, #tpu.memory_space<hbm>>
          tpu.enqueue_dma source(%arg7 : memref<80x128xf32, #tpu.memory_space<vmem>>) target(%dma_start3A_148 : memref<80x128xf32, #tpu.memory_space<hbm>>) target_semaphore(%run_scoped3A : memref<!tpu.dma_semaphore, #tpu.memory_space<semaphore_mem>>)
          %dma_wait3A = arith.constant 0 : i32
          %dma_wait3A_149 = tpu.memref_slice %arg4[%mul3A_145, %dma_wait3A] : memref<10000x128xf32, #tpu.memory_space<hbm>> -> memref<80x128xf32, #tpu.memory_space<hbm>>
          %dma_wait3A_150 = arith.constant 0 : i32
          %dma_wait3A_151 = tpu.memref_slice %arg4[%mul3A_145, %dma_wait3A_150] : memref<10000x128xf32, #tpu.memory_space<hbm>> -> memref<80x128xf32, #tpu.memory_space<hbm>>
          tpu.wait_dma2 semaphore(%run_scoped3A : memref<!tpu.dma_semaphore, #tpu.memory_space<semaphore_mem>>) src(%arg7 : memref<80x128xf32, #tpu.memory_space<vmem>>) dst(%dma_wait3A_151 : memref<80x128xf32, #tpu.memory_space<hbm>>)
          tpu.yield
        }) : () -> ()
      } else {
      }
    } else {
    }
    %add3A_126 = arith.constant 112 : i32
    %add3A_127 = arith.addi %arg1, %add3A_126 : i32
    %lt3A_128 = arith.constant 125 : i32
    %lt3A_129 = arith.cmpi slt, %add3A_127, %lt3A_128 : i32
    %convert_element_type3A_130 = arith.extui %lt3A_129 : i1 to i32
    %cond3A_131 = arith.constant 0 : i32
    %cond3A_132 = arith.cmpi ne, %convert_element_type3A_130, %cond3A_131 : i32
    scf.if %cond3A_132 {
      %mul3A_133 = arith.constant 80 : i32
      %mul3A_134 = arith.muli %add3A_127, %mul3A_133 : i32
      "tpu.region"() ({
        %run_scoped3A = tpu.sem_alloc : memref<!tpu.dma_semaphore, #tpu.memory_space<semaphore_mem>>
        %dma_start3A = arith.constant 0 : i32
        %dma_start3A_144 = tpu.memref_slice %arg8[%mul3A_134, %dma_start3A] : memref<10000x128xf32, #tpu.memory_space<vmem_shared>> -> memref<80x128xf32, #tpu.memory_space<vmem_shared>>
        %dma_start3A_145 = arith.constant 0 : i32
        %dma_start3A_146 = tpu.memref_slice %arg8[%mul3A_134, %dma_start3A_145] : memref<10000x128xf32, #tpu.memory_space<vmem_shared>> -> memref<80x128xf32, #tpu.memory_space<vmem_shared>>
        tpu.enqueue_dma source(%dma_start3A_146 : memref<80x128xf32, #tpu.memory_space<vmem_shared>>) target(%arg7 : memref<80x128xf32, #tpu.memory_space<vmem>>) target_semaphore(%run_scoped3A : memref<!tpu.dma_semaphore, #tpu.memory_space<semaphore_mem>>)
        %dma_wait3A = arith.constant 0 : i32
        %dma_wait3A_147 = tpu.memref_slice %arg8[%mul3A_134, %dma_wait3A] : memref<10000x128xf32, #tpu.memory_space<vmem_shared>> -> memref<80x128xf32, #tpu.memory_space<vmem_shared>>
        %dma_wait3A_148 = arith.constant 0 : i32
        %dma_wait3A_149 = tpu.memref_slice %arg8[%mul3A_134, %dma_wait3A_148] : memref<10000x128xf32, #tpu.memory_space<vmem_shared>> -> memref<80x128xf32, #tpu.memory_space<vmem_shared>>
        tpu.wait_dma2 semaphore(%run_scoped3A : memref<!tpu.dma_semaphore, #tpu.memory_space<semaphore_mem>>) src(%dma_wait3A_149 : memref<80x128xf32, #tpu.memory_space<vmem_shared>>) dst(%arg7 : memref<80x128xf32, #tpu.memory_space<vmem>>)
        tpu.yield
      }) : () -> ()
      %eq3A = arith.constant 0 : i32
      %eq3A_135 = arith.cmpi eq, %arg0, %eq3A : i32
      %convert_element_type3A_136 = arith.extui %eq3A_135 : i1 to i32
      %cond3A_137 = arith.constant 0 : i32
      %cond3A_138 = arith.cmpi ne, %convert_element_type3A_136, %cond3A_137 : i32
      scf.if %cond3A_138 {
        %mul3A_144 = arith.constant 80 : i32
        %mul3A_145 = arith.muli %add3A_127, %mul3A_144 : i32
        "tpu.region"() ({
          %run_scoped3A = tpu.sem_alloc : memref<!tpu.dma_semaphore, #tpu.memory_space<semaphore_mem>>
          %dma_start3A = arith.constant 0 : i32
          %dma_start3A_146 = tpu.memref_slice %arg3[%mul3A_145, %dma_start3A] : memref<10000x128xf32, #tpu.memory_space<hbm>> -> memref<80x128xf32, #tpu.memory_space<hbm>>
          %dma_start3A_147 = arith.constant 0 : i32
          %dma_start3A_148 = tpu.memref_slice %arg3[%mul3A_145, %dma_start3A_147] : memref<10000x128xf32, #tpu.memory_space<hbm>> -> memref<80x128xf32, #tpu.memory_space<hbm>>
          tpu.enqueue_dma source(%arg7 : memref<80x128xf32, #tpu.memory_space<vmem>>) target(%dma_start3A_148 : memref<80x128xf32, #tpu.memory_space<hbm>>) target_semaphore(%run_scoped3A : memref<!tpu.dma_semaphore, #tpu.memory_space<semaphore_mem>>)
          %dma_wait3A = arith.constant 0 : i32
          %dma_wait3A_149 = tpu.memref_slice %arg3[%mul3A_145, %dma_wait3A] : memref<10000x128xf32, #tpu.memory_space<hbm>> -> memref<80x128xf32, #tpu.memory_space<hbm>>
          %dma_wait3A_150 = arith.constant 0 : i32
          %dma_wait3A_151 = tpu.memref_slice %arg3[%mul3A_145, %dma_wait3A_150] : memref<10000x128xf32, #tpu.memory_space<hbm>> -> memref<80x128xf32, #tpu.memory_space<hbm>>
          tpu.wait_dma2 semaphore(%run_scoped3A : memref<!tpu.dma_semaphore, #tpu.memory_space<semaphore_mem>>) src(%arg7 : memref<80x128xf32, #tpu.memory_space<vmem>>) dst(%dma_wait3A_151 : memref<80x128xf32, #tpu.memory_space<hbm>>)
          tpu.yield
        }) : () -> ()
      } else {
      }
      %eq3A_139 = arith.constant 1 : i32
      %eq3A_140 = arith.cmpi eq, %arg0, %eq3A_139 : i32
      %convert_element_type3A_141 = arith.extui %eq3A_140 : i1 to i32
      %cond3A_142 = arith.constant 0 : i32
      %cond3A_143 = arith.cmpi ne, %convert_element_type3A_141, %cond3A_142 : i32
      scf.if %cond3A_143 {
        %mul3A_144 = arith.constant 80 : i32
        %mul3A_145 = arith.muli %add3A_127, %mul3A_144 : i32
        "tpu.region"() ({
          %run_scoped3A = tpu.sem_alloc : memref<!tpu.dma_semaphore, #tpu.memory_space<semaphore_mem>>
          %dma_start3A = arith.constant 0 : i32
          %dma_start3A_146 = tpu.memref_slice %arg4[%mul3A_145, %dma_start3A] : memref<10000x128xf32, #tpu.memory_space<hbm>> -> memref<80x128xf32, #tpu.memory_space<hbm>>
          %dma_start3A_147 = arith.constant 0 : i32
          %dma_start3A_148 = tpu.memref_slice %arg4[%mul3A_145, %dma_start3A_147] : memref<10000x128xf32, #tpu.memory_space<hbm>> -> memref<80x128xf32, #tpu.memory_space<hbm>>
          tpu.enqueue_dma source(%arg7 : memref<80x128xf32, #tpu.memory_space<vmem>>) target(%dma_start3A_148 : memref<80x128xf32, #tpu.memory_space<hbm>>) target_semaphore(%run_scoped3A : memref<!tpu.dma_semaphore, #tpu.memory_space<semaphore_mem>>)
          %dma_wait3A = arith.constant 0 : i32
          %dma_wait3A_149 = tpu.memref_slice %arg4[%mul3A_145, %dma_wait3A] : memref<10000x128xf32, #tpu.memory_space<hbm>> -> memref<80x128xf32, #tpu.memory_space<hbm>>
          %dma_wait3A_150 = arith.constant 0 : i32
          %dma_wait3A_151 = tpu.memref_slice %arg4[%mul3A_145, %dma_wait3A_150] : memref<10000x128xf32, #tpu.memory_space<hbm>> -> memref<80x128xf32, #tpu.memory_space<hbm>>
          tpu.wait_dma2 semaphore(%run_scoped3A : memref<!tpu.dma_semaphore, #tpu.memory_space<semaphore_mem>>) src(%arg7 : memref<80x128xf32, #tpu.memory_space<vmem>>) dst(%dma_wait3A_151 : memref<80x128xf32, #tpu.memory_space<hbm>>)
          tpu.yield
        }) : () -> ()
      } else {
      }
    } else {
    }
    return
  }
}

#map = affine_map<(d0, d1) -> (0, 0)>
#map1 = affine_map<(d0, d1) -> (0)>
#map2 = affine_map<(d0, d1) -> (0, 0, 0, 0)>
module attributes {stable_mosaic.version = 14 : i64} {
  func.func @_agg_full(%arg0: i32, %arg1: i32, %arg2: memref<10000x128xf32, #tpu.memory_space<hbm>>, %arg3: memref<320000xi32, #tpu.memory_space<hbm>>, %arg4: memref<16x10x25x80xi32, #tpu.memory_space<hbm>>, %arg5: memref<10000x128xf32, #tpu.memory_space<hbm>>, %arg6: memref<10000x128xf32, #tpu.memory_space<hbm>>, %arg7: memref<2000xi32, #tpu.memory_space<vmem>>, %arg8: memref<25x80xi32, #tpu.memory_space<vmem>>, %arg9: memref<80x128xf32, #tpu.memory_space<vmem>>, %arg10: memref<80x128xf32, #tpu.memory_space<vmem>>, %arg11: memref<80x128xf32, #tpu.memory_space<vmem>>, %arg12: memref<10000x128xf32, #tpu.memory_space<vmem_shared>>, %arg13: memref<!tpu.dma_semaphore, #tpu.memory_space<semaphore_mem>>, %arg14: memref<!tpu.dma_semaphore, #tpu.memory_space<semaphore_mem>>) attributes {dimension_semantics = [#tpu.dimension_semantics<core_parallel>, #tpu.dimension_semantics<subcore_parallel>], iteration_bounds = array<i64: 2, 16>, scalar_prefetch = 0 : i64, scratch_operands = 8 : i64, tpu.core_type = #tpu.core_type<sc_vector_subcore>, window_params = [{transform_indices = #map}, {transform_indices = #map1}, {transform_indices = #map2}, {transform_indices = #map}, {transform_indices = #map}]} {
    %add3A = arith.constant 0 : i32
    %add3A_0 = arith.addi %arg1, %add3A : i32
    %lt3A = arith.constant 125 : i32
    %lt3A_1 = arith.cmpi slt, %add3A_0, %lt3A : i32
    %convert_element_type3A = arith.extui %lt3A_1 : i1 to i32
    %cond3A = arith.constant 0 : i32
    %cond3A_2 = arith.cmpi ne, %convert_element_type3A, %cond3A : i32
    scf.if %cond3A_2 {
      %mul3A_122 = arith.constant 80 : i32
      %mul3A_123 = arith.muli %add3A_0, %mul3A_122 : i32
      "tpu.region"() ({
        %run_scoped3A = tpu.sem_alloc : memref<!tpu.dma_semaphore, #tpu.memory_space<semaphore_mem>>
        %dma_start3A = arith.constant 0 : i32
        %dma_start3A_126 = tpu.memref_slice %arg2[%mul3A_123, %dma_start3A] : memref<10000x128xf32, #tpu.memory_space<hbm>> -> memref<80x128xf32, #tpu.memory_space<hbm>>
        %dma_start3A_127 = arith.constant 0 : i32
        %dma_start3A_128 = tpu.memref_slice %arg2[%mul3A_123, %dma_start3A_127] : memref<10000x128xf32, #tpu.memory_space<hbm>> -> memref<80x128xf32, #tpu.memory_space<hbm>>
        tpu.enqueue_dma source(%dma_start3A_128 : memref<80x128xf32, #tpu.memory_space<hbm>>) target(%arg11 : memref<80x128xf32, #tpu.memory_space<vmem>>) target_semaphore(%run_scoped3A : memref<!tpu.dma_semaphore, #tpu.memory_space<semaphore_mem>>)
        %dma_wait3A = arith.constant 0 : i32
        %dma_wait3A_129 = tpu.memref_slice %arg2[%mul3A_123, %dma_wait3A] : memref<10000x128xf32, #tpu.memory_space<hbm>> -> memref<80x128xf32, #tpu.memory_space<hbm>>
        %dma_wait3A_130 = arith.constant 0 : i32
        %dma_wait3A_131 = tpu.memref_slice %arg2[%mul3A_123, %dma_wait3A_130] : memref<10000x128xf32, #tpu.memory_space<hbm>> -> memref<80x128xf32, #tpu.memory_space<hbm>>
        tpu.wait_dma2 semaphore(%run_scoped3A : memref<!tpu.dma_semaphore, #tpu.memory_space<semaphore_mem>>) src(%dma_wait3A_131 : memref<80x128xf32, #tpu.memory_space<hbm>>) dst(%arg11 : memref<80x128xf32, #tpu.memory_space<vmem>>)
        tpu.yield
      }) : () -> ()
      %mul3A_124 = arith.constant 80 : i32
      %mul3A_125 = arith.muli %add3A_0, %mul3A_124 : i32
      "tpu.region"() ({
        %run_scoped3A = tpu.sem_alloc : memref<!tpu.dma_semaphore, #tpu.memory_space<semaphore_mem>>
        %dma_start3A = arith.constant 0 : i32
        %dma_start3A_126 = tpu.memref_slice %arg12[%mul3A_125, %dma_start3A] : memref<10000x128xf32, #tpu.memory_space<vmem_shared>> -> memref<80x128xf32, #tpu.memory_space<vmem_shared>>
        %dma_start3A_127 = arith.constant 0 : i32
        %dma_start3A_128 = tpu.memref_slice %arg12[%mul3A_125, %dma_start3A_127] : memref<10000x128xf32, #tpu.memory_space<vmem_shared>> -> memref<80x128xf32, #tpu.memory_space<vmem_shared>>
        tpu.enqueue_dma source(%arg11 : memref<80x128xf32, #tpu.memory_space<vmem>>) target(%dma_start3A_128 : memref<80x128xf32, #tpu.memory_space<vmem_shared>>) target_semaphore(%run_scoped3A : memref<!tpu.dma_semaphore, #tpu.memory_space<semaphore_mem>>)
        %dma_wait3A = arith.constant 0 : i32
        %dma_wait3A_129 = tpu.memref_slice %arg12[%mul3A_125, %dma_wait3A] : memref<10000x128xf32, #tpu.memory_space<vmem_shared>> -> memref<80x128xf32, #tpu.memory_space<vmem_shared>>
        %dma_wait3A_130 = arith.constant 0 : i32
        %dma_wait3A_131 = tpu.memref_slice %arg12[%mul3A_125, %dma_wait3A_130] : memref<10000x128xf32, #tpu.memory_space<vmem_shared>> -> memref<80x128xf32, #tpu.memory_space<vmem_shared>>
        tpu.wait_dma2 semaphore(%run_scoped3A : memref<!tpu.dma_semaphore, #tpu.memory_space<semaphore_mem>>) src(%arg11 : memref<80x128xf32, #tpu.memory_space<vmem>>) dst(%dma_wait3A_131 : memref<80x128xf32, #tpu.memory_space<vmem_shared>>)
        tpu.yield
      }) : () -> ()
    } else {
    }
    %add3A_3 = arith.constant 16 : i32
    %add3A_4 = arith.addi %arg1, %add3A_3 : i32
    %lt3A_5 = arith.constant 125 : i32
    %lt3A_6 = arith.cmpi slt, %add3A_4, %lt3A_5 : i32
    %convert_element_type3A_7 = arith.extui %lt3A_6 : i1 to i32
    %cond3A_8 = arith.constant 0 : i32
    %cond3A_9 = arith.cmpi ne, %convert_element_type3A_7, %cond3A_8 : i32
    scf.if %cond3A_9 {
      %mul3A_122 = arith.constant 80 : i32
      %mul3A_123 = arith.muli %add3A_4, %mul3A_122 : i32
      "tpu.region"() ({
        %run_scoped3A = tpu.sem_alloc : memref<!tpu.dma_semaphore, #tpu.memory_space<semaphore_mem>>
        %dma_start3A = arith.constant 0 : i32
        %dma_start3A_126 = tpu.memref_slice %arg2[%mul3A_123, %dma_start3A] : memref<10000x128xf32, #tpu.memory_space<hbm>> -> memref<80x128xf32, #tpu.memory_space<hbm>>
        %dma_start3A_127 = arith.constant 0 : i32
        %dma_start3A_128 = tpu.memref_slice %arg2[%mul3A_123, %dma_start3A_127] : memref<10000x128xf32, #tpu.memory_space<hbm>> -> memref<80x128xf32, #tpu.memory_space<hbm>>
        tpu.enqueue_dma source(%dma_start3A_128 : memref<80x128xf32, #tpu.memory_space<hbm>>) target(%arg11 : memref<80x128xf32, #tpu.memory_space<vmem>>) target_semaphore(%run_scoped3A : memref<!tpu.dma_semaphore, #tpu.memory_space<semaphore_mem>>)
        %dma_wait3A = arith.constant 0 : i32
        %dma_wait3A_129 = tpu.memref_slice %arg2[%mul3A_123, %dma_wait3A] : memref<10000x128xf32, #tpu.memory_space<hbm>> -> memref<80x128xf32, #tpu.memory_space<hbm>>
        %dma_wait3A_130 = arith.constant 0 : i32
        %dma_wait3A_131 = tpu.memref_slice %arg2[%mul3A_123, %dma_wait3A_130] : memref<10000x128xf32, #tpu.memory_space<hbm>> -> memref<80x128xf32, #tpu.memory_space<hbm>>
        tpu.wait_dma2 semaphore(%run_scoped3A : memref<!tpu.dma_semaphore, #tpu.memory_space<semaphore_mem>>) src(%dma_wait3A_131 : memref<80x128xf32, #tpu.memory_space<hbm>>) dst(%arg11 : memref<80x128xf32, #tpu.memory_space<vmem>>)
        tpu.yield
      }) : () -> ()
      %mul3A_124 = arith.constant 80 : i32
      %mul3A_125 = arith.muli %add3A_4, %mul3A_124 : i32
      "tpu.region"() ({
        %run_scoped3A = tpu.sem_alloc : memref<!tpu.dma_semaphore, #tpu.memory_space<semaphore_mem>>
        %dma_start3A = arith.constant 0 : i32
        %dma_start3A_126 = tpu.memref_slice %arg12[%mul3A_125, %dma_start3A] : memref<10000x128xf32, #tpu.memory_space<vmem_shared>> -> memref<80x128xf32, #tpu.memory_space<vmem_shared>>
        %dma_start3A_127 = arith.constant 0 : i32
        %dma_start3A_128 = tpu.memref_slice %arg12[%mul3A_125, %dma_start3A_127] : memref<10000x128xf32, #tpu.memory_space<vmem_shared>> -> memref<80x128xf32, #tpu.memory_space<vmem_shared>>
        tpu.enqueue_dma source(%arg11 : memref<80x128xf32, #tpu.memory_space<vmem>>) target(%dma_start3A_128 : memref<80x128xf32, #tpu.memory_space<vmem_shared>>) target_semaphore(%run_scoped3A : memref<!tpu.dma_semaphore, #tpu.memory_space<semaphore_mem>>)
        %dma_wait3A = arith.constant 0 : i32
        %dma_wait3A_129 = tpu.memref_slice %arg12[%mul3A_125, %dma_wait3A] : memref<10000x128xf32, #tpu.memory_space<vmem_shared>> -> memref<80x128xf32, #tpu.memory_space<vmem_shared>>
        %dma_wait3A_130 = arith.constant 0 : i32
        %dma_wait3A_131 = tpu.memref_slice %arg12[%mul3A_125, %dma_wait3A_130] : memref<10000x128xf32, #tpu.memory_space<vmem_shared>> -> memref<80x128xf32, #tpu.memory_space<vmem_shared>>
        tpu.wait_dma2 semaphore(%run_scoped3A : memref<!tpu.dma_semaphore, #tpu.memory_space<semaphore_mem>>) src(%arg11 : memref<80x128xf32, #tpu.memory_space<vmem>>) dst(%dma_wait3A_131 : memref<80x128xf32, #tpu.memory_space<vmem_shared>>)
        tpu.yield
      }) : () -> ()
    } else {
    }
    %add3A_10 = arith.constant 32 : i32
    %add3A_11 = arith.addi %arg1, %add3A_10 : i32
    %lt3A_12 = arith.constant 125 : i32
    %lt3A_13 = arith.cmpi slt, %add3A_11, %lt3A_12 : i32
    %convert_element_type3A_14 = arith.extui %lt3A_13 : i1 to i32
    %cond3A_15 = arith.constant 0 : i32
    %cond3A_16 = arith.cmpi ne, %convert_element_type3A_14, %cond3A_15 : i32
    scf.if %cond3A_16 {
      %mul3A_122 = arith.constant 80 : i32
      %mul3A_123 = arith.muli %add3A_11, %mul3A_122 : i32
      "tpu.region"() ({
        %run_scoped3A = tpu.sem_alloc : memref<!tpu.dma_semaphore, #tpu.memory_space<semaphore_mem>>
        %dma_start3A = arith.constant 0 : i32
        %dma_start3A_126 = tpu.memref_slice %arg2[%mul3A_123, %dma_start3A] : memref<10000x128xf32, #tpu.memory_space<hbm>> -> memref<80x128xf32, #tpu.memory_space<hbm>>
        %dma_start3A_127 = arith.constant 0 : i32
        %dma_start3A_128 = tpu.memref_slice %arg2[%mul3A_123, %dma_start3A_127] : memref<10000x128xf32, #tpu.memory_space<hbm>> -> memref<80x128xf32, #tpu.memory_space<hbm>>
        tpu.enqueue_dma source(%dma_start3A_128 : memref<80x128xf32, #tpu.memory_space<hbm>>) target(%arg11 : memref<80x128xf32, #tpu.memory_space<vmem>>) target_semaphore(%run_scoped3A : memref<!tpu.dma_semaphore, #tpu.memory_space<semaphore_mem>>)
        %dma_wait3A = arith.constant 0 : i32
        %dma_wait3A_129 = tpu.memref_slice %arg2[%mul3A_123, %dma_wait3A] : memref<10000x128xf32, #tpu.memory_space<hbm>> -> memref<80x128xf32, #tpu.memory_space<hbm>>
        %dma_wait3A_130 = arith.constant 0 : i32
        %dma_wait3A_131 = tpu.memref_slice %arg2[%mul3A_123, %dma_wait3A_130] : memref<10000x128xf32, #tpu.memory_space<hbm>> -> memref<80x128xf32, #tpu.memory_space<hbm>>
        tpu.wait_dma2 semaphore(%run_scoped3A : memref<!tpu.dma_semaphore, #tpu.memory_space<semaphore_mem>>) src(%dma_wait3A_131 : memref<80x128xf32, #tpu.memory_space<hbm>>) dst(%arg11 : memref<80x128xf32, #tpu.memory_space<vmem>>)
        tpu.yield
      }) : () -> ()
      %mul3A_124 = arith.constant 80 : i32
      %mul3A_125 = arith.muli %add3A_11, %mul3A_124 : i32
      "tpu.region"() ({
        %run_scoped3A = tpu.sem_alloc : memref<!tpu.dma_semaphore, #tpu.memory_space<semaphore_mem>>
        %dma_start3A = arith.constant 0 : i32
        %dma_start3A_126 = tpu.memref_slice %arg12[%mul3A_125, %dma_start3A] : memref<10000x128xf32, #tpu.memory_space<vmem_shared>> -> memref<80x128xf32, #tpu.memory_space<vmem_shared>>
        %dma_start3A_127 = arith.constant 0 : i32
        %dma_start3A_128 = tpu.memref_slice %arg12[%mul3A_125, %dma_start3A_127] : memref<10000x128xf32, #tpu.memory_space<vmem_shared>> -> memref<80x128xf32, #tpu.memory_space<vmem_shared>>
        tpu.enqueue_dma source(%arg11 : memref<80x128xf32, #tpu.memory_space<vmem>>) target(%dma_start3A_128 : memref<80x128xf32, #tpu.memory_space<vmem_shared>>) target_semaphore(%run_scoped3A : memref<!tpu.dma_semaphore, #tpu.memory_space<semaphore_mem>>)
        %dma_wait3A = arith.constant 0 : i32
        %dma_wait3A_129 = tpu.memref_slice %arg12[%mul3A_125, %dma_wait3A] : memref<10000x128xf32, #tpu.memory_space<vmem_shared>> -> memref<80x128xf32, #tpu.memory_space<vmem_shared>>
        %dma_wait3A_130 = arith.constant 0 : i32
        %dma_wait3A_131 = tpu.memref_slice %arg12[%mul3A_125, %dma_wait3A_130] : memref<10000x128xf32, #tpu.memory_space<vmem_shared>> -> memref<80x128xf32, #tpu.memory_space<vmem_shared>>
        tpu.wait_dma2 semaphore(%run_scoped3A : memref<!tpu.dma_semaphore, #tpu.memory_space<semaphore_mem>>) src(%arg11 : memref<80x128xf32, #tpu.memory_space<vmem>>) dst(%dma_wait3A_131 : memref<80x128xf32, #tpu.memory_space<vmem_shared>>)
        tpu.yield
      }) : () -> ()
    } else {
    }
    %add3A_17 = arith.constant 48 : i32
    %add3A_18 = arith.addi %arg1, %add3A_17 : i32
    %lt3A_19 = arith.constant 125 : i32
    %lt3A_20 = arith.cmpi slt, %add3A_18, %lt3A_19 : i32
    %convert_element_type3A_21 = arith.extui %lt3A_20 : i1 to i32
    %cond3A_22 = arith.constant 0 : i32
    %cond3A_23 = arith.cmpi ne, %convert_element_type3A_21, %cond3A_22 : i32
    scf.if %cond3A_23 {
      %mul3A_122 = arith.constant 80 : i32
      %mul3A_123 = arith.muli %add3A_18, %mul3A_122 : i32
      "tpu.region"() ({
        %run_scoped3A = tpu.sem_alloc : memref<!tpu.dma_semaphore, #tpu.memory_space<semaphore_mem>>
        %dma_start3A = arith.constant 0 : i32
        %dma_start3A_126 = tpu.memref_slice %arg2[%mul3A_123, %dma_start3A] : memref<10000x128xf32, #tpu.memory_space<hbm>> -> memref<80x128xf32, #tpu.memory_space<hbm>>
        %dma_start3A_127 = arith.constant 0 : i32
        %dma_start3A_128 = tpu.memref_slice %arg2[%mul3A_123, %dma_start3A_127] : memref<10000x128xf32, #tpu.memory_space<hbm>> -> memref<80x128xf32, #tpu.memory_space<hbm>>
        tpu.enqueue_dma source(%dma_start3A_128 : memref<80x128xf32, #tpu.memory_space<hbm>>) target(%arg11 : memref<80x128xf32, #tpu.memory_space<vmem>>) target_semaphore(%run_scoped3A : memref<!tpu.dma_semaphore, #tpu.memory_space<semaphore_mem>>)
        %dma_wait3A = arith.constant 0 : i32
        %dma_wait3A_129 = tpu.memref_slice %arg2[%mul3A_123, %dma_wait3A] : memref<10000x128xf32, #tpu.memory_space<hbm>> -> memref<80x128xf32, #tpu.memory_space<hbm>>
        %dma_wait3A_130 = arith.constant 0 : i32
        %dma_wait3A_131 = tpu.memref_slice %arg2[%mul3A_123, %dma_wait3A_130] : memref<10000x128xf32, #tpu.memory_space<hbm>> -> memref<80x128xf32, #tpu.memory_space<hbm>>
        tpu.wait_dma2 semaphore(%run_scoped3A : memref<!tpu.dma_semaphore, #tpu.memory_space<semaphore_mem>>) src(%dma_wait3A_131 : memref<80x128xf32, #tpu.memory_space<hbm>>) dst(%arg11 : memref<80x128xf32, #tpu.memory_space<vmem>>)
        tpu.yield
      }) : () -> ()
      %mul3A_124 = arith.constant 80 : i32
      %mul3A_125 = arith.muli %add3A_18, %mul3A_124 : i32
      "tpu.region"() ({
        %run_scoped3A = tpu.sem_alloc : memref<!tpu.dma_semaphore, #tpu.memory_space<semaphore_mem>>
        %dma_start3A = arith.constant 0 : i32
        %dma_start3A_126 = tpu.memref_slice %arg12[%mul3A_125, %dma_start3A] : memref<10000x128xf32, #tpu.memory_space<vmem_shared>> -> memref<80x128xf32, #tpu.memory_space<vmem_shared>>
        %dma_start3A_127 = arith.constant 0 : i32
        %dma_start3A_128 = tpu.memref_slice %arg12[%mul3A_125, %dma_start3A_127] : memref<10000x128xf32, #tpu.memory_space<vmem_shared>> -> memref<80x128xf32, #tpu.memory_space<vmem_shared>>
        tpu.enqueue_dma source(%arg11 : memref<80x128xf32, #tpu.memory_space<vmem>>) target(%dma_start3A_128 : memref<80x128xf32, #tpu.memory_space<vmem_shared>>) target_semaphore(%run_scoped3A : memref<!tpu.dma_semaphore, #tpu.memory_space<semaphore_mem>>)
        %dma_wait3A = arith.constant 0 : i32
        %dma_wait3A_129 = tpu.memref_slice %arg12[%mul3A_125, %dma_wait3A] : memref<10000x128xf32, #tpu.memory_space<vmem_shared>> -> memref<80x128xf32, #tpu.memory_space<vmem_shared>>
        %dma_wait3A_130 = arith.constant 0 : i32
        %dma_wait3A_131 = tpu.memref_slice %arg12[%mul3A_125, %dma_wait3A_130] : memref<10000x128xf32, #tpu.memory_space<vmem_shared>> -> memref<80x128xf32, #tpu.memory_space<vmem_shared>>
        tpu.wait_dma2 semaphore(%run_scoped3A : memref<!tpu.dma_semaphore, #tpu.memory_space<semaphore_mem>>) src(%arg11 : memref<80x128xf32, #tpu.memory_space<vmem>>) dst(%dma_wait3A_131 : memref<80x128xf32, #tpu.memory_space<vmem_shared>>)
        tpu.yield
      }) : () -> ()
    } else {
    }
    %add3A_24 = arith.constant 64 : i32
    %add3A_25 = arith.addi %arg1, %add3A_24 : i32
    %lt3A_26 = arith.constant 125 : i32
    %lt3A_27 = arith.cmpi slt, %add3A_25, %lt3A_26 : i32
    %convert_element_type3A_28 = arith.extui %lt3A_27 : i1 to i32
    %cond3A_29 = arith.constant 0 : i32
    %cond3A_30 = arith.cmpi ne, %convert_element_type3A_28, %cond3A_29 : i32
    scf.if %cond3A_30 {
      %mul3A_122 = arith.constant 80 : i32
      %mul3A_123 = arith.muli %add3A_25, %mul3A_122 : i32
      "tpu.region"() ({
        %run_scoped3A = tpu.sem_alloc : memref<!tpu.dma_semaphore, #tpu.memory_space<semaphore_mem>>
        %dma_start3A = arith.constant 0 : i32
        %dma_start3A_126 = tpu.memref_slice %arg2[%mul3A_123, %dma_start3A] : memref<10000x128xf32, #tpu.memory_space<hbm>> -> memref<80x128xf32, #tpu.memory_space<hbm>>
        %dma_start3A_127 = arith.constant 0 : i32
        %dma_start3A_128 = tpu.memref_slice %arg2[%mul3A_123, %dma_start3A_127] : memref<10000x128xf32, #tpu.memory_space<hbm>> -> memref<80x128xf32, #tpu.memory_space<hbm>>
        tpu.enqueue_dma source(%dma_start3A_128 : memref<80x128xf32, #tpu.memory_space<hbm>>) target(%arg11 : memref<80x128xf32, #tpu.memory_space<vmem>>) target_semaphore(%run_scoped3A : memref<!tpu.dma_semaphore, #tpu.memory_space<semaphore_mem>>)
        %dma_wait3A = arith.constant 0 : i32
        %dma_wait3A_129 = tpu.memref_slice %arg2[%mul3A_123, %dma_wait3A] : memref<10000x128xf32, #tpu.memory_space<hbm>> -> memref<80x128xf32, #tpu.memory_space<hbm>>
        %dma_wait3A_130 = arith.constant 0 : i32
        %dma_wait3A_131 = tpu.memref_slice %arg2[%mul3A_123, %dma_wait3A_130] : memref<10000x128xf32, #tpu.memory_space<hbm>> -> memref<80x128xf32, #tpu.memory_space<hbm>>
        tpu.wait_dma2 semaphore(%run_scoped3A : memref<!tpu.dma_semaphore, #tpu.memory_space<semaphore_mem>>) src(%dma_wait3A_131 : memref<80x128xf32, #tpu.memory_space<hbm>>) dst(%arg11 : memref<80x128xf32, #tpu.memory_space<vmem>>)
        tpu.yield
      }) : () -> ()
      %mul3A_124 = arith.constant 80 : i32
      %mul3A_125 = arith.muli %add3A_25, %mul3A_124 : i32
      "tpu.region"() ({
        %run_scoped3A = tpu.sem_alloc : memref<!tpu.dma_semaphore, #tpu.memory_space<semaphore_mem>>
        %dma_start3A = arith.constant 0 : i32
        %dma_start3A_126 = tpu.memref_slice %arg12[%mul3A_125, %dma_start3A] : memref<10000x128xf32, #tpu.memory_space<vmem_shared>> -> memref<80x128xf32, #tpu.memory_space<vmem_shared>>
        %dma_start3A_127 = arith.constant 0 : i32
        %dma_start3A_128 = tpu.memref_slice %arg12[%mul3A_125, %dma_start3A_127] : memref<10000x128xf32, #tpu.memory_space<vmem_shared>> -> memref<80x128xf32, #tpu.memory_space<vmem_shared>>
        tpu.enqueue_dma source(%arg11 : memref<80x128xf32, #tpu.memory_space<vmem>>) target(%dma_start3A_128 : memref<80x128xf32, #tpu.memory_space<vmem_shared>>) target_semaphore(%run_scoped3A : memref<!tpu.dma_semaphore, #tpu.memory_space<semaphore_mem>>)
        %dma_wait3A = arith.constant 0 : i32
        %dma_wait3A_129 = tpu.memref_slice %arg12[%mul3A_125, %dma_wait3A] : memref<10000x128xf32, #tpu.memory_space<vmem_shared>> -> memref<80x128xf32, #tpu.memory_space<vmem_shared>>
        %dma_wait3A_130 = arith.constant 0 : i32
        %dma_wait3A_131 = tpu.memref_slice %arg12[%mul3A_125, %dma_wait3A_130] : memref<10000x128xf32, #tpu.memory_space<vmem_shared>> -> memref<80x128xf32, #tpu.memory_space<vmem_shared>>
        tpu.wait_dma2 semaphore(%run_scoped3A : memref<!tpu.dma_semaphore, #tpu.memory_space<semaphore_mem>>) src(%arg11 : memref<80x128xf32, #tpu.memory_space<vmem>>) dst(%dma_wait3A_131 : memref<80x128xf32, #tpu.memory_space<vmem_shared>>)
        tpu.yield
      }) : () -> ()
    } else {
    }
    %add3A_31 = arith.constant 80 : i32
    %add3A_32 = arith.addi %arg1, %add3A_31 : i32
    %lt3A_33 = arith.constant 125 : i32
    %lt3A_34 = arith.cmpi slt, %add3A_32, %lt3A_33 : i32
    %convert_element_type3A_35 = arith.extui %lt3A_34 : i1 to i32
    %cond3A_36 = arith.constant 0 : i32
    %cond3A_37 = arith.cmpi ne, %convert_element_type3A_35, %cond3A_36 : i32
    scf.if %cond3A_37 {
      %mul3A_122 = arith.constant 80 : i32
      %mul3A_123 = arith.muli %add3A_32, %mul3A_122 : i32
      "tpu.region"() ({
        %run_scoped3A = tpu.sem_alloc : memref<!tpu.dma_semaphore, #tpu.memory_space<semaphore_mem>>
        %dma_start3A = arith.constant 0 : i32
        %dma_start3A_126 = tpu.memref_slice %arg2[%mul3A_123, %dma_start3A] : memref<10000x128xf32, #tpu.memory_space<hbm>> -> memref<80x128xf32, #tpu.memory_space<hbm>>
        %dma_start3A_127 = arith.constant 0 : i32
        %dma_start3A_128 = tpu.memref_slice %arg2[%mul3A_123, %dma_start3A_127] : memref<10000x128xf32, #tpu.memory_space<hbm>> -> memref<80x128xf32, #tpu.memory_space<hbm>>
        tpu.enqueue_dma source(%dma_start3A_128 : memref<80x128xf32, #tpu.memory_space<hbm>>) target(%arg11 : memref<80x128xf32, #tpu.memory_space<vmem>>) target_semaphore(%run_scoped3A : memref<!tpu.dma_semaphore, #tpu.memory_space<semaphore_mem>>)
        %dma_wait3A = arith.constant 0 : i32
        %dma_wait3A_129 = tpu.memref_slice %arg2[%mul3A_123, %dma_wait3A] : memref<10000x128xf32, #tpu.memory_space<hbm>> -> memref<80x128xf32, #tpu.memory_space<hbm>>
        %dma_wait3A_130 = arith.constant 0 : i32
        %dma_wait3A_131 = tpu.memref_slice %arg2[%mul3A_123, %dma_wait3A_130] : memref<10000x128xf32, #tpu.memory_space<hbm>> -> memref<80x128xf32, #tpu.memory_space<hbm>>
        tpu.wait_dma2 semaphore(%run_scoped3A : memref<!tpu.dma_semaphore, #tpu.memory_space<semaphore_mem>>) src(%dma_wait3A_131 : memref<80x128xf32, #tpu.memory_space<hbm>>) dst(%arg11 : memref<80x128xf32, #tpu.memory_space<vmem>>)
        tpu.yield
      }) : () -> ()
      %mul3A_124 = arith.constant 80 : i32
      %mul3A_125 = arith.muli %add3A_32, %mul3A_124 : i32
      "tpu.region"() ({
        %run_scoped3A = tpu.sem_alloc : memref<!tpu.dma_semaphore, #tpu.memory_space<semaphore_mem>>
        %dma_start3A = arith.constant 0 : i32
        %dma_start3A_126 = tpu.memref_slice %arg12[%mul3A_125, %dma_start3A] : memref<10000x128xf32, #tpu.memory_space<vmem_shared>> -> memref<80x128xf32, #tpu.memory_space<vmem_shared>>
        %dma_start3A_127 = arith.constant 0 : i32
        %dma_start3A_128 = tpu.memref_slice %arg12[%mul3A_125, %dma_start3A_127] : memref<10000x128xf32, #tpu.memory_space<vmem_shared>> -> memref<80x128xf32, #tpu.memory_space<vmem_shared>>
        tpu.enqueue_dma source(%arg11 : memref<80x128xf32, #tpu.memory_space<vmem>>) target(%dma_start3A_128 : memref<80x128xf32, #tpu.memory_space<vmem_shared>>) target_semaphore(%run_scoped3A : memref<!tpu.dma_semaphore, #tpu.memory_space<semaphore_mem>>)
        %dma_wait3A = arith.constant 0 : i32
        %dma_wait3A_129 = tpu.memref_slice %arg12[%mul3A_125, %dma_wait3A] : memref<10000x128xf32, #tpu.memory_space<vmem_shared>> -> memref<80x128xf32, #tpu.memory_space<vmem_shared>>
        %dma_wait3A_130 = arith.constant 0 : i32
        %dma_wait3A_131 = tpu.memref_slice %arg12[%mul3A_125, %dma_wait3A_130] : memref<10000x128xf32, #tpu.memory_space<vmem_shared>> -> memref<80x128xf32, #tpu.memory_space<vmem_shared>>
        tpu.wait_dma2 semaphore(%run_scoped3A : memref<!tpu.dma_semaphore, #tpu.memory_space<semaphore_mem>>) src(%arg11 : memref<80x128xf32, #tpu.memory_space<vmem>>) dst(%dma_wait3A_131 : memref<80x128xf32, #tpu.memory_space<vmem_shared>>)
        tpu.yield
      }) : () -> ()
    } else {
    }
    %add3A_38 = arith.constant 96 : i32
    %add3A_39 = arith.addi %arg1, %add3A_38 : i32
    %lt3A_40 = arith.constant 125 : i32
    %lt3A_41 = arith.cmpi slt, %add3A_39, %lt3A_40 : i32
    %convert_element_type3A_42 = arith.extui %lt3A_41 : i1 to i32
    %cond3A_43 = arith.constant 0 : i32
    %cond3A_44 = arith.cmpi ne, %convert_element_type3A_42, %cond3A_43 : i32
    scf.if %cond3A_44 {
      %mul3A_122 = arith.constant 80 : i32
      %mul3A_123 = arith.muli %add3A_39, %mul3A_122 : i32
      "tpu.region"() ({
        %run_scoped3A = tpu.sem_alloc : memref<!tpu.dma_semaphore, #tpu.memory_space<semaphore_mem>>
        %dma_start3A = arith.constant 0 : i32
        %dma_start3A_126 = tpu.memref_slice %arg2[%mul3A_123, %dma_start3A] : memref<10000x128xf32, #tpu.memory_space<hbm>> -> memref<80x128xf32, #tpu.memory_space<hbm>>
        %dma_start3A_127 = arith.constant 0 : i32
        %dma_start3A_128 = tpu.memref_slice %arg2[%mul3A_123, %dma_start3A_127] : memref<10000x128xf32, #tpu.memory_space<hbm>> -> memref<80x128xf32, #tpu.memory_space<hbm>>
        tpu.enqueue_dma source(%dma_start3A_128 : memref<80x128xf32, #tpu.memory_space<hbm>>) target(%arg11 : memref<80x128xf32, #tpu.memory_space<vmem>>) target_semaphore(%run_scoped3A : memref<!tpu.dma_semaphore, #tpu.memory_space<semaphore_mem>>)
        %dma_wait3A = arith.constant 0 : i32
        %dma_wait3A_129 = tpu.memref_slice %arg2[%mul3A_123, %dma_wait3A] : memref<10000x128xf32, #tpu.memory_space<hbm>> -> memref<80x128xf32, #tpu.memory_space<hbm>>
        %dma_wait3A_130 = arith.constant 0 : i32
        %dma_wait3A_131 = tpu.memref_slice %arg2[%mul3A_123, %dma_wait3A_130] : memref<10000x128xf32, #tpu.memory_space<hbm>> -> memref<80x128xf32, #tpu.memory_space<hbm>>
        tpu.wait_dma2 semaphore(%run_scoped3A : memref<!tpu.dma_semaphore, #tpu.memory_space<semaphore_mem>>) src(%dma_wait3A_131 : memref<80x128xf32, #tpu.memory_space<hbm>>) dst(%arg11 : memref<80x128xf32, #tpu.memory_space<vmem>>)
        tpu.yield
      }) : () -> ()
      %mul3A_124 = arith.constant 80 : i32
      %mul3A_125 = arith.muli %add3A_39, %mul3A_124 : i32
      "tpu.region"() ({
        %run_scoped3A = tpu.sem_alloc : memref<!tpu.dma_semaphore, #tpu.memory_space<semaphore_mem>>
        %dma_start3A = arith.constant 0 : i32
        %dma_start3A_126 = tpu.memref_slice %arg12[%mul3A_125, %dma_start3A] : memref<10000x128xf32, #tpu.memory_space<vmem_shared>> -> memref<80x128xf32, #tpu.memory_space<vmem_shared>>
        %dma_start3A_127 = arith.constant 0 : i32
        %dma_start3A_128 = tpu.memref_slice %arg12[%mul3A_125, %dma_start3A_127] : memref<10000x128xf32, #tpu.memory_space<vmem_shared>> -> memref<80x128xf32, #tpu.memory_space<vmem_shared>>
        tpu.enqueue_dma source(%arg11 : memref<80x128xf32, #tpu.memory_space<vmem>>) target(%dma_start3A_128 : memref<80x128xf32, #tpu.memory_space<vmem_shared>>) target_semaphore(%run_scoped3A : memref<!tpu.dma_semaphore, #tpu.memory_space<semaphore_mem>>)
        %dma_wait3A = arith.constant 0 : i32
        %dma_wait3A_129 = tpu.memref_slice %arg12[%mul3A_125, %dma_wait3A] : memref<10000x128xf32, #tpu.memory_space<vmem_shared>> -> memref<80x128xf32, #tpu.memory_space<vmem_shared>>
        %dma_wait3A_130 = arith.constant 0 : i32
        %dma_wait3A_131 = tpu.memref_slice %arg12[%mul3A_125, %dma_wait3A_130] : memref<10000x128xf32, #tpu.memory_space<vmem_shared>> -> memref<80x128xf32, #tpu.memory_space<vmem_shared>>
        tpu.wait_dma2 semaphore(%run_scoped3A : memref<!tpu.dma_semaphore, #tpu.memory_space<semaphore_mem>>) src(%arg11 : memref<80x128xf32, #tpu.memory_space<vmem>>) dst(%dma_wait3A_131 : memref<80x128xf32, #tpu.memory_space<vmem_shared>>)
        tpu.yield
      }) : () -> ()
    } else {
    }
    %add3A_45 = arith.constant 112 : i32
    %add3A_46 = arith.addi %arg1, %add3A_45 : i32
    %lt3A_47 = arith.constant 125 : i32
    %lt3A_48 = arith.cmpi slt, %add3A_46, %lt3A_47 : i32
    %convert_element_type3A_49 = arith.extui %lt3A_48 : i1 to i32
    %cond3A_50 = arith.constant 0 : i32
    %cond3A_51 = arith.cmpi ne, %convert_element_type3A_49, %cond3A_50 : i32
    scf.if %cond3A_51 {
      %mul3A_122 = arith.constant 80 : i32
      %mul3A_123 = arith.muli %add3A_46, %mul3A_122 : i32
      "tpu.region"() ({
        %run_scoped3A = tpu.sem_alloc : memref<!tpu.dma_semaphore, #tpu.memory_space<semaphore_mem>>
        %dma_start3A = arith.constant 0 : i32
        %dma_start3A_126 = tpu.memref_slice %arg2[%mul3A_123, %dma_start3A] : memref<10000x128xf32, #tpu.memory_space<hbm>> -> memref<80x128xf32, #tpu.memory_space<hbm>>
        %dma_start3A_127 = arith.constant 0 : i32
        %dma_start3A_128 = tpu.memref_slice %arg2[%mul3A_123, %dma_start3A_127] : memref<10000x128xf32, #tpu.memory_space<hbm>> -> memref<80x128xf32, #tpu.memory_space<hbm>>
        tpu.enqueue_dma source(%dma_start3A_128 : memref<80x128xf32, #tpu.memory_space<hbm>>) target(%arg11 : memref<80x128xf32, #tpu.memory_space<vmem>>) target_semaphore(%run_scoped3A : memref<!tpu.dma_semaphore, #tpu.memory_space<semaphore_mem>>)
        %dma_wait3A = arith.constant 0 : i32
        %dma_wait3A_129 = tpu.memref_slice %arg2[%mul3A_123, %dma_wait3A] : memref<10000x128xf32, #tpu.memory_space<hbm>> -> memref<80x128xf32, #tpu.memory_space<hbm>>
        %dma_wait3A_130 = arith.constant 0 : i32
        %dma_wait3A_131 = tpu.memref_slice %arg2[%mul3A_123, %dma_wait3A_130] : memref<10000x128xf32, #tpu.memory_space<hbm>> -> memref<80x128xf32, #tpu.memory_space<hbm>>
        tpu.wait_dma2 semaphore(%run_scoped3A : memref<!tpu.dma_semaphore, #tpu.memory_space<semaphore_mem>>) src(%dma_wait3A_131 : memref<80x128xf32, #tpu.memory_space<hbm>>) dst(%arg11 : memref<80x128xf32, #tpu.memory_space<vmem>>)
        tpu.yield
      }) : () -> ()
      %mul3A_124 = arith.constant 80 : i32
      %mul3A_125 = arith.muli %add3A_46, %mul3A_124 : i32
      "tpu.region"() ({
        %run_scoped3A = tpu.sem_alloc : memref<!tpu.dma_semaphore, #tpu.memory_space<semaphore_mem>>
        %dma_start3A = arith.constant 0 : i32
        %dma_start3A_126 = tpu.memref_slice %arg12[%mul3A_125, %dma_start3A] : memref<10000x128xf32, #tpu.memory_space<vmem_shared>> -> memref<80x128xf32, #tpu.memory_space<vmem_shared>>
        %dma_start3A_127 = arith.constant 0 : i32
        %dma_start3A_128 = tpu.memref_slice %arg12[%mul3A_125, %dma_start3A_127] : memref<10000x128xf32, #tpu.memory_space<vmem_shared>> -> memref<80x128xf32, #tpu.memory_space<vmem_shared>>
        tpu.enqueue_dma source(%arg11 : memref<80x128xf32, #tpu.memory_space<vmem>>) target(%dma_start3A_128 : memref<80x128xf32, #tpu.memory_space<vmem_shared>>) target_semaphore(%run_scoped3A : memref<!tpu.dma_semaphore, #tpu.memory_space<semaphore_mem>>)
        %dma_wait3A = arith.constant 0 : i32
        %dma_wait3A_129 = tpu.memref_slice %arg12[%mul3A_125, %dma_wait3A] : memref<10000x128xf32, #tpu.memory_space<vmem_shared>> -> memref<80x128xf32, #tpu.memory_space<vmem_shared>>
        %dma_wait3A_130 = arith.constant 0 : i32
        %dma_wait3A_131 = tpu.memref_slice %arg12[%mul3A_125, %dma_wait3A_130] : memref<10000x128xf32, #tpu.memory_space<vmem_shared>> -> memref<80x128xf32, #tpu.memory_space<vmem_shared>>
        tpu.wait_dma2 semaphore(%run_scoped3A : memref<!tpu.dma_semaphore, #tpu.memory_space<semaphore_mem>>) src(%arg11 : memref<80x128xf32, #tpu.memory_space<vmem>>) dst(%dma_wait3A_131 : memref<80x128xf32, #tpu.memory_space<vmem_shared>>)
        tpu.yield
      }) : () -> ()
    } else {
    }
    %barrier3A = arith.constant 0 : index
    tpu.barrier barrier_id(%barrier3A)
    %mul3A = arith.constant 5 : i32
    %mul3A_52 = arith.muli %arg0, %mul3A : i32
    %add3A_53 = arith.constant 1 : i32
    %add3A_54 = arith.addi %arg0, %add3A_53 : i32
    %mul3A_55 = arith.constant 5 : i32
    %mul3A_56 = arith.muli %add3A_54, %mul3A_55 : i32
    %while3A = arith.constant 0 : i32
    %while3A_57 = arith.subi %mul3A_56, %mul3A_52 : i32
    %while3A_58 = arith.addi %mul3A_52, %while3A_57 : i32
    %while3A_59 = arith.constant 1 : i32
    %while3A_60 = arith.divsi %while3A_57, %while3A_59 : i32
    %while3A_61 = arith.muli %while3A_60, %while3A_59 : i32
    %while3A_62 = arith.addi %mul3A_52, %while3A_61 : i32
    %while3A_63 = arith.constant 1 : i32
    scf.for %while3A_122 = %mul3A_52 to %while3A_62 step %while3A_63  : i32 {
      %mul3A_123 = arith.constant 20000 : i32
      %mul3A_124 = arith.muli %arg1, %mul3A_123 : i32
      %mul3A_125 = arith.constant 2000 : i32
      %mul3A_126 = arith.muli %while3A_122, %mul3A_125 : i32
      %add3A_127 = arith.addi %mul3A_124, %mul3A_126 : i32
      "tpu.region"() ({
        %run_scoped3A = tpu.sem_alloc : memref<!tpu.dma_semaphore, #tpu.memory_space<semaphore_mem>>
        %dma_start3A_142 = tpu.memref_slice %arg3[%add3A_127] : memref<320000xi32, #tpu.memory_space<hbm>> -> memref<2000xi32, #tpu.memory_space<hbm>>
        %dma_start3A_143 = tpu.memref_slice %arg3[%add3A_127] : memref<320000xi32, #tpu.memory_space<hbm>> -> memref<2000xi32, #tpu.memory_space<hbm>>
        tpu.enqueue_dma source(%dma_start3A_143 : memref<2000xi32, #tpu.memory_space<hbm>>) target(%arg7 : memref<2000xi32, #tpu.memory_space<vmem>>) target_semaphore(%run_scoped3A : memref<!tpu.dma_semaphore, #tpu.memory_space<semaphore_mem>>)
        %dma_wait3A = tpu.memref_slice %arg3[%add3A_127] : memref<320000xi32, #tpu.memory_space<hbm>> -> memref<2000xi32, #tpu.memory_space<hbm>>
        %dma_wait3A_144 = tpu.memref_slice %arg3[%add3A_127] : memref<320000xi32, #tpu.memory_space<hbm>> -> memref<2000xi32, #tpu.memory_space<hbm>>
        tpu.wait_dma2 semaphore(%run_scoped3A : memref<!tpu.dma_semaphore, #tpu.memory_space<semaphore_mem>>) src(%dma_wait3A_144 : memref<2000xi32, #tpu.memory_space<hbm>>) dst(%arg7 : memref<2000xi32, #tpu.memory_space<vmem>>)
        tpu.yield
      }) : () -> ()
      "tpu.region"() ({
        %run_scoped3A = tpu.sem_alloc : memref<!tpu.dma_semaphore, #tpu.memory_space<semaphore_mem>>
        %dma_start3A_142 = arith.constant 0 : i32
        %dma_start3A_143 = arith.constant 0 : i32
        %dma_start3A_144 = tpu.memref_slice %arg4[%arg1, %while3A_122, %dma_start3A_142, %dma_start3A_143] : memref<16x10x25x80xi32, #tpu.memory_space<hbm>> -> memref<1x1x25x80xi32, #tpu.memory_space<hbm>>
        %dma_start3A_145 = tpu.memref_squeeze %dma_start3A_144 : memref<1x1x25x80xi32, #tpu.memory_space<hbm>> -> memref<25x80xi32, #tpu.memory_space<hbm>>
        %dma_start3A_146 = arith.constant 0 : i32
        %dma_start3A_147 = arith.constant 0 : i32
        %dma_start3A_148 = tpu.memref_slice %arg4[%arg1, %while3A_122, %dma_start3A_146, %dma_start3A_147] : memref<16x10x25x80xi32, #tpu.memory_space<hbm>> -> memref<1x1x25x80xi32, #tpu.memory_space<hbm>>
        %dma_start3A_149 = tpu.memref_squeeze %dma_start3A_148 : memref<1x1x25x80xi32, #tpu.memory_space<hbm>> -> memref<25x80xi32, #tpu.memory_space<hbm>>
        tpu.enqueue_dma source(%dma_start3A_149 : memref<25x80xi32, #tpu.memory_space<hbm>>) target(%arg8 : memref<25x80xi32, #tpu.memory_space<vmem>>) target_semaphore(%run_scoped3A : memref<!tpu.dma_semaphore, #tpu.memory_space<semaphore_mem>>)
        %dma_wait3A = arith.constant 0 : i32
        %dma_wait3A_150 = arith.constant 0 : i32
        %dma_wait3A_151 = tpu.memref_slice %arg4[%arg1, %while3A_122, %dma_wait3A, %dma_wait3A_150] : memref<16x10x25x80xi32, #tpu.memory_space<hbm>> -> memref<1x1x25x80xi32, #tpu.memory_space<hbm>>
        %dma_wait3A_152 = tpu.memref_squeeze %dma_wait3A_151 : memref<1x1x25x80xi32, #tpu.memory_space<hbm>> -> memref<25x80xi32, #tpu.memory_space<hbm>>
        %dma_wait3A_153 = arith.constant 0 : i32
        %dma_wait3A_154 = arith.constant 0 : i32
        %dma_wait3A_155 = tpu.memref_slice %arg4[%arg1, %while3A_122, %dma_wait3A_153, %dma_wait3A_154] : memref<16x10x25x80xi32, #tpu.memory_space<hbm>> -> memref<1x1x25x80xi32, #tpu.memory_space<hbm>>
        %dma_wait3A_156 = tpu.memref_squeeze %dma_wait3A_155 : memref<1x1x25x80xi32, #tpu.memory_space<hbm>> -> memref<25x80xi32, #tpu.memory_space<hbm>>
        tpu.wait_dma2 semaphore(%run_scoped3A : memref<!tpu.dma_semaphore, #tpu.memory_space<semaphore_mem>>) src(%dma_wait3A_156 : memref<25x80xi32, #tpu.memory_space<hbm>>) dst(%arg8 : memref<25x80xi32, #tpu.memory_space<vmem>>)
        tpu.yield
      }) : () -> ()
      %dma_start3A = arith.constant 0 : i32
      %dma_start3A_128 = tpu.memref_slice %arg7[%dma_start3A] : memref<2000xi32, #tpu.memory_space<vmem>> -> memref<80xi32, #tpu.memory_space<vmem>>
      %dma_start3A_129 = arith.constant 0 : i32
      %dma_start3A_130 = arith.constant 0 : i32
      %dma_start3A_131 = tpu.memref_slice %arg2[%dma_start3A_129, %dma_start3A_130] : memref<10000x128xf32, #tpu.memory_space<hbm>> -> memref<10000x128xf32, #tpu.memory_space<hbm>>
      tpu.enqueue_indirect_dma source(%dma_start3A_131 : memref<10000x128xf32, #tpu.memory_space<hbm>>) target(%arg9 : memref<80x128xf32, #tpu.memory_space<vmem>>) offsets(%dma_start3A_128 : memref<80xi32, #tpu.memory_space<vmem>>) semaphore(%arg13 : memref<!tpu.dma_semaphore, #tpu.memory_space<semaphore_mem>>)
      %dma_start3A_132 = arith.constant 80 : i32
      %dma_start3A_133 = tpu.memref_slice %arg7[%dma_start3A_132] : memref<2000xi32, #tpu.memory_space<vmem>> -> memref<80xi32, #tpu.memory_space<vmem>>
      %dma_start3A_134 = arith.constant 0 : i32
      %dma_start3A_135 = arith.constant 0 : i32
      %dma_start3A_136 = tpu.memref_slice %arg2[%dma_start3A_134, %dma_start3A_135] : memref<10000x128xf32, #tpu.memory_space<hbm>> -> memref<10000x128xf32, #tpu.memory_space<hbm>>
      tpu.enqueue_indirect_dma source(%dma_start3A_136 : memref<10000x128xf32, #tpu.memory_space<hbm>>) target(%arg10 : memref<80x128xf32, #tpu.memory_space<vmem>>) offsets(%dma_start3A_133 : memref<80xi32, #tpu.memory_space<vmem>>) semaphore(%arg14 : memref<!tpu.dma_semaphore, #tpu.memory_space<semaphore_mem>>)
      %scan3A = arith.constant 0 : i32
      %scan3A_137 = arith.constant 0 : i32
      %scan3A_138 = arith.constant 25 : i32
      %scan3A_139 = arith.addi %scan3A_137, %scan3A_138 : i32
      %scan3A_140 = arith.constant 1 : i32
      scf.for %scan3A_142 = %scan3A_137 to %scan3A_139 step %scan3A_140  : i32 {
        %jit3A = arith.constant 2 : i32
        %eq3A = arith.constant 0 : i32
        %eq3A_143 = arith.cmpi eq, %jit3A, %eq3A : i32
        %jit3A_144 = arith.constant 1 : i32
        %select_n3A = arith.select %eq3A_143, %jit3A_144, %jit3A : i32
        %rem3A = arith.remsi %scan3A_142, %select_n3A : i32
        %ne3A = arith.constant 0 : i32
        %ne3A_145 = arith.cmpi ne, %rem3A, %ne3A : i32
        %lt3A_146 = arith.constant 0 : i32
        %lt3A_147 = arith.cmpi slt, %rem3A, %lt3A_146 : i32
        %lt3A_148 = arith.constant 0 : i32
        %lt3A_149 = arith.cmpi slt, %select_n3A, %lt3A_148 : i32
        %ne3A_150 = arith.xori %lt3A_147, %lt3A_149 : i1
        %and3A = arith.andi %ne3A_150, %ne3A_145 : i1
        %add3A_151 = arith.addi %rem3A, %select_n3A : i32
        %select_n3A_152 = arith.select %and3A, %add3A_151, %rem3A : i32
        %eq3A_153 = arith.constant 0 : i32
        %eq3A_154 = arith.cmpi eq, %select_n3A_152, %eq3A_153 : i32
        %convert_element_type3A_155 = arith.extui %eq3A_154 : i1 to i32
        %cond3A_156 = arith.constant 0 : i32
        %cond3A_157 = arith.cmpi ne, %convert_element_type3A_155, %cond3A_156 : i32
        scf.if %cond3A_157 {
          %dma_wait3A = arith.constant 0 : i32
          %dma_wait3A_179 = arith.constant 0 : i32
          %dma_wait3A_180 = tpu.memref_slice %arg2[%dma_wait3A, %dma_wait3A_179] : memref<10000x128xf32, #tpu.memory_space<hbm>> -> memref<80x128xf32, #tpu.memory_space<hbm>>
          %dma_wait3A_181 = arith.constant 0 : i32
          %dma_wait3A_182 = arith.constant 0 : i32
          %dma_wait3A_183 = tpu.memref_slice %arg2[%dma_wait3A_181, %dma_wait3A_182] : memref<10000x128xf32, #tpu.memory_space<hbm>> -> memref<80x128xf32, #tpu.memory_space<hbm>>
          tpu.wait_dma2 semaphore(%arg13 : memref<!tpu.dma_semaphore, #tpu.memory_space<semaphore_mem>>) src(%dma_wait3A_183 : memref<80x128xf32, #tpu.memory_space<hbm>>) dst(%arg9 : memref<80x128xf32, #tpu.memory_space<vmem>>)
          "tpu.region"() ({
            %run_scoped3A = tpu.sem_alloc : memref<!tpu.dma_semaphore, #tpu.memory_space<semaphore_mem>>
            %dma_start3A_189 = arith.constant 0 : i32
            %dma_start3A_190 = tpu.memref_slice %arg8[%scan3A_142, %dma_start3A_189] : memref<25x80xi32, #tpu.memory_space<vmem>> -> memref<1x80xi32, #tpu.memory_space<vmem>>
            %dma_start3A_191 = tpu.memref_squeeze %dma_start3A_190 : memref<1x80xi32, #tpu.memory_space<vmem>> -> memref<80xi32, #tpu.memory_space<vmem>>
            %dma_start3A_192 = arith.constant 0 : i32
            %dma_start3A_193 = arith.constant 0 : i32
            %dma_start3A_194 = tpu.memref_slice %arg12[%dma_start3A_192, %dma_start3A_193] : memref<10000x128xf32, #tpu.memory_space<vmem_shared>> -> memref<10000x128xf32, #tpu.memory_space<vmem_shared>>
            tpu.enqueue_indirect_dma source(%arg9 : memref<80x128xf32, #tpu.memory_space<vmem>>) target(%dma_start3A_194 : memref<10000x128xf32, #tpu.memory_space<vmem_shared>>) offsets(%dma_start3A_191 : memref<80xi32, #tpu.memory_space<vmem>>) semaphore(%run_scoped3A : memref<!tpu.dma_semaphore, #tpu.memory_space<semaphore_mem>>) {add = true}
            %dma_wait3A_195 = arith.constant 0 : i32
            %dma_wait3A_196 = tpu.memref_slice %arg8[%scan3A_142, %dma_wait3A_195] : memref<25x80xi32, #tpu.memory_space<vmem>> -> memref<1x80xi32, #tpu.memory_space<vmem>>
            %dma_wait3A_197 = tpu.memref_squeeze %dma_wait3A_196 : memref<1x80xi32, #tpu.memory_space<vmem>> -> memref<80xi32, #tpu.memory_space<vmem>>
            %dma_wait3A_198 = arith.constant 0 : i32
            %dma_wait3A_199 = arith.constant 0 : i32
            %dma_wait3A_200 = tpu.memref_slice %arg12[%dma_wait3A_198, %dma_wait3A_199] : memref<10000x128xf32, #tpu.memory_space<vmem_shared>> -> memref<10000x128xf32, #tpu.memory_space<vmem_shared>>
            tpu.wait_indirect_dma semaphore(%run_scoped3A : memref<!tpu.dma_semaphore, #tpu.memory_space<semaphore_mem>>) src(%arg9 : memref<80x128xf32, #tpu.memory_space<vmem>>) dst(%dma_wait3A_200 : memref<10000x128xf32, #tpu.memory_space<vmem_shared>>)
            tpu.yield
          }) : () -> ()
          %lt3A_184 = arith.constant 23 : i32
          %lt3A_185 = arith.cmpi slt, %scan3A_142, %lt3A_184 : i32
          %convert_element_type3A_186 = arith.extui %lt3A_185 : i1 to i32
          %cond3A_187 = arith.constant 0 : i32
          %cond3A_188 = arith.cmpi ne, %convert_element_type3A_186, %cond3A_187 : i32
          scf.if %cond3A_188 {
            %add3A_189 = arith.constant 2 : i32
            %add3A_190 = arith.addi %scan3A_142, %add3A_189 : i32
            %mul3A_191 = arith.constant 80 : i32
            %mul3A_192 = arith.muli %add3A_190, %mul3A_191 : i32
            %dma_start3A_193 = tpu.memref_slice %arg7[%mul3A_192] : memref<2000xi32, #tpu.memory_space<vmem>> -> memref<80xi32, #tpu.memory_space<vmem>>
            %dma_start3A_194 = arith.constant 0 : i32
            %dma_start3A_195 = arith.constant 0 : i32
            %dma_start3A_196 = tpu.memref_slice %arg2[%dma_start3A_194, %dma_start3A_195] : memref<10000x128xf32, #tpu.memory_space<hbm>> -> memref<10000x128xf32, #tpu.memory_space<hbm>>
            tpu.enqueue_indirect_dma source(%dma_start3A_196 : memref<10000x128xf32, #tpu.memory_space<hbm>>) target(%arg9 : memref<80x128xf32, #tpu.memory_space<vmem>>) offsets(%dma_start3A_193 : memref<80xi32, #tpu.memory_space<vmem>>) semaphore(%arg13 : memref<!tpu.dma_semaphore, #tpu.memory_space<semaphore_mem>>)
          } else {
          }
        } else {
        }
        %jit3A_158 = arith.constant 2 : i32
        %eq3A_159 = arith.constant 0 : i32
        %eq3A_160 = arith.cmpi eq, %jit3A_158, %eq3A_159 : i32
        %jit3A_161 = arith.constant 1 : i32
        %select_n3A_162 = arith.select %eq3A_160, %jit3A_161, %jit3A_158 : i32
        %rem3A_163 = arith.remsi %scan3A_142, %select_n3A_162 : i32
        %ne3A_164 = arith.constant 0 : i32
        %ne3A_165 = arith.cmpi ne, %rem3A_163, %ne3A_164 : i32
        %lt3A_166 = arith.constant 0 : i32
        %lt3A_167 = arith.cmpi slt, %rem3A_163, %lt3A_166 : i32
        %lt3A_168 = arith.constant 0 : i32
        %lt3A_169 = arith.cmpi slt, %select_n3A_162, %lt3A_168 : i32
        %ne3A_170 = arith.xori %lt3A_167, %lt3A_169 : i1
        %and3A_171 = arith.andi %ne3A_170, %ne3A_165 : i1
        %add3A_172 = arith.addi %rem3A_163, %select_n3A_162 : i32
        %select_n3A_173 = arith.select %and3A_171, %add3A_172, %rem3A_163 : i32
        %eq3A_174 = arith.constant 1 : i32
        %eq3A_175 = arith.cmpi eq, %select_n3A_173, %eq3A_174 : i32
        %convert_element_type3A_176 = arith.extui %eq3A_175 : i1 to i32
        %cond3A_177 = arith.constant 0 : i32
        %cond3A_178 = arith.cmpi ne, %convert_element_type3A_176, %cond3A_177 : i32
        scf.if %cond3A_178 {
          %dma_wait3A = arith.constant 0 : i32
          %dma_wait3A_179 = arith.constant 0 : i32
          %dma_wait3A_180 = tpu.memref_slice %arg2[%dma_wait3A, %dma_wait3A_179] : memref<10000x128xf32, #tpu.memory_space<hbm>> -> memref<80x128xf32, #tpu.memory_space<hbm>>
          %dma_wait3A_181 = arith.constant 0 : i32
          %dma_wait3A_182 = arith.constant 0 : i32
          %dma_wait3A_183 = tpu.memref_slice %arg2[%dma_wait3A_181, %dma_wait3A_182] : memref<10000x128xf32, #tpu.memory_space<hbm>> -> memref<80x128xf32, #tpu.memory_space<hbm>>
          tpu.wait_dma2 semaphore(%arg14 : memref<!tpu.dma_semaphore, #tpu.memory_space<semaphore_mem>>) src(%dma_wait3A_183 : memref<80x128xf32, #tpu.memory_space<hbm>>) dst(%arg10 : memref<80x128xf32, #tpu.memory_space<vmem>>)
          "tpu.region"() ({
            %run_scoped3A = tpu.sem_alloc : memref<!tpu.dma_semaphore, #tpu.memory_space<semaphore_mem>>
            %dma_start3A_189 = arith.constant 0 : i32
            %dma_start3A_190 = tpu.memref_slice %arg8[%scan3A_142, %dma_start3A_189] : memref<25x80xi32, #tpu.memory_space<vmem>> -> memref<1x80xi32, #tpu.memory_space<vmem>>
            %dma_start3A_191 = tpu.memref_squeeze %dma_start3A_190 : memref<1x80xi32, #tpu.memory_space<vmem>> -> memref<80xi32, #tpu.memory_space<vmem>>
            %dma_start3A_192 = arith.constant 0 : i32
            %dma_start3A_193 = arith.constant 0 : i32
            %dma_start3A_194 = tpu.memref_slice %arg12[%dma_start3A_192, %dma_start3A_193] : memref<10000x128xf32, #tpu.memory_space<vmem_shared>> -> memref<10000x128xf32, #tpu.memory_space<vmem_shared>>
            tpu.enqueue_indirect_dma source(%arg10 : memref<80x128xf32, #tpu.memory_space<vmem>>) target(%dma_start3A_194 : memref<10000x128xf32, #tpu.memory_space<vmem_shared>>) offsets(%dma_start3A_191 : memref<80xi32, #tpu.memory_space<vmem>>) semaphore(%run_scoped3A : memref<!tpu.dma_semaphore, #tpu.memory_space<semaphore_mem>>) {add = true}
            %dma_wait3A_195 = arith.constant 0 : i32
            %dma_wait3A_196 = tpu.memref_slice %arg8[%scan3A_142, %dma_wait3A_195] : memref<25x80xi32, #tpu.memory_space<vmem>> -> memref<1x80xi32, #tpu.memory_space<vmem>>
            %dma_wait3A_197 = tpu.memref_squeeze %dma_wait3A_196 : memref<1x80xi32, #tpu.memory_space<vmem>> -> memref<80xi32, #tpu.memory_space<vmem>>
            %dma_wait3A_198 = arith.constant 0 : i32
            %dma_wait3A_199 = arith.constant 0 : i32
            %dma_wait3A_200 = tpu.memref_slice %arg12[%dma_wait3A_198, %dma_wait3A_199] : memref<10000x128xf32, #tpu.memory_space<vmem_shared>> -> memref<10000x128xf32, #tpu.memory_space<vmem_shared>>
            tpu.wait_indirect_dma semaphore(%run_scoped3A : memref<!tpu.dma_semaphore, #tpu.memory_space<semaphore_mem>>) src(%arg10 : memref<80x128xf32, #tpu.memory_space<vmem>>) dst(%dma_wait3A_200 : memref<10000x128xf32, #tpu.memory_space<vmem_shared>>)
            tpu.yield
          }) : () -> ()
          %lt3A_184 = arith.constant 23 : i32
          %lt3A_185 = arith.cmpi slt, %scan3A_142, %lt3A_184 : i32
          %convert_element_type3A_186 = arith.extui %lt3A_185 : i1 to i32
          %cond3A_187 = arith.constant 0 : i32
          %cond3A_188 = arith.cmpi ne, %convert_element_type3A_186, %cond3A_187 : i32
          scf.if %cond3A_188 {
            %add3A_189 = arith.constant 2 : i32
            %add3A_190 = arith.addi %scan3A_142, %add3A_189 : i32
            %mul3A_191 = arith.constant 80 : i32
            %mul3A_192 = arith.muli %add3A_190, %mul3A_191 : i32
            %dma_start3A_193 = tpu.memref_slice %arg7[%mul3A_192] : memref<2000xi32, #tpu.memory_space<vmem>> -> memref<80xi32, #tpu.memory_space<vmem>>
            %dma_start3A_194 = arith.constant 0 : i32
            %dma_start3A_195 = arith.constant 0 : i32
            %dma_start3A_196 = tpu.memref_slice %arg2[%dma_start3A_194, %dma_start3A_195] : memref<10000x128xf32, #tpu.memory_space<hbm>> -> memref<10000x128xf32, #tpu.memory_space<hbm>>
            tpu.enqueue_indirect_dma source(%dma_start3A_196 : memref<10000x128xf32, #tpu.memory_space<hbm>>) target(%arg10 : memref<80x128xf32, #tpu.memory_space<vmem>>) offsets(%dma_start3A_193 : memref<80xi32, #tpu.memory_space<vmem>>) semaphore(%arg14 : memref<!tpu.dma_semaphore, #tpu.memory_space<semaphore_mem>>)
          } else {
          }
        } else {
        }
      }
      %scan3A_141 = arith.constant 25 : i32
    }
    %while3A_64 = arith.constant 1 : i32
    scf.for %while3A_122 = %while3A_62 to %while3A_58 step %while3A_64  : i32 {
      %mul3A_123 = arith.constant 20000 : i32
      %mul3A_124 = arith.muli %arg1, %mul3A_123 : i32
      %mul3A_125 = arith.constant 2000 : i32
      %mul3A_126 = arith.muli %while3A_122, %mul3A_125 : i32
      %add3A_127 = arith.addi %mul3A_124, %mul3A_126 : i32
      "tpu.region"() ({
        %run_scoped3A = tpu.sem_alloc : memref<!tpu.dma_semaphore, #tpu.memory_space<semaphore_mem>>
        %dma_start3A_142 = tpu.memref_slice %arg3[%add3A_127] : memref<320000xi32, #tpu.memory_space<hbm>> -> memref<2000xi32, #tpu.memory_space<hbm>>
        %dma_start3A_143 = tpu.memref_slice %arg3[%add3A_127] : memref<320000xi32, #tpu.memory_space<hbm>> -> memref<2000xi32, #tpu.memory_space<hbm>>
        tpu.enqueue_dma source(%dma_start3A_143 : memref<2000xi32, #tpu.memory_space<hbm>>) target(%arg7 : memref<2000xi32, #tpu.memory_space<vmem>>) target_semaphore(%run_scoped3A : memref<!tpu.dma_semaphore, #tpu.memory_space<semaphore_mem>>)
        %dma_wait3A = tpu.memref_slice %arg3[%add3A_127] : memref<320000xi32, #tpu.memory_space<hbm>> -> memref<2000xi32, #tpu.memory_space<hbm>>
        %dma_wait3A_144 = tpu.memref_slice %arg3[%add3A_127] : memref<320000xi32, #tpu.memory_space<hbm>> -> memref<2000xi32, #tpu.memory_space<hbm>>
        tpu.wait_dma2 semaphore(%run_scoped3A : memref<!tpu.dma_semaphore, #tpu.memory_space<semaphore_mem>>) src(%dma_wait3A_144 : memref<2000xi32, #tpu.memory_space<hbm>>) dst(%arg7 : memref<2000xi32, #tpu.memory_space<vmem>>)
        tpu.yield
      }) : () -> ()
      "tpu.region"() ({
        %run_scoped3A = tpu.sem_alloc : memref<!tpu.dma_semaphore, #tpu.memory_space<semaphore_mem>>
        %dma_start3A_142 = arith.constant 0 : i32
        %dma_start3A_143 = arith.constant 0 : i32
        %dma_start3A_144 = tpu.memref_slice %arg4[%arg1, %while3A_122, %dma_start3A_142, %dma_start3A_143] : memref<16x10x25x80xi32, #tpu.memory_space<hbm>> -> memref<1x1x25x80xi32, #tpu.memory_space<hbm>>
        %dma_start3A_145 = tpu.memref_squeeze %dma_start3A_144 : memref<1x1x25x80xi32, #tpu.memory_space<hbm>> -> memref<25x80xi32, #tpu.memory_space<hbm>>
        %dma_start3A_146 = arith.constant 0 : i32
        %dma_start3A_147 = arith.constant 0 : i32
        %dma_start3A_148 = tpu.memref_slice %arg4[%arg1, %while3A_122, %dma_start3A_146, %dma_start3A_147] : memref<16x10x25x80xi32, #tpu.memory_space<hbm>> -> memref<1x1x25x80xi32, #tpu.memory_space<hbm>>
        %dma_start3A_149 = tpu.memref_squeeze %dma_start3A_148 : memref<1x1x25x80xi32, #tpu.memory_space<hbm>> -> memref<25x80xi32, #tpu.memory_space<hbm>>
        tpu.enqueue_dma source(%dma_start3A_149 : memref<25x80xi32, #tpu.memory_space<hbm>>) target(%arg8 : memref<25x80xi32, #tpu.memory_space<vmem>>) target_semaphore(%run_scoped3A : memref<!tpu.dma_semaphore, #tpu.memory_space<semaphore_mem>>)
        %dma_wait3A = arith.constant 0 : i32
        %dma_wait3A_150 = arith.constant 0 : i32
        %dma_wait3A_151 = tpu.memref_slice %arg4[%arg1, %while3A_122, %dma_wait3A, %dma_wait3A_150] : memref<16x10x25x80xi32, #tpu.memory_space<hbm>> -> memref<1x1x25x80xi32, #tpu.memory_space<hbm>>
        %dma_wait3A_152 = tpu.memref_squeeze %dma_wait3A_151 : memref<1x1x25x80xi32, #tpu.memory_space<hbm>> -> memref<25x80xi32, #tpu.memory_space<hbm>>
        %dma_wait3A_153 = arith.constant 0 : i32
        %dma_wait3A_154 = arith.constant 0 : i32
        %dma_wait3A_155 = tpu.memref_slice %arg4[%arg1, %while3A_122, %dma_wait3A_153, %dma_wait3A_154] : memref<16x10x25x80xi32, #tpu.memory_space<hbm>> -> memref<1x1x25x80xi32, #tpu.memory_space<hbm>>
        %dma_wait3A_156 = tpu.memref_squeeze %dma_wait3A_155 : memref<1x1x25x80xi32, #tpu.memory_space<hbm>> -> memref<25x80xi32, #tpu.memory_space<hbm>>
        tpu.wait_dma2 semaphore(%run_scoped3A : memref<!tpu.dma_semaphore, #tpu.memory_space<semaphore_mem>>) src(%dma_wait3A_156 : memref<25x80xi32, #tpu.memory_space<hbm>>) dst(%arg8 : memref<25x80xi32, #tpu.memory_space<vmem>>)
        tpu.yield
      }) : () -> ()
      %dma_start3A = arith.constant 0 : i32
      %dma_start3A_128 = tpu.memref_slice %arg7[%dma_start3A] : memref<2000xi32, #tpu.memory_space<vmem>> -> memref<80xi32, #tpu.memory_space<vmem>>
      %dma_start3A_129 = arith.constant 0 : i32
      %dma_start3A_130 = arith.constant 0 : i32
      %dma_start3A_131 = tpu.memref_slice %arg2[%dma_start3A_129, %dma_start3A_130] : memref<10000x128xf32, #tpu.memory_space<hbm>> -> memref<10000x128xf32, #tpu.memory_space<hbm>>
      tpu.enqueue_indirect_dma source(%dma_start3A_131 : memref<10000x128xf32, #tpu.memory_space<hbm>>) target(%arg9 : memref<80x128xf32, #tpu.memory_space<vmem>>) offsets(%dma_start3A_128 : memref<80xi32, #tpu.memory_space<vmem>>) semaphore(%arg13 : memref<!tpu.dma_semaphore, #tpu.memory_space<semaphore_mem>>)
      %dma_start3A_132 = arith.constant 80 : i32
      %dma_start3A_133 = tpu.memref_slice %arg7[%dma_start3A_132] : memref<2000xi32, #tpu.memory_space<vmem>> -> memref<80xi32, #tpu.memory_space<vmem>>
      %dma_start3A_134 = arith.constant 0 : i32
      %dma_start3A_135 = arith.constant 0 : i32
      %dma_start3A_136 = tpu.memref_slice %arg2[%dma_start3A_134, %dma_start3A_135] : memref<10000x128xf32, #tpu.memory_space<hbm>> -> memref<10000x128xf32, #tpu.memory_space<hbm>>
      tpu.enqueue_indirect_dma source(%dma_start3A_136 : memref<10000x128xf32, #tpu.memory_space<hbm>>) target(%arg10 : memref<80x128xf32, #tpu.memory_space<vmem>>) offsets(%dma_start3A_133 : memref<80xi32, #tpu.memory_space<vmem>>) semaphore(%arg14 : memref<!tpu.dma_semaphore, #tpu.memory_space<semaphore_mem>>)
      %scan3A = arith.constant 0 : i32
      %scan3A_137 = arith.constant 0 : i32
      %scan3A_138 = arith.constant 25 : i32
      %scan3A_139 = arith.addi %scan3A_137, %scan3A_138 : i32
      %scan3A_140 = arith.constant 1 : i32
      scf.for %scan3A_142 = %scan3A_137 to %scan3A_139 step %scan3A_140  : i32 {
        %jit3A = arith.constant 2 : i32
        %eq3A = arith.constant 0 : i32
        %eq3A_143 = arith.cmpi eq, %jit3A, %eq3A : i32
        %jit3A_144 = arith.constant 1 : i32
        %select_n3A = arith.select %eq3A_143, %jit3A_144, %jit3A : i32
        %rem3A = arith.remsi %scan3A_142, %select_n3A : i32
        %ne3A = arith.constant 0 : i32
        %ne3A_145 = arith.cmpi ne, %rem3A, %ne3A : i32
        %lt3A_146 = arith.constant 0 : i32
        %lt3A_147 = arith.cmpi slt, %rem3A, %lt3A_146 : i32
        %lt3A_148 = arith.constant 0 : i32
        %lt3A_149 = arith.cmpi slt, %select_n3A, %lt3A_148 : i32
        %ne3A_150 = arith.xori %lt3A_147, %lt3A_149 : i1
        %and3A = arith.andi %ne3A_150, %ne3A_145 : i1
        %add3A_151 = arith.addi %rem3A, %select_n3A : i32
        %select_n3A_152 = arith.select %and3A, %add3A_151, %rem3A : i32
        %eq3A_153 = arith.constant 0 : i32
        %eq3A_154 = arith.cmpi eq, %select_n3A_152, %eq3A_153 : i32
        %convert_element_type3A_155 = arith.extui %eq3A_154 : i1 to i32
        %cond3A_156 = arith.constant 0 : i32
        %cond3A_157 = arith.cmpi ne, %convert_element_type3A_155, %cond3A_156 : i32
        scf.if %cond3A_157 {
          %dma_wait3A = arith.constant 0 : i32
          %dma_wait3A_179 = arith.constant 0 : i32
          %dma_wait3A_180 = tpu.memref_slice %arg2[%dma_wait3A, %dma_wait3A_179] : memref<10000x128xf32, #tpu.memory_space<hbm>> -> memref<80x128xf32, #tpu.memory_space<hbm>>
          %dma_wait3A_181 = arith.constant 0 : i32
          %dma_wait3A_182 = arith.constant 0 : i32
          %dma_wait3A_183 = tpu.memref_slice %arg2[%dma_wait3A_181, %dma_wait3A_182] : memref<10000x128xf32, #tpu.memory_space<hbm>> -> memref<80x128xf32, #tpu.memory_space<hbm>>
          tpu.wait_dma2 semaphore(%arg13 : memref<!tpu.dma_semaphore, #tpu.memory_space<semaphore_mem>>) src(%dma_wait3A_183 : memref<80x128xf32, #tpu.memory_space<hbm>>) dst(%arg9 : memref<80x128xf32, #tpu.memory_space<vmem>>)
          "tpu.region"() ({
            %run_scoped3A = tpu.sem_alloc : memref<!tpu.dma_semaphore, #tpu.memory_space<semaphore_mem>>
            %dma_start3A_189 = arith.constant 0 : i32
            %dma_start3A_190 = tpu.memref_slice %arg8[%scan3A_142, %dma_start3A_189] : memref<25x80xi32, #tpu.memory_space<vmem>> -> memref<1x80xi32, #tpu.memory_space<vmem>>
            %dma_start3A_191 = tpu.memref_squeeze %dma_start3A_190 : memref<1x80xi32, #tpu.memory_space<vmem>> -> memref<80xi32, #tpu.memory_space<vmem>>
            %dma_start3A_192 = arith.constant 0 : i32
            %dma_start3A_193 = arith.constant 0 : i32
            %dma_start3A_194 = tpu.memref_slice %arg12[%dma_start3A_192, %dma_start3A_193] : memref<10000x128xf32, #tpu.memory_space<vmem_shared>> -> memref<10000x128xf32, #tpu.memory_space<vmem_shared>>
            tpu.enqueue_indirect_dma source(%arg9 : memref<80x128xf32, #tpu.memory_space<vmem>>) target(%dma_start3A_194 : memref<10000x128xf32, #tpu.memory_space<vmem_shared>>) offsets(%dma_start3A_191 : memref<80xi32, #tpu.memory_space<vmem>>) semaphore(%run_scoped3A : memref<!tpu.dma_semaphore, #tpu.memory_space<semaphore_mem>>) {add = true}
            %dma_wait3A_195 = arith.constant 0 : i32
            %dma_wait3A_196 = tpu.memref_slice %arg8[%scan3A_142, %dma_wait3A_195] : memref<25x80xi32, #tpu.memory_space<vmem>> -> memref<1x80xi32, #tpu.memory_space<vmem>>
            %dma_wait3A_197 = tpu.memref_squeeze %dma_wait3A_196 : memref<1x80xi32, #tpu.memory_space<vmem>> -> memref<80xi32, #tpu.memory_space<vmem>>
            %dma_wait3A_198 = arith.constant 0 : i32
            %dma_wait3A_199 = arith.constant 0 : i32
            %dma_wait3A_200 = tpu.memref_slice %arg12[%dma_wait3A_198, %dma_wait3A_199] : memref<10000x128xf32, #tpu.memory_space<vmem_shared>> -> memref<10000x128xf32, #tpu.memory_space<vmem_shared>>
            tpu.wait_indirect_dma semaphore(%run_scoped3A : memref<!tpu.dma_semaphore, #tpu.memory_space<semaphore_mem>>) src(%arg9 : memref<80x128xf32, #tpu.memory_space<vmem>>) dst(%dma_wait3A_200 : memref<10000x128xf32, #tpu.memory_space<vmem_shared>>)
            tpu.yield
          }) : () -> ()
          %lt3A_184 = arith.constant 23 : i32
          %lt3A_185 = arith.cmpi slt, %scan3A_142, %lt3A_184 : i32
          %convert_element_type3A_186 = arith.extui %lt3A_185 : i1 to i32
          %cond3A_187 = arith.constant 0 : i32
          %cond3A_188 = arith.cmpi ne, %convert_element_type3A_186, %cond3A_187 : i32
          scf.if %cond3A_188 {
            %add3A_189 = arith.constant 2 : i32
            %add3A_190 = arith.addi %scan3A_142, %add3A_189 : i32
            %mul3A_191 = arith.constant 80 : i32
            %mul3A_192 = arith.muli %add3A_190, %mul3A_191 : i32
            %dma_start3A_193 = tpu.memref_slice %arg7[%mul3A_192] : memref<2000xi32, #tpu.memory_space<vmem>> -> memref<80xi32, #tpu.memory_space<vmem>>
            %dma_start3A_194 = arith.constant 0 : i32
            %dma_start3A_195 = arith.constant 0 : i32
            %dma_start3A_196 = tpu.memref_slice %arg2[%dma_start3A_194, %dma_start3A_195] : memref<10000x128xf32, #tpu.memory_space<hbm>> -> memref<10000x128xf32, #tpu.memory_space<hbm>>
            tpu.enqueue_indirect_dma source(%dma_start3A_196 : memref<10000x128xf32, #tpu.memory_space<hbm>>) target(%arg9 : memref<80x128xf32, #tpu.memory_space<vmem>>) offsets(%dma_start3A_193 : memref<80xi32, #tpu.memory_space<vmem>>) semaphore(%arg13 : memref<!tpu.dma_semaphore, #tpu.memory_space<semaphore_mem>>)
          } else {
          }
        } else {
        }
        %jit3A_158 = arith.constant 2 : i32
        %eq3A_159 = arith.constant 0 : i32
        %eq3A_160 = arith.cmpi eq, %jit3A_158, %eq3A_159 : i32
        %jit3A_161 = arith.constant 1 : i32
        %select_n3A_162 = arith.select %eq3A_160, %jit3A_161, %jit3A_158 : i32
        %rem3A_163 = arith.remsi %scan3A_142, %select_n3A_162 : i32
        %ne3A_164 = arith.constant 0 : i32
        %ne3A_165 = arith.cmpi ne, %rem3A_163, %ne3A_164 : i32
        %lt3A_166 = arith.constant 0 : i32
        %lt3A_167 = arith.cmpi slt, %rem3A_163, %lt3A_166 : i32
        %lt3A_168 = arith.constant 0 : i32
        %lt3A_169 = arith.cmpi slt, %select_n3A_162, %lt3A_168 : i32
        %ne3A_170 = arith.xori %lt3A_167, %lt3A_169 : i1
        %and3A_171 = arith.andi %ne3A_170, %ne3A_165 : i1
        %add3A_172 = arith.addi %rem3A_163, %select_n3A_162 : i32
        %select_n3A_173 = arith.select %and3A_171, %add3A_172, %rem3A_163 : i32
        %eq3A_174 = arith.constant 1 : i32
        %eq3A_175 = arith.cmpi eq, %select_n3A_173, %eq3A_174 : i32
        %convert_element_type3A_176 = arith.extui %eq3A_175 : i1 to i32
        %cond3A_177 = arith.constant 0 : i32
        %cond3A_178 = arith.cmpi ne, %convert_element_type3A_176, %cond3A_177 : i32
        scf.if %cond3A_178 {
          %dma_wait3A = arith.constant 0 : i32
          %dma_wait3A_179 = arith.constant 0 : i32
          %dma_wait3A_180 = tpu.memref_slice %arg2[%dma_wait3A, %dma_wait3A_179] : memref<10000x128xf32, #tpu.memory_space<hbm>> -> memref<80x128xf32, #tpu.memory_space<hbm>>
          %dma_wait3A_181 = arith.constant 0 : i32
          %dma_wait3A_182 = arith.constant 0 : i32
          %dma_wait3A_183 = tpu.memref_slice %arg2[%dma_wait3A_181, %dma_wait3A_182] : memref<10000x128xf32, #tpu.memory_space<hbm>> -> memref<80x128xf32, #tpu.memory_space<hbm>>
          tpu.wait_dma2 semaphore(%arg14 : memref<!tpu.dma_semaphore, #tpu.memory_space<semaphore_mem>>) src(%dma_wait3A_183 : memref<80x128xf32, #tpu.memory_space<hbm>>) dst(%arg10 : memref<80x128xf32, #tpu.memory_space<vmem>>)
          "tpu.region"() ({
            %run_scoped3A = tpu.sem_alloc : memref<!tpu.dma_semaphore, #tpu.memory_space<semaphore_mem>>
            %dma_start3A_189 = arith.constant 0 : i32
            %dma_start3A_190 = tpu.memref_slice %arg8[%scan3A_142, %dma_start3A_189] : memref<25x80xi32, #tpu.memory_space<vmem>> -> memref<1x80xi32, #tpu.memory_space<vmem>>
            %dma_start3A_191 = tpu.memref_squeeze %dma_start3A_190 : memref<1x80xi32, #tpu.memory_space<vmem>> -> memref<80xi32, #tpu.memory_space<vmem>>
            %dma_start3A_192 = arith.constant 0 : i32
            %dma_start3A_193 = arith.constant 0 : i32
            %dma_start3A_194 = tpu.memref_slice %arg12[%dma_start3A_192, %dma_start3A_193] : memref<10000x128xf32, #tpu.memory_space<vmem_shared>> -> memref<10000x128xf32, #tpu.memory_space<vmem_shared>>
            tpu.enqueue_indirect_dma source(%arg10 : memref<80x128xf32, #tpu.memory_space<vmem>>) target(%dma_start3A_194 : memref<10000x128xf32, #tpu.memory_space<vmem_shared>>) offsets(%dma_start3A_191 : memref<80xi32, #tpu.memory_space<vmem>>) semaphore(%run_scoped3A : memref<!tpu.dma_semaphore, #tpu.memory_space<semaphore_mem>>) {add = true}
            %dma_wait3A_195 = arith.constant 0 : i32
            %dma_wait3A_196 = tpu.memref_slice %arg8[%scan3A_142, %dma_wait3A_195] : memref<25x80xi32, #tpu.memory_space<vmem>> -> memref<1x80xi32, #tpu.memory_space<vmem>>
            %dma_wait3A_197 = tpu.memref_squeeze %dma_wait3A_196 : memref<1x80xi32, #tpu.memory_space<vmem>> -> memref<80xi32, #tpu.memory_space<vmem>>
            %dma_wait3A_198 = arith.constant 0 : i32
            %dma_wait3A_199 = arith.constant 0 : i32
            %dma_wait3A_200 = tpu.memref_slice %arg12[%dma_wait3A_198, %dma_wait3A_199] : memref<10000x128xf32, #tpu.memory_space<vmem_shared>> -> memref<10000x128xf32, #tpu.memory_space<vmem_shared>>
            tpu.wait_indirect_dma semaphore(%run_scoped3A : memref<!tpu.dma_semaphore, #tpu.memory_space<semaphore_mem>>) src(%arg10 : memref<80x128xf32, #tpu.memory_space<vmem>>) dst(%dma_wait3A_200 : memref<10000x128xf32, #tpu.memory_space<vmem_shared>>)
            tpu.yield
          }) : () -> ()
          %lt3A_184 = arith.constant 23 : i32
          %lt3A_185 = arith.cmpi slt, %scan3A_142, %lt3A_184 : i32
          %convert_element_type3A_186 = arith.extui %lt3A_185 : i1 to i32
          %cond3A_187 = arith.constant 0 : i32
          %cond3A_188 = arith.cmpi ne, %convert_element_type3A_186, %cond3A_187 : i32
          scf.if %cond3A_188 {
            %add3A_189 = arith.constant 2 : i32
            %add3A_190 = arith.addi %scan3A_142, %add3A_189 : i32
            %mul3A_191 = arith.constant 80 : i32
            %mul3A_192 = arith.muli %add3A_190, %mul3A_191 : i32
            %dma_start3A_193 = tpu.memref_slice %arg7[%mul3A_192] : memref<2000xi32, #tpu.memory_space<vmem>> -> memref<80xi32, #tpu.memory_space<vmem>>
            %dma_start3A_194 = arith.constant 0 : i32
            %dma_start3A_195 = arith.constant 0 : i32
            %dma_start3A_196 = tpu.memref_slice %arg2[%dma_start3A_194, %dma_start3A_195] : memref<10000x128xf32, #tpu.memory_space<hbm>> -> memref<10000x128xf32, #tpu.memory_space<hbm>>
            tpu.enqueue_indirect_dma source(%dma_start3A_196 : memref<10000x128xf32, #tpu.memory_space<hbm>>) target(%arg10 : memref<80x128xf32, #tpu.memory_space<vmem>>) offsets(%dma_start3A_193 : memref<80xi32, #tpu.memory_space<vmem>>) semaphore(%arg14 : memref<!tpu.dma_semaphore, #tpu.memory_space<semaphore_mem>>)
          } else {
          }
        } else {
        }
      }
      %scan3A_141 = arith.constant 25 : i32
    }
    %barrier3A_65 = arith.constant 0 : index
    tpu.barrier barrier_id(%barrier3A_65)
    %add3A_66 = arith.constant 0 : i32
    %add3A_67 = arith.addi %arg1, %add3A_66 : i32
    %lt3A_68 = arith.constant 125 : i32
    %lt3A_69 = arith.cmpi slt, %add3A_67, %lt3A_68 : i32
    %convert_element_type3A_70 = arith.extui %lt3A_69 : i1 to i32
    %cond3A_71 = arith.constant 0 : i32
    %cond3A_72 = arith.cmpi ne, %convert_element_type3A_70, %cond3A_71 : i32
    scf.if %cond3A_72 {
      %mul3A_122 = arith.constant 80 : i32
      %mul3A_123 = arith.muli %add3A_67, %mul3A_122 : i32
      "tpu.region"() ({
        %run_scoped3A = tpu.sem_alloc : memref<!tpu.dma_semaphore, #tpu.memory_space<semaphore_mem>>
        %dma_start3A = arith.constant 0 : i32
        %dma_start3A_133 = tpu.memref_slice %arg12[%mul3A_123, %dma_start3A] : memref<10000x128xf32, #tpu.memory_space<vmem_shared>> -> memref<80x128xf32, #tpu.memory_space<vmem_shared>>
        %dma_start3A_134 = arith.constant 0 : i32
        %dma_start3A_135 = tpu.memref_slice %arg12[%mul3A_123, %dma_start3A_134] : memref<10000x128xf32, #tpu.memory_space<vmem_shared>> -> memref<80x128xf32, #tpu.memory_space<vmem_shared>>
        tpu.enqueue_dma source(%dma_start3A_135 : memref<80x128xf32, #tpu.memory_space<vmem_shared>>) target(%arg11 : memref<80x128xf32, #tpu.memory_space<vmem>>) target_semaphore(%run_scoped3A : memref<!tpu.dma_semaphore, #tpu.memory_space<semaphore_mem>>)
        %dma_wait3A = arith.constant 0 : i32
        %dma_wait3A_136 = tpu.memref_slice %arg12[%mul3A_123, %dma_wait3A] : memref<10000x128xf32, #tpu.memory_space<vmem_shared>> -> memref<80x128xf32, #tpu.memory_space<vmem_shared>>
        %dma_wait3A_137 = arith.constant 0 : i32
        %dma_wait3A_138 = tpu.memref_slice %arg12[%mul3A_123, %dma_wait3A_137] : memref<10000x128xf32, #tpu.memory_space<vmem_shared>> -> memref<80x128xf32, #tpu.memory_space<vmem_shared>>
        tpu.wait_dma2 semaphore(%run_scoped3A : memref<!tpu.dma_semaphore, #tpu.memory_space<semaphore_mem>>) src(%dma_wait3A_138 : memref<80x128xf32, #tpu.memory_space<vmem_shared>>) dst(%arg11 : memref<80x128xf32, #tpu.memory_space<vmem>>)
        tpu.yield
      }) : () -> ()
      %eq3A = arith.constant 0 : i32
      %eq3A_124 = arith.cmpi eq, %arg0, %eq3A : i32
      %convert_element_type3A_125 = arith.extui %eq3A_124 : i1 to i32
      %cond3A_126 = arith.constant 0 : i32
      %cond3A_127 = arith.cmpi ne, %convert_element_type3A_125, %cond3A_126 : i32
      scf.if %cond3A_127 {
        %mul3A_133 = arith.constant 80 : i32
        %mul3A_134 = arith.muli %add3A_67, %mul3A_133 : i32
        "tpu.region"() ({
          %run_scoped3A = tpu.sem_alloc : memref<!tpu.dma_semaphore, #tpu.memory_space<semaphore_mem>>
          %dma_start3A = arith.constant 0 : i32
          %dma_start3A_135 = tpu.memref_slice %arg5[%mul3A_134, %dma_start3A] : memref<10000x128xf32, #tpu.memory_space<hbm>> -> memref<80x128xf32, #tpu.memory_space<hbm>>
          %dma_start3A_136 = arith.constant 0 : i32
          %dma_start3A_137 = tpu.memref_slice %arg5[%mul3A_134, %dma_start3A_136] : memref<10000x128xf32, #tpu.memory_space<hbm>> -> memref<80x128xf32, #tpu.memory_space<hbm>>
          tpu.enqueue_dma source(%arg11 : memref<80x128xf32, #tpu.memory_space<vmem>>) target(%dma_start3A_137 : memref<80x128xf32, #tpu.memory_space<hbm>>) target_semaphore(%run_scoped3A : memref<!tpu.dma_semaphore, #tpu.memory_space<semaphore_mem>>)
          %dma_wait3A = arith.constant 0 : i32
          %dma_wait3A_138 = tpu.memref_slice %arg5[%mul3A_134, %dma_wait3A] : memref<10000x128xf32, #tpu.memory_space<hbm>> -> memref<80x128xf32, #tpu.memory_space<hbm>>
          %dma_wait3A_139 = arith.constant 0 : i32
          %dma_wait3A_140 = tpu.memref_slice %arg5[%mul3A_134, %dma_wait3A_139] : memref<10000x128xf32, #tpu.memory_space<hbm>> -> memref<80x128xf32, #tpu.memory_space<hbm>>
          tpu.wait_dma2 semaphore(%run_scoped3A : memref<!tpu.dma_semaphore, #tpu.memory_space<semaphore_mem>>) src(%arg11 : memref<80x128xf32, #tpu.memory_space<vmem>>) dst(%dma_wait3A_140 : memref<80x128xf32, #tpu.memory_space<hbm>>)
          tpu.yield
        }) : () -> ()
      } else {
      }
      %eq3A_128 = arith.constant 1 : i32
      %eq3A_129 = arith.cmpi eq, %arg0, %eq3A_128 : i32
      %convert_element_type3A_130 = arith.extui %eq3A_129 : i1 to i32
      %cond3A_131 = arith.constant 0 : i32
      %cond3A_132 = arith.cmpi ne, %convert_element_type3A_130, %cond3A_131 : i32
      scf.if %cond3A_132 {
        %mul3A_133 = arith.constant 80 : i32
        %mul3A_134 = arith.muli %add3A_67, %mul3A_133 : i32
        "tpu.region"() ({
          %run_scoped3A = tpu.sem_alloc : memref<!tpu.dma_semaphore, #tpu.memory_space<semaphore_mem>>
          %dma_start3A = arith.constant 0 : i32
          %dma_start3A_135 = tpu.memref_slice %arg6[%mul3A_134, %dma_start3A] : memref<10000x128xf32, #tpu.memory_space<hbm>> -> memref<80x128xf32, #tpu.memory_space<hbm>>
          %dma_start3A_136 = arith.constant 0 : i32
          %dma_start3A_137 = tpu.memref_slice %arg6[%mul3A_134, %dma_start3A_136] : memref<10000x128xf32, #tpu.memory_space<hbm>> -> memref<80x128xf32, #tpu.memory_space<hbm>>
          tpu.enqueue_dma source(%arg11 : memref<80x128xf32, #tpu.memory_space<vmem>>) target(%dma_start3A_137 : memref<80x128xf32, #tpu.memory_space<hbm>>) target_semaphore(%run_scoped3A : memref<!tpu.dma_semaphore, #tpu.memory_space<semaphore_mem>>)
          %dma_wait3A = arith.constant 0 : i32
          %dma_wait3A_138 = tpu.memref_slice %arg6[%mul3A_134, %dma_wait3A] : memref<10000x128xf32, #tpu.memory_space<hbm>> -> memref<80x128xf32, #tpu.memory_space<hbm>>
          %dma_wait3A_139 = arith.constant 0 : i32
          %dma_wait3A_140 = tpu.memref_slice %arg6[%mul3A_134, %dma_wait3A_139] : memref<10000x128xf32, #tpu.memory_space<hbm>> -> memref<80x128xf32, #tpu.memory_space<hbm>>
          tpu.wait_dma2 semaphore(%run_scoped3A : memref<!tpu.dma_semaphore, #tpu.memory_space<semaphore_mem>>) src(%arg11 : memref<80x128xf32, #tpu.memory_space<vmem>>) dst(%dma_wait3A_140 : memref<80x128xf32, #tpu.memory_space<hbm>>)
          tpu.yield
        }) : () -> ()
      } else {
      }
    } else {
    }
    %add3A_73 = arith.constant 16 : i32
    %add3A_74 = arith.addi %arg1, %add3A_73 : i32
    %lt3A_75 = arith.constant 125 : i32
    %lt3A_76 = arith.cmpi slt, %add3A_74, %lt3A_75 : i32
    %convert_element_type3A_77 = arith.extui %lt3A_76 : i1 to i32
    %cond3A_78 = arith.constant 0 : i32
    %cond3A_79 = arith.cmpi ne, %convert_element_type3A_77, %cond3A_78 : i32
    scf.if %cond3A_79 {
      %mul3A_122 = arith.constant 80 : i32
      %mul3A_123 = arith.muli %add3A_74, %mul3A_122 : i32
      "tpu.region"() ({
        %run_scoped3A = tpu.sem_alloc : memref<!tpu.dma_semaphore, #tpu.memory_space<semaphore_mem>>
        %dma_start3A = arith.constant 0 : i32
        %dma_start3A_133 = tpu.memref_slice %arg12[%mul3A_123, %dma_start3A] : memref<10000x128xf32, #tpu.memory_space<vmem_shared>> -> memref<80x128xf32, #tpu.memory_space<vmem_shared>>
        %dma_start3A_134 = arith.constant 0 : i32
        %dma_start3A_135 = tpu.memref_slice %arg12[%mul3A_123, %dma_start3A_134] : memref<10000x128xf32, #tpu.memory_space<vmem_shared>> -> memref<80x128xf32, #tpu.memory_space<vmem_shared>>
        tpu.enqueue_dma source(%dma_start3A_135 : memref<80x128xf32, #tpu.memory_space<vmem_shared>>) target(%arg11 : memref<80x128xf32, #tpu.memory_space<vmem>>) target_semaphore(%run_scoped3A : memref<!tpu.dma_semaphore, #tpu.memory_space<semaphore_mem>>)
        %dma_wait3A = arith.constant 0 : i32
        %dma_wait3A_136 = tpu.memref_slice %arg12[%mul3A_123, %dma_wait3A] : memref<10000x128xf32, #tpu.memory_space<vmem_shared>> -> memref<80x128xf32, #tpu.memory_space<vmem_shared>>
        %dma_wait3A_137 = arith.constant 0 : i32
        %dma_wait3A_138 = tpu.memref_slice %arg12[%mul3A_123, %dma_wait3A_137] : memref<10000x128xf32, #tpu.memory_space<vmem_shared>> -> memref<80x128xf32, #tpu.memory_space<vmem_shared>>
        tpu.wait_dma2 semaphore(%run_scoped3A : memref<!tpu.dma_semaphore, #tpu.memory_space<semaphore_mem>>) src(%dma_wait3A_138 : memref<80x128xf32, #tpu.memory_space<vmem_shared>>) dst(%arg11 : memref<80x128xf32, #tpu.memory_space<vmem>>)
        tpu.yield
      }) : () -> ()
      %eq3A = arith.constant 0 : i32
      %eq3A_124 = arith.cmpi eq, %arg0, %eq3A : i32
      %convert_element_type3A_125 = arith.extui %eq3A_124 : i1 to i32
      %cond3A_126 = arith.constant 0 : i32
      %cond3A_127 = arith.cmpi ne, %convert_element_type3A_125, %cond3A_126 : i32
      scf.if %cond3A_127 {
        %mul3A_133 = arith.constant 80 : i32
        %mul3A_134 = arith.muli %add3A_74, %mul3A_133 : i32
        "tpu.region"() ({
          %run_scoped3A = tpu.sem_alloc : memref<!tpu.dma_semaphore, #tpu.memory_space<semaphore_mem>>
          %dma_start3A = arith.constant 0 : i32
          %dma_start3A_135 = tpu.memref_slice %arg5[%mul3A_134, %dma_start3A] : memref<10000x128xf32, #tpu.memory_space<hbm>> -> memref<80x128xf32, #tpu.memory_space<hbm>>
          %dma_start3A_136 = arith.constant 0 : i32
          %dma_start3A_137 = tpu.memref_slice %arg5[%mul3A_134, %dma_start3A_136] : memref<10000x128xf32, #tpu.memory_space<hbm>> -> memref<80x128xf32, #tpu.memory_space<hbm>>
          tpu.enqueue_dma source(%arg11 : memref<80x128xf32, #tpu.memory_space<vmem>>) target(%dma_start3A_137 : memref<80x128xf32, #tpu.memory_space<hbm>>) target_semaphore(%run_scoped3A : memref<!tpu.dma_semaphore, #tpu.memory_space<semaphore_mem>>)
          %dma_wait3A = arith.constant 0 : i32
          %dma_wait3A_138 = tpu.memref_slice %arg5[%mul3A_134, %dma_wait3A] : memref<10000x128xf32, #tpu.memory_space<hbm>> -> memref<80x128xf32, #tpu.memory_space<hbm>>
          %dma_wait3A_139 = arith.constant 0 : i32
          %dma_wait3A_140 = tpu.memref_slice %arg5[%mul3A_134, %dma_wait3A_139] : memref<10000x128xf32, #tpu.memory_space<hbm>> -> memref<80x128xf32, #tpu.memory_space<hbm>>
          tpu.wait_dma2 semaphore(%run_scoped3A : memref<!tpu.dma_semaphore, #tpu.memory_space<semaphore_mem>>) src(%arg11 : memref<80x128xf32, #tpu.memory_space<vmem>>) dst(%dma_wait3A_140 : memref<80x128xf32, #tpu.memory_space<hbm>>)
          tpu.yield
        }) : () -> ()
      } else {
      }
      %eq3A_128 = arith.constant 1 : i32
      %eq3A_129 = arith.cmpi eq, %arg0, %eq3A_128 : i32
      %convert_element_type3A_130 = arith.extui %eq3A_129 : i1 to i32
      %cond3A_131 = arith.constant 0 : i32
      %cond3A_132 = arith.cmpi ne, %convert_element_type3A_130, %cond3A_131 : i32
      scf.if %cond3A_132 {
        %mul3A_133 = arith.constant 80 : i32
        %mul3A_134 = arith.muli %add3A_74, %mul3A_133 : i32
        "tpu.region"() ({
          %run_scoped3A = tpu.sem_alloc : memref<!tpu.dma_semaphore, #tpu.memory_space<semaphore_mem>>
          %dma_start3A = arith.constant 0 : i32
          %dma_start3A_135 = tpu.memref_slice %arg6[%mul3A_134, %dma_start3A] : memref<10000x128xf32, #tpu.memory_space<hbm>> -> memref<80x128xf32, #tpu.memory_space<hbm>>
          %dma_start3A_136 = arith.constant 0 : i32
          %dma_start3A_137 = tpu.memref_slice %arg6[%mul3A_134, %dma_start3A_136] : memref<10000x128xf32, #tpu.memory_space<hbm>> -> memref<80x128xf32, #tpu.memory_space<hbm>>
          tpu.enqueue_dma source(%arg11 : memref<80x128xf32, #tpu.memory_space<vmem>>) target(%dma_start3A_137 : memref<80x128xf32, #tpu.memory_space<hbm>>) target_semaphore(%run_scoped3A : memref<!tpu.dma_semaphore, #tpu.memory_space<semaphore_mem>>)
          %dma_wait3A = arith.constant 0 : i32
          %dma_wait3A_138 = tpu.memref_slice %arg6[%mul3A_134, %dma_wait3A] : memref<10000x128xf32, #tpu.memory_space<hbm>> -> memref<80x128xf32, #tpu.memory_space<hbm>>
          %dma_wait3A_139 = arith.constant 0 : i32
          %dma_wait3A_140 = tpu.memref_slice %arg6[%mul3A_134, %dma_wait3A_139] : memref<10000x128xf32, #tpu.memory_space<hbm>> -> memref<80x128xf32, #tpu.memory_space<hbm>>
          tpu.wait_dma2 semaphore(%run_scoped3A : memref<!tpu.dma_semaphore, #tpu.memory_space<semaphore_mem>>) src(%arg11 : memref<80x128xf32, #tpu.memory_space<vmem>>) dst(%dma_wait3A_140 : memref<80x128xf32, #tpu.memory_space<hbm>>)
          tpu.yield
        }) : () -> ()
      } else {
      }
    } else {
    }
    %add3A_80 = arith.constant 32 : i32
    %add3A_81 = arith.addi %arg1, %add3A_80 : i32
    %lt3A_82 = arith.constant 125 : i32
    %lt3A_83 = arith.cmpi slt, %add3A_81, %lt3A_82 : i32
    %convert_element_type3A_84 = arith.extui %lt3A_83 : i1 to i32
    %cond3A_85 = arith.constant 0 : i32
    %cond3A_86 = arith.cmpi ne, %convert_element_type3A_84, %cond3A_85 : i32
    scf.if %cond3A_86 {
      %mul3A_122 = arith.constant 80 : i32
      %mul3A_123 = arith.muli %add3A_81, %mul3A_122 : i32
      "tpu.region"() ({
        %run_scoped3A = tpu.sem_alloc : memref<!tpu.dma_semaphore, #tpu.memory_space<semaphore_mem>>
        %dma_start3A = arith.constant 0 : i32
        %dma_start3A_133 = tpu.memref_slice %arg12[%mul3A_123, %dma_start3A] : memref<10000x128xf32, #tpu.memory_space<vmem_shared>> -> memref<80x128xf32, #tpu.memory_space<vmem_shared>>
        %dma_start3A_134 = arith.constant 0 : i32
        %dma_start3A_135 = tpu.memref_slice %arg12[%mul3A_123, %dma_start3A_134] : memref<10000x128xf32, #tpu.memory_space<vmem_shared>> -> memref<80x128xf32, #tpu.memory_space<vmem_shared>>
        tpu.enqueue_dma source(%dma_start3A_135 : memref<80x128xf32, #tpu.memory_space<vmem_shared>>) target(%arg11 : memref<80x128xf32, #tpu.memory_space<vmem>>) target_semaphore(%run_scoped3A : memref<!tpu.dma_semaphore, #tpu.memory_space<semaphore_mem>>)
        %dma_wait3A = arith.constant 0 : i32
        %dma_wait3A_136 = tpu.memref_slice %arg12[%mul3A_123, %dma_wait3A] : memref<10000x128xf32, #tpu.memory_space<vmem_shared>> -> memref<80x128xf32, #tpu.memory_space<vmem_shared>>
        %dma_wait3A_137 = arith.constant 0 : i32
        %dma_wait3A_138 = tpu.memref_slice %arg12[%mul3A_123, %dma_wait3A_137] : memref<10000x128xf32, #tpu.memory_space<vmem_shared>> -> memref<80x128xf32, #tpu.memory_space<vmem_shared>>
        tpu.wait_dma2 semaphore(%run_scoped3A : memref<!tpu.dma_semaphore, #tpu.memory_space<semaphore_mem>>) src(%dma_wait3A_138 : memref<80x128xf32, #tpu.memory_space<vmem_shared>>) dst(%arg11 : memref<80x128xf32, #tpu.memory_space<vmem>>)
        tpu.yield
      }) : () -> ()
      %eq3A = arith.constant 0 : i32
      %eq3A_124 = arith.cmpi eq, %arg0, %eq3A : i32
      %convert_element_type3A_125 = arith.extui %eq3A_124 : i1 to i32
      %cond3A_126 = arith.constant 0 : i32
      %cond3A_127 = arith.cmpi ne, %convert_element_type3A_125, %cond3A_126 : i32
      scf.if %cond3A_127 {
        %mul3A_133 = arith.constant 80 : i32
        %mul3A_134 = arith.muli %add3A_81, %mul3A_133 : i32
        "tpu.region"() ({
          %run_scoped3A = tpu.sem_alloc : memref<!tpu.dma_semaphore, #tpu.memory_space<semaphore_mem>>
          %dma_start3A = arith.constant 0 : i32
          %dma_start3A_135 = tpu.memref_slice %arg5[%mul3A_134, %dma_start3A] : memref<10000x128xf32, #tpu.memory_space<hbm>> -> memref<80x128xf32, #tpu.memory_space<hbm>>
          %dma_start3A_136 = arith.constant 0 : i32
          %dma_start3A_137 = tpu.memref_slice %arg5[%mul3A_134, %dma_start3A_136] : memref<10000x128xf32, #tpu.memory_space<hbm>> -> memref<80x128xf32, #tpu.memory_space<hbm>>
          tpu.enqueue_dma source(%arg11 : memref<80x128xf32, #tpu.memory_space<vmem>>) target(%dma_start3A_137 : memref<80x128xf32, #tpu.memory_space<hbm>>) target_semaphore(%run_scoped3A : memref<!tpu.dma_semaphore, #tpu.memory_space<semaphore_mem>>)
          %dma_wait3A = arith.constant 0 : i32
          %dma_wait3A_138 = tpu.memref_slice %arg5[%mul3A_134, %dma_wait3A] : memref<10000x128xf32, #tpu.memory_space<hbm>> -> memref<80x128xf32, #tpu.memory_space<hbm>>
          %dma_wait3A_139 = arith.constant 0 : i32
          %dma_wait3A_140 = tpu.memref_slice %arg5[%mul3A_134, %dma_wait3A_139] : memref<10000x128xf32, #tpu.memory_space<hbm>> -> memref<80x128xf32, #tpu.memory_space<hbm>>
          tpu.wait_dma2 semaphore(%run_scoped3A : memref<!tpu.dma_semaphore, #tpu.memory_space<semaphore_mem>>) src(%arg11 : memref<80x128xf32, #tpu.memory_space<vmem>>) dst(%dma_wait3A_140 : memref<80x128xf32, #tpu.memory_space<hbm>>)
          tpu.yield
        }) : () -> ()
      } else {
      }
      %eq3A_128 = arith.constant 1 : i32
      %eq3A_129 = arith.cmpi eq, %arg0, %eq3A_128 : i32
      %convert_element_type3A_130 = arith.extui %eq3A_129 : i1 to i32
      %cond3A_131 = arith.constant 0 : i32
      %cond3A_132 = arith.cmpi ne, %convert_element_type3A_130, %cond3A_131 : i32
      scf.if %cond3A_132 {
        %mul3A_133 = arith.constant 80 : i32
        %mul3A_134 = arith.muli %add3A_81, %mul3A_133 : i32
        "tpu.region"() ({
          %run_scoped3A = tpu.sem_alloc : memref<!tpu.dma_semaphore, #tpu.memory_space<semaphore_mem>>
          %dma_start3A = arith.constant 0 : i32
          %dma_start3A_135 = tpu.memref_slice %arg6[%mul3A_134, %dma_start3A] : memref<10000x128xf32, #tpu.memory_space<hbm>> -> memref<80x128xf32, #tpu.memory_space<hbm>>
          %dma_start3A_136 = arith.constant 0 : i32
          %dma_start3A_137 = tpu.memref_slice %arg6[%mul3A_134, %dma_start3A_136] : memref<10000x128xf32, #tpu.memory_space<hbm>> -> memref<80x128xf32, #tpu.memory_space<hbm>>
          tpu.enqueue_dma source(%arg11 : memref<80x128xf32, #tpu.memory_space<vmem>>) target(%dma_start3A_137 : memref<80x128xf32, #tpu.memory_space<hbm>>) target_semaphore(%run_scoped3A : memref<!tpu.dma_semaphore, #tpu.memory_space<semaphore_mem>>)
          %dma_wait3A = arith.constant 0 : i32
          %dma_wait3A_138 = tpu.memref_slice %arg6[%mul3A_134, %dma_wait3A] : memref<10000x128xf32, #tpu.memory_space<hbm>> -> memref<80x128xf32, #tpu.memory_space<hbm>>
          %dma_wait3A_139 = arith.constant 0 : i32
          %dma_wait3A_140 = tpu.memref_slice %arg6[%mul3A_134, %dma_wait3A_139] : memref<10000x128xf32, #tpu.memory_space<hbm>> -> memref<80x128xf32, #tpu.memory_space<hbm>>
          tpu.wait_dma2 semaphore(%run_scoped3A : memref<!tpu.dma_semaphore, #tpu.memory_space<semaphore_mem>>) src(%arg11 : memref<80x128xf32, #tpu.memory_space<vmem>>) dst(%dma_wait3A_140 : memref<80x128xf32, #tpu.memory_space<hbm>>)
          tpu.yield
        }) : () -> ()
      } else {
      }
    } else {
    }
    %add3A_87 = arith.constant 48 : i32
    %add3A_88 = arith.addi %arg1, %add3A_87 : i32
    %lt3A_89 = arith.constant 125 : i32
    %lt3A_90 = arith.cmpi slt, %add3A_88, %lt3A_89 : i32
    %convert_element_type3A_91 = arith.extui %lt3A_90 : i1 to i32
    %cond3A_92 = arith.constant 0 : i32
    %cond3A_93 = arith.cmpi ne, %convert_element_type3A_91, %cond3A_92 : i32
    scf.if %cond3A_93 {
      %mul3A_122 = arith.constant 80 : i32
      %mul3A_123 = arith.muli %add3A_88, %mul3A_122 : i32
      "tpu.region"() ({
        %run_scoped3A = tpu.sem_alloc : memref<!tpu.dma_semaphore, #tpu.memory_space<semaphore_mem>>
        %dma_start3A = arith.constant 0 : i32
        %dma_start3A_133 = tpu.memref_slice %arg12[%mul3A_123, %dma_start3A] : memref<10000x128xf32, #tpu.memory_space<vmem_shared>> -> memref<80x128xf32, #tpu.memory_space<vmem_shared>>
        %dma_start3A_134 = arith.constant 0 : i32
        %dma_start3A_135 = tpu.memref_slice %arg12[%mul3A_123, %dma_start3A_134] : memref<10000x128xf32, #tpu.memory_space<vmem_shared>> -> memref<80x128xf32, #tpu.memory_space<vmem_shared>>
        tpu.enqueue_dma source(%dma_start3A_135 : memref<80x128xf32, #tpu.memory_space<vmem_shared>>) target(%arg11 : memref<80x128xf32, #tpu.memory_space<vmem>>) target_semaphore(%run_scoped3A : memref<!tpu.dma_semaphore, #tpu.memory_space<semaphore_mem>>)
        %dma_wait3A = arith.constant 0 : i32
        %dma_wait3A_136 = tpu.memref_slice %arg12[%mul3A_123, %dma_wait3A] : memref<10000x128xf32, #tpu.memory_space<vmem_shared>> -> memref<80x128xf32, #tpu.memory_space<vmem_shared>>
        %dma_wait3A_137 = arith.constant 0 : i32
        %dma_wait3A_138 = tpu.memref_slice %arg12[%mul3A_123, %dma_wait3A_137] : memref<10000x128xf32, #tpu.memory_space<vmem_shared>> -> memref<80x128xf32, #tpu.memory_space<vmem_shared>>
        tpu.wait_dma2 semaphore(%run_scoped3A : memref<!tpu.dma_semaphore, #tpu.memory_space<semaphore_mem>>) src(%dma_wait3A_138 : memref<80x128xf32, #tpu.memory_space<vmem_shared>>) dst(%arg11 : memref<80x128xf32, #tpu.memory_space<vmem>>)
        tpu.yield
      }) : () -> ()
      %eq3A = arith.constant 0 : i32
      %eq3A_124 = arith.cmpi eq, %arg0, %eq3A : i32
      %convert_element_type3A_125 = arith.extui %eq3A_124 : i1 to i32
      %cond3A_126 = arith.constant 0 : i32
      %cond3A_127 = arith.cmpi ne, %convert_element_type3A_125, %cond3A_126 : i32
      scf.if %cond3A_127 {
        %mul3A_133 = arith.constant 80 : i32
        %mul3A_134 = arith.muli %add3A_88, %mul3A_133 : i32
        "tpu.region"() ({
          %run_scoped3A = tpu.sem_alloc : memref<!tpu.dma_semaphore, #tpu.memory_space<semaphore_mem>>
          %dma_start3A = arith.constant 0 : i32
          %dma_start3A_135 = tpu.memref_slice %arg5[%mul3A_134, %dma_start3A] : memref<10000x128xf32, #tpu.memory_space<hbm>> -> memref<80x128xf32, #tpu.memory_space<hbm>>
          %dma_start3A_136 = arith.constant 0 : i32
          %dma_start3A_137 = tpu.memref_slice %arg5[%mul3A_134, %dma_start3A_136] : memref<10000x128xf32, #tpu.memory_space<hbm>> -> memref<80x128xf32, #tpu.memory_space<hbm>>
          tpu.enqueue_dma source(%arg11 : memref<80x128xf32, #tpu.memory_space<vmem>>) target(%dma_start3A_137 : memref<80x128xf32, #tpu.memory_space<hbm>>) target_semaphore(%run_scoped3A : memref<!tpu.dma_semaphore, #tpu.memory_space<semaphore_mem>>)
          %dma_wait3A = arith.constant 0 : i32
          %dma_wait3A_138 = tpu.memref_slice %arg5[%mul3A_134, %dma_wait3A] : memref<10000x128xf32, #tpu.memory_space<hbm>> -> memref<80x128xf32, #tpu.memory_space<hbm>>
          %dma_wait3A_139 = arith.constant 0 : i32
          %dma_wait3A_140 = tpu.memref_slice %arg5[%mul3A_134, %dma_wait3A_139] : memref<10000x128xf32, #tpu.memory_space<hbm>> -> memref<80x128xf32, #tpu.memory_space<hbm>>
          tpu.wait_dma2 semaphore(%run_scoped3A : memref<!tpu.dma_semaphore, #tpu.memory_space<semaphore_mem>>) src(%arg11 : memref<80x128xf32, #tpu.memory_space<vmem>>) dst(%dma_wait3A_140 : memref<80x128xf32, #tpu.memory_space<hbm>>)
          tpu.yield
        }) : () -> ()
      } else {
      }
      %eq3A_128 = arith.constant 1 : i32
      %eq3A_129 = arith.cmpi eq, %arg0, %eq3A_128 : i32
      %convert_element_type3A_130 = arith.extui %eq3A_129 : i1 to i32
      %cond3A_131 = arith.constant 0 : i32
      %cond3A_132 = arith.cmpi ne, %convert_element_type3A_130, %cond3A_131 : i32
      scf.if %cond3A_132 {
        %mul3A_133 = arith.constant 80 : i32
        %mul3A_134 = arith.muli %add3A_88, %mul3A_133 : i32
        "tpu.region"() ({
          %run_scoped3A = tpu.sem_alloc : memref<!tpu.dma_semaphore, #tpu.memory_space<semaphore_mem>>
          %dma_start3A = arith.constant 0 : i32
          %dma_start3A_135 = tpu.memref_slice %arg6[%mul3A_134, %dma_start3A] : memref<10000x128xf32, #tpu.memory_space<hbm>> -> memref<80x128xf32, #tpu.memory_space<hbm>>
          %dma_start3A_136 = arith.constant 0 : i32
          %dma_start3A_137 = tpu.memref_slice %arg6[%mul3A_134, %dma_start3A_136] : memref<10000x128xf32, #tpu.memory_space<hbm>> -> memref<80x128xf32, #tpu.memory_space<hbm>>
          tpu.enqueue_dma source(%arg11 : memref<80x128xf32, #tpu.memory_space<vmem>>) target(%dma_start3A_137 : memref<80x128xf32, #tpu.memory_space<hbm>>) target_semaphore(%run_scoped3A : memref<!tpu.dma_semaphore, #tpu.memory_space<semaphore_mem>>)
          %dma_wait3A = arith.constant 0 : i32
          %dma_wait3A_138 = tpu.memref_slice %arg6[%mul3A_134, %dma_wait3A] : memref<10000x128xf32, #tpu.memory_space<hbm>> -> memref<80x128xf32, #tpu.memory_space<hbm>>
          %dma_wait3A_139 = arith.constant 0 : i32
          %dma_wait3A_140 = tpu.memref_slice %arg6[%mul3A_134, %dma_wait3A_139] : memref<10000x128xf32, #tpu.memory_space<hbm>> -> memref<80x128xf32, #tpu.memory_space<hbm>>
          tpu.wait_dma2 semaphore(%run_scoped3A : memref<!tpu.dma_semaphore, #tpu.memory_space<semaphore_mem>>) src(%arg11 : memref<80x128xf32, #tpu.memory_space<vmem>>) dst(%dma_wait3A_140 : memref<80x128xf32, #tpu.memory_space<hbm>>)
          tpu.yield
        }) : () -> ()
      } else {
      }
    } else {
    }
    %add3A_94 = arith.constant 64 : i32
    %add3A_95 = arith.addi %arg1, %add3A_94 : i32
    %lt3A_96 = arith.constant 125 : i32
    %lt3A_97 = arith.cmpi slt, %add3A_95, %lt3A_96 : i32
    %convert_element_type3A_98 = arith.extui %lt3A_97 : i1 to i32
    %cond3A_99 = arith.constant 0 : i32
    %cond3A_100 = arith.cmpi ne, %convert_element_type3A_98, %cond3A_99 : i32
    scf.if %cond3A_100 {
      %mul3A_122 = arith.constant 80 : i32
      %mul3A_123 = arith.muli %add3A_95, %mul3A_122 : i32
      "tpu.region"() ({
        %run_scoped3A = tpu.sem_alloc : memref<!tpu.dma_semaphore, #tpu.memory_space<semaphore_mem>>
        %dma_start3A = arith.constant 0 : i32
        %dma_start3A_133 = tpu.memref_slice %arg12[%mul3A_123, %dma_start3A] : memref<10000x128xf32, #tpu.memory_space<vmem_shared>> -> memref<80x128xf32, #tpu.memory_space<vmem_shared>>
        %dma_start3A_134 = arith.constant 0 : i32
        %dma_start3A_135 = tpu.memref_slice %arg12[%mul3A_123, %dma_start3A_134] : memref<10000x128xf32, #tpu.memory_space<vmem_shared>> -> memref<80x128xf32, #tpu.memory_space<vmem_shared>>
        tpu.enqueue_dma source(%dma_start3A_135 : memref<80x128xf32, #tpu.memory_space<vmem_shared>>) target(%arg11 : memref<80x128xf32, #tpu.memory_space<vmem>>) target_semaphore(%run_scoped3A : memref<!tpu.dma_semaphore, #tpu.memory_space<semaphore_mem>>)
        %dma_wait3A = arith.constant 0 : i32
        %dma_wait3A_136 = tpu.memref_slice %arg12[%mul3A_123, %dma_wait3A] : memref<10000x128xf32, #tpu.memory_space<vmem_shared>> -> memref<80x128xf32, #tpu.memory_space<vmem_shared>>
        %dma_wait3A_137 = arith.constant 0 : i32
        %dma_wait3A_138 = tpu.memref_slice %arg12[%mul3A_123, %dma_wait3A_137] : memref<10000x128xf32, #tpu.memory_space<vmem_shared>> -> memref<80x128xf32, #tpu.memory_space<vmem_shared>>
        tpu.wait_dma2 semaphore(%run_scoped3A : memref<!tpu.dma_semaphore, #tpu.memory_space<semaphore_mem>>) src(%dma_wait3A_138 : memref<80x128xf32, #tpu.memory_space<vmem_shared>>) dst(%arg11 : memref<80x128xf32, #tpu.memory_space<vmem>>)
        tpu.yield
      }) : () -> ()
      %eq3A = arith.constant 0 : i32
      %eq3A_124 = arith.cmpi eq, %arg0, %eq3A : i32
      %convert_element_type3A_125 = arith.extui %eq3A_124 : i1 to i32
      %cond3A_126 = arith.constant 0 : i32
      %cond3A_127 = arith.cmpi ne, %convert_element_type3A_125, %cond3A_126 : i32
      scf.if %cond3A_127 {
        %mul3A_133 = arith.constant 80 : i32
        %mul3A_134 = arith.muli %add3A_95, %mul3A_133 : i32
        "tpu.region"() ({
          %run_scoped3A = tpu.sem_alloc : memref<!tpu.dma_semaphore, #tpu.memory_space<semaphore_mem>>
          %dma_start3A = arith.constant 0 : i32
          %dma_start3A_135 = tpu.memref_slice %arg5[%mul3A_134, %dma_start3A] : memref<10000x128xf32, #tpu.memory_space<hbm>> -> memref<80x128xf32, #tpu.memory_space<hbm>>
          %dma_start3A_136 = arith.constant 0 : i32
          %dma_start3A_137 = tpu.memref_slice %arg5[%mul3A_134, %dma_start3A_136] : memref<10000x128xf32, #tpu.memory_space<hbm>> -> memref<80x128xf32, #tpu.memory_space<hbm>>
          tpu.enqueue_dma source(%arg11 : memref<80x128xf32, #tpu.memory_space<vmem>>) target(%dma_start3A_137 : memref<80x128xf32, #tpu.memory_space<hbm>>) target_semaphore(%run_scoped3A : memref<!tpu.dma_semaphore, #tpu.memory_space<semaphore_mem>>)
          %dma_wait3A = arith.constant 0 : i32
          %dma_wait3A_138 = tpu.memref_slice %arg5[%mul3A_134, %dma_wait3A] : memref<10000x128xf32, #tpu.memory_space<hbm>> -> memref<80x128xf32, #tpu.memory_space<hbm>>
          %dma_wait3A_139 = arith.constant 0 : i32
          %dma_wait3A_140 = tpu.memref_slice %arg5[%mul3A_134, %dma_wait3A_139] : memref<10000x128xf32, #tpu.memory_space<hbm>> -> memref<80x128xf32, #tpu.memory_space<hbm>>
          tpu.wait_dma2 semaphore(%run_scoped3A : memref<!tpu.dma_semaphore, #tpu.memory_space<semaphore_mem>>) src(%arg11 : memref<80x128xf32, #tpu.memory_space<vmem>>) dst(%dma_wait3A_140 : memref<80x128xf32, #tpu.memory_space<hbm>>)
          tpu.yield
        }) : () -> ()
      } else {
      }
      %eq3A_128 = arith.constant 1 : i32
      %eq3A_129 = arith.cmpi eq, %arg0, %eq3A_128 : i32
      %convert_element_type3A_130 = arith.extui %eq3A_129 : i1 to i32
      %cond3A_131 = arith.constant 0 : i32
      %cond3A_132 = arith.cmpi ne, %convert_element_type3A_130, %cond3A_131 : i32
      scf.if %cond3A_132 {
        %mul3A_133 = arith.constant 80 : i32
        %mul3A_134 = arith.muli %add3A_95, %mul3A_133 : i32
        "tpu.region"() ({
          %run_scoped3A = tpu.sem_alloc : memref<!tpu.dma_semaphore, #tpu.memory_space<semaphore_mem>>
          %dma_start3A = arith.constant 0 : i32
          %dma_start3A_135 = tpu.memref_slice %arg6[%mul3A_134, %dma_start3A] : memref<10000x128xf32, #tpu.memory_space<hbm>> -> memref<80x128xf32, #tpu.memory_space<hbm>>
          %dma_start3A_136 = arith.constant 0 : i32
          %dma_start3A_137 = tpu.memref_slice %arg6[%mul3A_134, %dma_start3A_136] : memref<10000x128xf32, #tpu.memory_space<hbm>> -> memref<80x128xf32, #tpu.memory_space<hbm>>
          tpu.enqueue_dma source(%arg11 : memref<80x128xf32, #tpu.memory_space<vmem>>) target(%dma_start3A_137 : memref<80x128xf32, #tpu.memory_space<hbm>>) target_semaphore(%run_scoped3A : memref<!tpu.dma_semaphore, #tpu.memory_space<semaphore_mem>>)
          %dma_wait3A = arith.constant 0 : i32
          %dma_wait3A_138 = tpu.memref_slice %arg6[%mul3A_134, %dma_wait3A] : memref<10000x128xf32, #tpu.memory_space<hbm>> -> memref<80x128xf32, #tpu.memory_space<hbm>>
          %dma_wait3A_139 = arith.constant 0 : i32
          %dma_wait3A_140 = tpu.memref_slice %arg6[%mul3A_134, %dma_wait3A_139] : memref<10000x128xf32, #tpu.memory_space<hbm>> -> memref<80x128xf32, #tpu.memory_space<hbm>>
          tpu.wait_dma2 semaphore(%run_scoped3A : memref<!tpu.dma_semaphore, #tpu.memory_space<semaphore_mem>>) src(%arg11 : memref<80x128xf32, #tpu.memory_space<vmem>>) dst(%dma_wait3A_140 : memref<80x128xf32, #tpu.memory_space<hbm>>)
          tpu.yield
        }) : () -> ()
      } else {
      }
    } else {
    }
    %add3A_101 = arith.constant 80 : i32
    %add3A_102 = arith.addi %arg1, %add3A_101 : i32
    %lt3A_103 = arith.constant 125 : i32
    %lt3A_104 = arith.cmpi slt, %add3A_102, %lt3A_103 : i32
    %convert_element_type3A_105 = arith.extui %lt3A_104 : i1 to i32
    %cond3A_106 = arith.constant 0 : i32
    %cond3A_107 = arith.cmpi ne, %convert_element_type3A_105, %cond3A_106 : i32
    scf.if %cond3A_107 {
      %mul3A_122 = arith.constant 80 : i32
      %mul3A_123 = arith.muli %add3A_102, %mul3A_122 : i32
      "tpu.region"() ({
        %run_scoped3A = tpu.sem_alloc : memref<!tpu.dma_semaphore, #tpu.memory_space<semaphore_mem>>
        %dma_start3A = arith.constant 0 : i32
        %dma_start3A_133 = tpu.memref_slice %arg12[%mul3A_123, %dma_start3A] : memref<10000x128xf32, #tpu.memory_space<vmem_shared>> -> memref<80x128xf32, #tpu.memory_space<vmem_shared>>
        %dma_start3A_134 = arith.constant 0 : i32
        %dma_start3A_135 = tpu.memref_slice %arg12[%mul3A_123, %dma_start3A_134] : memref<10000x128xf32, #tpu.memory_space<vmem_shared>> -> memref<80x128xf32, #tpu.memory_space<vmem_shared>>
        tpu.enqueue_dma source(%dma_start3A_135 : memref<80x128xf32, #tpu.memory_space<vmem_shared>>) target(%arg11 : memref<80x128xf32, #tpu.memory_space<vmem>>) target_semaphore(%run_scoped3A : memref<!tpu.dma_semaphore, #tpu.memory_space<semaphore_mem>>)
        %dma_wait3A = arith.constant 0 : i32
        %dma_wait3A_136 = tpu.memref_slice %arg12[%mul3A_123, %dma_wait3A] : memref<10000x128xf32, #tpu.memory_space<vmem_shared>> -> memref<80x128xf32, #tpu.memory_space<vmem_shared>>
        %dma_wait3A_137 = arith.constant 0 : i32
        %dma_wait3A_138 = tpu.memref_slice %arg12[%mul3A_123, %dma_wait3A_137] : memref<10000x128xf32, #tpu.memory_space<vmem_shared>> -> memref<80x128xf32, #tpu.memory_space<vmem_shared>>
        tpu.wait_dma2 semaphore(%run_scoped3A : memref<!tpu.dma_semaphore, #tpu.memory_space<semaphore_mem>>) src(%dma_wait3A_138 : memref<80x128xf32, #tpu.memory_space<vmem_shared>>) dst(%arg11 : memref<80x128xf32, #tpu.memory_space<vmem>>)
        tpu.yield
      }) : () -> ()
      %eq3A = arith.constant 0 : i32
      %eq3A_124 = arith.cmpi eq, %arg0, %eq3A : i32
      %convert_element_type3A_125 = arith.extui %eq3A_124 : i1 to i32
      %cond3A_126 = arith.constant 0 : i32
      %cond3A_127 = arith.cmpi ne, %convert_element_type3A_125, %cond3A_126 : i32
      scf.if %cond3A_127 {
        %mul3A_133 = arith.constant 80 : i32
        %mul3A_134 = arith.muli %add3A_102, %mul3A_133 : i32
        "tpu.region"() ({
          %run_scoped3A = tpu.sem_alloc : memref<!tpu.dma_semaphore, #tpu.memory_space<semaphore_mem>>
          %dma_start3A = arith.constant 0 : i32
          %dma_start3A_135 = tpu.memref_slice %arg5[%mul3A_134, %dma_start3A] : memref<10000x128xf32, #tpu.memory_space<hbm>> -> memref<80x128xf32, #tpu.memory_space<hbm>>
          %dma_start3A_136 = arith.constant 0 : i32
          %dma_start3A_137 = tpu.memref_slice %arg5[%mul3A_134, %dma_start3A_136] : memref<10000x128xf32, #tpu.memory_space<hbm>> -> memref<80x128xf32, #tpu.memory_space<hbm>>
          tpu.enqueue_dma source(%arg11 : memref<80x128xf32, #tpu.memory_space<vmem>>) target(%dma_start3A_137 : memref<80x128xf32, #tpu.memory_space<hbm>>) target_semaphore(%run_scoped3A : memref<!tpu.dma_semaphore, #tpu.memory_space<semaphore_mem>>)
          %dma_wait3A = arith.constant 0 : i32
          %dma_wait3A_138 = tpu.memref_slice %arg5[%mul3A_134, %dma_wait3A] : memref<10000x128xf32, #tpu.memory_space<hbm>> -> memref<80x128xf32, #tpu.memory_space<hbm>>
          %dma_wait3A_139 = arith.constant 0 : i32
          %dma_wait3A_140 = tpu.memref_slice %arg5[%mul3A_134, %dma_wait3A_139] : memref<10000x128xf32, #tpu.memory_space<hbm>> -> memref<80x128xf32, #tpu.memory_space<hbm>>
          tpu.wait_dma2 semaphore(%run_scoped3A : memref<!tpu.dma_semaphore, #tpu.memory_space<semaphore_mem>>) src(%arg11 : memref<80x128xf32, #tpu.memory_space<vmem>>) dst(%dma_wait3A_140 : memref<80x128xf32, #tpu.memory_space<hbm>>)
          tpu.yield
        }) : () -> ()
      } else {
      }
      %eq3A_128 = arith.constant 1 : i32
      %eq3A_129 = arith.cmpi eq, %arg0, %eq3A_128 : i32
      %convert_element_type3A_130 = arith.extui %eq3A_129 : i1 to i32
      %cond3A_131 = arith.constant 0 : i32
      %cond3A_132 = arith.cmpi ne, %convert_element_type3A_130, %cond3A_131 : i32
      scf.if %cond3A_132 {
        %mul3A_133 = arith.constant 80 : i32
        %mul3A_134 = arith.muli %add3A_102, %mul3A_133 : i32
        "tpu.region"() ({
          %run_scoped3A = tpu.sem_alloc : memref<!tpu.dma_semaphore, #tpu.memory_space<semaphore_mem>>
          %dma_start3A = arith.constant 0 : i32
          %dma_start3A_135 = tpu.memref_slice %arg6[%mul3A_134, %dma_start3A] : memref<10000x128xf32, #tpu.memory_space<hbm>> -> memref<80x128xf32, #tpu.memory_space<hbm>>
          %dma_start3A_136 = arith.constant 0 : i32
          %dma_start3A_137 = tpu.memref_slice %arg6[%mul3A_134, %dma_start3A_136] : memref<10000x128xf32, #tpu.memory_space<hbm>> -> memref<80x128xf32, #tpu.memory_space<hbm>>
          tpu.enqueue_dma source(%arg11 : memref<80x128xf32, #tpu.memory_space<vmem>>) target(%dma_start3A_137 : memref<80x128xf32, #tpu.memory_space<hbm>>) target_semaphore(%run_scoped3A : memref<!tpu.dma_semaphore, #tpu.memory_space<semaphore_mem>>)
          %dma_wait3A = arith.constant 0 : i32
          %dma_wait3A_138 = tpu.memref_slice %arg6[%mul3A_134, %dma_wait3A] : memref<10000x128xf32, #tpu.memory_space<hbm>> -> memref<80x128xf32, #tpu.memory_space<hbm>>
          %dma_wait3A_139 = arith.constant 0 : i32
          %dma_wait3A_140 = tpu.memref_slice %arg6[%mul3A_134, %dma_wait3A_139] : memref<10000x128xf32, #tpu.memory_space<hbm>> -> memref<80x128xf32, #tpu.memory_space<hbm>>
          tpu.wait_dma2 semaphore(%run_scoped3A : memref<!tpu.dma_semaphore, #tpu.memory_space<semaphore_mem>>) src(%arg11 : memref<80x128xf32, #tpu.memory_space<vmem>>) dst(%dma_wait3A_140 : memref<80x128xf32, #tpu.memory_space<hbm>>)
          tpu.yield
        }) : () -> ()
      } else {
      }
    } else {
    }
    %add3A_108 = arith.constant 96 : i32
    %add3A_109 = arith.addi %arg1, %add3A_108 : i32
    %lt3A_110 = arith.constant 125 : i32
    %lt3A_111 = arith.cmpi slt, %add3A_109, %lt3A_110 : i32
    %convert_element_type3A_112 = arith.extui %lt3A_111 : i1 to i32
    %cond3A_113 = arith.constant 0 : i32
    %cond3A_114 = arith.cmpi ne, %convert_element_type3A_112, %cond3A_113 : i32
    scf.if %cond3A_114 {
      %mul3A_122 = arith.constant 80 : i32
      %mul3A_123 = arith.muli %add3A_109, %mul3A_122 : i32
      "tpu.region"() ({
        %run_scoped3A = tpu.sem_alloc : memref<!tpu.dma_semaphore, #tpu.memory_space<semaphore_mem>>
        %dma_start3A = arith.constant 0 : i32
        %dma_start3A_133 = tpu.memref_slice %arg12[%mul3A_123, %dma_start3A] : memref<10000x128xf32, #tpu.memory_space<vmem_shared>> -> memref<80x128xf32, #tpu.memory_space<vmem_shared>>
        %dma_start3A_134 = arith.constant 0 : i32
        %dma_start3A_135 = tpu.memref_slice %arg12[%mul3A_123, %dma_start3A_134] : memref<10000x128xf32, #tpu.memory_space<vmem_shared>> -> memref<80x128xf32, #tpu.memory_space<vmem_shared>>
        tpu.enqueue_dma source(%dma_start3A_135 : memref<80x128xf32, #tpu.memory_space<vmem_shared>>) target(%arg11 : memref<80x128xf32, #tpu.memory_space<vmem>>) target_semaphore(%run_scoped3A : memref<!tpu.dma_semaphore, #tpu.memory_space<semaphore_mem>>)
        %dma_wait3A = arith.constant 0 : i32
        %dma_wait3A_136 = tpu.memref_slice %arg12[%mul3A_123, %dma_wait3A] : memref<10000x128xf32, #tpu.memory_space<vmem_shared>> -> memref<80x128xf32, #tpu.memory_space<vmem_shared>>
        %dma_wait3A_137 = arith.constant 0 : i32
        %dma_wait3A_138 = tpu.memref_slice %arg12[%mul3A_123, %dma_wait3A_137] : memref<10000x128xf32, #tpu.memory_space<vmem_shared>> -> memref<80x128xf32, #tpu.memory_space<vmem_shared>>
        tpu.wait_dma2 semaphore(%run_scoped3A : memref<!tpu.dma_semaphore, #tpu.memory_space<semaphore_mem>>) src(%dma_wait3A_138 : memref<80x128xf32, #tpu.memory_space<vmem_shared>>) dst(%arg11 : memref<80x128xf32, #tpu.memory_space<vmem>>)
        tpu.yield
      }) : () -> ()
      %eq3A = arith.constant 0 : i32
      %eq3A_124 = arith.cmpi eq, %arg0, %eq3A : i32
      %convert_element_type3A_125 = arith.extui %eq3A_124 : i1 to i32
      %cond3A_126 = arith.constant 0 : i32
      %cond3A_127 = arith.cmpi ne, %convert_element_type3A_125, %cond3A_126 : i32
      scf.if %cond3A_127 {
        %mul3A_133 = arith.constant 80 : i32
        %mul3A_134 = arith.muli %add3A_109, %mul3A_133 : i32
        "tpu.region"() ({
          %run_scoped3A = tpu.sem_alloc : memref<!tpu.dma_semaphore, #tpu.memory_space<semaphore_mem>>
          %dma_start3A = arith.constant 0 : i32
          %dma_start3A_135 = tpu.memref_slice %arg5[%mul3A_134, %dma_start3A] : memref<10000x128xf32, #tpu.memory_space<hbm>> -> memref<80x128xf32, #tpu.memory_space<hbm>>
          %dma_start3A_136 = arith.constant 0 : i32
          %dma_start3A_137 = tpu.memref_slice %arg5[%mul3A_134, %dma_start3A_136] : memref<10000x128xf32, #tpu.memory_space<hbm>> -> memref<80x128xf32, #tpu.memory_space<hbm>>
          tpu.enqueue_dma source(%arg11 : memref<80x128xf32, #tpu.memory_space<vmem>>) target(%dma_start3A_137 : memref<80x128xf32, #tpu.memory_space<hbm>>) target_semaphore(%run_scoped3A : memref<!tpu.dma_semaphore, #tpu.memory_space<semaphore_mem>>)
          %dma_wait3A = arith.constant 0 : i32
          %dma_wait3A_138 = tpu.memref_slice %arg5[%mul3A_134, %dma_wait3A] : memref<10000x128xf32, #tpu.memory_space<hbm>> -> memref<80x128xf32, #tpu.memory_space<hbm>>
          %dma_wait3A_139 = arith.constant 0 : i32
          %dma_wait3A_140 = tpu.memref_slice %arg5[%mul3A_134, %dma_wait3A_139] : memref<10000x128xf32, #tpu.memory_space<hbm>> -> memref<80x128xf32, #tpu.memory_space<hbm>>
          tpu.wait_dma2 semaphore(%run_scoped3A : memref<!tpu.dma_semaphore, #tpu.memory_space<semaphore_mem>>) src(%arg11 : memref<80x128xf32, #tpu.memory_space<vmem>>) dst(%dma_wait3A_140 : memref<80x128xf32, #tpu.memory_space<hbm>>)
          tpu.yield
        }) : () -> ()
      } else {
      }
      %eq3A_128 = arith.constant 1 : i32
      %eq3A_129 = arith.cmpi eq, %arg0, %eq3A_128 : i32
      %convert_element_type3A_130 = arith.extui %eq3A_129 : i1 to i32
      %cond3A_131 = arith.constant 0 : i32
      %cond3A_132 = arith.cmpi ne, %convert_element_type3A_130, %cond3A_131 : i32
      scf.if %cond3A_132 {
        %mul3A_133 = arith.constant 80 : i32
        %mul3A_134 = arith.muli %add3A_109, %mul3A_133 : i32
        "tpu.region"() ({
          %run_scoped3A = tpu.sem_alloc : memref<!tpu.dma_semaphore, #tpu.memory_space<semaphore_mem>>
          %dma_start3A = arith.constant 0 : i32
          %dma_start3A_135 = tpu.memref_slice %arg6[%mul3A_134, %dma_start3A] : memref<10000x128xf32, #tpu.memory_space<hbm>> -> memref<80x128xf32, #tpu.memory_space<hbm>>
          %dma_start3A_136 = arith.constant 0 : i32
          %dma_start3A_137 = tpu.memref_slice %arg6[%mul3A_134, %dma_start3A_136] : memref<10000x128xf32, #tpu.memory_space<hbm>> -> memref<80x128xf32, #tpu.memory_space<hbm>>
          tpu.enqueue_dma source(%arg11 : memref<80x128xf32, #tpu.memory_space<vmem>>) target(%dma_start3A_137 : memref<80x128xf32, #tpu.memory_space<hbm>>) target_semaphore(%run_scoped3A : memref<!tpu.dma_semaphore, #tpu.memory_space<semaphore_mem>>)
          %dma_wait3A = arith.constant 0 : i32
          %dma_wait3A_138 = tpu.memref_slice %arg6[%mul3A_134, %dma_wait3A] : memref<10000x128xf32, #tpu.memory_space<hbm>> -> memref<80x128xf32, #tpu.memory_space<hbm>>
          %dma_wait3A_139 = arith.constant 0 : i32
          %dma_wait3A_140 = tpu.memref_slice %arg6[%mul3A_134, %dma_wait3A_139] : memref<10000x128xf32, #tpu.memory_space<hbm>> -> memref<80x128xf32, #tpu.memory_space<hbm>>
          tpu.wait_dma2 semaphore(%run_scoped3A : memref<!tpu.dma_semaphore, #tpu.memory_space<semaphore_mem>>) src(%arg11 : memref<80x128xf32, #tpu.memory_space<vmem>>) dst(%dma_wait3A_140 : memref<80x128xf32, #tpu.memory_space<hbm>>)
          tpu.yield
        }) : () -> ()
      } else {
      }
    } else {
    }
    %add3A_115 = arith.constant 112 : i32
    %add3A_116 = arith.addi %arg1, %add3A_115 : i32
    %lt3A_117 = arith.constant 125 : i32
    %lt3A_118 = arith.cmpi slt, %add3A_116, %lt3A_117 : i32
    %convert_element_type3A_119 = arith.extui %lt3A_118 : i1 to i32
    %cond3A_120 = arith.constant 0 : i32
    %cond3A_121 = arith.cmpi ne, %convert_element_type3A_119, %cond3A_120 : i32
    scf.if %cond3A_121 {
      %mul3A_122 = arith.constant 80 : i32
      %mul3A_123 = arith.muli %add3A_116, %mul3A_122 : i32
      "tpu.region"() ({
        %run_scoped3A = tpu.sem_alloc : memref<!tpu.dma_semaphore, #tpu.memory_space<semaphore_mem>>
        %dma_start3A = arith.constant 0 : i32
        %dma_start3A_133 = tpu.memref_slice %arg12[%mul3A_123, %dma_start3A] : memref<10000x128xf32, #tpu.memory_space<vmem_shared>> -> memref<80x128xf32, #tpu.memory_space<vmem_shared>>
        %dma_start3A_134 = arith.constant 0 : i32
        %dma_start3A_135 = tpu.memref_slice %arg12[%mul3A_123, %dma_start3A_134] : memref<10000x128xf32, #tpu.memory_space<vmem_shared>> -> memref<80x128xf32, #tpu.memory_space<vmem_shared>>
        tpu.enqueue_dma source(%dma_start3A_135 : memref<80x128xf32, #tpu.memory_space<vmem_shared>>) target(%arg11 : memref<80x128xf32, #tpu.memory_space<vmem>>) target_semaphore(%run_scoped3A : memref<!tpu.dma_semaphore, #tpu.memory_space<semaphore_mem>>)
        %dma_wait3A = arith.constant 0 : i32
        %dma_wait3A_136 = tpu.memref_slice %arg12[%mul3A_123, %dma_wait3A] : memref<10000x128xf32, #tpu.memory_space<vmem_shared>> -> memref<80x128xf32, #tpu.memory_space<vmem_shared>>
        %dma_wait3A_137 = arith.constant 0 : i32
        %dma_wait3A_138 = tpu.memref_slice %arg12[%mul3A_123, %dma_wait3A_137] : memref<10000x128xf32, #tpu.memory_space<vmem_shared>> -> memref<80x128xf32, #tpu.memory_space<vmem_shared>>
        tpu.wait_dma2 semaphore(%run_scoped3A : memref<!tpu.dma_semaphore, #tpu.memory_space<semaphore_mem>>) src(%dma_wait3A_138 : memref<80x128xf32, #tpu.memory_space<vmem_shared>>) dst(%arg11 : memref<80x128xf32, #tpu.memory_space<vmem>>)
        tpu.yield
      }) : () -> ()
      %eq3A = arith.constant 0 : i32
      %eq3A_124 = arith.cmpi eq, %arg0, %eq3A : i32
      %convert_element_type3A_125 = arith.extui %eq3A_124 : i1 to i32
      %cond3A_126 = arith.constant 0 : i32
      %cond3A_127 = arith.cmpi ne, %convert_element_type3A_125, %cond3A_126 : i32
      scf.if %cond3A_127 {
        %mul3A_133 = arith.constant 80 : i32
        %mul3A_134 = arith.muli %add3A_116, %mul3A_133 : i32
        "tpu.region"() ({
          %run_scoped3A = tpu.sem_alloc : memref<!tpu.dma_semaphore, #tpu.memory_space<semaphore_mem>>
          %dma_start3A = arith.constant 0 : i32
          %dma_start3A_135 = tpu.memref_slice %arg5[%mul3A_134, %dma_start3A] : memref<10000x128xf32, #tpu.memory_space<hbm>> -> memref<80x128xf32, #tpu.memory_space<hbm>>
          %dma_start3A_136 = arith.constant 0 : i32
          %dma_start3A_137 = tpu.memref_slice %arg5[%mul3A_134, %dma_start3A_136] : memref<10000x128xf32, #tpu.memory_space<hbm>> -> memref<80x128xf32, #tpu.memory_space<hbm>>
          tpu.enqueue_dma source(%arg11 : memref<80x128xf32, #tpu.memory_space<vmem>>) target(%dma_start3A_137 : memref<80x128xf32, #tpu.memory_space<hbm>>) target_semaphore(%run_scoped3A : memref<!tpu.dma_semaphore, #tpu.memory_space<semaphore_mem>>)
          %dma_wait3A = arith.constant 0 : i32
          %dma_wait3A_138 = tpu.memref_slice %arg5[%mul3A_134, %dma_wait3A] : memref<10000x128xf32, #tpu.memory_space<hbm>> -> memref<80x128xf32, #tpu.memory_space<hbm>>
          %dma_wait3A_139 = arith.constant 0 : i32
          %dma_wait3A_140 = tpu.memref_slice %arg5[%mul3A_134, %dma_wait3A_139] : memref<10000x128xf32, #tpu.memory_space<hbm>> -> memref<80x128xf32, #tpu.memory_space<hbm>>
          tpu.wait_dma2 semaphore(%run_scoped3A : memref<!tpu.dma_semaphore, #tpu.memory_space<semaphore_mem>>) src(%arg11 : memref<80x128xf32, #tpu.memory_space<vmem>>) dst(%dma_wait3A_140 : memref<80x128xf32, #tpu.memory_space<hbm>>)
          tpu.yield
        }) : () -> ()
      } else {
      }
      %eq3A_128 = arith.constant 1 : i32
      %eq3A_129 = arith.cmpi eq, %arg0, %eq3A_128 : i32
      %convert_element_type3A_130 = arith.extui %eq3A_129 : i1 to i32
      %cond3A_131 = arith.constant 0 : i32
      %cond3A_132 = arith.cmpi ne, %convert_element_type3A_130, %cond3A_131 : i32
      scf.if %cond3A_132 {
        %mul3A_133 = arith.constant 80 : i32
        %mul3A_134 = arith.muli %add3A_116, %mul3A_133 : i32
        "tpu.region"() ({
          %run_scoped3A = tpu.sem_alloc : memref<!tpu.dma_semaphore, #tpu.memory_space<semaphore_mem>>
          %dma_start3A = arith.constant 0 : i32
          %dma_start3A_135 = tpu.memref_slice %arg6[%mul3A_134, %dma_start3A] : memref<10000x128xf32, #tpu.memory_space<hbm>> -> memref<80x128xf32, #tpu.memory_space<hbm>>
          %dma_start3A_136 = arith.constant 0 : i32
          %dma_start3A_137 = tpu.memref_slice %arg6[%mul3A_134, %dma_start3A_136] : memref<10000x128xf32, #tpu.memory_space<hbm>> -> memref<80x128xf32, #tpu.memory_space<hbm>>
          tpu.enqueue_dma source(%arg11 : memref<80x128xf32, #tpu.memory_space<vmem>>) target(%dma_start3A_137 : memref<80x128xf32, #tpu.memory_space<hbm>>) target_semaphore(%run_scoped3A : memref<!tpu.dma_semaphore, #tpu.memory_space<semaphore_mem>>)
          %dma_wait3A = arith.constant 0 : i32
          %dma_wait3A_138 = tpu.memref_slice %arg6[%mul3A_134, %dma_wait3A] : memref<10000x128xf32, #tpu.memory_space<hbm>> -> memref<80x128xf32, #tpu.memory_space<hbm>>
          %dma_wait3A_139 = arith.constant 0 : i32
          %dma_wait3A_140 = tpu.memref_slice %arg6[%mul3A_134, %dma_wait3A_139] : memref<10000x128xf32, #tpu.memory_space<hbm>> -> memref<80x128xf32, #tpu.memory_space<hbm>>
          tpu.wait_dma2 semaphore(%run_scoped3A : memref<!tpu.dma_semaphore, #tpu.memory_space<semaphore_mem>>) src(%arg11 : memref<80x128xf32, #tpu.memory_space<vmem>>) dst(%dma_wait3A_140 : memref<80x128xf32, #tpu.memory_space<hbm>>)
          tpu.yield
        }) : () -> ()
      } else {
      }
    } else {
    }
    return
  }
}

module attributes {stable_mosaic.version = 14 : i64} {
  func.func @_k2_body(%arg0: i32, %arg1: memref<1000x128xf32, #tpu.memory_space<vmem>>, %arg2: memref<1000x128xf32, #tpu.memory_space<vmem>>, %arg3: memref<1000x128xf32, #tpu.memory_space<vmem>>, %arg4: memref<1000x128xf32, #tpu.memory_space<vmem>>, %arg5: memref<1x256xf32, #tpu.memory_space<vmem>>, %arg6: memref<256x128xf32, #tpu.memory_space<vmem>>, %arg7: memref<1000x128xf32, #tpu.memory_space<vmem>>) attributes {dimension_semantics = [#tpu.dimension_semantics<arbitrary>], iteration_bounds = array<i64: 10>, scalar_prefetch = 0 : i64, scratch_operands = 0 : i64, tpu.core_type = #tpu.core_type<tc>, window_params = [{transform_indices = @transform_0, window_bounds = array<i64: 1000, 128>}, {transform_indices = @transform_1, window_bounds = array<i64: 1000, 128>}, {transform_indices = @transform_2, window_bounds = array<i64: 1000, 128>}, {transform_indices = @transform_3, window_bounds = array<i64: 1000, 128>}, {pipeline_mode = #tpu.pipeline_mode<synchronous>, transform_indices = @transform_4, window_bounds = array<i64: 1, 256>}, {pipeline_mode = #tpu.pipeline_mode<synchronous>, transform_indices = @transform_5, window_bounds = array<i64: 256, 128>}, {transform_indices = @transform_6, window_bounds = array<i64: 1000, 128>}]} {
    %get3A = arith.constant 0 : index
    %get3A_0 = arith.constant 0 : index
    %get3A_1 = vector.load %arg3[%get3A, %get3A_0] : memref<1000x128xf32, #tpu.memory_space<vmem>>, vector<1000x128xf32>
    %get3A_2 = arith.constant 0 : index
    %get3A_3 = arith.constant 0 : index
    %get3A_4 = vector.load %arg4[%get3A_2, %get3A_3] : memref<1000x128xf32, #tpu.memory_space<vmem>>, vector<1000x128xf32>
    %reduce_sum3A = arith.constant dense<0.000000e+00> : vector<1000xf32>
    %reduce_sum3A_5 = vector.multi_reduction <add>, %get3A_1, %reduce_sum3A [1] : vector<1000x128xf32> to vector<1000xf32>
    %reduce_sum3A_6 = arith.constant dense<0.000000e+00> : vector<1000xf32>
    %reduce_sum3A_7 = vector.multi_reduction <add>, %get3A_4, %reduce_sum3A_6 [1] : vector<1000x128xf32> to vector<1000xf32>
    %add3A = arith.addf %reduce_sum3A_5, %reduce_sum3A_7 : vector<1000xf32>
    %mul3A = arith.constant 7.812500e-03 : f32
    %mul3A_8 = vector.broadcast %mul3A : f32 to vector<1000xf32>
    %mul3A_9 = arith.mulf %add3A, %mul3A_8 : vector<1000xf32>
    %add3A_10 = arith.constant 1.000000e+00 : f32
    %add3A_11 = vector.broadcast %add3A_10 : f32 to vector<1000xf32>
    %add3A_12 = arith.addf %add3A_11, %mul3A_9 : vector<1000xf32>
    %rsqrt3A = math.rsqrt %add3A_12 : vector<1000xf32>
    %get3A_13 = arith.constant 0 : index
    %get3A_14 = arith.constant 0 : index
    %get3A_15 = vector.load %arg5[%get3A_13, %get3A_14] : memref<1x256xf32, #tpu.memory_space<vmem>>, vector<1x256xf32>
    %get3A_16 = arith.constant 0 : index
    %get3A_17 = arith.constant 0 : index
    %get3A_18 = vector.load %arg1[%get3A_16, %get3A_17] : memref<1000x128xf32, #tpu.memory_space<vmem>>, vector<1000x128xf32>
    %broadcast_in_dim3A = vector.shape_cast %rsqrt3A : vector<1000xf32> to vector<1000x1xf32>
    %mul3A_19 = vector.broadcast %broadcast_in_dim3A : vector<1000x1xf32> to vector<1000x128xf32>
    %mul3A_20 = arith.mulf %get3A_18, %mul3A_19 : vector<1000x128xf32>
    %slice3A = vector.extract_strided_slice %get3A_15 {offsets = [0, 0], sizes = [1, 128], strides = [1, 1]} : vector<1x256xf32> to vector<1x128xf32>
    %squeeze3A = vector.shape_cast %slice3A : vector<1x128xf32> to vector<128xf32>
    %broadcast_in_dim3A_21 = vector.shape_cast %squeeze3A : vector<128xf32> to vector<1x128xf32>
    %add3A_22 = vector.broadcast %broadcast_in_dim3A_21 : vector<1x128xf32> to vector<1000x128xf32>
    %add3A_23 = arith.addf %mul3A_20, %add3A_22 : vector<1000x128xf32>
    %max3A = arith.constant 0.000000e+00 : f32
    %max3A_24 = vector.broadcast %max3A : f32 to vector<1000x128xf32>
    %max3A_25 = arith.maximumf %add3A_23, %max3A_24 : vector<1000x128xf32>
    %get3A_26 = arith.constant 0 : index
    %get3A_27 = arith.constant 0 : index
    %get3A_28 = vector.load %arg2[%get3A_26, %get3A_27] : memref<1000x128xf32, #tpu.memory_space<vmem>>, vector<1000x128xf32>
    %broadcast_in_dim3A_29 = vector.shape_cast %rsqrt3A : vector<1000xf32> to vector<1000x1xf32>
    %mul3A_30 = vector.broadcast %broadcast_in_dim3A_29 : vector<1000x1xf32> to vector<1000x128xf32>
    %mul3A_31 = arith.mulf %get3A_28, %mul3A_30 : vector<1000x128xf32>
    %slice3A_32 = vector.extract_strided_slice %get3A_15 {offsets = [0, 128], sizes = [1, 128], strides = [1, 1]} : vector<1x256xf32> to vector<1x128xf32>
    %squeeze3A_33 = vector.shape_cast %slice3A_32 : vector<1x128xf32> to vector<128xf32>
    %broadcast_in_dim3A_34 = vector.shape_cast %squeeze3A_33 : vector<128xf32> to vector<1x128xf32>
    %add3A_35 = vector.broadcast %broadcast_in_dim3A_34 : vector<1x128xf32> to vector<1000x128xf32>
    %add3A_36 = arith.addf %mul3A_31, %add3A_35 : vector<1000x128xf32>
    %max3A_37 = arith.constant 0.000000e+00 : f32
    %max3A_38 = vector.broadcast %max3A_37 : f32 to vector<1000x128xf32>
    %max3A_39 = arith.maximumf %add3A_36, %max3A_38 : vector<1000x128xf32>
    %get3A_40 = arith.constant 0 : index
    %get3A_41 = arith.constant 0 : index
    %get3A_42 = vector.load %arg6[%get3A_40, %get3A_41] : memref<256x128xf32, #tpu.memory_space<vmem>>, vector<256x128xf32>
    %slice3A_43 = vector.extract_strided_slice %get3A_42 {offsets = [0, 0], sizes = [128, 128], strides = [1, 1]} : vector<256x128xf32> to vector<128x128xf32>
    %dot_general3A = arith.constant dense<0.000000e+00> : vector<1000x128xf32>
    %dot_general3A_44 = tpu.matmul %max3A_25, %slice3A_43, %dot_general3A {dimension_numbers = #tpu.dot_dimension_numbers<[1], [0], [0], [1], [0, 0, 1, 1], [], []>, transpose_lhs_hint = false} : vector<1000x128xf32>, vector<128x128xf32>, vector<1000x128xf32> -> vector<1000x128xf32>
    %slice3A_45 = vector.extract_strided_slice %get3A_42 {offsets = [128, 0], sizes = [128, 128], strides = [1, 1]} : vector<256x128xf32> to vector<128x128xf32>
    %dot_general3A_46 = arith.constant dense<0.000000e+00> : vector<1000x128xf32>
    %dot_general3A_47 = tpu.matmul %max3A_39, %slice3A_45, %dot_general3A_46 {dimension_numbers = #tpu.dot_dimension_numbers<[1], [0], [0], [1], [0, 0, 1, 1], [], []>, transpose_lhs_hint = false} : vector<1000x128xf32>, vector<128x128xf32>, vector<1000x128xf32> -> vector<1000x128xf32>
    %add3A_48 = arith.addf %dot_general3A_44, %dot_general3A_47 : vector<1000x128xf32>
    %broadcast_in_dim3A_49 = vector.shape_cast %rsqrt3A : vector<1000xf32> to vector<1000x1xf32>
    %mul3A_50 = vector.broadcast %broadcast_in_dim3A_49 : vector<1000x1xf32> to vector<1000x128xf32>
    %mul3A_51 = arith.mulf %add3A_48, %mul3A_50 : vector<1000x128xf32>
    %swap3A = arith.constant 0 : index
    %swap3A_52 = arith.constant 0 : index
    %swap3A_53 = vector.load %arg7[%swap3A, %swap3A_52] : memref<1000x128xf32, #tpu.memory_space<vmem>>, vector<1000x128xf32>
    tpu.vector_store %arg7[%swap3A, %swap3A_52], %mul3A_51 {strides = array<i32>} : memref<1000x128xf32, #tpu.memory_space<vmem>>, vector<1000x128xf32>,
    return
  }
  func.func @transform_0(%arg0: i32) -> (i32, i32) {
    %c0_i32 = arith.constant 0 : i32
    %c0_i32_0 = arith.constant 0 : i32
    return %arg0, %c0_i32 : i32, i32
  }
  func.func @transform_1(%arg0: i32) -> (i32, i32) {
    %c0_i32 = arith.constant 0 : i32
    %c0_i32_0 = arith.constant 0 : i32
    return %arg0, %c0_i32 : i32, i32
  }
  func.func @transform_2(%arg0: i32) -> (i32, i32) {
    %c0_i32 = arith.constant 0 : i32
    %c0_i32_0 = arith.constant 0 : i32
    return %arg0, %c0_i32 : i32, i32
  }
  func.func @transform_3(%arg0: i32) -> (i32, i32) {
    %c0_i32 = arith.constant 0 : i32
    %c0_i32_0 = arith.constant 0 : i32
    return %arg0, %c0_i32 : i32, i32
  }
  func.func @transform_4(%arg0: i32) -> (i32, i32) {
    %c0_i32 = arith.constant 0 : i32
    %c0_i32_0 = arith.constant 0 : i32
    %c0_i32_1 = arith.constant 0 : i32
    return %c0_i32, %c0_i32_0 : i32, i32
  }
  func.func @transform_5(%arg0: i32) -> (i32, i32) {
    %c0_i32 = arith.constant 0 : i32
    %c0_i32_0 = arith.constant 0 : i32
    %c0_i32_1 = arith.constant 0 : i32
    return %c0_i32, %c0_i32_0 : i32, i32
  }
  func.func @transform_6(%arg0: i32) -> (i32, i32) {
    %c0_i32 = arith.constant 0 : i32
    %c0_i32_0 = arith.constant 0 : i32
    return %arg0, %c0_i32 : i32, i32
  }
}

module attributes {stable_mosaic.version = 14 : i64} {
  func.func @_k1_body(%arg0: i32, %arg1: memref<1000x128xf32, #tpu.memory_space<vmem>>, %arg2: memref<128x256xf32, #tpu.memory_space<vmem>>, %arg3: memref<1000x128xf32, #tpu.memory_space<vmem>>, %arg4: memref<1000x128xf32, #tpu.memory_space<vmem>>, %arg5: memref<1000x128xf32, #tpu.memory_space<vmem>>, %arg6: memref<1000x128xf32, #tpu.memory_space<vmem>>) attributes {dimension_semantics = [#tpu.dimension_semantics<arbitrary>], iteration_bounds = array<i64: 10>, scalar_prefetch = 0 : i64, scratch_operands = 0 : i64, tpu.core_type = #tpu.core_type<tc>, window_params = [{transform_indices = @transform_0, window_bounds = array<i64: 1000, 128>}, {pipeline_mode = #tpu.pipeline_mode<synchronous>, transform_indices = @transform_1, window_bounds = array<i64: 128, 256>}, {transform_indices = @transform_2, window_bounds = array<i64: 1000, 128>}, {transform_indices = @transform_3, window_bounds = array<i64: 1000, 128>}, {transform_indices = @transform_4, window_bounds = array<i64: 1000, 128>}, {transform_indices = @transform_5, window_bounds = array<i64: 1000, 128>}]} {
    %get3A = arith.constant 0 : index
    %get3A_0 = arith.constant 0 : index
    %get3A_1 = vector.load %arg1[%get3A, %get3A_0] : memref<1000x128xf32, #tpu.memory_space<vmem>>, vector<1000x128xf32>
    %get3A_2 = arith.constant 0 : index
    %get3A_3 = arith.constant 0 : index
    %get3A_4 = vector.load %arg2[%get3A_2, %get3A_3] : memref<128x256xf32, #tpu.memory_space<vmem>>, vector<128x256xf32>
    %dot_general3A = arith.constant dense<0.000000e+00> : vector<1000x256xf32>
    %dot_general3A_5 = tpu.matmul %get3A_1, %get3A_4, %dot_general3A {dimension_numbers = #tpu.dot_dimension_numbers<[1], [0], [0], [1], [0, 0, 1, 1], [], []>, transpose_lhs_hint = false} : vector<1000x128xf32>, vector<128x256xf32>, vector<1000x256xf32> -> vector<1000x256xf32>
    %get3A_6 = arith.constant 0 : index
    %get3A_7 = arith.constant 0 : index
    %get3A_8 = vector.load %arg3[%get3A_6, %get3A_7] : memref<1000x128xf32, #tpu.memory_space<vmem>>, vector<1000x128xf32>
    %get3A_9 = arith.constant 0 : index
    %get3A_10 = arith.constant 0 : index
    %get3A_11 = vector.load %arg4[%get3A_9, %get3A_10] : memref<1000x128xf32, #tpu.memory_space<vmem>>, vector<1000x128xf32>
    %reduce_sum3A = arith.constant dense<0.000000e+00> : vector<1000xf32>
    %reduce_sum3A_12 = vector.multi_reduction <add>, %get3A_8, %reduce_sum3A [1] : vector<1000x128xf32> to vector<1000xf32>
    %reduce_sum3A_13 = arith.constant dense<0.000000e+00> : vector<1000xf32>
    %reduce_sum3A_14 = vector.multi_reduction <add>, %get3A_11, %reduce_sum3A_13 [1] : vector<1000x128xf32> to vector<1000xf32>
    %add3A = arith.addf %reduce_sum3A_12, %reduce_sum3A_14 : vector<1000xf32>
    %mul3A = arith.constant 7.812500e-03 : f32
    %mul3A_15 = vector.broadcast %mul3A : f32 to vector<1000xf32>
    %mul3A_16 = arith.mulf %add3A, %mul3A_15 : vector<1000xf32>
    %add3A_17 = arith.constant 1.000000e+00 : f32
    %add3A_18 = vector.broadcast %add3A_17 : f32 to vector<1000xf32>
    %add3A_19 = arith.addf %add3A_18, %mul3A_16 : vector<1000xf32>
    %rsqrt3A = math.rsqrt %add3A_19 : vector<1000xf32>
    %broadcast_in_dim3A = vector.shape_cast %rsqrt3A : vector<1000xf32> to vector<1000x1xf32>
    %mul3A_20 = vector.broadcast %broadcast_in_dim3A : vector<1000x1xf32> to vector<1000x256xf32>
    %mul3A_21 = arith.mulf %dot_general3A_5, %mul3A_20 : vector<1000x256xf32>
    %slice3A = vector.extract_strided_slice %mul3A_21 {offsets = [0, 0], sizes = [1000, 128], strides = [1, 1]} : vector<1000x256xf32> to vector<1000x128xf32>
    %swap3A = arith.constant 0 : index
    %swap3A_22 = arith.constant 0 : index
    %swap3A_23 = vector.load %arg5[%swap3A, %swap3A_22] : memref<1000x128xf32, #tpu.memory_space<vmem>>, vector<1000x128xf32>
    tpu.vector_store %arg5[%swap3A, %swap3A_22], %slice3A {strides = array<i32>} : memref<1000x128xf32, #tpu.memory_space<vmem>>, vector<1000x128xf32>,
    %slice3A_24 = vector.extract_strided_slice %mul3A_21 {offsets = [0, 128], sizes = [1000, 128], strides = [1, 1]} : vector<1000x256xf32> to vector<1000x128xf32>
    %swap3A_25 = arith.constant 0 : index
    %swap3A_26 = arith.constant 0 : index
    %swap3A_27 = vector.load %arg6[%swap3A_25, %swap3A_26] : memref<1000x128xf32, #tpu.memory_space<vmem>>, vector<1000x128xf32>
    tpu.vector_store %arg6[%swap3A_25, %swap3A_26], %slice3A_24 {strides = array<i32>} : memref<1000x128xf32, #tpu.memory_space<vmem>>, vector<1000x128xf32>,
    return
  }
  func.func @transform_0(%arg0: i32) -> (i32, i32) {
    %c0_i32 = arith.constant 0 : i32
    %c0_i32_0 = arith.constant 0 : i32
    return %arg0, %c0_i32 : i32, i32
  }
  func.func @transform_1(%arg0: i32) -> (i32, i32) {
    %c0_i32 = arith.constant 0 : i32
    %c0_i32_0 = arith.constant 0 : i32
    %c0_i32_1 = arith.constant 0 : i32
    return %c0_i32, %c0_i32_0 : i32, i32
  }
  func.func @transform_2(%arg0: i32) -> (i32, i32) {
    %c0_i32 = arith.constant 0 : i32
    %c0_i32_0 = arith.constant 0 : i32
    return %arg0, %c0_i32 : i32, i32
  }
  func.func @transform_3(%arg0: i32) -> (i32, i32) {
    %c0_i32 = arith.constant 0 : i32
    %c0_i32_0 = arith.constant 0 : i32
    return %arg0, %c0_i32 : i32, i32
  }
  func.func @transform_4(%arg0: i32) -> (i32, i32) {
    %c0_i32 = arith.constant 0 : i32
    %c0_i32_0 = arith.constant 0 : i32
    return %arg0, %c0_i32 : i32, i32
  }
  func.func @transform_5(%arg0: i32) -> (i32, i32) {
    %c0_i32 = arith.constant 0 : i32
    %c0_i32_0 = arith.constant 0 : i32
    return %arg0, %c0_i32 : i32, i32
  }
}

module attributes {stable_mosaic.version = 14 : i64} {
  func.func @_k3_body(%arg0: i32, %arg1: memref<1000x128xf32, #tpu.memory_space<vmem>>, %arg2: memref<1000x128xf32, #tpu.memory_space<vmem>>, %arg3: memref<1000x128xf32, #tpu.memory_space<vmem>>, %arg4: memref<1000x128xf32, #tpu.memory_space<vmem>>, %arg5: memref<1000x128xf32, #tpu.memory_space<vmem>>, %arg6: memref<1x128xf32, #tpu.memory_space<vmem>>, %arg7: memref<1000x128xf32, #tpu.memory_space<vmem>>) attributes {dimension_semantics = [#tpu.dimension_semantics<arbitrary>], iteration_bounds = array<i64: 10>, scalar_prefetch = 0 : i64, scratch_operands = 0 : i64, tpu.core_type = #tpu.core_type<tc>, window_params = [{transform_indices = @transform_0, window_bounds = array<i64: 1000, 128>}, {transform_indices = @transform_1, window_bounds = array<i64: 1000, 128>}, {transform_indices = @transform_2, window_bounds = array<i64: 1000, 128>}, {transform_indices = @transform_3, window_bounds = array<i64: 1000, 128>}, {transform_indices = @transform_4, window_bounds = array<i64: 1000, 128>}, {pipeline_mode = #tpu.pipeline_mode<synchronous>, transform_indices = @transform_5, window_bounds = array<i64: 1, 128>}, {transform_indices = @transform_6, window_bounds = array<i64: 1000, 128>}]} {
    %get3A = arith.constant 0 : index
    %get3A_0 = arith.constant 0 : index
    %get3A_1 = vector.load %arg4[%get3A, %get3A_0] : memref<1000x128xf32, #tpu.memory_space<vmem>>, vector<1000x128xf32>
    %get3A_2 = arith.constant 0 : index
    %get3A_3 = arith.constant 0 : index
    %get3A_4 = vector.load %arg5[%get3A_2, %get3A_3] : memref<1000x128xf32, #tpu.memory_space<vmem>>, vector<1000x128xf32>
    %reduce_sum3A = arith.constant dense<0.000000e+00> : vector<1000xf32>
    %reduce_sum3A_5 = vector.multi_reduction <add>, %get3A_1, %reduce_sum3A [1] : vector<1000x128xf32> to vector<1000xf32>
    %reduce_sum3A_6 = arith.constant dense<0.000000e+00> : vector<1000xf32>
    %reduce_sum3A_7 = vector.multi_reduction <add>, %get3A_4, %reduce_sum3A_6 [1] : vector<1000x128xf32> to vector<1000xf32>
    %add3A = arith.addf %reduce_sum3A_5, %reduce_sum3A_7 : vector<1000xf32>
    %mul3A = arith.constant 7.812500e-03 : f32
    %mul3A_8 = vector.broadcast %mul3A : f32 to vector<1000xf32>
    %mul3A_9 = arith.mulf %add3A, %mul3A_8 : vector<1000xf32>
    %add3A_10 = arith.constant 1.000000e+00 : f32
    %add3A_11 = vector.broadcast %add3A_10 : f32 to vector<1000xf32>
    %add3A_12 = arith.addf %add3A_11, %mul3A_9 : vector<1000xf32>
    %rsqrt3A = math.rsqrt %add3A_12 : vector<1000xf32>
    %get3A_13 = arith.constant 0 : index
    %get3A_14 = arith.constant 0 : index
    %get3A_15 = vector.load %arg1[%get3A_13, %get3A_14] : memref<1000x128xf32, #tpu.memory_space<vmem>>, vector<1000x128xf32>
    %get3A_16 = arith.constant 0 : index
    %get3A_17 = arith.constant 0 : index
    %get3A_18 = vector.load %arg2[%get3A_16, %get3A_17] : memref<1000x128xf32, #tpu.memory_space<vmem>>, vector<1000x128xf32>
    %add3A_19 = arith.addf %get3A_15, %get3A_18 : vector<1000x128xf32>
    %get3A_20 = arith.constant 0 : index
    %get3A_21 = arith.constant 0 : index
    %get3A_22 = vector.load %arg3[%get3A_20, %get3A_21] : memref<1000x128xf32, #tpu.memory_space<vmem>>, vector<1000x128xf32>
    %sub3A = arith.subf %add3A_19, %get3A_22 : vector<1000x128xf32>
    %broadcast_in_dim3A = vector.shape_cast %rsqrt3A : vector<1000xf32> to vector<1000x1xf32>
    %mul3A_23 = vector.broadcast %broadcast_in_dim3A : vector<1000x1xf32> to vector<1000x128xf32>
    %mul3A_24 = arith.mulf %sub3A, %mul3A_23 : vector<1000x128xf32>
    %get3A_25 = arith.constant 0 : index
    %get3A_26 = arith.constant 0 : index
    %get3A_27 = vector.load %arg6[%get3A_25, %get3A_26] : memref<1x128xf32, #tpu.memory_space<vmem>>, vector<1x128xf32>
    %squeeze3A = vector.shape_cast %get3A_27 : vector<1x128xf32> to vector<128xf32>
    %broadcast_in_dim3A_28 = vector.shape_cast %squeeze3A : vector<128xf32> to vector<1x128xf32>
    %add3A_29 = vector.broadcast %broadcast_in_dim3A_28 : vector<1x128xf32> to vector<1000x128xf32>
    %add3A_30 = arith.addf %mul3A_24, %add3A_29 : vector<1000x128xf32>
    %swap3A = arith.constant 0 : index
    %swap3A_31 = arith.constant 0 : index
    %swap3A_32 = vector.load %arg7[%swap3A, %swap3A_31] : memref<1000x128xf32, #tpu.memory_space<vmem>>, vector<1000x128xf32>
    tpu.vector_store %arg7[%swap3A, %swap3A_31], %add3A_30 {strides = array<i32>} : memref<1000x128xf32, #tpu.memory_space<vmem>>, vector<1000x128xf32>,
    return
  }
  func.func @transform_0(%arg0: i32) -> (i32, i32) {
    %c0_i32 = arith.constant 0 : i32
    %c0_i32_0 = arith.constant 0 : i32
    return %arg0, %c0_i32 : i32, i32
  }
  func.func @transform_1(%arg0: i32) -> (i32, i32) {
    %c0_i32 = arith.constant 0 : i32
    %c0_i32_0 = arith.constant 0 : i32
    return %arg0, %c0_i32 : i32, i32
  }
  func.func @transform_2(%arg0: i32) -> (i32, i32) {
    %c0_i32 = arith.constant 0 : i32
    %c0_i32_0 = arith.constant 0 : i32
    return %arg0, %c0_i32 : i32, i32
  }
  func.func @transform_3(%arg0: i32) -> (i32, i32) {
    %c0_i32 = arith.constant 0 : i32
    %c0_i32_0 = arith.constant 0 : i32
    return %arg0, %c0_i32 : i32, i32
  }
  func.func @transform_4(%arg0: i32) -> (i32, i32) {
    %c0_i32 = arith.constant 0 : i32
    %c0_i32_0 = arith.constant 0 : i32
    return %arg0, %c0_i32 : i32, i32
  }
  func.func @transform_5(%arg0: i32) -> (i32, i32) {
    %c0_i32 = arith.constant 0 : i32
    %c0_i32_0 = arith.constant 0 : i32
    %c0_i32_1 = arith.constant 0 : i32
    return %c0_i32, %c0_i32_0 : i32, i32
  }
  func.func @transform_6(%arg0: i32) -> (i32, i32) {
    %c0_i32 = arith.constant 0 : i32
    %c0_i32_0 = arith.constant 0 : i32
    return %arg0, %c0_i32 : i32, i32
  }
}

</mosaic_0001>

<sc_bundles>
// kernel: kernel.11.cloned.1.call-start
scs
__scs_entry_jumppad:
0x0: {  	(pc) =	sbr.rel $0x88, $3  }
0x1: {  	(tag) =	ssettag $0x0;
	lr =	simm.s32 $0x1  }
0x2: {  	[smem:$0x3F9B] =	sst lr;
	_ =	strace $0xD0000000  }
0x3: {  	_ = 	snop  }
0x4: {  	_ = 	snop  }
0x5: {  	_ = 	snop  }
0x6: {  	_ = 	snop  }
0x7: {  	_ = 	snop  }
__scs_overlays_trampoline_lowered:
0x8: {  	[smem:$0x3FAA] =	sst s0  }
0x9: {  	[smem:$0x3FAB] =	sst s1  }
0xa: {  	[smem:$0x3FAC] =	sst s2  }
0xb: {  	[smem:$0x3FAD] =	sst s3  }
0xc: {  	[smem:$0x3FAE] =	sst s4  }
0xd: {  	[smem:$0x3FAF] =	sst s5  }
0xe: {  	[smem:$0x3FB0] =	sst s6  }
0xf: {  	[smem:$0x3FB1] =	sst s7  }
0x10: {  	[smem:$0x3FB2] =	sst s8  }
0x11: {  	[smem:$0x3FB3] =	sst s9;
	s0 =	simm.s32 @!p0 $0x0  }
0x12: {  	s1 =	sld [smem:$0x3F99];
	s0 =	simm.s32 @p0 $0x1  }
0x13: {  	[smem:$0x3FB4] =	sst s0;
	s0 =	simm.s32 @!p1 $0x0  }
0x14: {  	s2 =	sld [smem:$0x3F98];
	s0 =	simm.s32 @p1 $0x1  }
0x15: {  	[smem:$0x3FB5] =	sst s0;
	s0 =	simm.s32 @!p2 $0x0  }
0x16: {  	s3 =	sld [smem:$0x3FDB];
	s0 =	simm.s32 @p2 $0x1  }
0x17: {  	s4 =	simm.s32 $0x1BF5;
	[smem:$0x3FB7] =	sst s0  }
0x18: {  	s0 =	sld [smem:$0x3F9A];
	_ =	swait.ge [sflag:s4], $0x0  }
0x19: {  	s7 =	sld [smem:$0x3F9B]  }
0x1a: {  	s8 =	sadd.s32 $0xFFFFE003, lr  }
0x1b: {  	s9 =	sadd.s32 $0xFFFFFEF7, lr;
	s5 =	simm.s32 $0xFFFFFFFF;
	p2 =	slt.u32 s8, $0xFFFFF086  }
0x1c: {  	p1 =	slt.u32 s9, $0xF7A;
	s5 =	simm.s32 @!p2 $0x0  }
0x1d: {  	s5 =	simm.s32 @p1 $0x1;
	p0 =	seq.s32 s7, s2  }
0x1e: {  	s7 =	smul.u32 @!p0 $0xF7A, s2;
	p2 =	seq.s32 @!p0 s5, $0x0  }
0x1f: {  	s9 =	smul.u32 $0xF7A, s1;
	s8 =	simm.s32 @!p0 $0x1BF5;
	p2 =	por !p2, p0  }
0x20: {  	[sflag:s8] =	ssyncset.s32 @!p0 $0xFFFFF086;
	s6 =	sadd.s32 @!p0 s3, s7;
	s7 =	simm.s32 @!p0 $0x108  }
0x21: {  	s3 =	sadd.s32 s3, s9;
	s6 =	sadd.s32 @!p0 $0x88, s6;
	s7 =	simm.s32 @p2 $0x1082  }
0x22: {  	[simem:s7], [sflag:s8] =	dma.local @!p0 [hbm:s6], $0xF7A  }
0x23: {  	s9 =	sor.u32 $0xD0000000, s2;
	s6 =	simm.s32 $0x108;
	_ =	swait.ge @!p0 [sflag:s8], $0x0  }
0x24: {  	s3 =	sadd.s32 $0x88, s3;
	s6 =	simm.s32 @!p1 $0x1082;
	[sflag:s4] =	ssyncset.s32 $0xFFFFF086  }
0x25: {  	[simem:s6], [sflag:s4] =	dma.local [hbm:s3], $0xF7A  }
0x26: {  	[smem:$0x3F9B] =	sst s1;
	(tag) =	ssettag s2;
	_ =	strace s9  }
0x27: {  	s1 =	sld [smem:$0x3FAB]  }
0x28: {  	s2 =	sld [smem:$0x3FAC]  }
0x29: {  	s4 =	sld [smem:$0x3FAE]  }
0x2a: {  	p0 =	seq.s32 s5, $0x0;
	s5 =	sld [smem:$0x3FAF]  }
0x2b: {  	s6 =	sld [smem:$0x3FB0]  }
0x2c: {  	s7 =	sld [smem:$0x3FB1]  }
0x2d: {  	s3 =	simm.s32 $0x108;
	s8 =	sld [smem:$0x3FB2]  }
0x2e: {  	s3 =	simm.s32 @!p0 $0x1082;
	s9 =	sld [smem:$0x3FB3]  }
0x2f: {  	lr =	sadd.s32 s0, s3;
	s0 =	sld [smem:$0x3FAA]  }
0x30: {  	s3 =	sld [smem:$0x3FAD]  }
0x31: {  	[smem:$0x3FB6] =	sst s10  }
0x32: {  	s10 =	sld [smem:$0x3FB4];
	_ =	sdelay $0x3  }
0x33: {  	p0 =	seq.s32 s10, $0x1;
	s10 =	sld [smem:$0x3FB6];
	_ =	sdelay $0x3  }
0x34: {  	[smem:$0x3FB6] =	sst s10  }
0x35: {  	s10 =	sld [smem:$0x3FB5];
	_ =	sdelay $0x3  }
0x36: {  	p1 =	seq.s32 s10, $0x1;
	s10 =	sld [smem:$0x3FB6];
	_ =	sdelay $0x3  }
0x37: {  	[smem:$0x3FB6] =	sst s10  }
0x38: {  	s10 =	sld [smem:$0x3FB7]  }
0x39: {  	_ = 	snop;
	(pc) =	sbr.ind lr, $3  }
0x3a: {  	_ = 	snop  }
0x3b: {  	_ = 	snop  }
0x3c: {  	p2 =	seq.s32 s10, $0x1;
	s10 =	sld [smem:$0x3FB6]  }
0x3d: {  	_ =	shalt  }
0x3e: {  	_ =	shalt  }
0x3f: {  	_ =	shalt  }
0x40: {  	_ =	shalt  }
0x41: {  	_ =	shalt  }
0x42: {  	_ =	shalt  }
0x43: {  	_ =	shalt  }
0x44: {  	_ =	shalt  }
0x45: {  	_ =	shalt  }
0x46: {  	_ =	shalt  }
0x47: {  	_ =	shalt  }
0x48: {  	_ =	shalt  }
0x49: {  	_ =	shalt  }
0x4a: {  	_ =	shalt  }
0x4b: {  	_ =	shalt  }
0x4c: {  	_ =	shalt  }
0x4d: {  	_ =	shalt  }
0x4e: {  	_ =	shalt  }
0x4f: {  	_ =	shalt  }
0x50: {  	_ =	shalt  }
0x51: {  	_ =	shalt  }
0x52: {  	_ =	shalt  }
0x53: {  	_ =	shalt  }
0x54: {  	_ =	shalt  }
0x55: {  	_ =	shalt  }
0x56: {  	_ =	shalt  }
0x57: {  	_ =	shalt  }
0x58: {  	_ =	shalt  }
0x59: {  	_ =	shalt  }
0x5a: {  	_ =	shalt  }
0x5b: {  	_ =	shalt  }
0x5c: {  	_ =	shalt  }
0x5d: {  	_ =	shalt  }
0x5e: {  	_ =	shalt  }
0x5f: {  	_ =	shalt  }
0x60: {  	_ =	shalt  }
0x61: {  	_ =	shalt  }
0x62: {  	_ =	shalt  }
0x63: {  	_ =	shalt  }
0x64: {  	_ =	shalt  }
0x65: {  	_ =	shalt  }
0x66: {  	_ =	shalt  }
0x67: {  	_ =	shalt  }
0x68: {  	_ =	shalt  }
0x69: {  	_ =	shalt  }
0x6a: {  	_ =	shalt  }
0x6b: {  	_ =	shalt  }
0x6c: {  	_ =	shalt  }
0x6d: {  	_ =	shalt  }
0x6e: {  	_ =	shalt  }
0x6f: {  	_ =	shalt  }
0x70: {  	_ =	shalt  }
0x71: {  	_ =	shalt  }
0x72: {  	_ =	shalt  }
0x73: {  	_ =	shalt  }
0x74: {  	_ =	shalt  }
0x75: {  	_ =	shalt  }
0x76: {  	_ =	shalt  }
0x77: {  	_ =	shalt  }
0x78: {  	_ =	shalt  }
0x79: {  	_ =	shalt  }
0x7a: {  	_ =	shalt  }
0x7b: {  	_ =	shalt  }
0x7c: {  	_ =	shalt  }
0x7d: {  	_ =	shalt  }
0x7e: {  	_ =	shalt  }
0x7f: {  	_ =	shalt  }
0x80: {  	_ =	shalt  }
0x81: {  	_ =	shalt  }
0x82: {  	_ =	shalt  }
0x83: {  	_ =	shalt  }
0x84: {  	_ =	shalt  }
0x85: {  	_ =	shalt  }
0x86: {  	_ =	shalt  }
0x87: {  	_ =	shalt  }
.Lfunc_end0:
.L_simem_size_0:
called_computation.1_lowered:
.L_overlay_start_0:
0x88: {  	s2 =	sld [smem:$0x3FD9]  }
0x89: {  	s3 =	sld [smem:$0x3FFE];
	_ =	sdelay $0x1  }
0x8a: {  	s1 =	srdreg.scid  }
0x8b: {  	s0 =	sand.u32 $0x1, s1  }
0x8c: {  	s17 =	sshll.u32 s0, $0xA;
	s2 =	sadd.s32 s3, s2  }
0x8d: {  	s2 =	sadd.s32 s2, s17  }
0x8e: {  	[smem:$0x3FC2] =	sst s2  }
0x8f: {  	_ = 	snop  }
0x90: {  	s2 =	sld [smem:$0x3FD0];
	(tm) =	ssettm $0x1  }
0x91: {  	s18 =	sld [smem:$0x3FFB];
	_ =	sdelay $0x3  }
0x92: {  	_ =	strace s18  }
0x93: {  	s3 =	sld [smem:$0x3FFC];
	_ =	sdelay $0x3  }
0x94: {  	_ =	strace s3  }
0x95: {  	s3 =	sld [smem:$0x3FFD];
	_ =	sdelay $0x3  }
0x96: {  	_ =	strace s3  }
0x97: {  	_ =	strace $0x8FFFFFFF  }
0x98: {  	s19 =	sld [smem:$0x3FDB];
	_ =	sdelay $0x1  }
0x99: {  	s4 =	simm.s32 $_scs_section_size  }
0x9a: {  	s5 =	simm.s32 $_size__tile_overlayer_lowered;
	s6 =	simm.s32 $_tile_overlayer_lowered  }
0x9b: {  	s22 =	simm.s32 $0x1BFF;
	s21 =	sshll.u32 s6, $0x1;
	s3 =	sadd.s32 s4, s19  }
0x9c: {  	s7 =	simm.s32 $0x0;
	s20 =	sshll.u32 s5, $0x1;
	s5 =	sadd.s32 s21, s3  }
0x9d: {  	[timem:s7], [sflag:s22] =	dma.local [hbm:s5], s20  }
0x9e: {  	_ =	swait.ge [sflag:s22], s20  }
0x9f: {  	s4 =	ssub.s32 $0x0, s20;
	[sflag:s22] =	ssyncset.done $0x0  }
0xa0: {  	[sflag:s22] =	ssyncadd.s32 s4;
	_ =	sdelay $0x1  }
0xa1: {  	s23 =	simm.s32 $0x1B8B  }
0xa2: {  	_ =	swait.ge [sflag:s23], $0x1  }
0xa3: {  	[sflag:s23] =	ssyncset.done $0x0  }
0xa4: {  	s25 =	simm.s32 $0x1B8E;
	s24 =	sld [smem:$0x3FFE];
	[sflag:s23] =	ssyncadd.s32 $0xFFFFFFFF  }
0xa5: {  	s26 =	simm.s32 $execute0_lowered;
	[smem:$0x3FD2] =	sst s25  }
0xa6: {  	s5 =	sshll.u32 s26, $0x1;
	_ =	strace $0x80000049;
	[dreg:$0x1] =	wrdreg $0xFFFFFFFF  }
0xa7: {  	s28 =	simm.s32 $_size_execute0_lowered;
	s3 =	sadd.s32 s3, s5;
	[dreg:$0x0] =	wrdreg $0x0  }
0xa8: {  	s5 =	sshll.u32 s28, $0x1;
	[dreg:$0x2] =	wrdreg s3  }
0xa9: {  	[dreg:$0x3] =	wrdreg s5  }
0xaa: {  	[dreg:$0x4] =	wrdreg $0xC0  }
0xab: {  	_ =	task [dreg:s7], $0x5FFFF  }
0xac: {  	[dreg:$0x1] =	wrdreg $0xFFFFFFFF  }
0xad: {  	[dreg:$0x0] =	wrdreg $0x60  }
0xae: {  	[dreg:$0x2] =	wrdreg s2  }
0xaf: {  	[dreg:$0x3] =	wrdreg s24  }
0xb0: {  	[dreg:$0x4] =	wrdreg $0x90000  }
0xb1: {  	[dreg:$0x5] =	wrdreg $0x9  }
0xb2: {  	_ =	task.clear_ibuf [dreg:s7], $0x6FFFF;
	_ =	strace $0x90000049  }
0xb3: {  	s29 =	simm.s32 $0x9;
	_ =	strace $0x8000004B  }
0xb4: {  	_ =	swait.ge [sflag:s29], $0x1  }
0xb5: {  	[sflag:s29] =	ssyncadd.s32 $0xFFFFFFFF  }
0xb6: {  	_ =	strace $0x9000004B  }
0xb7: {  	_ =	sfence  }
0xb8: {  	s30 =	sld [smem:$0x0];
	_ =	sdelay $0x2  }
0xb9: {  	s31 =	sshll.u32 s1, $0xD;
	s1 =	sshrl.u32 s1, $0x2  }
0xba: {  	s3 =	sand.u32 $0x4000, s31;
	s1 =	sadd.s32 s1, s30  }
0xbb: {  	s0 =	sor.u32 s3, s0;
	s1 =	sshll.u32 s1, $0x11  }
0xbc: {  	s0 =	sor.u32 s1, s0  }
0xbd: {  	s0 =	sadd.s32 $0x8F2B, s0  }
0xbe: {  	[sflag:s0] =	ssyncadd.remote.s32 $0x1  }
0xbf: {  	_ =	sfence.sel $0xFFFF  }
0xc0: {  	[dreg:$0x0] =	wrdreg $0xFFFFFFFF;
	(pc) =	sbr.abs _section_cstart, $3  }
0xc1: {  	[dreg:$0x1] =	wrdreg $0xFFFFFFFF  }
0xc2: {  	_ =	task.clear_ibuf [dreg:s7], $0x2FFFF;
	_ =	strace $0x9FFFFFFF  }
0xc3: {  	(tm) =	ssettm $0x7FFFFFFF  }
tec
execute0_lowered:
.L_overlay_start_1:
0x0: {  	(tag) =	ssettag $0x1  }
0x1: {  	s1 =	rddreg [dreg:$0x0];
	s26 =	stileid.u32  }
0x2: {  	s0 =	rddreg [dreg:$0x1];
	s10 =	sor.u32 $0x20, s26  }
0x3: {  	s2 =	rddreg [dreg:$0x2];
	s4 =	simm.s32 $0x0;
	s20 =	smul.u32 $0x500, s10  }
0x4: {  	s9 =	srdreg.scid;
	s15 =	sor.u32 $0x30, s26;
	s14 =	smul.u32 $0xA000, s10  }
0x5: {  	[smem:$0x7FF] =	sst s4;
	s5 =	sadd.s32 $0x48400, s0;
	s21 =	smul.u32 $0x500, s15  }
0x6: {  	s6 =	sadd.s32 $0x3400, s0;
	s25 =	sor.u32 $0x40, s26;
	s24 =	smul.u32 $0xA000, s15  }
0x7: {  	s8 =	sadd.s32 $0xD200, s0;
	s11 =	sand.u32 $0x1, s9;
	s22 =	smul.u32 $0x500, s25  }
0x8: {  	s9 =	sadd.s32 $0x6F600, s0;
	s12 =	ssub.s32 $0x2, s11;
	s15 =	smul.u32 $0xA000, s25  }
0x9: {  	s10 =	sadd.s32 $0x96800, s0;
	s25 =	smul.u32 $0x500, s26;
	s13 =	sshrl.u32 s12, $0x1  }
0xa: {  	s0 =	ssub.s32 s12, s13;
	s14 =	sshrl.u32 s14, $0x2;
	s19 =	sshrl.u32 s24, $0x2  }
0xb: {  	s13 =	sadd.s32 s14, s2;
	s14 =	sadd.s32 s19, s2;
	s19 =	sor.u32 $0x70, s26  }
0xc: {  	_ =	strace $0x8000004A;
	[dreg:$0x4] =	wrdreg s9;
	s24 =	smul.u32 $0xA000, s19  }
0xd: {  	[dreg:$0x5] =	wrdreg s10;
	s0 =	smax.u32 s0, $0x1;
	s28 =	smul.u32 $0x500, s19  }
0xe: {  	s29 =	simm.s32 $0x50;
	[smem:$0x7FB] =	sst s0;
	s24 =	sshrl.u32 s24, $0x2  }
0xf: {  	[dreg:$0x6] =	wrdreg s28;
	s19 =	sadd.s32 s24, s2;
	s24 =	sadd.s32 s1, s25  }
0x10: {  	s3 =	sor.u32 $0x10, s26;
	[dreg:$0x7] =	wrdreg s24;
	s24 =	sadd.s32 s9, s25  }
0x11: {  	s18 =	smul.u32 $0x500, s3;
	[dreg:$0x8] =	wrdreg s24;
	s24 =	sadd.s32 s5, s25  }
0x12: {  	s30 =	simm.s32 $0x1800;
	s25 =	sadd.s32 s10, s25;
	[dreg:$0x9] =	wrdreg s24  }
0x13: {  	s31 =	simm.s32 $0x4000;
	[dreg:$0xa] =	wrdreg s25;
	s25 =	sadd.s32 s1, s18  }
0x14: {  	s7 =	smul.u32 $0xA000, s26;
	s24 =	sadd.s32 s9, s20;
	[dreg:$0xb] =	wrdreg s25  }
0x15: {  	s16 =	sor.u32 $0x50, s26;
	s25 =	sadd.s32 s9, s18;
	[dreg:$0x10] =	wrdreg s24  }
0x16: {  	s17 =	sor.u32 $0x60, s26;
	s24 =	sadd.s32 s1, s21;
	[dreg:$0xc] =	wrdreg s25  }
0x17: {  	p1 =	sgt.u32 s26, $0xC;
	s25 =	sadd.s32 s5, s18;
	[dreg:$0x13] =	wrdreg s24  }
0x18: {  	s3 =	smul.u32 $0xA000, s3;
	s18 =	sadd.s32 s10, s18;
	[dreg:$0xd] =	wrdreg s25  }
0x19: {  	p2 =	slt.u32 s26, $0xD;
	s24 =	sadd.s32 s10, s21;
	[dreg:$0xe] =	wrdreg s18  }
0x1a: {  	s3 =	sshrl.u32 s3, $0x2;
	s25 =	sadd.s32 s1, s20;
	[dreg:$0x16] =	wrdreg s24  }
0x1b: {  	s12 =	sadd.s32 s3, s2;
	s24 =	sadd.s32 s10, s22;
	[dreg:$0xf] =	wrdreg s25  }
0x1c: {  	s3 =	smul.u32 $0x500, s17;
	s25 =	sadd.s32 s5, s20;
	[dreg:$0x1a] =	wrdreg s24  }
0x1d: {  	p0 =	seq.s32 s11, $0x1;
	s20 =	sadd.s32 s10, s20;
	[dreg:$0x11] =	wrdreg s25  }
0x1e: {  	s23 =	sshrl.u32 s7, $0x2;
	s24 =	sadd.s32 s5, s3;
	[dreg:$0x12] =	wrdreg s20  }
0x1f: {  	s11 =	sadd.s32 s23, s2;
	s25 =	sadd.s32 s9, s21;
	[smem:$0x7F9] =	sst s24  }
0x20: {  	s23 =	smul.u32 $0x500, s16;
	s20 =	sadd.s32 s5, s21;
	[dreg:$0x14] =	wrdreg s25  }
0x21: {  	s16 =	smul.u32 $0xA000, s16;
	s21 =	sadd.s32 s5, s22;
	[dreg:$0x15] =	wrdreg s20  }
0x22: {  	s24 =	smul.u32 $0x4E20, s26;
	s26 =	sadd.s32 s5, s28;
	[dreg:$0x19] =	wrdreg s21  }
0x23: {  	s15 =	sshrl.u32 s15, $0x2;
	s25 =	sadd.s32 s1, s22;
	[smem:$0x7FD] =	sst s26  }
0x24: {  	s17 =	smul.u32 $0xA000, s17;
	s20 =	sadd.s32 s9, s22;
	[dreg:$0x17] =	wrdreg s25  }
0x25: {  	s15 =	sadd.s32 s15, s2;
	s21 =	sadd.s32 s5, s23;
	[dreg:$0x18] =	wrdreg s20  }
0x26: {  	s16 =	sshrl.u32 s16, $0x2;
	s22 =	sadd.s32 s10, s23;
	[dreg:$0x1d] =	wrdreg s21  }
0x27: {  	s0 =	simm.s32 $0x2;
	s25 =	sadd.s32 s1, s23;
	[dreg:$0x1e] =	wrdreg s22  }
0x28: {  	s16 =	sadd.s32 s16, s2;
	s20 =	sadd.s32 s9, s23;
	[dreg:$0x1b] =	wrdreg s25  }
.Ltmp0:
0x29: {  	s23 =	sadd.s32 s1, s3;
	[dreg:$0x1c] =	wrdreg s20;
	(pc) =	sbr.rel .LBB2_1-.Ltmp0, $4  }
0x2a: {  	s17 =	sshrl.u32 s17, $0x2;
	s9 =	sadd.s32 s9, s3;
	[dreg:$0x1f] =	wrdreg s23  }
0x2b: {  	s17 =	sadd.s32 s17, s2;
	s3 =	sadd.s32 s10, s3;
	[smem:$0x7F8] =	sst s9  }
0x2c: {  	s26 =	simm.s32 $0x6800;
	[smem:$0x7FA] =	sst s3;
	s25 =	sadd.s32 s1, s28  }
0x2d: {  	s28 =	simm.s32 $0x3;
	s3 =	simm.s32 $0x0;
	[smem:$0x7FC] =	sst s25  }
.LBB2_16:
0x2e: {  	[tilespmem:s26], [sflag:$0x3] =	stream.linear.gather [spmem:s19], $0x2800, $0x38;
	[tilespmem:$0x1C880] =	vst v63  }
0x2f: {  	_ =	swait.ge [sflag:s28], $0x2800  }
0x30: {  	[sflag:s28] =	ssyncset.done $0x0;
	s9 =	rddreg [dreg:$0x6]  }
0x31: {  	s9 =	sadd.s32 s18, s9;
	[sflag:s28] =	ssyncadd.s32 $0xFFFFD800  }
0x32: {  	[hbm4b:s9+s4] =	stream.linear.scatter [tilespmem:s26], [sflag:$0x3], $0x2800, $0x38;
	[tilespmem:$0x1C880] =	vst v63  }
0x33: {  	_ =	swait.ge [sflag:s28], $0x2800  }
0x34: {  	[sflag:s28] =	ssyncset.done $0x0  }
0x35: {  	[sflag:s28] =	ssyncadd.s32 $0xFFFFD800  }
.LBB2_17:
0x36: {  	s9 =	sld [smem:$0x7FB];
	_ =	sdelay $0x1  }
0x37: {  	s3 =	sadd.s32 $0x1, s3  }
0x38: {  	p3 =	sne.s32 s3, s9  }
.Ltmp1:
0x39: {  	_ = 	snop;
	(pc) =	sbr.rel @!p3 .LBB2_18-.Ltmp1, $1  }
0x3a: {  	_ =	sdelay $0x3  }
.LBB2_1:
.Ltmp2:
0x3b: {  	(pc) =	sbr.rel @!p0 .LBB2_2-.Ltmp2, $1  }
0x3c: {  	_ =	sdelay $0x3  }
0x3d: {  	s9 =	rddreg [dreg:$0x9]  }
0x3e: {  	[tilespmem:s26], [sflag:$0x3] =	stream.linear.gather [hbm4b:s9+s4], $0x2800, $0x38;
	[tilespmem:$0x1C880] =	vst v63  }
0x3f: {  	_ =	swait.ge [sflag:s28], $0x2800  }
0x40: {  	[sflag:s28] =	ssyncset.done $0x0  }
0x41: {  	[sflag:s28] =	ssyncadd.s32 $0xFFFFD800  }
0x42: {  	[spmem:s11] =	stream.linear.scatter [tilespmem:s26], [sflag:$0x3], $0x2800, $0x38;
	[tilespmem:$0x1C880] =	vst v63  }
0x43: {  	_ =	swait.ge [sflag:s28], $0x2800  }
0x44: {  	[sflag:s28] =	ssyncset.done $0x0  }
0x45: {  	s18 =	rddreg [dreg:$0xd];
	[sflag:s28] =	ssyncadd.s32 $0xFFFFD800  }
0x46: {  	[tilespmem:s26], [sflag:$0x3] =	stream.linear.gather [hbm4b:s18+s4], $0x2800, $0x38;
	[tilespmem:$0x1C880] =	vst v63  }
0x47: {  	_ =	swait.ge [sflag:s28], $0x2800  }
0x48: {  	[sflag:s28] =	ssyncset.done $0x0  }
0x49: {  	[sflag:s28] =	ssyncadd.s32 $0xFFFFD800  }
0x4a: {  	[spmem:s12] =	stream.linear.scatter [tilespmem:s26], [sflag:$0x3], $0x2800, $0x38;
	[tilespmem:$0x1C880] =	vst v63  }
0x4b: {  	_ =	swait.ge [sflag:s28], $0x2800  }
0x4c: {  	[sflag:s28] =	ssyncset.done $0x0  }
0x4d: {  	s20 =	rddreg [dreg:$0x11];
	[sflag:s28] =	ssyncadd.s32 $0xFFFFD800  }
0x4e: {  	[tilespmem:s26], [sflag:$0x3] =	stream.linear.gather [hbm4b:s20+s4], $0x2800, $0x38;
	[tilespmem:$0x1C880] =	vst v63  }
0x4f: {  	_ =	swait.ge [sflag:s28], $0x2800  }
0x50: {  	[sflag:s28] =	ssyncset.done $0x0  }
0x51: {  	[sflag:s28] =	ssyncadd.s32 $0xFFFFD800  }
0x52: {  	[spmem:s13] =	stream.linear.scatter [tilespmem:s26], [sflag:$0x3], $0x2800, $0x38;
	[tilespmem:$0x1C880] =	vst v63  }
0x53: {  	_ =	swait.ge [sflag:s28], $0x2800  }
0x54: {  	[sflag:s28] =	ssyncset.done $0x0  }
0x55: {  	s21 =	rddreg [dreg:$0x15];
	[sflag:s28] =	ssyncadd.s32 $0xFFFFD800  }
0x56: {  	[tilespmem:s26], [sflag:$0x3] =	stream.linear.gather [hbm4b:s21+s4], $0x2800, $0x38;
	[tilespmem:$0x1C880] =	vst v63  }
0x57: {  	_ =	swait.ge [sflag:s28], $0x2800  }
0x58: {  	[sflag:s28] =	ssyncset.done $0x0  }
0x59: {  	[sflag:s28] =	ssyncadd.s32 $0xFFFFD800  }
0x5a: {  	[spmem:s14] =	stream.linear.scatter [tilespmem:s26], [sflag:$0x3], $0x2800, $0x38;
	[tilespmem:$0x1C880] =	vst v63  }
0x5b: {  	_ =	swait.ge [sflag:s28], $0x2800  }
0x5c: {  	[sflag:s28] =	ssyncset.done $0x0  }
0x5d: {  	s22 =	rddreg [dreg:$0x19];
	[sflag:s28] =	ssyncadd.s32 $0xFFFFD800  }
0x5e: {  	[tilespmem:s26], [sflag:$0x3] =	stream.linear.gather [hbm4b:s22+s4], $0x2800, $0x38;
	[tilespmem:$0x1C880] =	vst v63  }
0x5f: {  	_ =	swait.ge [sflag:s28], $0x2800  }
0x60: {  	[sflag:s28] =	ssyncset.done $0x0  }
0x61: {  	[sflag:s28] =	ssyncadd.s32 $0xFFFFD800  }
0x62: {  	[spmem:s15] =	stream.linear.scatter [tilespmem:s26], [sflag:$0x3], $0x2800, $0x38;
	[tilespmem:$0x1C880] =	vst v63  }
0x63: {  	_ =	swait.ge [sflag:s28], $0x2800  }
0x64: {  	[sflag:s28] =	ssyncset.done $0x0  }
0x65: {  	s23 =	rddreg [dreg:$0x1d];
	[sflag:s28] =	ssyncadd.s32 $0xFFFFD800  }
0x66: {  	[tilespmem:s26], [sflag:$0x3] =	stream.linear.gather [hbm4b:s23+s4], $0x2800, $0x38;
	[tilespmem:$0x1C880] =	vst v63  }
0x67: {  	_ =	swait.ge [sflag:s28], $0x2800  }
0x68: {  	[sflag:s28] =	ssyncset.done $0x0  }
0x69: {  	[sflag:s28] =	ssyncadd.s32 $0xFFFFD800  }
0x6a: {  	[spmem:s16] =	stream.linear.scatter [tilespmem:s26], [sflag:$0x3], $0x2800, $0x38;
	[tilespmem:$0x1C880] =	vst v63  }
0x6b: {  	_ =	swait.ge [sflag:s28], $0x2800  }
0x6c: {  	s25 =	sld [smem:$0x7F9]  }
0x6d: {  	[sflag:s28] =	ssyncset.done $0x0  }
0x6e: {  	[sflag:s28] =	ssyncadd.s32 $0xFFFFD800  }
0x6f: {  	[tilespmem:s26], [sflag:$0x3] =	stream.linear.gather [hbm4b:s25+s4], $0x2800, $0x38;
	[tilespmem:$0x1C880] =	vst v63  }
0x70: {  	_ =	swait.ge [sflag:s28], $0x2800  }
0x71: {  	[sflag:s28] =	ssyncset.done $0x0  }
0x72: {  	[sflag:s28] =	ssyncadd.s32 $0xFFFFD800  }
0x73: {  	[spmem:s17] =	stream.linear.scatter [tilespmem:s26], [sflag:$0x3], $0x2800, $0x38;
	[tilespmem:$0x1C880] =	vst v63  }
0x74: {  	_ =	swait.ge [sflag:s28], $0x2800  }
0x75: {  	s18 =	sld [smem:$0x7FD]  }
0x76: {  	[sflag:s28] =	ssyncset.done $0x0  }
0x77: {  	s10 =	simm.s32 @!p1 $0x6800;
	s9 =	simm.s32 @!p1 $0x0;
	[sflag:s28] =	ssyncadd.s32 $0xFFFFD800  }
0x78: {  	[tilespmem:s10], [sflag:$0x3] =	stream.linear.gather @!p1 [hbm4b:s18+s9], $0x2800, $0x38;
	[tilespmem:$0x1C880] =	vst v63  }
0x79: {  	s9 =	simm.s32 @!p1 $0x3  }
0x7a: {  	_ =	swait.ge @!p1 [sflag:s9], $0x2800  }
0x7b: {  	[sflag:s9] =	ssyncset.done @!p1 $0x0  }
0x7c: {  	[sflag:s9] =	ssyncadd.s32 @!p1 $0xFFFFD800  }
0x7d: {  	[spmem:s19] =	stream.linear.scatter @!p1 [tilespmem:s10], [sflag:$0x3], $0x2800, $0x38;
	[tilespmem:$0x1C880] =	vst v63  }
.Ltmp3:
0x7e: {  	_ =	swait.ge @!p1 [sflag:s9], $0x2800;
	(pc) =	sbr.rel .LBB2_10-.Ltmp3, $4  }
0x7f: {  	[sflag:s9] =	ssyncset.done @!p1 $0x0  }
0x80: {  	[sflag:s9] =	ssyncadd.s32 @!p1 $0xFFFFD800  }
0x81: {  	[bflag:$0x0] =	sbarrier.arrive $0xFFFF  }
0x82: {  	s20 =	simm.s32 $0x0;
	s21 =	simm.s32 $0x0  }
.LBB2_14:
0x83: {  	s21 =	sadd.s32 $0x1, s21  }
0x84: {  	p3 =	sne.s32 s21, $0xA  }
.Ltmp4:
0x85: {  	_ = 	snop;
	(pc) =	sbr.rel @!p3 .LBB2_15-.Ltmp4, $1  }
0x86: {  	_ =	sdelay $0x3  }
.LBB2_10:
0x87: {  	s9 =	smul.u32 $0x7D0, s21;
	_ =	sdelay $0x1  }
0x88: {  	s9 =	sadd.s32 s24, s9  }
0x89: {  	s9 =	sshrl.u32 s9, $0x3  }
0x8a: {  	s25 =	sshll.u32 s21, $0xC;
	s9 =	sadd.s32 s6, s9  }
0x8b: {  	[tilespmem:s20], [sflag:$0x3] =	stream.linear.gather [hbm4b:s9+s20], $0x7D0, $0x38;
	[tilespmem:$0x1C880] =	vst v63  }
0x8c: {  	s9 =	sadd.s32 s7, s25;
	_ =	swait.ge [sflag:s28], $0x7D0  }
0x8d: {  	s9 =	sshrl.u32 s9, $0x3;
	[sflag:s28] =	ssyncset.done $0x0  }
0x8e: {  	s23 =	simm.s32 $0x800;
	s9 =	sadd.s32 s8, s9;
	[sflag:s28] =	ssyncadd.s32 $0xFFFFF830  }
0x8f: {  	[tilespmem:s23], [sflag:$0x3] =	stream.linear.gather [hbm4b:s9+s20], $0xC80, $0x38;
	[tilespmem:$0x1C880] =	vst v63  }
0x90: {  	_ =	swait.ge [sflag:s28], $0xC80  }
.Ltmp5:
0x91: {  	[sflag:s28] =	ssyncset.done $0x0;
	(pc) =	sbr.rel .LBB2_11-.Ltmp5, $4  }
0x92: {  	[sflag:s28] =	ssyncadd.s32 $0xFFFFF380  }
0x93: {  	[tilespmem:s30], [sflag:$0x1] =	stream.indirect.gather [hbm4b:s5+s29], $0x80, s20, s29, $0xb8;
	[tilespmem:$0x1C880] =	vst v63  }
0x94: {  	s18 =	simm.s32 $0x0;
	s25 =	simm.s32 $0xA0  }
0x95: {  	[tilespmem:s31], [sflag:$0x2] =	stream.indirect.gather [hbm4b:s5+s29], $0x80, s29, s29, $0xb8;
	[tilespmem:$0x1C880] =	vst v63  }
.LBB2_13:
0x96: {  	s18 =	sadd.s32 $0x1, s18  }
0x97: {  	p3 =	sne.s32 s18, $0x19  }
.Ltmp6:
0x98: {  	_ = 	snop;
	(pc) =	sbr.rel @!p3 .LBB2_14-.Ltmp6, $2  }
0x99: {  	_ =	sdelay $0x2  }
0x9a: {  	s25 =	sadd.s32 $0x50, s25;
	s23 =	sadd.s32 $0x80, s23  }
.LBB2_11:
0x9b: {  	s9 =	sand.u32 $0x1, s18  }
0x9c: {  	p3 =	seq.s32 s9, $0x1  }
0x9d: {  	s10 =	simm.s32 @!p3 $0x1  }
0x9e: {  	_ =	swait.ge @!p3 [sflag:s10], $0x2800  }
0x9f: {  	[sflag:s10] =	ssyncset.done @!p3 $0x0  }
0xa0: {  	s22 =	simm.s32 @!p3 $0x1800;
	[sflag:s10] =	ssyncadd.s32 @!p3 $0xFFFFD800;
	s10 =	simm.s32 @!p3 $0x50  }
0xa1: {  	[spmem:s2] =	stream.indirect.scatter.add.f32 @!p3 [tilespmem:s22], [sflag:$0x3], $0x80, s23, s10, $0xb8;
	[tilespmem:$0x1C880] =	vst v63  }
0xa2: {  	s10 =	simm.s32 @!p3 $0x3  }
0xa3: {  	p4 =	sgt.u32 @!p3 s18, $0x16;
	_ =	swait.ge @!p3 [sflag:s10], $0x2800  }
0xa4: {  	p4 =	por p4, p3;
	[sflag:s10] =	ssyncset.done @!p3 $0x0  }
0xa5: {  	s22 =	simm.s32 @!p4 $0x1800;
	[sflag:s10] =	ssyncadd.s32 @!p3 $0xFFFFD800;
	s10 =	simm.s32 @!p4 $0x50  }
0xa6: {  	[tilespmem:s22], [sflag:$0x1] =	stream.indirect.gather @!p4 [hbm4b:s5+s10], $0x80, s25, s10, $0xb8;
	[tilespmem:$0x1C880] =	vst v63  }
0xa7: {  	p4 =	seq.s32 @!p3 s9, $0x0  }
0xa8: {  	p3 =	por p3, !p4  }
.Ltmp7:
0xa9: {  	_ = 	snop;
	(pc) =	sbr.rel @!p3 .LBB2_13-.Ltmp7, $1  }
0xaa: {  	_ =	sdelay $0x3  }
0xab: {  	_ =	swait.ge [sflag:s0], $0x2800  }
0xac: {  	[sflag:s0] =	ssyncset.done $0x0  }
0xad: {  	[sflag:s0] =	ssyncadd.s32 $0xFFFFD800  }
0xae: {  	[spmem:s2] =	stream.indirect.scatter.add.f32 [tilespmem:s31], [sflag:$0x3], $0x80, s23, s29, $0xb8;
	[tilespmem:$0x1C880] =	vst v63  }
.Ltmp8:
0xaf: {  	_ = 	snop;
	(pc) =	sbr.rel .LBB2_13-.Ltmp8, $4  }
0xb0: {  	_ =	swait.ge [sflag:s28], $0x2800  }
0xb1: {  	p3 =	sgt.u32 s18, $0x16;
	[sflag:s28] =	ssyncset.done $0x0  }
0xb2: {  	s9 =	simm.s32 @!p3 $0x50;
	s10 =	simm.s32 @!p3 $0x4000;
	[sflag:s28] =	ssyncadd.s32 $0xFFFFD800  }
0xb3: {  	[tilespmem:s10], [sflag:$0x2] =	stream.indirect.gather @!p3 [hbm4b:s5+s9], $0x80, s25, s9, $0xb8;
	[tilespmem:$0x1C880] =	vst v63  }
.LBB2_2:
0xb4: {  	s9 =	rddreg [dreg:$0x7]  }
0xb5: {  	[tilespmem:s26], [sflag:$0x3] =	stream.linear.gather [hbm4b:s9+s4], $0x2800, $0x38;
	[tilespmem:$0x1C880] =	vst v63  }
0xb6: {  	_ =	swait.ge [sflag:s28], $0x2800  }
0xb7: {  	[sflag:s28] =	ssyncset.done $0x0  }
0xb8: {  	[sflag:s28] =	ssyncadd.s32 $0xFFFFD800  }
0xb9: {  	[spmem:s11] =	stream.linear.scatter [tilespmem:s26], [sflag:$0x3], $0x2800, $0x38;
	[tilespmem:$0x1C880] =	vst v63  }
0xba: {  	_ =	swait.ge [sflag:s28], $0x2800  }
0xbb: {  	[sflag:s28] =	ssyncset.done $0x0  }
0xbc: {  	s18 =	rddreg [dreg:$0xb];
	[sflag:s28] =	ssyncadd.s32 $0xFFFFD800  }
0xbd: {  	[tilespmem:s26], [sflag:$0x3] =	stream.linear.gather [hbm4b:s18+s4], $0x2800, $0x38;
	[tilespmem:$0x1C880] =	vst v63  }
0xbe: {  	_ =	swait.ge [sflag:s28], $0x2800  }
0xbf: {  	[sflag:s28] =	ssyncset.done $0x0  }
0xc0: {  	[sflag:s28] =	ssyncadd.s32 $0xFFFFD800  }
0xc1: {  	[spmem:s12] =	stream.linear.scatter [tilespmem:s26], [sflag:$0x3], $0x2800, $0x38;
	[tilespmem:$0x1C880] =	vst v63  }
0xc2: {  	_ =	swait.ge [sflag:s28], $0x2800  }
0xc3: {  	[sflag:s28] =	ssyncset.done $0x0  }
0xc4: {  	s20 =	rddreg [dreg:$0xf];
	[sflag:s28] =	ssyncadd.s32 $0xFFFFD800  }
0xc5: {  	[tilespmem:s26], [sflag:$0x3] =	stream.linear.gather [hbm4b:s20+s4], $0x2800, $0x38;
	[tilespmem:$0x1C880] =	vst v63  }
0xc6: {  	_ =	swait.ge [sflag:s28], $0x2800  }
0xc7: {  	[sflag:s28] =	ssyncset.done $0x0  }
0xc8: {  	[sflag:s28] =	ssyncadd.s32 $0xFFFFD800  }
0xc9: {  	[spmem:s13] =	stream.linear.scatter [tilespmem:s26], [sflag:$0x3], $0x2800, $0x38;
	[tilespmem:$0x1C880] =	vst v63  }
0xca: {  	_ =	swait.ge [sflag:s28], $0x2800  }
0xcb: {  	[sflag:s28] =	ssyncset.done $0x0  }
0xcc: {  	s21 =	rddreg [dreg:$0x13];
	[sflag:s28] =	ssyncadd.s32 $0xFFFFD800  }
0xcd: {  	[tilespmem:s26], [sflag:$0x3] =	stream.linear.gather [hbm4b:s21+s4], $0x2800, $0x38;
	[tilespmem:$0x1C880] =	vst v63  }
0xce: {  	_ =	swait.ge [sflag:s28], $0x2800  }
0xcf: {  	[sflag:s28] =	ssyncset.done $0x0  }
0xd0: {  	[sflag:s28] =	ssyncadd.s32 $0xFFFFD800  }
0xd1: {  	[spmem:s14] =	stream.linear.scatter [tilespmem:s26], [sflag:$0x3], $0x2800, $0x38;
	[tilespmem:$0x1C880] =	vst v63  }
0xd2: {  	_ =	swait.ge [sflag:s28], $0x2800  }
0xd3: {  	[sflag:s28] =	ssyncset.done $0x0  }
0xd4: {  	s22 =	rddreg [dreg:$0x17];
	[sflag:s28] =	ssyncadd.s32 $0xFFFFD800  }
0xd5: {  	[tilespmem:s26], [sflag:$0x3] =	stream.linear.gather [hbm4b:s22+s4], $0x2800, $0x38;
	[tilespmem:$0x1C880] =	vst v63  }
0xd6: {  	_ =	swait.ge [sflag:s28], $0x2800  }
0xd7: {  	[sflag:s28] =	ssyncset.done $0x0  }
0xd8: {  	[sflag:s28] =	ssyncadd.s32 $0xFFFFD800  }
0xd9: {  	[spmem:s15] =	stream.linear.scatter [tilespmem:s26], [sflag:$0x3], $0x2800, $0x38;
	[tilespmem:$0x1C880] =	vst v63  }
0xda: {  	_ =	swait.ge [sflag:s28], $0x2800  }
0xdb: {  	[sflag:s28] =	ssyncset.done $0x0  }
0xdc: {  	s23 =	rddreg [dreg:$0x1b];
	[sflag:s28] =	ssyncadd.s32 $0xFFFFD800  }
0xdd: {  	[tilespmem:s26], [sflag:$0x3] =	stream.linear.gather [hbm4b:s23+s4], $0x2800, $0x38;
	[tilespmem:$0x1C880] =	vst v63  }
0xde: {  	_ =	swait.ge [sflag:s28], $0x2800  }
0xdf: {  	[sflag:s28] =	ssyncset.done $0x0  }
0xe0: {  	[sflag:s28] =	ssyncadd.s32 $0xFFFFD800  }
0xe1: {  	[spmem:s16] =	stream.linear.scatter [tilespmem:s26], [sflag:$0x3], $0x2800, $0x38;
	[tilespmem:$0x1C880] =	vst v63  }
0xe2: {  	_ =	swait.ge [sflag:s28], $0x2800  }
0xe3: {  	[sflag:s28] =	ssyncset.done $0x0  }
0xe4: {  	s25 =	rddreg [dreg:$0x1f];
	[sflag:s28] =	ssyncadd.s32 $0xFFFFD800  }
0xe5: {  	[tilespmem:s26], [sflag:$0x3] =	stream.linear.gather [hbm4b:s25+s4], $0x2800, $0x38;
	[tilespmem:$0x1C880] =	vst v63  }
0xe6: {  	_ =	swait.ge [sflag:s28], $0x2800  }
0xe7: {  	[sflag:s28] =	ssyncset.done $0x0  }
0xe8: {  	[sflag:s28] =	ssyncadd.s32 $0xFFFFD800  }
0xe9: {  	[spmem:s17] =	stream.linear.scatter [tilespmem:s26], [sflag:$0x3], $0x2800, $0x38;
	[tilespmem:$0x1C880] =	vst v63  }
0xea: {  	_ =	swait.ge [sflag:s28], $0x2800  }
0xeb: {  	s9 =	sld [smem:$0x7FC]  }
0xec: {  	[sflag:s28] =	ssyncset.done $0x0  }
0xed: {  	s18 =	simm.s32 @!p1 $0x0;
	s20 =	simm.s32 @!p1 $0x6800;
	[sflag:s28] =	ssyncadd.s32 $0xFFFFD800  }
0xee: {  	[tilespmem:s20], [sflag:$0x3] =	stream.linear.gather @!p1 [hbm4b:s9+s18], $0x2800, $0x38;
	[tilespmem:$0x1C880] =	vst v63  }
0xef: {  	s18 =	simm.s32 @!p1 $0x3  }
0xf0: {  	_ =	swait.ge @!p1 [sflag:s18], $0x2800  }
0xf1: {  	[sflag:s18] =	ssyncset.done @!p1 $0x0  }
0xf2: {  	[sflag:s18] =	ssyncadd.s32 @!p1 $0xFFFFD800  }
0xf3: {  	[spmem:s19] =	stream.linear.scatter @!p1 [tilespmem:s20], [sflag:$0x3], $0x2800, $0x38;
	[tilespmem:$0x1C880] =	vst v63  }
.Ltmp9:
0xf4: {  	_ =	swait.ge @!p1 [sflag:s18], $0x2800;
	(pc) =	sbr.rel .LBB2_3-.Ltmp9, $4  }
0xf5: {  	[sflag:s18] =	ssyncset.done @!p1 $0x0  }
0xf6: {  	[sflag:s18] =	ssyncadd.s32 @!p1 $0xFFFFD800  }
0xf7: {  	[bflag:$0x0] =	sbarrier.arrive $0xFFFF  }
0xf8: {  	s21 =	simm.s32 $0x0;
	s20 =	simm.s32 $0x0  }
.LBB2_7:
0xf9: {  	s21 =	sadd.s32 $0x1, s21  }
0xfa: {  	p3 =	sne.s32 s21, $0xA  }
.Ltmp10:
0xfb: {  	_ = 	snop;
	(pc) =	sbr.rel @!p3 .LBB2_8-.Ltmp10, $1  }
0xfc: {  	_ =	sdelay $0x3  }
.LBB2_3:
0xfd: {  	s18 =	smul.u32 $0x7D0, s21;
	_ =	sdelay $0x1  }
0xfe: {  	s18 =	sadd.s32 s24, s18  }
0xff: {  	s18 =	sshrl.u32 s18, $0x3  }
0x100: {  	s25 =	sshll.u32 s21, $0xC;
	s18 =	sadd.s32 s6, s18  }
0x101: {  	[tilespmem:s20], [sflag:$0x3] =	stream.linear.gather [hbm4b:s18+s20], $0x7D0, $0x38;
	[tilespmem:$0x1C880] =	vst v63  }
0x102: {  	s18 =	sadd.s32 s7, s25;
	_ =	swait.ge [sflag:s28], $0x7D0  }
0x103: {  	s18 =	sshrl.u32 s18, $0x3;
	[sflag:s28] =	ssyncset.done $0x0  }
0x104: {  	s23 =	simm.s32 $0x800;
	s18 =	sadd.s32 s8, s18;
	[sflag:s28] =	ssyncadd.s32 $0xFFFFF830  }
0x105: {  	[tilespmem:s23], [sflag:$0x3] =	stream.linear.gather [hbm4b:s18+s20], $0xC80, $0x38;
	[tilespmem:$0x1C880] =	vst v63  }
0x106: {  	_ =	swait.ge [sflag:s28], $0xC80  }
.Ltmp11:
0x107: {  	[sflag:s28] =	ssyncset.done $0x0;
	(pc) =	sbr.rel .LBB2_4-.Ltmp11, $4  }
0x108: {  	[sflag:s28] =	ssyncadd.s32 $0xFFFFF380  }
0x109: {  	[tilespmem:s30], [sflag:$0x1] =	stream.indirect.gather [hbm4b:s1+s29], $0x80, s20, s29, $0xb8;
	[tilespmem:$0x1C880] =	vst v63  }
0x10a: {  	s25 =	simm.s32 $0xA0;
	s18 =	simm.s32 $0x0  }
0x10b: {  	[tilespmem:s31], [sflag:$0x2] =	stream.indirect.gather [hbm4b:s1+s29], $0x80, s29, s29, $0xb8;
	[tilespmem:$0x1C880] =	vst v63  }
.LBB2_6:
0x10c: {  	s18 =	sadd.s32 $0x1, s18  }
0x10d: {  	p3 =	sne.s32 s18, $0x19  }
.Ltmp12:
0x10e: {  	_ = 	snop;
	(pc) =	sbr.rel @!p3 .LBB2_7-.Ltmp12, $2  }
0x10f: {  	_ =	sdelay $0x2  }
0x110: {  	s25 =	sadd.s32 $0x50, s25;
	s23 =	sadd.s32 $0x80, s23  }
.LBB2_4:
0x111: {  	s9 =	sand.u32 $0x1, s18  }
0x112: {  	p3 =	seq.s32 s9, $0x1  }
0x113: {  	s10 =	simm.s32 @!p3 $0x1  }
0x114: {  	_ =	swait.ge @!p3 [sflag:s10], $0x2800  }
0x115: {  	[sflag:s10] =	ssyncset.done @!p3 $0x0  }
0x116: {  	s22 =	simm.s32 @!p3 $0x1800;
	[sflag:s10] =	ssyncadd.s32 @!p3 $0xFFFFD800;
	s10 =	simm.s32 @!p3 $0x50  }
0x117: {  	[spmem:s2] =	stream.indirect.scatter.add.f32 @!p3 [tilespmem:s22], [sflag:$0x3], $0x80, s23, s10, $0xb8;
	[tilespmem:$0x1C880] =	vst v63  }
0x118: {  	s10 =	simm.s32 @!p3 $0x3  }
0x119: {  	p4 =	sgt.u32 @!p3 s18, $0x16;
	_ =	swait.ge @!p3 [sflag:s10], $0x2800  }
0x11a: {  	p4 =	por p4, p3;
	[sflag:s10] =	ssyncset.done @!p3 $0x0  }
0x11b: {  	s22 =	simm.s32 @!p4 $0x1800;
	[sflag:s10] =	ssyncadd.s32 @!p3 $0xFFFFD800;
	s10 =	simm.s32 @!p4 $0x50  }
0x11c: {  	[tilespmem:s22], [sflag:$0x1] =	stream.indirect.gather @!p4 [hbm4b:s1+s10], $0x80, s25, s10, $0xb8;
	[tilespmem:$0x1C880] =	vst v63  }
0x11d: {  	p4 =	seq.s32 @!p3 s9, $0x0  }
0x11e: {  	p3 =	por p3, !p4  }
.Ltmp13:
0x11f: {  	_ = 	snop;
	(pc) =	sbr.rel @!p3 .LBB2_6-.Ltmp13, $1  }
0x120: {  	_ =	sdelay $0x3  }
0x121: {  	_ =	swait.ge [sflag:s0], $0x2800  }
0x122: {  	[sflag:s0] =	ssyncset.done $0x0  }
0x123: {  	[sflag:s0] =	ssyncadd.s32 $0xFFFFD800  }
0x124: {  	[spmem:s2] =	stream.indirect.scatter.add.f32 [tilespmem:s31], [sflag:$0x3], $0x80, s23, s29, $0xb8;
	[tilespmem:$0x1C880] =	vst v63  }
.Ltmp14:
0x125: {  	_ = 	snop;
	(pc) =	sbr.rel .LBB2_6-.Ltmp14, $4  }
0x126: {  	_ =	swait.ge [sflag:s28], $0x2800  }
0x127: {  	p3 =	sgt.u32 s18, $0x16;
	[sflag:s28] =	ssyncset.done $0x0  }
0x128: {  	s9 =	simm.s32 @!p3 $0x50;
	s10 =	simm.s32 @!p3 $0x4000;
	[sflag:s28] =	ssyncadd.s32 $0xFFFFD800  }
0x129: {  	[tilespmem:s10], [sflag:$0x2] =	stream.indirect.gather @!p3 [hbm4b:s1+s9], $0x80, s25, s9, $0xb8;
	[tilespmem:$0x1C880] =	vst v63  }
.LBB2_15:
0x12a: {  	[bflag:$0x0] =	sbarrier.arrive $0xFFFF  }
0x12b: {  	[tilespmem:s26], [sflag:$0x3] =	stream.linear.gather [spmem:s11], $0x2800, $0x38;
	[tilespmem:$0x1C880] =	vst v63  }
0x12c: {  	_ =	swait.ge [sflag:s28], $0x2800  }
0x12d: {  	[sflag:s28] =	ssyncset.done $0x0  }
0x12e: {  	s9 =	rddreg [dreg:$0xa];
	[sflag:s28] =	ssyncadd.s32 $0xFFFFD800  }
0x12f: {  	[hbm4b:s9+s4] =	stream.linear.scatter [tilespmem:s26], [sflag:$0x3], $0x2800, $0x38;
	[tilespmem:$0x1C880] =	vst v63  }
0x130: {  	_ =	swait.ge [sflag:s28], $0x2800  }
0x131: {  	[sflag:s28] =	ssyncset.done $0x0  }
0x132: {  	[sflag:s28] =	ssyncadd.s32 $0xFFFFD800  }
0x133: {  	[tilespmem:s26], [sflag:$0x3] =	stream.linear.gather [spmem:s12], $0x2800, $0x38;
	[tilespmem:$0x1C880] =	vst v63  }
0x134: {  	_ =	swait.ge [sflag:s28], $0x2800  }
0x135: {  	[sflag:s28] =	ssyncset.done $0x0  }
0x136: {  	s18 =	rddreg [dreg:$0xe];
	[sflag:s28] =	ssyncadd.s32 $0xFFFFD800  }
0x137: {  	[hbm4b:s18+s4] =	stream.linear.scatter [tilespmem:s26], [sflag:$0x3], $0x2800, $0x38;
	[tilespmem:$0x1C880] =	vst v63  }
0x138: {  	_ =	swait.ge [sflag:s28], $0x2800  }
0x139: {  	[sflag:s28] =	ssyncset.done $0x0  }
0x13a: {  	[sflag:s28] =	ssyncadd.s32 $0xFFFFD800  }
0x13b: {  	[tilespmem:s26], [sflag:$0x3] =	stream.linear.gather [spmem:s13], $0x2800, $0x38;
	[tilespmem:$0x1C880] =	vst v63  }
0x13c: {  	_ =	swait.ge [sflag:s28], $0x2800  }
0x13d: {  	[sflag:s28] =	ssyncset.done $0x0  }
0x13e: {  	s20 =	rddreg [dreg:$0x12];
	[sflag:s28] =	ssyncadd.s32 $0xFFFFD800  }
0x13f: {  	[hbm4b:s20+s4] =	stream.linear.scatter [tilespmem:s26], [sflag:$0x3], $0x2800, $0x38;
	[tilespmem:$0x1C880] =	vst v63  }
0x140: {  	_ =	swait.ge [sflag:s28], $0x2800  }
0x141: {  	[sflag:s28] =	ssyncset.done $0x0  }
0x142: {  	[sflag:s28] =	ssyncadd.s32 $0xFFFFD800  }
0x143: {  	[tilespmem:s26], [sflag:$0x3] =	stream.linear.gather [spmem:s14], $0x2800, $0x38;
	[tilespmem:$0x1C880] =	vst v63  }
0x144: {  	_ =	swait.ge [sflag:s28], $0x2800  }
0x145: {  	[sflag:s28] =	ssyncset.done $0x0  }
0x146: {  	s21 =	rddreg [dreg:$0x16];
	[sflag:s28] =	ssyncadd.s32 $0xFFFFD800  }
0x147: {  	[hbm4b:s21+s4] =	stream.linear.scatter [tilespmem:s26], [sflag:$0x3], $0x2800, $0x38;
	[tilespmem:$0x1C880] =	vst v63  }
0x148: {  	_ =	swait.ge [sflag:s28], $0x2800  }
0x149: {  	[sflag:s28] =	ssyncset.done $0x0  }
0x14a: {  	[sflag:s28] =	ssyncadd.s32 $0xFFFFD800  }
0x14b: {  	[tilespmem:s26], [sflag:$0x3] =	stream.linear.gather [spmem:s15], $0x2800, $0x38;
	[tilespmem:$0x1C880] =	vst v63  }
0x14c: {  	_ =	swait.ge [sflag:s28], $0x2800  }
0x14d: {  	[sflag:s28] =	ssyncset.done $0x0  }
0x14e: {  	s22 =	rddreg [dreg:$0x1a];
	[sflag:s28] =	ssyncadd.s32 $0xFFFFD800  }
0x14f: {  	[hbm4b:s22+s4] =	stream.linear.scatter [tilespmem:s26], [sflag:$0x3], $0x2800, $0x38;
	[tilespmem:$0x1C880] =	vst v63  }
0x150: {  	_ =	swait.ge [sflag:s28], $0x2800  }
0x151: {  	[sflag:s28] =	ssyncset.done $0x0  }
0x152: {  	[sflag:s28] =	ssyncadd.s32 $0xFFFFD800  }
0x153: {  	[tilespmem:s26], [sflag:$0x3] =	stream.linear.gather [spmem:s16], $0x2800, $0x38;
	[tilespmem:$0x1C880] =	vst v63  }
0x154: {  	_ =	swait.ge [sflag:s28], $0x2800  }
0x155: {  	[sflag:s28] =	ssyncset.done $0x0  }
0x156: {  	s23 =	rddreg [dreg:$0x1e];
	[sflag:s28] =	ssyncadd.s32 $0xFFFFD800  }
0x157: {  	[hbm4b:s23+s4] =	stream.linear.scatter [tilespmem:s26], [sflag:$0x3], $0x2800, $0x38;
	[tilespmem:$0x1C880] =	vst v63  }
0x158: {  	_ =	swait.ge [sflag:s28], $0x2800  }
0x159: {  	[sflag:s28] =	ssyncset.done $0x0  }
0x15a: {  	[sflag:s28] =	ssyncadd.s32 $0xFFFFD800  }
0x15b: {  	[tilespmem:s26], [sflag:$0x3] =	stream.linear.gather [spmem:s17], $0x2800, $0x38;
	[tilespmem:$0x1C880] =	vst v63  }
0x15c: {  	_ =	swait.ge [sflag:s28], $0x2800  }
0x15d: {  	s25 =	sld [smem:$0x7FA]  }
0x15e: {  	[sflag:s28] =	ssyncset.done $0x0  }
0x15f: {  	[sflag:s28] =	ssyncadd.s32 $0xFFFFD800  }
0x160: {  	[hbm4b:s25+s4] =	stream.linear.scatter [tilespmem:s26], [sflag:$0x3], $0x2800, $0x38;
	[tilespmem:$0x1C880] =	vst v63  }
.Ltmp15:
0x161: {  	_ = 	snop;
	(pc) =	sbr.rel @p1 .LBB2_17-.Ltmp15, $4  }
.Ltmp16:
0x162: {  	_ = 	snop;
	(pc) =	sbr.rel @!p1 .LBB2_16-.Ltmp16, $4  }
0x163: {  	_ =	swait.ge [sflag:s28], $0x2800  }
0x164: {  	[sflag:s28] =	ssyncset.done $0x0  }
0x165: {  	s18 =	rddreg [dreg:$0x5];
	[sflag:s28] =	ssyncadd.s32 $0xFFFFD800  }
0x166: {  	_ = 	snop  }
.LBB2_8:
0x167: {  	[bflag:$0x0] =	sbarrier.arrive $0xFFFF  }
0x168: {  	[tilespmem:s26], [sflag:$0x3] =	stream.linear.gather [spmem:s11], $0x2800, $0x38;
	[tilespmem:$0x1C880] =	vst v63  }
0x169: {  	_ =	swait.ge [sflag:s28], $0x2800  }
0x16a: {  	[sflag:s28] =	ssyncset.done $0x0  }
0x16b: {  	s9 =	rddreg [dreg:$0x8];
	[sflag:s28] =	ssyncadd.s32 $0xFFFFD800  }
0x16c: {  	[hbm4b:s9+s4] =	stream.linear.scatter [tilespmem:s26], [sflag:$0x3], $0x2800, $0x38;
	[tilespmem:$0x1C880] =	vst v63  }
0x16d: {  	_ =	swait.ge [sflag:s28], $0x2800  }
0x16e: {  	[sflag:s28] =	ssyncset.done $0x0  }
0x16f: {  	[sflag:s28] =	ssyncadd.s32 $0xFFFFD800  }
0x170: {  	[tilespmem:s26], [sflag:$0x3] =	stream.linear.gather [spmem:s12], $0x2800, $0x38;
	[tilespmem:$0x1C880] =	vst v63  }
0x171: {  	_ =	swait.ge [sflag:s28], $0x2800  }
0x172: {  	[sflag:s28] =	ssyncset.done $0x0  }
0x173: {  	s18 =	rddreg [dreg:$0xc];
	[sflag:s28] =	ssyncadd.s32 $0xFFFFD800  }
0x174: {  	[hbm4b:s18+s4] =	stream.linear.scatter [tilespmem:s26], [sflag:$0x3], $0x2800, $0x38;
	[tilespmem:$0x1C880] =	vst v63  }
0x175: {  	_ =	swait.ge [sflag:s28], $0x2800  }
0x176: {  	[sflag:s28] =	ssyncset.done $0x0  }
0x177: {  	[sflag:s28] =	ssyncadd.s32 $0xFFFFD800  }
0x178: {  	[tilespmem:s26], [sflag:$0x3] =	stream.linear.gather [spmem:s13], $0x2800, $0x38;
	[tilespmem:$0x1C880] =	vst v63  }
0x179: {  	_ =	swait.ge [sflag:s28], $0x2800  }
0x17a: {  	[sflag:s28] =	ssyncset.done $0x0  }
0x17b: {  	s20 =	rddreg [dreg:$0x10];
	[sflag:s28] =	ssyncadd.s32 $0xFFFFD800  }
0x17c: {  	[hbm4b:s20+s4] =	stream.linear.scatter [tilespmem:s26], [sflag:$0x3], $0x2800, $0x38;
	[tilespmem:$0x1C880] =	vst v63  }
0x17d: {  	_ =	swait.ge [sflag:s28], $0x2800  }
0x17e: {  	[sflag:s28] =	ssyncset.done $0x0  }
0x17f: {  	[sflag:s28] =	ssyncadd.s32 $0xFFFFD800  }
0x180: {  	[tilespmem:s26], [sflag:$0x3] =	stream.linear.gather [spmem:s14], $0x2800, $0x38;
	[tilespmem:$0x1C880] =	vst v63  }
0x181: {  	_ =	swait.ge [sflag:s28], $0x2800  }
0x182: {  	[sflag:s28] =	ssyncset.done $0x0  }
0x183: {  	s21 =	rddreg [dreg:$0x14];
	[sflag:s28] =	ssyncadd.s32 $0xFFFFD800  }
0x184: {  	[hbm4b:s21+s4] =	stream.linear.scatter [tilespmem:s26], [sflag:$0x3], $0x2800, $0x38;
	[tilespmem:$0x1C880] =	vst v63  }
0x185: {  	_ =	swait.ge [sflag:s28], $0x2800  }
0x186: {  	[sflag:s28] =	ssyncset.done $0x0  }
0x187: {  	[sflag:s28] =	ssyncadd.s32 $0xFFFFD800  }
0x188: {  	[tilespmem:s26], [sflag:$0x3] =	stream.linear.gather [spmem:s15], $0x2800, $0x38;
	[tilespmem:$0x1C880] =	vst v63  }
0x189: {  	_ =	swait.ge [sflag:s28], $0x2800  }
0x18a: {  	[sflag:s28] =	ssyncset.done $0x0  }
0x18b: {  	s22 =	rddreg [dreg:$0x18];
	[sflag:s28] =	ssyncadd.s32 $0xFFFFD800  }
0x18c: {  	[hbm4b:s22+s4] =	stream.linear.scatter [tilespmem:s26], [sflag:$0x3], $0x2800, $0x38;
	[tilespmem:$0x1C880] =	vst v63  }
0x18d: {  	_ =	swait.ge [sflag:s28], $0x2800  }
0x18e: {  	[sflag:s28] =	ssyncset.done $0x0  }
0x18f: {  	[sflag:s28] =	ssyncadd.s32 $0xFFFFD800  }
0x190: {  	[tilespmem:s26], [sflag:$0x3] =	stream.linear.gather [spmem:s16], $0x2800, $0x38;
	[tilespmem:$0x1C880] =	vst v63  }
0x191: {  	_ =	swait.ge [sflag:s28], $0x2800  }
0x192: {  	[sflag:s28] =	ssyncset.done $0x0  }
0x193: {  	s23 =	rddreg [dreg:$0x1c];
	[sflag:s28] =	ssyncadd.s32 $0xFFFFD800  }
0x194: {  	[hbm4b:s23+s4] =	stream.linear.scatter [tilespmem:s26], [sflag:$0x3], $0x2800, $0x38;
	[tilespmem:$0x1C880] =	vst v63  }
0x195: {  	_ =	swait.ge [sflag:s28], $0x2800  }
0x196: {  	[sflag:s28] =	ssyncset.done $0x0  }
0x197: {  	[sflag:s28] =	ssyncadd.s32 $0xFFFFD800  }
0x198: {  	[tilespmem:s26], [sflag:$0x3] =	stream.linear.gather [spmem:s17], $0x2800, $0x38;
	[tilespmem:$0x1C880] =	vst v63  }
0x199: {  	_ =	swait.ge [sflag:s28], $0x2800  }
0x19a: {  	s25 =	sld [smem:$0x7F8]  }
0x19b: {  	[sflag:s28] =	ssyncset.done $0x0  }
0x19c: {  	[sflag:s28] =	ssyncadd.s32 $0xFFFFD800  }
0x19d: {  	[hbm4b:s25+s4] =	stream.linear.scatter [tilespmem:s26], [sflag:$0x3], $0x2800, $0x38;
	[tilespmem:$0x1C880] =	vst v63  }
.Ltmp17:
0x19e: {  	_ = 	snop;
	(pc) =	sbr.rel @p2 .LBB2_16-.Ltmp17, $4  }
.Ltmp18:
0x19f: {  	_ = 	snop;
	(pc) =	sbr.rel @!p2 .LBB2_17-.Ltmp18, $4  }
0x1a0: {  	_ =	swait.ge [sflag:s28], $0x2800  }
0x1a1: {  	[sflag:s28] =	ssyncset.done $0x0  }
0x1a2: {  	s18 =	rddreg [dreg:$0x4];
	[sflag:s28] =	ssyncadd.s32 $0xFFFFD800  }
0x1a3: {  	_ = 	snop  }
.LBB2_18:
0x1a4: {  	_ =	sfence.sel $0x180000  }
0x1a5: {  	[bflag:$0x0] =	sbarrier.arrive $0xFFFF  }
0x1a6: {  	_ =	strace $0x9000004A  }
0x1a7: {  	s0 =	stileid.u32;
	[bflag:$0x2] =	sbarrier.arrive $0xFFFF  }
0x1a8: {  	p0 =	sne.s32 s0, $0x0;
	s0 =	rddreg [dreg:$0x3]  }
0x1a9: {  	s0 =	sadd.s32 @!p0 $0x100000, s0  }
0x1aa: {  	[sflag:s0] =	ssyncadd.tile.s32 @!p0 $0x1;
	_ =	shalt  }
.Lfunc_end2:
_tile_overlayer_lowered:
.L_overlay_start_2:
0x1ab: {  	(tag) =	ssettag $0x2  }
0x1ac: {  	s0 =	rddreg [dreg:$0x0];
	s2 =	stileid.u32  }
0x1ad: {  	s1 =	rddreg [dreg:$0x1];
	p0 =	sne.s32 s2, $0x0  }
0x1ae: {  	s3 =	rddreg [dreg:$0x2];
	[bflag:$0x3] =	sbarrier.arrive $0xFFFF;
	s2 =	simm.s32 @!p0 $0x1C03  }
0x1af: {  	[timem:s3], [sflag:s2] =	dma.local @!p0 [hbm:s0], s1  }
0x1b0: {  	s0 =	simm.s32 @!p0 $0x3  }
0x1b1: {  	_ =	swait.ge @!p0 [sflag:s0], s1  }
0x1b2: {  	s1 =	ssub.s32 @!p0 $0x0, s1;
	[sflag:s0] =	ssyncset.done @!p0 $0x0  }
0x1b3: {  	[sflag:s0] =	ssyncadd.s32 @!p0 s1  }
0x1b4: {  	[bflag:$0x3] =	sbarrier.arrive $0xFFFF  }
0x1b5: {  	_ =	shalt  }

// kernel: kernel.14.cloned.1.call-start
scs
__scs_entry_jumppad:
0x0: {  	(pc) =	sbr.rel $0x88, $3  }
0x1: {  	(tag) =	ssettag $0x0;
	lr =	simm.s32 $0x1  }
0x2: {  	[smem:$0x3F9B] =	sst lr;
	_ =	strace $0xD0000000  }
0x3: {  	_ = 	snop  }
0x4: {  	_ = 	snop  }
0x5: {  	_ = 	snop  }
0x6: {  	_ = 	snop  }
0x7: {  	_ = 	snop  }
__scs_overlays_trampoline_lowered:
0x8: {  	[smem:$0x3FAA] =	sst s0  }
0x9: {  	[smem:$0x3FAB] =	sst s1  }
0xa: {  	[smem:$0x3FAC] =	sst s2  }
0xb: {  	[smem:$0x3FAD] =	sst s3  }
0xc: {  	[smem:$0x3FAE] =	sst s4  }
0xd: {  	[smem:$0x3FAF] =	sst s5  }
0xe: {  	[smem:$0x3FB0] =	sst s6  }
0xf: {  	[smem:$0x3FB1] =	sst s7  }
0x10: {  	[smem:$0x3FB2] =	sst s8  }
0x11: {  	[smem:$0x3FB3] =	sst s9;
	s0 =	simm.s32 @!p0 $0x0  }
0x12: {  	s1 =	sld [smem:$0x3F99];
	s0 =	simm.s32 @p0 $0x1  }
0x13: {  	[smem:$0x3FB4] =	sst s0;
	s0 =	simm.s32 @!p1 $0x0  }
0x14: {  	s2 =	sld [smem:$0x3F98];
	s0 =	simm.s32 @p1 $0x1  }
0x15: {  	[smem:$0x3FB5] =	sst s0;
	s0 =	simm.s32 @!p2 $0x0  }
0x16: {  	s3 =	sld [smem:$0x3FDB];
	s0 =	simm.s32 @p2 $0x1  }
0x17: {  	s4 =	simm.s32 $0x1BF5;
	[smem:$0x3FB7] =	sst s0  }
0x18: {  	s0 =	sld [smem:$0x3F9A];
	_ =	swait.ge [sflag:s4], $0x0  }
0x19: {  	s7 =	sld [smem:$0x3F9B]  }
0x1a: {  	s8 =	sadd.s32 $0xFFFFE003, lr  }
0x1b: {  	s9 =	sadd.s32 $0xFFFFFEF7, lr;
	s5 =	simm.s32 $0xFFFFFFFF;
	p2 =	slt.u32 s8, $0xFFFFF086  }
0x1c: {  	p1 =	slt.u32 s9, $0xF7A;
	s5 =	simm.s32 @!p2 $0x0  }
0x1d: {  	s5 =	simm.s32 @p1 $0x1;
	p0 =	seq.s32 s7, s2  }
0x1e: {  	s7 =	smul.u32 @!p0 $0xF7A, s2;
	p2 =	seq.s32 @!p0 s5, $0x0  }
0x1f: {  	s9 =	smul.u32 $0xF7A, s1;
	s8 =	simm.s32 @!p0 $0x1BF5;
	p2 =	por !p2, p0  }
0x20: {  	[sflag:s8] =	ssyncset.s32 @!p0 $0xFFFFF086;
	s6 =	sadd.s32 @!p0 s3, s7;
	s7 =	simm.s32 @!p0 $0x108  }
0x21: {  	s3 =	sadd.s32 s3, s9;
	s6 =	sadd.s32 @!p0 $0x88, s6;
	s7 =	simm.s32 @p2 $0x1082  }
0x22: {  	[simem:s7], [sflag:s8] =	dma.local @!p0 [hbm:s6], $0xF7A  }
0x23: {  	s9 =	sor.u32 $0xD0000000, s2;
	s6 =	simm.s32 $0x108;
	_ =	swait.ge @!p0 [sflag:s8], $0x0  }
0x24: {  	s3 =	sadd.s32 $0x88, s3;
	s6 =	simm.s32 @!p1 $0x1082;
	[sflag:s4] =	ssyncset.s32 $0xFFFFF086  }
0x25: {  	[simem:s6], [sflag:s4] =	dma.local [hbm:s3], $0xF7A  }
0x26: {  	[smem:$0x3F9B] =	sst s1;
	(tag) =	ssettag s2;
	_ =	strace s9  }
0x27: {  	s1 =	sld [smem:$0x3FAB]  }
0x28: {  	s2 =	sld [smem:$0x3FAC]  }
0x29: {  	s4 =	sld [smem:$0x3FAE]  }
0x2a: {  	p0 =	seq.s32 s5, $0x0;
	s5 =	sld [smem:$0x3FAF]  }
0x2b: {  	s6 =	sld [smem:$0x3FB0]  }
0x2c: {  	s7 =	sld [smem:$0x3FB1]  }
0x2d: {  	s3 =	simm.s32 $0x108;
	s8 =	sld [smem:$0x3FB2]  }
0x2e: {  	s3 =	simm.s32 @!p0 $0x1082;
	s9 =	sld [smem:$0x3FB3]  }
0x2f: {  	lr =	sadd.s32 s0, s3;
	s0 =	sld [smem:$0x3FAA]  }
0x30: {  	s3 =	sld [smem:$0x3FAD]  }
0x31: {  	[smem:$0x3FB6] =	sst s10  }
0x32: {  	s10 =	sld [smem:$0x3FB4];
	_ =	sdelay $0x3  }
0x33: {  	p0 =	seq.s32 s10, $0x1;
	s10 =	sld [smem:$0x3FB6];
	_ =	sdelay $0x3  }
0x34: {  	[smem:$0x3FB6] =	sst s10  }
0x35: {  	s10 =	sld [smem:$0x3FB5];
	_ =	sdelay $0x3  }
0x36: {  	p1 =	seq.s32 s10, $0x1;
	s10 =	sld [smem:$0x3FB6];
	_ =	sdelay $0x3  }
0x37: {  	[smem:$0x3FB6] =	sst s10  }
0x38: {  	s10 =	sld [smem:$0x3FB7]  }
0x39: {  	_ = 	snop;
	(pc) =	sbr.ind lr, $3  }
0x3a: {  	_ = 	snop  }
0x3b: {  	_ = 	snop  }
0x3c: {  	p2 =	seq.s32 s10, $0x1;
	s10 =	sld [smem:$0x3FB6]  }
0x3d: {  	_ =	shalt  }
0x3e: {  	_ =	shalt  }
0x3f: {  	_ =	shalt  }
0x40: {  	_ =	shalt  }
0x41: {  	_ =	shalt  }
0x42: {  	_ =	shalt  }
0x43: {  	_ =	shalt  }
0x44: {  	_ =	shalt  }
0x45: {  	_ =	shalt  }
0x46: {  	_ =	shalt  }
0x47: {  	_ =	shalt  }
0x48: {  	_ =	shalt  }
0x49: {  	_ =	shalt  }
0x4a: {  	_ =	shalt  }
0x4b: {  	_ =	shalt  }
0x4c: {  	_ =	shalt  }
0x4d: {  	_ =	shalt  }
0x4e: {  	_ =	shalt  }
0x4f: {  	_ =	shalt  }
0x50: {  	_ =	shalt  }
0x51: {  	_ =	shalt  }
0x52: {  	_ =	shalt  }
0x53: {  	_ =	shalt  }
0x54: {  	_ =	shalt  }
0x55: {  	_ =	shalt  }
0x56: {  	_ =	shalt  }
0x57: {  	_ =	shalt  }
0x58: {  	_ =	shalt  }
0x59: {  	_ =	shalt  }
0x5a: {  	_ =	shalt  }
0x5b: {  	_ =	shalt  }
0x5c: {  	_ =	shalt  }
0x5d: {  	_ =	shalt  }
0x5e: {  	_ =	shalt  }
0x5f: {  	_ =	shalt  }
0x60: {  	_ =	shalt  }
0x61: {  	_ =	shalt  }
0x62: {  	_ =	shalt  }
0x63: {  	_ =	shalt  }
0x64: {  	_ =	shalt  }
0x65: {  	_ =	shalt  }
0x66: {  	_ =	shalt  }
0x67: {  	_ =	shalt  }
0x68: {  	_ =	shalt  }
0x69: {  	_ =	shalt  }
0x6a: {  	_ =	shalt  }
0x6b: {  	_ =	shalt  }
0x6c: {  	_ =	shalt  }
0x6d: {  	_ =	shalt  }
0x6e: {  	_ =	shalt  }
0x6f: {  	_ =	shalt  }
0x70: {  	_ =	shalt  }
0x71: {  	_ =	shalt  }
0x72: {  	_ =	shalt  }
0x73: {  	_ =	shalt  }
0x74: {  	_ =	shalt  }
0x75: {  	_ =	shalt  }
0x76: {  	_ =	shalt  }
0x77: {  	_ =	shalt  }
0x78: {  	_ =	shalt  }
0x79: {  	_ =	shalt  }
0x7a: {  	_ =	shalt  }
0x7b: {  	_ =	shalt  }
0x7c: {  	_ =	shalt  }
0x7d: {  	_ =	shalt  }
0x7e: {  	_ =	shalt  }
0x7f: {  	_ =	shalt  }
0x80: {  	_ =	shalt  }
0x81: {  	_ =	shalt  }
0x82: {  	_ =	shalt  }
0x83: {  	_ =	shalt  }
0x84: {  	_ =	shalt  }
0x85: {  	_ =	shalt  }
0x86: {  	_ =	shalt  }
0x87: {  	_ =	shalt  }
.Lfunc_end0:
.L_simem_size_0:
called_computation.2_lowered:
.L_overlay_start_0:
0x88: {  	s2 =	sld [smem:$0x3FD9]  }
0x89: {  	s3 =	sld [smem:$0x3FFE];
	_ =	sdelay $0x1  }
0x8a: {  	s1 =	srdreg.scid  }
0x8b: {  	s0 =	sand.u32 $0x1, s1  }
0x8c: {  	s17 =	sshll.u32 s0, $0xA;
	s2 =	sadd.s32 s3, s2  }
0x8d: {  	s2 =	sadd.s32 s2, s17  }
0x8e: {  	[smem:$0x3FC2] =	sst s2  }
0x8f: {  	_ = 	snop  }
0x90: {  	s2 =	sld [smem:$0x3FD0];
	(tm) =	ssettm $0x1  }
0x91: {  	s18 =	sld [smem:$0x3FFB];
	_ =	sdelay $0x3  }
0x92: {  	_ =	strace s18  }
0x93: {  	s3 =	sld [smem:$0x3FFC];
	_ =	sdelay $0x3  }
0x94: {  	_ =	strace s3  }
0x95: {  	s3 =	sld [smem:$0x3FFD];
	_ =	sdelay $0x3  }
0x96: {  	_ =	strace s3  }
0x97: {  	_ =	strace $0x8FFFFFFF  }
0x98: {  	s19 =	sld [smem:$0x3FDB];
	_ =	sdelay $0x1  }
0x99: {  	s4 =	simm.s32 $_scs_section_size  }
0x9a: {  	s5 =	simm.s32 $_size__tile_overlayer_lowered;
	s6 =	simm.s32 $_tile_overlayer_lowered  }
0x9b: {  	s22 =	simm.s32 $0x1BFF;
	s21 =	sshll.u32 s6, $0x1;
	s3 =	sadd.s32 s4, s19  }
0x9c: {  	s7 =	simm.s32 $0x0;
	s20 =	sshll.u32 s5, $0x1;
	s5 =	sadd.s32 s21, s3  }
0x9d: {  	[timem:s7], [sflag:s22] =	dma.local [hbm:s5], s20  }
0x9e: {  	_ =	swait.ge [sflag:s22], s20  }
0x9f: {  	s4 =	ssub.s32 $0x0, s20;
	[sflag:s22] =	ssyncset.done $0x0  }
0xa0: {  	[sflag:s22] =	ssyncadd.s32 s4;
	_ =	sdelay $0x1  }
0xa1: {  	s23 =	simm.s32 $0x1B8B  }
0xa2: {  	_ =	swait.ge [sflag:s23], $0x1  }
0xa3: {  	[sflag:s23] =	ssyncset.done $0x0  }
0xa4: {  	s25 =	simm.s32 $0x1B8E;
	s24 =	sld [smem:$0x3FFE];
	[sflag:s23] =	ssyncadd.s32 $0xFFFFFFFF  }
0xa5: {  	s26 =	simm.s32 $execute0_lowered;
	[smem:$0x3FD2] =	sst s25  }
0xa6: {  	s5 =	sshll.u32 s26, $0x1;
	_ =	strace $0x8000004C;
	[dreg:$0x1] =	wrdreg $0xFFFFFFFF  }
0xa7: {  	s28 =	simm.s32 $_size_execute0_lowered;
	s3 =	sadd.s32 s3, s5;
	[dreg:$0x0] =	wrdreg $0x0  }
0xa8: {  	s5 =	sshll.u32 s28, $0x1;
	[dreg:$0x2] =	wrdreg s3  }
0xa9: {  	[dreg:$0x3] =	wrdreg s5  }
0xaa: {  	[dreg:$0x4] =	wrdreg $0xC0  }
0xab: {  	_ =	task [dreg:s7], $0x5FFFF  }
0xac: {  	[dreg:$0x1] =	wrdreg $0xFFFFFFFF  }
0xad: {  	[dreg:$0x0] =	wrdreg $0x60  }
0xae: {  	[dreg:$0x2] =	wrdreg s2  }
0xaf: {  	[dreg:$0x3] =	wrdreg s24  }
0xb0: {  	[dreg:$0x4] =	wrdreg $0x90000  }
0xb1: {  	[dreg:$0x5] =	wrdreg $0x9  }
0xb2: {  	_ =	task.clear_ibuf [dreg:s7], $0x6FFFF;
	_ =	strace $0x9000004C  }
0xb3: {  	s29 =	simm.s32 $0x9;
	_ =	strace $0x8000004E  }
0xb4: {  	_ =	swait.ge [sflag:s29], $0x1  }
0xb5: {  	[sflag:s29] =	ssyncadd.s32 $0xFFFFFFFF  }
0xb6: {  	_ =	strace $0x9000004E  }
0xb7: {  	_ =	sfence  }
0xb8: {  	s30 =	sld [smem:$0x0];
	_ =	sdelay $0x2  }
0xb9: {  	s31 =	sshll.u32 s1, $0xD;
	s1 =	sshrl.u32 s1, $0x2  }
0xba: {  	s3 =	sand.u32 $0x4000, s31;
	s1 =	sadd.s32 s1, s30  }
0xbb: {  	s0 =	sor.u32 s3, s0;
	s1 =	sshll.u32 s1, $0x11  }
0xbc: {  	s0 =	sor.u32 s1, s0  }
0xbd: {  	s0 =	sadd.s32 $0x8F2B, s0  }
0xbe: {  	[sflag:s0] =	ssyncadd.remote.s32 $0x1  }
0xbf: {  	_ =	sfence.sel $0xFFFF  }
0xc0: {  	[dreg:$0x0] =	wrdreg $0xFFFFFFFF;
	(pc) =	sbr.abs _section_cstart, $3  }
0xc1: {  	[dreg:$0x1] =	wrdreg $0xFFFFFFFF  }
0xc2: {  	_ =	task.clear_ibuf [dreg:s7], $0x2FFFF;
	_ =	strace $0x9FFFFFFF  }
0xc3: {  	(tm) =	ssettm $0x7FFFFFFF  }
tec
execute0_lowered:
.L_overlay_start_1:
0x0: {  	(tag) =	ssettag $0x1  }
0x1: {  	s1 =	rddreg [dreg:$0x0]  }
0x2: {  	s0 =	rddreg [dreg:$0x1]  }
0x3: {  	s3 =	rddreg [dreg:$0x2];
	s26 =	stileid.u32  }
0x4: {  	s4 =	simm.s32 $0x0;
	s8 =	srdreg.scid;
	s2 =	smul.u32 $0x500, s26  }
0x5: {  	[smem:$0x7FF] =	sst s4;
	s5 =	smul.u32 $0xA000, s26;
	s7 =	sor.u32 $0x10, s26  }
0x6: {  	s6 =	sadd.s32 $0x3400, s0;
	s16 =	sand.u32 $0x1, s8;
	s15 =	smul.u32 $0x500, s7  }
0x7: {  	s9 =	sor.u32 $0x20, s26;
	s14 =	sor.u32 $0x30, s26;
	s13 =	smul.u32 $0xA000, s7  }
0x8: {  	s24 =	sor.u32 $0x50, s26;
	s29 =	sor.u32 $0x60, s26;
	s17 =	smul.u32 $0x500, s9  }
0x9: {  	s30 =	sor.u32 $0x70, s26;
	_ =	strace $0x8000004D;
	s12 =	smul.u32 $0xA000, s9  }
0xa: {  	s7 =	sadd.s32 $0xD200, s0;
	s10 =	ssub.s32 $0x2, s16;
	s19 =	smul.u32 $0x500, s14  }
0xb: {  	s28 =	smul.u32 $0xA000, s24;
	p0 =	seq.s32 s16, $0x1;
	s20 =	sshrl.u32 s5, $0x2  }
0xc: {  	s21 =	sshrl.u32 s13, $0x2;
	s13 =	smul.u32 $0xA000, s14;
	s14 =	sor.u32 $0x40, s26  }
0xd: {  	s11 =	sshrl.u32 s10, $0x1;
	s8 =	sadd.s32 s20, s3;
	s20 =	smul.u32 $0x500, s14  }
0xe: {  	s18 =	ssub.s32 s10, s11;
	s22 =	sshrl.u32 s12, $0x2;
	s23 =	smul.u32 $0xA000, s14  }
0xf: {  	s9 =	sadd.s32 s21, s3;
	s10 =	sadd.s32 s22, s3;
	s21 =	smul.u32 $0x500, s24  }
0x10: {  	s22 =	simm.s32 $0x6F600;
	s24 =	smul.u32 $0x500, s29;
	s25 =	sshrl.u32 s13, $0x2  }
0x11: {  	s22 =	simm.s32 @!p0 $0x48400;
	s13 =	sshrl.u32 s28, $0x2;
	s11 =	sadd.s32 s25, s3  }
0x12: {  	s12 =	sshrl.u32 s23, $0x2;
	s23 =	smul.u32 $0xA000, s29;
	s25 =	sadd.s32 s1, s2  }
0x13: {  	s0 =	sadd.s32 s22, s0;
	s29 =	sadd.s32 s1, s17;
	[dreg:$0x4] =	wrdreg s25  }
0x14: {  	p0 =	sgt.u32 s26, $0xC;
	s2 =	sadd.s32 s0, s2;
	[dreg:$0x8] =	wrdreg s29  }
0x15: {  	s13 =	sadd.s32 s13, s3;
	s25 =	sadd.s32 s1, s15;
	[dreg:$0x5] =	wrdreg s2  }
0x16: {  	s22 =	smul.u32 $0xA000, s30;
	s28 =	sadd.s32 s0, s15;
	[dreg:$0x6] =	wrdreg s25  }
0x17: {  	s15 =	sadd.s32 s0, s19;
	s31 =	sshrl.u32 s23, $0x2;
	[dreg:$0x7] =	wrdreg s28  }
0x18: {  	s23 =	smul.u32 $0x500, s30;
	s30 =	sadd.s32 s0, s17;
	[dreg:$0xb] =	wrdreg s15  }
0x19: {  	s12 =	sadd.s32 s12, s3;
	s17 =	sadd.s32 s1, s20;
	[dreg:$0x9] =	wrdreg s30  }
0x1a: {  	s25 =	sadd.s32 s1, s24;
	s28 =	sadd.s32 s0, s24;
	[dreg:$0xc] =	wrdreg s17  }
0x1b: {  	s24 =	simm.s32 $0x0;
	s14 =	sadd.s32 s31, s3;
	[dreg:$0x10] =	wrdreg s25  }
0x1c: {  	s31 =	sadd.s32 s1, s19;
	s19 =	sadd.s32 s0, s20;
	[dreg:$0x11] =	wrdreg s28  }
0x1d: {  	s20 =	sadd.s32 s1, s21;
	s21 =	sadd.s32 s0, s21;
	[dreg:$0xa] =	wrdreg s31  }
0x1e: {  	s30 =	sshrl.u32 s22, $0x2;
	s25 =	smul.u32 $0x5, s16;
	[dreg:$0xd] =	wrdreg s19  }
0x1f: {  	s16 =	smul.u32 $0x4E20, s26;
	s22 =	simm.s32 $0x4000;
	[dreg:$0xe] =	wrdreg s20  }
.Ltmp0:
0x20: {  	[dreg:$0xf] =	wrdreg s21;
	s0 =	sadd.s32 s0, s23;
	(pc) =	sbr.rel .LBB2_1-.Ltmp0, $4  }
0x21: {  	s29 =	sadd.s32 s1, s23;
	s2 =	sadd.s32 s30, s3;
	s31 =	smax.u32 s18, $0x1  }
0x22: {  	s18 =	simm.s32 $0x6800;
	s19 =	simm.s32 $0x3;
	[dreg:$0x12] =	wrdreg s0  }
0x23: {  	s20 =	simm.s32 $0x50;
	s21 =	simm.s32 $0x1800;
	[dreg:$0x13] =	wrdreg s29  }
0x24: {  	s23 =	simm.s32 $0x2;
	[dreg:$0x14] =	wrdreg s31;
	s17 =	sadd.s32 $0x4, s25  }
.LBB2_7:
0x25: {  	[bflag:$0x0] =	sbarrier.arrive $0xFFFF  }
0x26: {  	[tilespmem:s18], [sflag:$0x3] =	stream.linear.gather [spmem:s8], $0x2800, $0x38;
	[tilespmem:$0x1C880] =	vst v63  }
0x27: {  	_ =	swait.ge [sflag:s19], $0x2800  }
0x28: {  	[sflag:s19] =	ssyncset.done $0x0  }
0x29: {  	s0 =	rddreg [dreg:$0x5];
	[sflag:s19] =	ssyncadd.s32 $0xFFFFD800  }
0x2a: {  	[hbm4b:s0+s4] =	stream.linear.scatter [tilespmem:s18], [sflag:$0x3], $0x2800, $0x38;
	[tilespmem:$0x1C880] =	vst v63  }
0x2b: {  	_ =	swait.ge [sflag:s19], $0x2800  }
0x2c: {  	[sflag:s19] =	ssyncset.done $0x0  }
0x2d: {  	[sflag:s19] =	ssyncadd.s32 $0xFFFFD800  }
0x2e: {  	[tilespmem:s18], [sflag:$0x3] =	stream.linear.gather [spmem:s9], $0x2800, $0x38;
	[tilespmem:$0x1C880] =	vst v63  }
0x2f: {  	_ =	swait.ge [sflag:s19], $0x2800  }
0x30: {  	[sflag:s19] =	ssyncset.done $0x0  }
0x31: {  	s31 =	rddreg [dreg:$0x7];
	[sflag:s19] =	ssyncadd.s32 $0xFFFFD800  }
0x32: {  	[hbm4b:s31+s4] =	stream.linear.scatter [tilespmem:s18], [sflag:$0x3], $0x2800, $0x38;
	[tilespmem:$0x1C880] =	vst v63  }
0x33: {  	_ =	swait.ge [sflag:s19], $0x2800  }
0x34: {  	[sflag:s19] =	ssyncset.done $0x0  }
0x35: {  	[sflag:s19] =	ssyncadd.s32 $0xFFFFD800  }
0x36: {  	[tilespmem:s18], [sflag:$0x3] =	stream.linear.gather [spmem:s10], $0x2800, $0x38;
	[tilespmem:$0x1C880] =	vst v63  }
0x37: {  	_ =	swait.ge [sflag:s19], $0x2800  }
0x38: {  	[sflag:s19] =	ssyncset.done $0x0  }
0x39: {  	s15 =	rddreg [dreg:$0x9];
	[sflag:s19] =	ssyncadd.s32 $0xFFFFD800  }
0x3a: {  	[hbm4b:s15+s4] =	stream.linear.scatter [tilespmem:s18], [sflag:$0x3], $0x2800, $0x38;
	[tilespmem:$0x1C880] =	vst v63  }
0x3b: {  	_ =	swait.ge [sflag:s19], $0x2800  }
0x3c: {  	[sflag:s19] =	ssyncset.done $0x0  }
0x3d: {  	[sflag:s19] =	ssyncadd.s32 $0xFFFFD800  }
0x3e: {  	[tilespmem:s18], [sflag:$0x3] =	stream.linear.gather [spmem:s11], $0x2800, $0x38;
	[tilespmem:$0x1C880] =	vst v63  }
0x3f: {  	_ =	swait.ge [sflag:s19], $0x2800  }
0x40: {  	[sflag:s19] =	ssyncset.done $0x0  }
0x41: {  	s26 =	rddreg [dreg:$0xb];
	[sflag:s19] =	ssyncadd.s32 $0xFFFFD800  }
0x42: {  	[hbm4b:s26+s4] =	stream.linear.scatter [tilespmem:s18], [sflag:$0x3], $0x2800, $0x38;
	[tilespmem:$0x1C880] =	vst v63  }
0x43: {  	_ =	swait.ge [sflag:s19], $0x2800  }
0x44: {  	[sflag:s19] =	ssyncset.done $0x0  }
0x45: {  	[sflag:s19] =	ssyncadd.s32 $0xFFFFD800  }
0x46: {  	[tilespmem:s18], [sflag:$0x3] =	stream.linear.gather [spmem:s12], $0x2800, $0x38;
	[tilespmem:$0x1C880] =	vst v63  }
0x47: {  	_ =	swait.ge [sflag:s19], $0x2800  }
0x48: {  	[sflag:s19] =	ssyncset.done $0x0  }
0x49: {  	s28 =	rddreg [dreg:$0xd];
	[sflag:s19] =	ssyncadd.s32 $0xFFFFD800  }
0x4a: {  	[hbm4b:s28+s4] =	stream.linear.scatter [tilespmem:s18], [sflag:$0x3], $0x2800, $0x38;
	[tilespmem:$0x1C880] =	vst v63  }
0x4b: {  	_ =	swait.ge [sflag:s19], $0x2800  }
0x4c: {  	[sflag:s19] =	ssyncset.done $0x0  }
0x4d: {  	[sflag:s19] =	ssyncadd.s32 $0xFFFFD800  }
0x4e: {  	[tilespmem:s18], [sflag:$0x3] =	stream.linear.gather [spmem:s13], $0x2800, $0x38;
	[tilespmem:$0x1C880] =	vst v63  }
0x4f: {  	_ =	swait.ge [sflag:s19], $0x2800  }
0x50: {  	[sflag:s19] =	ssyncset.done $0x0  }
0x51: {  	s29 =	rddreg [dreg:$0xf];
	[sflag:s19] =	ssyncadd.s32 $0xFFFFD800  }
0x52: {  	[hbm4b:s29+s4] =	stream.linear.scatter [tilespmem:s18], [sflag:$0x3], $0x2800, $0x38;
	[tilespmem:$0x1C880] =	vst v63  }
0x53: {  	_ =	swait.ge [sflag:s19], $0x2800  }
0x54: {  	[sflag:s19] =	ssyncset.done $0x0  }
0x55: {  	[sflag:s19] =	ssyncadd.s32 $0xFFFFD800  }
0x56: {  	[tilespmem:s18], [sflag:$0x3] =	stream.linear.gather [spmem:s14], $0x2800, $0x38;
	[tilespmem:$0x1C880] =	vst v63  }
0x57: {  	_ =	swait.ge [sflag:s19], $0x2800  }
0x58: {  	[sflag:s19] =	ssyncset.done $0x0  }
0x59: {  	s30 =	rddreg [dreg:$0x11];
	[sflag:s19] =	ssyncadd.s32 $0xFFFFD800  }
0x5a: {  	[hbm4b:s30+s4] =	stream.linear.scatter [tilespmem:s18], [sflag:$0x3], $0x2800, $0x38;
	[tilespmem:$0x1C880] =	vst v63  }
0x5b: {  	_ =	swait.ge [sflag:s19], $0x2800  }
0x5c: {  	[sflag:s19] =	ssyncset.done $0x0  }
0x5d: {  	s0 =	simm.s32 @!p0 $0x6800;
	s15 =	simm.s32 @!p0 $0x3;
	[sflag:s19] =	ssyncadd.s32 $0xFFFFD800  }
0x5e: {  	[tilespmem:s0], [sflag:$0x3] =	stream.linear.gather @!p0 [spmem:s2], $0x2800, $0x38;
	[tilespmem:$0x1C880] =	vst v63  }
0x5f: {  	_ =	swait.ge @!p0 [sflag:s15], $0x2800  }
0x60: {  	[sflag:s15] =	ssyncset.done @!p0 $0x0  }
0x61: {  	s26 =	simm.s32 @!p0 $0x0;
	s28 =	rddreg [dreg:$0x12];
	[sflag:s15] =	ssyncadd.s32 @!p0 $0xFFFFD800  }
0x62: {  	[hbm4b:s28+s26] =	stream.linear.scatter @!p0 [tilespmem:s0], [sflag:$0x3], $0x2800, $0x38;
	[tilespmem:$0x1C880] =	vst v63  }
0x63: {  	_ =	swait.ge @!p0 [sflag:s15], $0x2800  }
0x64: {  	s24 =	sadd.s32 $0x1, s24;
	s31 =	rddreg [dreg:$0x14]  }
0x65: {  	p1 =	sne.s32 s24, s31  }
.Ltmp1:
0x66: {  	_ = 	snop;
	(pc) =	sbr.rel @!p1 .LBB2_8-.Ltmp1, $3  }
0x67: {  	_ =	sdelay $0x1  }
0x68: {  	[sflag:s15] =	ssyncset.done @!p0 $0x0  }
0x69: {  	[sflag:s15] =	ssyncadd.s32 @!p0 $0xFFFFD800  }
.LBB2_1:
0x6a: {  	s0 =	rddreg [dreg:$0x4]  }
0x6b: {  	[tilespmem:s18], [sflag:$0x3] =	stream.linear.gather [hbm4b:s0+s4], $0x2800, $0x38;
	[tilespmem:$0x1C880] =	vst v63  }
0x6c: {  	_ =	swait.ge [sflag:s19], $0x2800  }
0x6d: {  	[sflag:s19] =	ssyncset.done $0x0  }
0x6e: {  	[sflag:s19] =	ssyncadd.s32 $0xFFFFD800  }
0x6f: {  	[spmem:s8] =	stream.linear.scatter [tilespmem:s18], [sflag:$0x3], $0x2800, $0x38;
	[tilespmem:$0x1C880] =	vst v63  }
0x70: {  	_ =	swait.ge [sflag:s19], $0x2800  }
0x71: {  	[sflag:s19] =	ssyncset.done $0x0  }
0x72: {  	s15 =	rddreg [dreg:$0x6];
	[sflag:s19] =	ssyncadd.s32 $0xFFFFD800  }
0x73: {  	[tilespmem:s18], [sflag:$0x3] =	stream.linear.gather [hbm4b:s15+s4], $0x2800, $0x38;
	[tilespmem:$0x1C880] =	vst v63  }
0x74: {  	_ =	swait.ge [sflag:s19], $0x2800  }
0x75: {  	[sflag:s19] =	ssyncset.done $0x0  }
0x76: {  	[sflag:s19] =	ssyncadd.s32 $0xFFFFD800  }
0x77: {  	[spmem:s9] =	stream.linear.scatter [tilespmem:s18], [sflag:$0x3], $0x2800, $0x38;
	[tilespmem:$0x1C880] =	vst v63  }
0x78: {  	_ =	swait.ge [sflag:s19], $0x2800  }
0x79: {  	[sflag:s19] =	ssyncset.done $0x0  }
0x7a: {  	s26 =	rddreg [dreg:$0x8];
	[sflag:s19] =	ssyncadd.s32 $0xFFFFD800  }
0x7b: {  	[tilespmem:s18], [sflag:$0x3] =	stream.linear.gather [hbm4b:s26+s4], $0x2800, $0x38;
	[tilespmem:$0x1C880] =	vst v63  }
0x7c: {  	_ =	swait.ge [sflag:s19], $0x2800  }
0x7d: {  	[sflag:s19] =	ssyncset.done $0x0  }
0x7e: {  	[sflag:s19] =	ssyncadd.s32 $0xFFFFD800  }
0x7f: {  	[spmem:s10] =	stream.linear.scatter [tilespmem:s18], [sflag:$0x3], $0x2800, $0x38;
	[tilespmem:$0x1C880] =	vst v63  }
0x80: {  	_ =	swait.ge [sflag:s19], $0x2800  }
0x81: {  	[sflag:s19] =	ssyncset.done $0x0  }
0x82: {  	s28 =	rddreg [dreg:$0xa];
	[sflag:s19] =	ssyncadd.s32 $0xFFFFD800  }
0x83: {  	[tilespmem:s18], [sflag:$0x3] =	stream.linear.gather [hbm4b:s28+s4], $0x2800, $0x38;
	[tilespmem:$0x1C880] =	vst v63  }
0x84: {  	_ =	swait.ge [sflag:s19], $0x2800  }
0x85: {  	[sflag:s19] =	ssyncset.done $0x0  }
0x86: {  	[sflag:s19] =	ssyncadd.s32 $0xFFFFD800  }
0x87: {  	[spmem:s11] =	stream.linear.scatter [tilespmem:s18], [sflag:$0x3], $0x2800, $0x38;
	[tilespmem:$0x1C880] =	vst v63  }
0x88: {  	_ =	swait.ge [sflag:s19], $0x2800  }
0x89: {  	[sflag:s19] =	ssyncset.done $0x0  }
0x8a: {  	s29 =	rddreg [dreg:$0xc];
	[sflag:s19] =	ssyncadd.s32 $0xFFFFD800  }
0x8b: {  	[tilespmem:s18], [sflag:$0x3] =	stream.linear.gather [hbm4b:s29+s4], $0x2800, $0x38;
	[tilespmem:$0x1C880] =	vst v63  }
0x8c: {  	_ =	swait.ge [sflag:s19], $0x2800  }
0x8d: {  	[sflag:s19] =	ssyncset.done $0x0  }
0x8e: {  	[sflag:s19] =	ssyncadd.s32 $0xFFFFD800  }
0x8f: {  	[spmem:s12] =	stream.linear.scatter [tilespmem:s18], [sflag:$0x3], $0x2800, $0x38;
	[tilespmem:$0x1C880] =	vst v63  }
0x90: {  	_ =	swait.ge [sflag:s19], $0x2800  }
0x91: {  	[sflag:s19] =	ssyncset.done $0x0  }
0x92: {  	s30 =	rddreg [dreg:$0xe];
	[sflag:s19] =	ssyncadd.s32 $0xFFFFD800  }
0x93: {  	[tilespmem:s18], [sflag:$0x3] =	stream.linear.gather [hbm4b:s30+s4], $0x2800, $0x38;
	[tilespmem:$0x1C880] =	vst v63  }
0x94: {  	_ =	swait.ge [sflag:s19], $0x2800  }
0x95: {  	[sflag:s19] =	ssyncset.done $0x0  }
0x96: {  	[sflag:s19] =	ssyncadd.s32 $0xFFFFD800  }
0x97: {  	[spmem:s13] =	stream.linear.scatter [tilespmem:s18], [sflag:$0x3], $0x2800, $0x38;
	[tilespmem:$0x1C880] =	vst v63  }
0x98: {  	_ =	swait.ge [sflag:s19], $0x2800  }
0x99: {  	[sflag:s19] =	ssyncset.done $0x0  }
0x9a: {  	s31 =	rddreg [dreg:$0x10];
	[sflag:s19] =	ssyncadd.s32 $0xFFFFD800  }
0x9b: {  	[tilespmem:s18], [sflag:$0x3] =	stream.linear.gather [hbm4b:s31+s4], $0x2800, $0x38;
	[tilespmem:$0x1C880] =	vst v63  }
0x9c: {  	_ =	swait.ge [sflag:s19], $0x2800  }
0x9d: {  	[sflag:s19] =	ssyncset.done $0x0  }
0x9e: {  	[sflag:s19] =	ssyncadd.s32 $0xFFFFD800  }
0x9f: {  	[spmem:s14] =	stream.linear.scatter [tilespmem:s18], [sflag:$0x3], $0x2800, $0x38;
	[tilespmem:$0x1C880] =	vst v63  }
0xa0: {  	_ =	swait.ge [sflag:s19], $0x2800  }
0xa1: {  	s0 =	simm.s32 @!p0 $0x0;
	[sflag:s19] =	ssyncset.done $0x0  }
0xa2: {  	s26 =	simm.s32 @!p0 $0x6800;
	s15 =	rddreg [dreg:$0x13];
	[sflag:s19] =	ssyncadd.s32 $0xFFFFD800  }
0xa3: {  	[tilespmem:s26], [sflag:$0x3] =	stream.linear.gather @!p0 [hbm4b:s15+s0], $0x2800, $0x38;
	[tilespmem:$0x1C880] =	vst v63  }
0xa4: {  	s0 =	simm.s32 @!p0 $0x3  }
0xa5: {  	_ =	swait.ge @!p0 [sflag:s0], $0x2800  }
0xa6: {  	[sflag:s0] =	ssyncset.done @!p0 $0x0  }
0xa7: {  	[sflag:s0] =	ssyncadd.s32 @!p0 $0xFFFFD800  }
0xa8: {  	[spmem:s2] =	stream.linear.scatter @!p0 [tilespmem:s26], [sflag:$0x3], $0x2800, $0x38;
	[tilespmem:$0x1C880] =	vst v63  }
.Ltmp2:
0xa9: {  	_ =	swait.ge @!p0 [sflag:s0], $0x2800;
	(pc) =	sbr.rel .LBB2_2-.Ltmp2, $4  }
0xaa: {  	[sflag:s0] =	ssyncset.done @!p0 $0x0  }
0xab: {  	[sflag:s0] =	ssyncadd.s32 @!p0 $0xFFFFD800  }
0xac: {  	[bflag:$0x0] =	sbarrier.arrive $0xFFFF  }
0xad: {  	s0 =	smov.u32 s25  }
.LBB2_6:
0xae: {  	p1 =	sne.s32 s0, s17  }
.Ltmp3:
0xaf: {  	_ = 	snop;
	(pc) =	sbr.rel @!p1 .LBB2_7-.Ltmp3, $3  }
0xb0: {  	_ =	sdelay $0x1  }
0xb1: {  	s15 =	sadd.s32 $0x1, s0  }
0xb2: {  	s0 =	smov.u32 s15  }
.LBB2_2:
0xb3: {  	s26 =	smul.u32 $0x7D0, s0;
	_ =	sdelay $0x1  }
0xb4: {  	s26 =	sadd.s32 s16, s26  }
0xb5: {  	s26 =	sshrl.u32 s26, $0x3  }
0xb6: {  	s28 =	sadd.s32 s6, s26;
	s26 =	simm.s32 $0x0  }
0xb7: {  	[tilespmem:s26], [sflag:$0x3] =	stream.linear.gather [hbm4b:s28+s26], $0x7D0, $0x38;
	[tilespmem:$0x1C880] =	vst v63  }
0xb8: {  	s28 =	sshll.u32 s0, $0xC  }
0xb9: {  	_ =	swait.ge [sflag:s19], $0x7D0;
	s28 =	sadd.s32 s5, s28  }
0xba: {  	[sflag:s19] =	ssyncset.done $0x0;
	s28 =	sshrl.u32 s28, $0x3  }
0xbb: {  	[sflag:s19] =	ssyncadd.s32 $0xFFFFF830;
	s29 =	sadd.s32 s7, s28;
	s28 =	simm.s32 $0x800  }
0xbc: {  	[tilespmem:s28], [sflag:$0x3] =	stream.linear.gather [hbm4b:s29+s26], $0xC80, $0x38;
	[tilespmem:$0x1C880] =	vst v63  }
0xbd: {  	_ =	swait.ge [sflag:s19], $0xC80  }
.Ltmp4:
0xbe: {  	[sflag:s19] =	ssyncset.done $0x0;
	(pc) =	sbr.rel .LBB2_3-.Ltmp4, $4  }
0xbf: {  	[sflag:s19] =	ssyncadd.s32 $0xFFFFF380  }
0xc0: {  	[tilespmem:s21], [sflag:$0x1] =	stream.indirect.gather [hbm4b:s1+s20], $0x80, s26, s20, $0xb8;
	[tilespmem:$0x1C880] =	vst v63  }
0xc1: {  	s29 =	simm.s32 $0xA0  }
0xc2: {  	[tilespmem:s22], [sflag:$0x2] =	stream.indirect.gather [hbm4b:s1+s20], $0x80, s20, s20, $0xb8;
	[tilespmem:$0x1C880] =	vst v63  }
.LBB2_5:
0xc3: {  	s26 =	sadd.s32 $0x1, s26  }
0xc4: {  	p1 =	sne.s32 s26, $0x19  }
.Ltmp5:
0xc5: {  	_ = 	snop;
	(pc) =	sbr.rel @!p1 .LBB2_6-.Ltmp5, $2  }
0xc6: {  	_ =	sdelay $0x2  }
0xc7: {  	s29 =	sadd.s32 $0x50, s29;
	s28 =	sadd.s32 $0x80, s28  }
.LBB2_3:
0xc8: {  	s30 =	sand.u32 $0x1, s26  }
0xc9: {  	p1 =	seq.s32 s30, $0x1  }
0xca: {  	s31 =	simm.s32 @!p1 $0x1  }
0xcb: {  	_ =	swait.ge @!p1 [sflag:s31], $0x2800  }
0xcc: {  	[sflag:s31] =	ssyncset.done @!p1 $0x0  }
0xcd: {  	s15 =	simm.s32 @!p1 $0x1800;
	[sflag:s31] =	ssyncadd.s32 @!p1 $0xFFFFD800;
	s31 =	simm.s32 @!p1 $0x50  }
0xce: {  	[spmem:s3] =	stream.indirect.scatter.add.f32 @!p1 [tilespmem:s15], [sflag:$0x3], $0x80, s28, s31, $0xb8;
	[tilespmem:$0x1C880] =	vst v63  }
0xcf: {  	s15 =	simm.s32 @!p1 $0x3  }
0xd0: {  	p2 =	sgt.u32 @!p1 s26, $0x16;
	_ =	swait.ge @!p1 [sflag:s15], $0x2800  }
0xd1: {  	p2 =	por p2, p1;
	[sflag:s15] =	ssyncset.done @!p1 $0x0  }
0xd2: {  	s31 =	simm.s32 @!p2 $0x1800;
	[sflag:s15] =	ssyncadd.s32 @!p1 $0xFFFFD800;
	s15 =	simm.s32 @!p2 $0x50  }
0xd3: {  	[tilespmem:s31], [sflag:$0x1] =	stream.indirect.gather @!p2 [hbm4b:s1+s15], $0x80, s29, s15, $0xb8;
	[tilespmem:$0x1C880] =	vst v63  }
0xd4: {  	p2 =	seq.s32 @!p1 s30, $0x0  }
0xd5: {  	p1 =	por p1, !p2  }
.Ltmp6:
0xd6: {  	_ = 	snop;
	(pc) =	sbr.rel @!p1 .LBB2_5-.Ltmp6, $1  }
0xd7: {  	_ =	sdelay $0x3  }
0xd8: {  	_ =	swait.ge [sflag:s23], $0x2800  }
0xd9: {  	[sflag:s23] =	ssyncset.done $0x0  }
0xda: {  	[sflag:s23] =	ssyncadd.s32 $0xFFFFD800  }
0xdb: {  	[spmem:s3] =	stream.indirect.scatter.add.f32 [tilespmem:s22], [sflag:$0x3], $0x80, s28, s20, $0xb8;
	[tilespmem:$0x1C880] =	vst v63  }
.Ltmp7:
0xdc: {  	_ = 	snop;
	(pc) =	sbr.rel .LBB2_5-.Ltmp7, $4  }
0xdd: {  	_ =	swait.ge [sflag:s19], $0x2800  }
0xde: {  	p1 =	sgt.u32 s26, $0x16;
	[sflag:s19] =	ssyncset.done $0x0  }
0xdf: {  	s15 =	simm.s32 @!p1 $0x50;
	s30 =	simm.s32 @!p1 $0x4000;
	[sflag:s19] =	ssyncadd.s32 $0xFFFFD800  }
0xe0: {  	[tilespmem:s30], [sflag:$0x2] =	stream.indirect.gather @!p1 [hbm4b:s1+s15], $0x80, s29, s15, $0xb8;
	[tilespmem:$0x1C880] =	vst v63  }
.LBB2_8:
0xe1: {  	_ =	sfence.sel $0x180000  }
0xe2: {  	[bflag:$0x0] =	sbarrier.arrive $0xFFFF  }
0xe3: {  	_ =	strace $0x9000004D  }
0xe4: {  	s0 =	stileid.u32;
	[bflag:$0x2] =	sbarrier.arrive $0xFFFF  }
0xe5: {  	p0 =	sne.s32 s0, $0x0;
	s0 =	rddreg [dreg:$0x3]  }
0xe6: {  	s0 =	sadd.s32 @!p0 $0x100000, s0  }
0xe7: {  	[sflag:s0] =	ssyncadd.tile.s32 @!p0 $0x1;
	_ =	shalt  }
.Lfunc_end2:
_tile_overlayer_lowered:
.L_overlay_start_2:
0xe8: {  	(tag) =	ssettag $0x2  }
0xe9: {  	s0 =	rddreg [dreg:$0x0];
	s2 =	stileid.u32  }
0xea: {  	s1 =	rddreg [dreg:$0x1];
	p0 =	sne.s32 s2, $0x0  }
0xeb: {  	s3 =	rddreg [dreg:$0x2];
	[bflag:$0x3] =	sbarrier.arrive $0xFFFF;
	s2 =	simm.s32 @!p0 $0x1C03  }
0xec: {  	[timem:s3], [sflag:s2] =	dma.local @!p0 [hbm:s0], s1  }
0xed: {  	s0 =	simm.s32 @!p0 $0x3  }
0xee: {  	_ =	swait.ge @!p0 [sflag:s0], s1  }
0xef: {  	s1 =	ssub.s32 @!p0 $0x0, s1;
	[sflag:s0] =	ssyncset.done @!p0 $0x0  }
0xf0: {  	[sflag:s0] =	ssyncadd.s32 @!p0 s1  }
0xf1: {  	[bflag:$0x3] =	sbarrier.arrive $0xFFFF  }
0xf2: {  	_ =	shalt  }

// kernel: kernel.8.cloned.1.call-start
scs
__scs_entry_jumppad:
0x0: {  	(pc) =	sbr.rel $0x88, $3  }
0x1: {  	(tag) =	ssettag $0x0;
	lr =	simm.s32 $0x1  }
0x2: {  	[smem:$0x3F9B] =	sst lr;
	_ =	strace $0xD0000000  }
0x3: {  	_ = 	snop  }
0x4: {  	_ = 	snop  }
0x5: {  	_ = 	snop  }
0x6: {  	_ = 	snop  }
0x7: {  	_ = 	snop  }
__scs_overlays_trampoline_lowered:
0x8: {  	[smem:$0x3FAA] =	sst s0  }
0x9: {  	[smem:$0x3FAB] =	sst s1  }
0xa: {  	[smem:$0x3FAC] =	sst s2  }
0xb: {  	[smem:$0x3FAD] =	sst s3  }
0xc: {  	[smem:$0x3FAE] =	sst s4  }
0xd: {  	[smem:$0x3FAF] =	sst s5  }
0xe: {  	[smem:$0x3FB0] =	sst s6  }
0xf: {  	[smem:$0x3FB1] =	sst s7  }
0x10: {  	[smem:$0x3FB2] =	sst s8  }
0x11: {  	[smem:$0x3FB3] =	sst s9;
	s0 =	simm.s32 @!p0 $0x0  }
0x12: {  	s1 =	sld [smem:$0x3F99];
	s0 =	simm.s32 @p0 $0x1  }
0x13: {  	[smem:$0x3FB4] =	sst s0;
	s0 =	simm.s32 @!p1 $0x0  }
0x14: {  	s2 =	sld [smem:$0x3F98];
	s0 =	simm.s32 @p1 $0x1  }
0x15: {  	[smem:$0x3FB5] =	sst s0;
	s0 =	simm.s32 @!p2 $0x0  }
0x16: {  	s3 =	sld [smem:$0x3FDB];
	s0 =	simm.s32 @p2 $0x1  }
0x17: {  	s4 =	simm.s32 $0x1BF5;
	[smem:$0x3FB7] =	sst s0  }
0x18: {  	s0 =	sld [smem:$0x3F9A];
	_ =	swait.ge [sflag:s4], $0x0  }
0x19: {  	s7 =	sld [smem:$0x3F9B]  }
0x1a: {  	s8 =	sadd.s32 $0xFFFFE003, lr  }
0x1b: {  	s9 =	sadd.s32 $0xFFFFFEF7, lr;
	s5 =	simm.s32 $0xFFFFFFFF;
	p2 =	slt.u32 s8, $0xFFFFF086  }
0x1c: {  	p1 =	slt.u32 s9, $0xF7A;
	s5 =	simm.s32 @!p2 $0x0  }
0x1d: {  	s5 =	simm.s32 @p1 $0x1;
	p0 =	seq.s32 s7, s2  }
0x1e: {  	s7 =	smul.u32 @!p0 $0xF7A, s2;
	p2 =	seq.s32 @!p0 s5, $0x0  }
0x1f: {  	s9 =	smul.u32 $0xF7A, s1;
	s8 =	simm.s32 @!p0 $0x1BF5;
	p2 =	por !p2, p0  }
0x20: {  	[sflag:s8] =	ssyncset.s32 @!p0 $0xFFFFF086;
	s6 =	sadd.s32 @!p0 s3, s7;
	s7 =	simm.s32 @!p0 $0x108  }
0x21: {  	s3 =	sadd.s32 s3, s9;
	s6 =	sadd.s32 @!p0 $0x88, s6;
	s7 =	simm.s32 @p2 $0x1082  }
0x22: {  	[simem:s7], [sflag:s8] =	dma.local @!p0 [hbm:s6], $0xF7A  }
0x23: {  	s9 =	sor.u32 $0xD0000000, s2;
	s6 =	simm.s32 $0x108;
	_ =	swait.ge @!p0 [sflag:s8], $0x0  }
0x24: {  	s3 =	sadd.s32 $0x88, s3;
	s6 =	simm.s32 @!p1 $0x1082;
	[sflag:s4] =	ssyncset.s32 $0xFFFFF086  }
0x25: {  	[simem:s6], [sflag:s4] =	dma.local [hbm:s3], $0xF7A  }
0x26: {  	[smem:$0x3F9B] =	sst s1;
	(tag) =	ssettag s2;
	_ =	strace s9  }
0x27: {  	s1 =	sld [smem:$0x3FAB]  }
0x28: {  	s2 =	sld [smem:$0x3FAC]  }
0x29: {  	s4 =	sld [smem:$0x3FAE]  }
0x2a: {  	p0 =	seq.s32 s5, $0x0;
	s5 =	sld [smem:$0x3FAF]  }
0x2b: {  	s6 =	sld [smem:$0x3FB0]  }
0x2c: {  	s7 =	sld [smem:$0x3FB1]  }
0x2d: {  	s3 =	simm.s32 $0x108;
	s8 =	sld [smem:$0x3FB2]  }
0x2e: {  	s3 =	simm.s32 @!p0 $0x1082;
	s9 =	sld [smem:$0x3FB3]  }
0x2f: {  	lr =	sadd.s32 s0, s3;
	s0 =	sld [smem:$0x3FAA]  }
0x30: {  	s3 =	sld [smem:$0x3FAD]  }
0x31: {  	[smem:$0x3FB6] =	sst s10  }
0x32: {  	s10 =	sld [smem:$0x3FB4];
	_ =	sdelay $0x3  }
0x33: {  	p0 =	seq.s32 s10, $0x1;
	s10 =	sld [smem:$0x3FB6];
	_ =	sdelay $0x3  }
0x34: {  	[smem:$0x3FB6] =	sst s10  }
0x35: {  	s10 =	sld [smem:$0x3FB5];
	_ =	sdelay $0x3  }
0x36: {  	p1 =	seq.s32 s10, $0x1;
	s10 =	sld [smem:$0x3FB6];
	_ =	sdelay $0x3  }
0x37: {  	[smem:$0x3FB6] =	sst s10  }
0x38: {  	s10 =	sld [smem:$0x3FB7]  }
0x39: {  	_ = 	snop;
	(pc) =	sbr.ind lr, $3  }
0x3a: {  	_ = 	snop  }
0x3b: {  	_ = 	snop  }
0x3c: {  	p2 =	seq.s32 s10, $0x1;
	s10 =	sld [smem:$0x3FB6]  }
0x3d: {  	_ =	shalt  }
0x3e: {  	_ =	shalt  }
0x3f: {  	_ =	shalt  }
0x40: {  	_ =	shalt  }
0x41: {  	_ =	shalt  }
0x42: {  	_ =	shalt  }
0x43: {  	_ =	shalt  }
0x44: {  	_ =	shalt  }
0x45: {  	_ =	shalt  }
0x46: {  	_ =	shalt  }
0x47: {  	_ =	shalt  }
0x48: {  	_ =	shalt  }
0x49: {  	_ =	shalt  }
0x4a: {  	_ =	shalt  }
0x4b: {  	_ =	shalt  }
0x4c: {  	_ =	shalt  }
0x4d: {  	_ =	shalt  }
0x4e: {  	_ =	shalt  }
0x4f: {  	_ =	shalt  }
0x50: {  	_ =	shalt  }
0x51: {  	_ =	shalt  }
0x52: {  	_ =	shalt  }
0x53: {  	_ =	shalt  }
0x54: {  	_ =	shalt  }
0x55: {  	_ =	shalt  }
0x56: {  	_ =	shalt  }
0x57: {  	_ =	shalt  }
0x58: {  	_ =	shalt  }
0x59: {  	_ =	shalt  }
0x5a: {  	_ =	shalt  }
0x5b: {  	_ =	shalt  }
0x5c: {  	_ =	shalt  }
0x5d: {  	_ =	shalt  }
0x5e: {  	_ =	shalt  }
0x5f: {  	_ =	shalt  }
0x60: {  	_ =	shalt  }
0x61: {  	_ =	shalt  }
0x62: {  	_ =	shalt  }
0x63: {  	_ =	shalt  }
0x64: {  	_ =	shalt  }
0x65: {  	_ =	shalt  }
0x66: {  	_ =	shalt  }
0x67: {  	_ =	shalt  }
0x68: {  	_ =	shalt  }
0x69: {  	_ =	shalt  }
0x6a: {  	_ =	shalt  }
0x6b: {  	_ =	shalt  }
0x6c: {  	_ =	shalt  }
0x6d: {  	_ =	shalt  }
0x6e: {  	_ =	shalt  }
0x6f: {  	_ =	shalt  }
0x70: {  	_ =	shalt  }
0x71: {  	_ =	shalt  }
0x72: {  	_ =	shalt  }
0x73: {  	_ =	shalt  }
0x74: {  	_ =	shalt  }
0x75: {  	_ =	shalt  }
0x76: {  	_ =	shalt  }
0x77: {  	_ =	shalt  }
0x78: {  	_ =	shalt  }
0x79: {  	_ =	shalt  }
0x7a: {  	_ =	shalt  }
0x7b: {  	_ =	shalt  }
0x7c: {  	_ =	shalt  }
0x7d: {  	_ =	shalt  }
0x7e: {  	_ =	shalt  }
0x7f: {  	_ =	shalt  }
0x80: {  	_ =	shalt  }
0x81: {  	_ =	shalt  }
0x82: {  	_ =	shalt  }
0x83: {  	_ =	shalt  }
0x84: {  	_ =	shalt  }
0x85: {  	_ =	shalt  }
0x86: {  	_ =	shalt  }
0x87: {  	_ =	shalt  }
.Lfunc_end0:
.L_simem_size_0:
called_computation_lowered:
.L_overlay_start_0:
0x88: {  	s2 =	sld [smem:$0x3FD9]  }
0x89: {  	s3 =	sld [smem:$0x3FFE];
	_ =	sdelay $0x1  }
0x8a: {  	s1 =	srdreg.scid  }
0x8b: {  	s0 =	sand.u32 $0x1, s1  }
0x8c: {  	s17 =	sshll.u32 s0, $0xA;
	s2 =	sadd.s32 s3, s2  }
0x8d: {  	s2 =	sadd.s32 s2, s17  }
0x8e: {  	[smem:$0x3FC2] =	sst s2  }
0x8f: {  	_ = 	snop  }
0x90: {  	s2 =	sld [smem:$0x3FD0];
	(tm) =	ssettm $0x1  }
0x91: {  	s18 =	sld [smem:$0x3FFB];
	_ =	sdelay $0x3  }
0x92: {  	_ =	strace s18  }
0x93: {  	s3 =	sld [smem:$0x3FFC];
	_ =	sdelay $0x3  }
0x94: {  	_ =	strace s3  }
0x95: {  	s3 =	sld [smem:$0x3FFD];
	_ =	sdelay $0x3  }
0x96: {  	_ =	strace s3  }
0x97: {  	_ =	strace $0x8FFFFFFF  }
0x98: {  	s19 =	sld [smem:$0x3FDB];
	_ =	sdelay $0x1  }
0x99: {  	s4 =	simm.s32 $_scs_section_size  }
0x9a: {  	s5 =	simm.s32 $_size__tile_overlayer_lowered;
	s6 =	simm.s32 $_tile_overlayer_lowered  }
0x9b: {  	s22 =	simm.s32 $0x1BFF;
	s21 =	sshll.u32 s6, $0x1;
	s3 =	sadd.s32 s4, s19  }
0x9c: {  	s7 =	simm.s32 $0x0;
	s20 =	sshll.u32 s5, $0x1;
	s5 =	sadd.s32 s21, s3  }
0x9d: {  	[timem:s7], [sflag:s22] =	dma.local [hbm:s5], s20  }
0x9e: {  	_ =	swait.ge [sflag:s22], s20  }
0x9f: {  	s4 =	ssub.s32 $0x0, s20;
	[sflag:s22] =	ssyncset.done $0x0  }
0xa0: {  	[sflag:s22] =	ssyncadd.s32 s4;
	_ =	sdelay $0x1  }
0xa1: {  	s23 =	simm.s32 $0x1B8B  }
0xa2: {  	_ =	swait.ge [sflag:s23], $0x1  }
0xa3: {  	[sflag:s23] =	ssyncset.done $0x0  }
0xa4: {  	s25 =	simm.s32 $0x1B8E;
	s24 =	sld [smem:$0x3FFE];
	[sflag:s23] =	ssyncadd.s32 $0xFFFFFFFF  }
0xa5: {  	s26 =	simm.s32 $execute0_lowered;
	[smem:$0x3FD2] =	sst s25  }
0xa6: {  	s5 =	sshll.u32 s26, $0x1;
	_ =	strace $0x80000046;
	[dreg:$0x1] =	wrdreg $0xFFFFFFFF  }
0xa7: {  	s28 =	simm.s32 $_size_execute0_lowered;
	s3 =	sadd.s32 s3, s5;
	[dreg:$0x0] =	wrdreg $0x0  }
0xa8: {  	s5 =	sshll.u32 s28, $0x1;
	[dreg:$0x2] =	wrdreg s3  }
0xa9: {  	[dreg:$0x3] =	wrdreg s5  }
0xaa: {  	[dreg:$0x4] =	wrdreg $0xC0  }
0xab: {  	_ =	task [dreg:s7], $0x5FFFF  }
0xac: {  	[dreg:$0x1] =	wrdreg $0xFFFFFFFF  }
0xad: {  	[dreg:$0x0] =	wrdreg $0x60  }
0xae: {  	[dreg:$0x2] =	wrdreg s24  }
0xaf: {  	[dreg:$0x3] =	wrdreg s2  }
0xb0: {  	[dreg:$0x4] =	wrdreg $0x60000  }
0xb1: {  	[dreg:$0x5] =	wrdreg $0x9  }
0xb2: {  	_ =	task.clear_ibuf [dreg:s7], $0x6FFFF;
	_ =	strace $0x90000046  }
0xb3: {  	s29 =	simm.s32 $0x9;
	_ =	strace $0x80000048  }
0xb4: {  	_ =	swait.ge [sflag:s29], $0x1  }
0xb5: {  	[sflag:s29] =	ssyncadd.s32 $0xFFFFFFFF  }
0xb6: {  	_ =	strace $0x90000048  }
0xb7: {  	_ =	sfence  }
0xb8: {  	s30 =	sld [smem:$0x0];
	_ =	sdelay $0x2  }
0xb9: {  	s31 =	sshll.u32 s1, $0xD;
	s1 =	sshrl.u32 s1, $0x2  }
0xba: {  	s3 =	sand.u32 $0x4000, s31;
	s1 =	sadd.s32 s1, s30  }
0xbb: {  	s0 =	sor.u32 s3, s0;
	s1 =	sshll.u32 s1, $0x11  }
0xbc: {  	s0 =	sor.u32 s1, s0  }
0xbd: {  	s0 =	sadd.s32 $0x8F2B, s0  }
0xbe: {  	[sflag:s0] =	ssyncadd.remote.s32 $0x1  }
0xbf: {  	_ =	sfence.sel $0xFFFF  }
0xc0: {  	[dreg:$0x0] =	wrdreg $0xFFFFFFFF;
	(pc) =	sbr.abs _section_cstart, $3  }
0xc1: {  	[dreg:$0x1] =	wrdreg $0xFFFFFFFF  }
0xc2: {  	_ =	task.clear_ibuf [dreg:s7], $0x2FFFF;
	_ =	strace $0x9FFFFFFF  }
0xc3: {  	(tm) =	ssettm $0x7FFFFFFF  }
tec
execute0_lowered:
.L_overlay_start_1:
0x0: {  	(tag) =	ssettag $0x1  }
0x1: {  	s31 =	stileid.u32  }
0x2: {  	s1 =	srdreg.scid;
	s4 =	smul.u32 $0xA000, s31  }
0x3: {  	s1 =	sand.u32 $0x1, s1;
	s21 =	smul.u32 $0x500, s31  }
0x4: {  	s6 =	sor.u32 $0x10, s31;
	s5 =	smul.u32 $0x5000, s1  }
0x5: {  	s8 =	sor.u32 $0x20, s31;
	s7 =	smul.u32 $0xA000, s6  }
0x6: {  	s10 =	sor.u32 $0x30, s31;
	s9 =	smul.u32 $0xA000, s8  }
0x7: {  	s12 =	sor.u32 $0x40, s31;
	s11 =	smul.u32 $0xA000, s10  }
0x8: {  	s14 =	sor.u32 $0x50, s31;
	s13 =	smul.u32 $0xA000, s12  }
0x9: {  	s16 =	sor.u32 $0x60, s31;
	s15 =	smul.u32 $0xA000, s14  }
0xa: {  	s0 =	rddreg [dreg:$0x0];
	s19 =	sor.u32 $0x70, s31;
	s18 =	smul.u32 $0xA000, s16  }
0xb: {  	s23 =	rddreg [dreg:$0x1];
	s3 =	simm.s32 $0x0;
	s20 =	smul.u32 $0xA000, s19  }
0xc: {  	[smem:$0x7FF] =	sst s3;
	s28 =	smul.u32 $0x500, s12  }
0xd: {  	s2 =	rddreg [dreg:$0x2];
	_ =	strace $0x80000047;
	s29 =	smul.u32 $0x500, s14  }
0xe: {  	s22 =	ssub.s32 $0x2, s1;
	s30 =	smul.u32 $0x500, s16;
	p0 =	seq.s32 s1, $0x1  }
0xf: {  	s1 =	smul.u32 $0x500, s19;
	s17 =	sshrl.u32 s22, $0x1;
	s5 =	sadd.s32 s4, s5  }
0x10: {  	s17 =	ssub.s32 s22, s17;
	s4 =	sshrl.u32 s4, $0x2;
	s24 =	sshrl.u32 s7, $0x2  }
0x11: {  	s26 =	sshrl.u32 s9, $0x2;
	s22 =	smul.u32 $0x500, s6;
	s9 =	sshrl.u32 s11, $0x2  }
0x12: {  	s11 =	sshrl.u32 s13, $0x2;
	s13 =	sshrl.u32 s15, $0x2;
	s15 =	sshrl.u32 s18, $0x2  }
0x13: {  	s18 =	sshrl.u32 s20, $0x2;
	s5 =	sshrl.u32 s5, $0x3;
	s4 =	sadd.s32 s4, s2  }
0x14: {  	s6 =	sadd.s32 s26, s2;
	s7 =	sadd.s32 s9, s2;
	s26 =	smul.u32 $0x500, s10  }
0x15: {  	s9 =	sadd.s32 s13, s2;
	s10 =	sadd.s32 s15, s2;
	s20 =	smax.u32 s17, $0x1  }
0x16: {  	s25 =	sadd.s32 s5, s0;
	s0 =	sadd.s32 $0x21200, s0;
	s5 =	sadd.s32 s24, s2  }
0x17: {  	s24 =	smul.u32 $0x500, s8;
	s8 =	sadd.s32 s11, s2;
	s11 =	sadd.s32 s18, s2  }
0x18: {  	[dreg:$0x4] =	wrdreg s20;
	s13 =	sadd.s32 $0xD200, s25;
	s23 =	smov.u32 @p0 s0  }
0x19: {  	s14 =	sadd.s32 $0xD400, s25;
	s15 =	sadd.s32 $0xD600, s25;
	p0 =	sgt.u32 s31, $0xC  }
0x1a: {  	s31 =	simm.s32 $0x0;
	s16 =	sadd.s32 s23, s21;
	s17 =	sadd.s32 s23, s22  }
0x1b: {  	s18 =	sadd.s32 s23, s24;
	s19 =	sadd.s32 s23, s26;
	s20 =	sadd.s32 s23, s28  }
0x1c: {  	s21 =	sadd.s32 s23, s29;
	s22 =	sadd.s32 s23, s30;
	s23 =	sadd.s32 s23, s1  }
0x1d: {  	s24 =	sadd.s32 $0xD800, s25;
	s25 =	sadd.s32 $0xDA00, s25;
	s26 =	simm.s32 $0x3800  }
0x1e: {  	v0 =	vimm.f32 $1.000000000e+00;
	v1 =	vimm.f32 $0.0e+00;
	s28 =	simm.s32 $0x1;
	s29 =	simm.s32 $0x50;
	s30 =	simm.s32 $0x1000  }
.LBB2_1:
0x1f: {  	s0 =	simm.s32 $0x70;
	s1 =	simm.s32 $0x3C0  }
.LBB2_2:
0x20: {  	p1 =	sne.s32 s1, $0x9FC0;
	[tilespmem:s0+$0x1000] =	vst v0  }
0x21: {  	[tilespmem:s0+$0xF90] =	vst v0  }
0x22: {  	[tilespmem:s0+$0xFA0] =	vst v0  }
.Ltmp0:
0x23: {  	[tilespmem:s0+$0xFB0] =	vst v0;
	(pc) =	sbr.rel @p1 .LBB2_2-.Ltmp0, $4  }
0x24: {  	[tilespmem:s0+$0xFC0] =	vst v0  }
0x25: {  	[tilespmem:s0+$0xFD0] =	vst v0  }
0x26: {  	[tilespmem:s0+$0xFE0] =	vst v0  }
0x27: {  	[tilespmem:s0+$0xFF0] =	vst v0;
	s0 =	sshra.s32 s1, $0x2;
	s1 =	sadd.s32 $0x200, s1  }
0x28: {  	[tilespmem:s0+$0x1000] =	vst v0  }
0x29: {  	[tilespmem:s0+$0xF90] =	vst v0  }
0x2a: {  	[tilespmem:s0+$0xFA0] =	vst v0  }
0x2b: {  	[tilespmem:s0+$0xFB0] =	vst v0  }
0x2c: {  	[tilespmem:s0+$0xFC0] =	vst v0  }
0x2d: {  	[tilespmem:s0+$0xFD0] =	vst v0  }
0x2e: {  	[tilespmem:s0+$0xFE0] =	vst v0  }
0x2f: {  	[tilespmem:s0+$0xFF0] =	vst v0;
	s0 =	simm.s32 $0x70;
	s1 =	simm.s32 $0x3C0  }
.LBB2_4:
0x30: {  	p1 =	sne.s32 s1, $0x9FC0;
	[tilespmem:s0+$0x3800] =	vst v1  }
0x31: {  	[tilespmem:s0+$0x3790] =	vst v1  }
0x32: {  	[tilespmem:s0+$0x37A0] =	vst v1  }
.Ltmp1:
0x33: {  	[tilespmem:s0+$0x37B0] =	vst v1;
	(pc) =	sbr.rel @p1 .LBB2_4-.Ltmp1, $4  }
0x34: {  	[tilespmem:s0+$0x37C0] =	vst v1  }
0x35: {  	[tilespmem:s0+$0x37D0] =	vst v1  }
0x36: {  	[tilespmem:s0+$0x37E0] =	vst v1  }
0x37: {  	[tilespmem:s0+$0x37F0] =	vst v1;
	s0 =	sshra.s32 s1, $0x2;
	s1 =	sadd.s32 $0x200, s1  }
0x38: {  	[tilespmem:s0+$0x3800] =	vst v1  }
0x39: {  	[tilespmem:s0+$0x3790] =	vst v1  }
0x3a: {  	[tilespmem:s0+$0x37A0] =	vst v1  }
0x3b: {  	[tilespmem:s0+$0x37B0] =	vst v1  }
0x3c: {  	[tilespmem:s0+$0x37C0] =	vst v1  }
0x3d: {  	[tilespmem:s0+$0x37D0] =	vst v1  }
0x3e: {  	[tilespmem:s0+$0x37E0] =	vst v1  }
0x3f: {  	[tilespmem:s0+$0x37F0] =	vst v1  }
0x40: {  	[spmem:s4] =	stream.linear.scatter [tilespmem:s26], [sflag:$0x1], $0x2800, $0x38;
	[tilespmem:$0x19880] =	vst v63  }
0x41: {  	_ =	swait.ge [sflag:s28], $0x2800  }
0x42: {  	[sflag:s28] =	ssyncset.done $0x0  }
0x43: {  	[sflag:s28] =	ssyncadd.s32 $0xFFFFD800  }
0x44: {  	[spmem:s5] =	stream.linear.scatter [tilespmem:s26], [sflag:$0x1], $0x2800, $0x38;
	[tilespmem:$0x19880] =	vst v63  }
0x45: {  	_ =	swait.ge [sflag:s28], $0x2800  }
0x46: {  	[sflag:s28] =	ssyncset.done $0x0  }
0x47: {  	[sflag:s28] =	ssyncadd.s32 $0xFFFFD800  }
0x48: {  	[spmem:s6] =	stream.linear.scatter [tilespmem:s26], [sflag:$0x1], $0x2800, $0x38;
	[tilespmem:$0x19880] =	vst v63  }
0x49: {  	_ =	swait.ge [sflag:s28], $0x2800  }
0x4a: {  	[sflag:s28] =	ssyncset.done $0x0  }
0x4b: {  	[sflag:s28] =	ssyncadd.s32 $0xFFFFD800  }
0x4c: {  	[spmem:s7] =	stream.linear.scatter [tilespmem:s26], [sflag:$0x1], $0x2800, $0x38;
	[tilespmem:$0x19880] =	vst v63  }
0x4d: {  	_ =	swait.ge [sflag:s28], $0x2800  }
0x4e: {  	[sflag:s28] =	ssyncset.done $0x0  }
0x4f: {  	[sflag:s28] =	ssyncadd.s32 $0xFFFFD800  }
0x50: {  	[spmem:s8] =	stream.linear.scatter [tilespmem:s26], [sflag:$0x1], $0x2800, $0x38;
	[tilespmem:$0x19880] =	vst v63  }
0x51: {  	_ =	swait.ge [sflag:s28], $0x2800  }
0x52: {  	[sflag:s28] =	ssyncset.done $0x0  }
0x53: {  	[sflag:s28] =	ssyncadd.s32 $0xFFFFD800  }
0x54: {  	[spmem:s9] =	stream.linear.scatter [tilespmem:s26], [sflag:$0x1], $0x2800, $0x38;
	[tilespmem:$0x19880] =	vst v63  }
0x55: {  	_ =	swait.ge [sflag:s28], $0x2800  }
0x56: {  	[sflag:s28] =	ssyncset.done $0x0  }
0x57: {  	[sflag:s28] =	ssyncadd.s32 $0xFFFFD800  }
0x58: {  	[spmem:s10] =	stream.linear.scatter [tilespmem:s26], [sflag:$0x1], $0x2800, $0x38;
	[tilespmem:$0x19880] =	vst v63  }
0x59: {  	_ =	swait.ge [sflag:s28], $0x2800  }
0x5a: {  	[sflag:s28] =	ssyncset.done $0x0  }
0x5b: {  	s0 =	simm.s32 @!p0 $0x3800;
	[sflag:s28] =	ssyncadd.s32 $0xFFFFD800  }
0x5c: {  	[spmem:s11] =	stream.linear.scatter @!p0 [tilespmem:s0], [sflag:$0x1], $0x2800, $0x38;
	[tilespmem:$0x19880] =	vst v63  }
0x5d: {  	s0 =	simm.s32 @!p0 $0x1  }
0x5e: {  	_ =	swait.ge @!p0 [sflag:s0], $0x2800  }
0x5f: {  	[sflag:s0] =	ssyncset.done @!p0 $0x0  }
0x60: {  	[sflag:s0] =	ssyncadd.s32 @!p0 $0xFFFFD800  }
0x61: {  	s1 =	simm.s32 $0x0;
	[bflag:$0x0] =	sbarrier.arrive $0xFFFF  }
0x62: {  	[tilespmem:s1], [sflag:$0x1] =	stream.linear.gather [hbm4b:s13+s1], $0xC80, $0x38;
	[tilespmem:$0x19880] =	vst v63  }
0x63: {  	_ =	swait.ge [sflag:s28], $0xC80  }
0x64: {  	[sflag:s28] =	ssyncset.done $0x0  }
0x65: {  	s12 =	simm.s32 $0x0;
	[sflag:s28] =	ssyncadd.s32 $0xFFFFF380  }
0x66: {  	[spmem:s2] =	stream.indirect.scatter.add.f32 [tilespmem:s30], [sflag:$0x1], $0x80, s12, s29, $0xb8;
	[tilespmem:$0x19880] =	vst v63  }
0x67: {  	_ =	swait.ge [sflag:s28], $0x2800  }
0x68: {  	s0 =	simm.s32 $0x200;
	[sflag:s28] =	ssyncset.done $0x0  }
.LBB2_6:
0x69: {  	s1 =	sshra.s32 s0, $0x2;
	[sflag:s28] =	ssyncadd.s32 $0xFFFFD800;
	p1 =	sne.s32 s0, $0x3000  }
0x6a: {  	[spmem:s2] =	stream.indirect.scatter.add.f32 [tilespmem:s30], [sflag:$0x1], $0x80, s1, s29, $0xb8;
	[tilespmem:$0x19880] =	vst v63  }
.Ltmp2:
0x6b: {  	_ = 	snop;
	(pc) =	sbr.rel @p1 .LBB2_6-.Ltmp2, $4  }
0x6c: {  	_ = 	snop  }
0x6d: {  	s0 =	sadd.s32 $0x200, s0  }
0x6e: {  	_ =	swait.ge [sflag:s28], $0x2800  }
0x6f: {  	[sflag:s28] =	ssyncset.done $0x0  }
0x70: {  	[sflag:s28] =	ssyncadd.s32 $0xFFFFD800;
	s0 =	simm.s32 $0x0  }
0x71: {  	[tilespmem:s0], [sflag:$0x1] =	stream.linear.gather [hbm4b:s14+s0], $0xC80, $0x38;
	[tilespmem:$0x19880] =	vst v63  }
0x72: {  	_ =	swait.ge [sflag:s28], $0xC80  }
0x73: {  	[sflag:s28] =	ssyncset.done $0x0  }
0x74: {  	s12 =	simm.s32 $0x0;
	[sflag:s28] =	ssyncadd.s32 $0xFFFFF380  }
0x75: {  	[spmem:s2] =	stream.indirect.scatter.add.f32 [tilespmem:s30], [sflag:$0x1], $0x80, s12, s29, $0xb8;
	[tilespmem:$0x19880] =	vst v63  }
0x76: {  	_ =	swait.ge [sflag:s28], $0x2800  }
0x77: {  	s0 =	simm.s32 $0x200;
	[sflag:s28] =	ssyncset.done $0x0  }
.LBB2_8:
0x78: {  	s1 =	sshra.s32 s0, $0x2;
	[sflag:s28] =	ssyncadd.s32 $0xFFFFD800;
	p1 =	sne.s32 s0, $0x3000  }
0x79: {  	[spmem:s2] =	stream.indirect.scatter.add.f32 [tilespmem:s30], [sflag:$0x1], $0x80, s1, s29, $0xb8;
	[tilespmem:$0x19880] =	vst v63  }
.Ltmp3:
0x7a: {  	_ = 	snop;
	(pc) =	sbr.rel @p1 .LBB2_8-.Ltmp3, $4  }
0x7b: {  	_ = 	snop  }
0x7c: {  	s0 =	sadd.s32 $0x200, s0  }
0x7d: {  	_ =	swait.ge [sflag:s28], $0x2800  }
0x7e: {  	[sflag:s28] =	ssyncset.done $0x0  }
0x7f: {  	[sflag:s28] =	ssyncadd.s32 $0xFFFFD800;
	s0 =	simm.s32 $0x0  }
0x80: {  	[tilespmem:s0], [sflag:$0x1] =	stream.linear.gather [hbm4b:s15+s0], $0xC80, $0x38;
	[tilespmem:$0x19880] =	vst v63  }
0x81: {  	_ =	swait.ge [sflag:s28], $0xC80  }
0x82: {  	[sflag:s28] =	ssyncset.done $0x0  }
0x83: {  	s12 =	simm.s32 $0x0;
	[sflag:s28] =	ssyncadd.s32 $0xFFFFF380  }
0x84: {  	[spmem:s2] =	stream.indirect.scatter.add.f32 [tilespmem:s30], [sflag:$0x1], $0x80, s12, s29, $0xb8;
	[tilespmem:$0x19880] =	vst v63  }
0x85: {  	_ =	swait.ge [sflag:s28], $0x2800  }
0x86: {  	s0 =	simm.s32 $0x200;
	[sflag:s28] =	ssyncset.done $0x0  }
.LBB2_10:
0x87: {  	s1 =	sshra.s32 s0, $0x2;
	[sflag:s28] =	ssyncadd.s32 $0xFFFFD800;
	p1 =	sne.s32 s0, $0x3000  }
0x88: {  	[spmem:s2] =	stream.indirect.scatter.add.f32 [tilespmem:s30], [sflag:$0x1], $0x80, s1, s29, $0xb8;
	[tilespmem:$0x19880] =	vst v63  }
.Ltmp4:
0x89: {  	_ = 	snop;
	(pc) =	sbr.rel @p1 .LBB2_10-.Ltmp4, $4  }
0x8a: {  	_ = 	snop  }
0x8b: {  	s0 =	sadd.s32 $0x200, s0  }
0x8c: {  	_ =	swait.ge [sflag:s28], $0x2800  }
0x8d: {  	[sflag:s28] =	ssyncset.done $0x0  }
0x8e: {  	[sflag:s28] =	ssyncadd.s32 $0xFFFFD800;
	s0 =	simm.s32 $0x0  }
0x8f: {  	[tilespmem:s0], [sflag:$0x1] =	stream.linear.gather [hbm4b:s24+s0], $0xC80, $0x38;
	[tilespmem:$0x19880] =	vst v63  }
0x90: {  	_ =	swait.ge [sflag:s28], $0xC80  }
0x91: {  	[sflag:s28] =	ssyncset.done $0x0  }
0x92: {  	s12 =	simm.s32 $0x0;
	[sflag:s28] =	ssyncadd.s32 $0xFFFFF380  }
0x93: {  	[spmem:s2] =	stream.indirect.scatter.add.f32 [tilespmem:s30], [sflag:$0x1], $0x80, s12, s29, $0xb8;
	[tilespmem:$0x19880] =	vst v63  }
0x94: {  	_ =	swait.ge [sflag:s28], $0x2800  }
0x95: {  	s0 =	simm.s32 $0x200;
	[sflag:s28] =	ssyncset.done $0x0  }
.LBB2_12:
0x96: {  	s1 =	sshra.s32 s0, $0x2;
	[sflag:s28] =	ssyncadd.s32 $0xFFFFD800;
	p1 =	sne.s32 s0, $0x3000  }
0x97: {  	[spmem:s2] =	stream.indirect.scatter.add.f32 [tilespmem:s30], [sflag:$0x1], $0x80, s1, s29, $0xb8;
	[tilespmem:$0x19880] =	vst v63  }
.Ltmp5:
0x98: {  	_ = 	snop;
	(pc) =	sbr.rel @p1 .LBB2_12-.Ltmp5, $4  }
0x99: {  	_ = 	snop  }
0x9a: {  	s0 =	sadd.s32 $0x200, s0  }
0x9b: {  	_ =	swait.ge [sflag:s28], $0x2800  }
0x9c: {  	[sflag:s28] =	ssyncset.done $0x0  }
0x9d: {  	[sflag:s28] =	ssyncadd.s32 $0xFFFFD800;
	s0 =	simm.s32 $0x0  }
0x9e: {  	[tilespmem:s0], [sflag:$0x1] =	stream.linear.gather [hbm4b:s25+s0], $0xC80, $0x38;
	[tilespmem:$0x19880] =	vst v63  }
0x9f: {  	_ =	swait.ge [sflag:s28], $0xC80  }
0xa0: {  	[sflag:s28] =	ssyncset.done $0x0  }
0xa1: {  	s12 =	simm.s32 $0x0;
	[sflag:s28] =	ssyncadd.s32 $0xFFFFF380  }
0xa2: {  	[spmem:s2] =	stream.indirect.scatter.add.f32 [tilespmem:s30], [sflag:$0x1], $0x80, s12, s29, $0xb8;
	[tilespmem:$0x19880] =	vst v63  }
0xa3: {  	_ =	swait.ge [sflag:s28], $0x2800  }
0xa4: {  	s0 =	simm.s32 $0x200;
	[sflag:s28] =	ssyncset.done $0x0  }
.LBB2_14:
0xa5: {  	s1 =	sshra.s32 s0, $0x2;
	[sflag:s28] =	ssyncadd.s32 $0xFFFFD800;
	p1 =	sne.s32 s0, $0x3000  }
0xa6: {  	[spmem:s2] =	stream.indirect.scatter.add.f32 [tilespmem:s30], [sflag:$0x1], $0x80, s1, s29, $0xb8;
	[tilespmem:$0x19880] =	vst v63  }
.Ltmp6:
0xa7: {  	_ = 	snop;
	(pc) =	sbr.rel @p1 .LBB2_14-.Ltmp6, $4  }
0xa8: {  	_ = 	snop  }
0xa9: {  	s0 =	sadd.s32 $0x200, s0  }
0xaa: {  	_ =	swait.ge [sflag:s28], $0x2800  }
0xab: {  	[sflag:s28] =	ssyncset.done $0x0  }
0xac: {  	[sflag:s28] =	ssyncadd.s32 $0xFFFFD800  }
0xad: {  	[bflag:$0x0] =	sbarrier.arrive $0xFFFF  }
0xae: {  	[tilespmem:s26], [sflag:$0x1] =	stream.linear.gather [spmem:s4], $0x2800, $0x38;
	[tilespmem:$0x19880] =	vst v63  }
0xaf: {  	_ =	swait.ge [sflag:s28], $0x2800  }
0xb0: {  	[sflag:s28] =	ssyncset.done $0x0  }
0xb1: {  	[sflag:s28] =	ssyncadd.s32 $0xFFFFD800  }
0xb2: {  	[hbm4b:s16+s3] =	stream.linear.scatter [tilespmem:s26], [sflag:$0x1], $0x2800, $0x38;
	[tilespmem:$0x19880] =	vst v63  }
0xb3: {  	_ =	swait.ge [sflag:s28], $0x2800  }
0xb4: {  	[sflag:s28] =	ssyncset.done $0x0  }
0xb5: {  	[sflag:s28] =	ssyncadd.s32 $0xFFFFD800  }
0xb6: {  	[tilespmem:s26], [sflag:$0x1] =	stream.linear.gather [spmem:s5], $0x2800, $0x38;
	[tilespmem:$0x19880] =	vst v63  }
0xb7: {  	_ =	swait.ge [sflag:s28], $0x2800  }
0xb8: {  	[sflag:s28] =	ssyncset.done $0x0  }
0xb9: {  	[sflag:s28] =	ssyncadd.s32 $0xFFFFD800  }
0xba: {  	[hbm4b:s17+s3] =	stream.linear.scatter [tilespmem:s26], [sflag:$0x1], $0x2800, $0x38;
	[tilespmem:$0x19880] =	vst v63  }
0xbb: {  	_ =	swait.ge [sflag:s28], $0x2800  }
0xbc: {  	[sflag:s28] =	ssyncset.done $0x0  }
0xbd: {  	[sflag:s28] =	ssyncadd.s32 $0xFFFFD800  }
0xbe: {  	[tilespmem:s26], [sflag:$0x1] =	stream.linear.gather [spmem:s6], $0x2800, $0x38;
	[tilespmem:$0x19880] =	vst v63  }
0xbf: {  	_ =	swait.ge [sflag:s28], $0x2800  }
0xc0: {  	[sflag:s28] =	ssyncset.done $0x0  }
0xc1: {  	[sflag:s28] =	ssyncadd.s32 $0xFFFFD800  }
0xc2: {  	[hbm4b:s18+s3] =	stream.linear.scatter [tilespmem:s26], [sflag:$0x1], $0x2800, $0x38;
	[tilespmem:$0x19880] =	vst v63  }
0xc3: {  	_ =	swait.ge [sflag:s28], $0x2800  }
0xc4: {  	[sflag:s28] =	ssyncset.done $0x0  }
0xc5: {  	[sflag:s28] =	ssyncadd.s32 $0xFFFFD800  }
0xc6: {  	[tilespmem:s26], [sflag:$0x1] =	stream.linear.gather [spmem:s7], $0x2800, $0x38;
	[tilespmem:$0x19880] =	vst v63  }
0xc7: {  	_ =	swait.ge [sflag:s28], $0x2800  }
0xc8: {  	[sflag:s28] =	ssyncset.done $0x0  }
0xc9: {  	[sflag:s28] =	ssyncadd.s32 $0xFFFFD800  }
0xca: {  	[hbm4b:s19+s3] =	stream.linear.scatter [tilespmem:s26], [sflag:$0x1], $0x2800, $0x38;
	[tilespmem:$0x19880] =	vst v63  }
0xcb: {  	_ =	swait.ge [sflag:s28], $0x2800  }
0xcc: {  	[sflag:s28] =	ssyncset.done $0x0  }
0xcd: {  	[sflag:s28] =	ssyncadd.s32 $0xFFFFD800  }
0xce: {  	[tilespmem:s26], [sflag:$0x1] =	stream.linear.gather [spmem:s8], $0x2800, $0x38;
	[tilespmem:$0x19880] =	vst v63  }
0xcf: {  	_ =	swait.ge [sflag:s28], $0x2800  }
0xd0: {  	[sflag:s28] =	ssyncset.done $0x0  }
0xd1: {  	[sflag:s28] =	ssyncadd.s32 $0xFFFFD800  }
0xd2: {  	[hbm4b:s20+s3] =	stream.linear.scatter [tilespmem:s26], [sflag:$0x1], $0x2800, $0x38;
	[tilespmem:$0x19880] =	vst v63  }
0xd3: {  	_ =	swait.ge [sflag:s28], $0x2800  }
0xd4: {  	[sflag:s28] =	ssyncset.done $0x0  }
0xd5: {  	[sflag:s28] =	ssyncadd.s32 $0xFFFFD800  }
0xd6: {  	[tilespmem:s26], [sflag:$0x1] =	stream.linear.gather [spmem:s9], $0x2800, $0x38;
	[tilespmem:$0x19880] =	vst v63  }
0xd7: {  	_ =	swait.ge [sflag:s28], $0x2800  }
0xd8: {  	[sflag:s28] =	ssyncset.done $0x0  }
0xd9: {  	[sflag:s28] =	ssyncadd.s32 $0xFFFFD800  }
0xda: {  	[hbm4b:s21+s3] =	stream.linear.scatter [tilespmem:s26], [sflag:$0x1], $0x2800, $0x38;
	[tilespmem:$0x19880] =	vst v63  }
0xdb: {  	_ =	swait.ge [sflag:s28], $0x2800  }
0xdc: {  	[sflag:s28] =	ssyncset.done $0x0  }
0xdd: {  	[sflag:s28] =	ssyncadd.s32 $0xFFFFD800  }
0xde: {  	[tilespmem:s26], [sflag:$0x1] =	stream.linear.gather [spmem:s10], $0x2800, $0x38;
	[tilespmem:$0x19880] =	vst v63  }
0xdf: {  	_ =	swait.ge [sflag:s28], $0x2800  }
0xe0: {  	[sflag:s28] =	ssyncset.done $0x0  }
0xe1: {  	[sflag:s28] =	ssyncadd.s32 $0xFFFFD800  }
0xe2: {  	[hbm4b:s22+s3] =	stream.linear.scatter [tilespmem:s26], [sflag:$0x1], $0x2800, $0x38;
	[tilespmem:$0x19880] =	vst v63  }
0xe3: {  	_ =	swait.ge [sflag:s28], $0x2800  }
0xe4: {  	[sflag:s28] =	ssyncset.done $0x0  }
0xe5: {  	s0 =	simm.s32 @!p0 $0x3800;
	s1 =	simm.s32 @!p0 $0x1;
	[sflag:s28] =	ssyncadd.s32 $0xFFFFD800  }
0xe6: {  	[tilespmem:s0], [sflag:$0x1] =	stream.linear.gather @!p0 [spmem:s11], $0x2800, $0x38;
	[tilespmem:$0x19880] =	vst v63  }
0xe7: {  	_ =	swait.ge @!p0 [sflag:s1], $0x2800  }
0xe8: {  	[sflag:s1] =	ssyncset.done @!p0 $0x0  }
0xe9: {  	s12 =	simm.s32 @!p0 $0x0;
	[sflag:s1] =	ssyncadd.s32 @!p0 $0xFFFFD800  }
0xea: {  	[hbm4b:s23+s12] =	stream.linear.scatter @!p0 [tilespmem:s0], [sflag:$0x1], $0x2800, $0x38;
	[tilespmem:$0x19880] =	vst v63  }
0xeb: {  	_ =	swait.ge @!p0 [sflag:s1], $0x2800  }
0xec: {  	s31 =	sadd.s32 $0x1, s31;
	s12 =	rddreg [dreg:$0x4]  }
0xed: {  	p1 =	sne.s32 s31, s12  }
.Ltmp7:
0xee: {  	_ = 	snop;
	(pc) =	sbr.rel @p1 .LBB2_1-.Ltmp7, $3  }
0xef: {  	_ =	sdelay $0x1  }
0xf0: {  	[sflag:s1] =	ssyncset.done @!p0 $0x0  }
0xf1: {  	[sflag:s1] =	ssyncadd.s32 @!p0 $0xFFFFD800  }
0xf2: {  	_ =	sfence.sel $0x180000  }
0xf3: {  	[bflag:$0x0] =	sbarrier.arrive $0xFFFF  }
0xf4: {  	_ =	strace $0x90000047  }
0xf5: {  	s0 =	stileid.u32;
	[bflag:$0x2] =	sbarrier.arrive $0xFFFF  }
0xf6: {  	p0 =	sne.s32 s0, $0x0;
	s0 =	rddreg [dreg:$0x3]  }
0xf7: {  	s0 =	sadd.s32 @!p0 $0x100000, s0  }
0xf8: {  	[sflag:s0] =	ssyncadd.tile.s32 @!p0 $0x1;
	_ =	shalt  }
.Lfunc_end2:
_tile_overlayer_lowered:
.L_overlay_start_2:
0xf9: {  	(tag) =	ssettag $0x2  }
0xfa: {  	s0 =	rddreg [dreg:$0x0];
	s2 =	stileid.u32  }
0xfb: {  	s1 =	rddreg [dreg:$0x1];
	p0 =	sne.s32 s2, $0x0  }
0xfc: {  	s3 =	rddreg [dreg:$0x2];
	[bflag:$0x3] =	sbarrier.arrive $0xFFFF;
	s2 =	simm.s32 @!p0 $0x1C01  }
0xfd: {  	[timem:s3], [sflag:s2] =	dma.local @!p0 [hbm:s0], s1  }
0xfe: {  	s0 =	simm.s32 @!p0 $0x1  }
0xff: {  	_ =	swait.ge @!p0 [sflag:s0], s1  }
0x100: {  	s1 =	ssub.s32 @!p0 $0x0, s1;
	[sflag:s0] =	ssyncset.done @!p0 $0x0  }
0x101: {  	[sflag:s0] =	ssyncadd.s32 @!p0 s1  }
0x102: {  	[bflag:$0x3] =	sbarrier.arrive $0xFFFF  }
0x103: {  	_ =	shalt  }

</sc_bundles>
